<compile_context>
chip_gen: v7x
topology: tpu7x:2x2x1
jax: 0.10.2.dev20260603
libtpu: 0.0.44.dev20260713+nightly
codegen_flags: <defaults>
</compile_context>

<pallas_src>
import functools

import jax
import jax.numpy as jnp
from jax import lax
from jax.experimental import pallas as pl
from jax.experimental.pallas import tpu as pltpu
from jax.experimental.pallas import tpu_sc as plsc

B = 16384
K = 8
D = 32
TOT = B * K
NW = 32
PER_W = TOT // NW
CHUNK = 128
NCH = PER_W // CHUNK
NBUF = 8

_mesh = plsc.VectorSubcoreMesh(core_axis_name="c", subcore_axis_name="s")


@functools.partial(
    pl.kernel,
    mesh=_mesh,
    out_type=jax.ShapeDtypeStruct((TOT, D), jnp.float32),
    scratch_types=[
        pltpu.VMEM((NCH, CHUNK), jnp.int32),
        pltpu.VMEM((NBUF, CHUNK, D), jnp.float32),
    ]
    + [pltpu.SemaphoreType.DMA] * (2 * NBUF),
    compiler_params=pltpu.CompilerParams(use_tc_tiling_on_sc=False),
)
def _gather32(idx_hbm, table_hbm, out_hbm, idx_v, rows_v, *sems):
    gsems, osems = sems[:NBUF], sems[NBUF:]
    wid = lax.axis_index("s") * 2 + lax.axis_index("c")
    base = wid * PER_W
    pltpu.sync_copy(idx_hbm.at[pl.ds(wid * NCH, NCH)], idx_v)

    def gather(j, b):
        return pltpu.make_async_copy(
            table_hbm.at[idx_v.at[j]], rows_v.at[b], gsems[b])

    def writeback(j, b):
        return pltpu.make_async_copy(
            rows_v.at[b], out_hbm.at[pl.ds(base + j * CHUNK, CHUNK)],
            osems[b])

    for j in range(min(NBUF, NCH)):
        gather(j, j).start()
    for j in range(NCH):
        b = j % NBUF
        gather(j, b).wait()
        writeback(j, b).start()
        if j + NBUF < NCH:
            writeback(j, b).wait()
            gather(j + NBUF, b).start()
    for j in range(max(0, NCH - NBUF), NCH):
        writeback(j, j % NBUF).wait()


def kernel(point_feats_idx, values_weight):
    idx = point_feats_idx.astype(jnp.int32).reshape(NW * NCH, CHUNK)
    nrows = values_weight.shape[0]
    vpad = jnp.pad(values_weight, ((0, 0), (0, 128 - D)))
    flat = _gather32(idx * 4, vpad.reshape(nrows * 4, D))
    return flat.reshape(B, K, D)

# --- scband reference (transcript-rebuilt; emitter-appended) ---
"""Pipeline reference for scband-sparse-voxel-encoder-47330539601925 (READ-ONLY COPY).

The authoritative reference and input builder live on the scoring server;
editing this copy changes nothing except your own understanding.
"""

import jax, jax.numpy as jnp
import numpy as np

NUM_KEYS = 1000000
EMBED_DIM = 32
BATCH = 16384

def setup_inputs(seed: int = 0) -> dict:
    key = jax.random.key(seed)
    k1, k2 = jax.random.split(key)
    # feats[sampled_point_idx]: for each sampled point, the 8 voxel-corner key ids
    point_feats_idx = jax.random.randint(k1, (BATCH, 8), 0, NUM_KEYS, dtype=jnp.int64)
    # self.values = Embedding(num_keys, embed_dim): the learned corner embedding table
    values_weight = jax.random.normal(k2, (NUM_KEYS, EMBED_DIM), dtype=jnp.float32)
    return {"point_feats_idx": point_feats_idx, "values_weight": values_weight}

def reference(point_feats_idx, values_weight):
    # Core SparseVoxelEncoder forward feature extraction:
    # gather the 8 corner embeddings for every sampled point
    # (equivalent to F.embedding(feats[point_idx], self.values.weight))
    corner_embeds = jnp.take(values_weight, point_feats_idx, axis=0)  # [B, 8, D]
    return corner_embeds

if __name__ == "__main__":
    import jax
    _d = setup_inputs()
    print(jax.jit(kernel)(*tuple(_d.values())))

</pallas_src>

<mosaic_0001>
#map = affine_map<(d0, d1) -> (0, 0)>
module attributes {stable_mosaic.version = 14 : i64} {
  func.func @_gather32(%arg0: i32, %arg1: i32, %arg2: memref<1024x128xi32, #tpu.memory_space<hbm>>, %arg3: memref<4000000x32xf32, #tpu.memory_space<hbm>>, %arg4: memref<131072x32xf32, #tpu.memory_space<hbm>>, %arg5: memref<32x128xi32, #tpu.memory_space<vmem>>, %arg6: memref<8x128x32xf32, #tpu.memory_space<vmem>>, %arg7: memref<!tpu.dma_semaphore, #tpu.memory_space<semaphore_mem>>, %arg8: memref<!tpu.dma_semaphore, #tpu.memory_space<semaphore_mem>>, %arg9: memref<!tpu.dma_semaphore, #tpu.memory_space<semaphore_mem>>, %arg10: memref<!tpu.dma_semaphore, #tpu.memory_space<semaphore_mem>>, %arg11: memref<!tpu.dma_semaphore, #tpu.memory_space<semaphore_mem>>, %arg12: memref<!tpu.dma_semaphore, #tpu.memory_space<semaphore_mem>>, %arg13: memref<!tpu.dma_semaphore, #tpu.memory_space<semaphore_mem>>, %arg14: memref<!tpu.dma_semaphore, #tpu.memory_space<semaphore_mem>>, %arg15: memref<!tpu.dma_semaphore, #tpu.memory_space<semaphore_mem>>, %arg16: memref<!tpu.dma_semaphore, #tpu.memory_space<semaphore_mem>>, %arg17: memref<!tpu.dma_semaphore, #tpu.memory_space<semaphore_mem>>, %arg18: memref<!tpu.dma_semaphore, #tpu.memory_space<semaphore_mem>>, %arg19: memref<!tpu.dma_semaphore, #tpu.memory_space<semaphore_mem>>, %arg20: memref<!tpu.dma_semaphore, #tpu.memory_space<semaphore_mem>>, %arg21: memref<!tpu.dma_semaphore, #tpu.memory_space<semaphore_mem>>, %arg22: memref<!tpu.dma_semaphore, #tpu.memory_space<semaphore_mem>>) attributes {dimension_semantics = [#tpu.dimension_semantics<core_parallel>, #tpu.dimension_semantics<subcore_parallel>], iteration_bounds = array<i64: 2, 16>, scalar_prefetch = 0 : i64, scratch_operands = 18 : i64, tpu.core_type = #tpu.core_type<sc_vector_subcore>, window_params = [{transform_indices = #map}, {transform_indices = #map}, {transform_indices = #map}]} {
    %mul3A = arith.constant 2 : i32
    %mul3A_0 = arith.muli %arg1, %mul3A : i32
    %add3A = arith.addi %mul3A_0, %arg0 : i32
    %mul3A_1 = arith.constant 4096 : i32
    %mul3A_2 = arith.muli %add3A, %mul3A_1 : i32
    %mul3A_3 = arith.constant 32 : i32
    %mul3A_4 = arith.muli %add3A, %mul3A_3 : i32
    "tpu.region"() ({
      %run_scoped3A = tpu.sem_alloc : memref<!tpu.dma_semaphore, #tpu.memory_space<semaphore_mem>>
      %dma_start3A_1731 = arith.constant 0 : i32
      %dma_start3A_1732 = tpu.memref_slice %arg2[%mul3A_4, %dma_start3A_1731] : memref<1024x128xi32, #tpu.memory_space<hbm>> -> memref<32x128xi32, #tpu.memory_space<hbm>>
      %dma_start3A_1733 = arith.constant 0 : i32
      %dma_start3A_1734 = tpu.memref_slice %arg2[%mul3A_4, %dma_start3A_1733] : memref<1024x128xi32, #tpu.memory_space<hbm>> -> memref<32x128xi32, #tpu.memory_space<hbm>>
      tpu.enqueue_dma source(%dma_start3A_1734 : memref<32x128xi32, #tpu.memory_space<hbm>>) target(%arg5 : memref<32x128xi32, #tpu.memory_space<vmem>>) target_semaphore(%run_scoped3A : memref<!tpu.dma_semaphore, #tpu.memory_space<semaphore_mem>>)
      %dma_wait3A_1735 = arith.constant 0 : i32
      %dma_wait3A_1736 = tpu.memref_slice %arg2[%mul3A_4, %dma_wait3A_1735] : memref<1024x128xi32, #tpu.memory_space<hbm>> -> memref<32x128xi32, #tpu.memory_space<hbm>>
      %dma_wait3A_1737 = arith.constant 0 : i32
      %dma_wait3A_1738 = tpu.memref_slice %arg2[%mul3A_4, %dma_wait3A_1737] : memref<1024x128xi32, #tpu.memory_space<hbm>> -> memref<32x128xi32, #tpu.memory_space<hbm>>
      tpu.wait_dma2 semaphore(%run_scoped3A : memref<!tpu.dma_semaphore, #tpu.memory_space<semaphore_mem>>) src(%dma_wait3A_1738 : memref<32x128xi32, #tpu.memory_space<hbm>>) dst(%arg5 : memref<32x128xi32, #tpu.memory_space<vmem>>)
      tpu.yield
    }) : () -> ()
    %dma_start3A = arith.constant 0 : i32
    %dma_start3A_5 = arith.constant 0 : i32
    %dma_start3A_6 = arith.constant 0 : i32
    %dma_start3A_7 = arith.constant 0 : i32
    %dma_start3A_8 = tpu.memref_slice %arg6[%dma_start3A_5, %dma_start3A_6, %dma_start3A_7] : memref<8x128x32xf32, #tpu.memory_space<vmem>> -> memref<1x128x32xf32, #tpu.memory_space<vmem>>
    %dma_start3A_9 = tpu.memref_squeeze %dma_start3A_8 : memref<1x128x32xf32, #tpu.memory_space<vmem>> -> memref<128x32xf32, #tpu.memory_space<vmem>>
    %dma_start3A_10 = arith.constant 0 : i32
    %dma_start3A_11 = tpu.memref_slice %arg5[%dma_start3A, %dma_start3A_10] : memref<32x128xi32, #tpu.memory_space<vmem>> -> memref<1x128xi32, #tpu.memory_space<vmem>>
    %dma_start3A_12 = tpu.memref_squeeze %dma_start3A_11 : memref<1x128xi32, #tpu.memory_space<vmem>> -> memref<128xi32, #tpu.memory_space<vmem>>
    %dma_start3A_13 = arith.constant 0 : i32
    %dma_start3A_14 = arith.constant 0 : i32
    %dma_start3A_15 = tpu.memref_slice %arg3[%dma_start3A_13, %dma_start3A_14] : memref<4000000x32xf32, #tpu.memory_space<hbm>> -> memref<4000000x32xf32, #tpu.memory_space<hbm>>
    tpu.enqueue_indirect_dma source(%dma_start3A_15 : memref<4000000x32xf32, #tpu.memory_space<hbm>>) target(%dma_start3A_9 : memref<128x32xf32, #tpu.memory_space<vmem>>) offsets(%dma_start3A_12 : memref<128xi32, #tpu.memory_space<vmem>>) semaphore(%arg7 : memref<!tpu.dma_semaphore, #tpu.memory_space<semaphore_mem>>)
    %dma_start3A_16 = arith.constant 1 : i32
    %dma_start3A_17 = arith.constant 1 : i32
    %dma_start3A_18 = arith.constant 0 : i32
    %dma_start3A_19 = arith.constant 0 : i32
    %dma_start3A_20 = tpu.memref_slice %arg6[%dma_start3A_17, %dma_start3A_18, %dma_start3A_19] : memref<8x128x32xf32, #tpu.memory_space<vmem>> -> memref<1x128x32xf32, #tpu.memory_space<vmem>>
    %dma_start3A_21 = tpu.memref_squeeze %dma_start3A_20 : memref<1x128x32xf32, #tpu.memory_space<vmem>> -> memref<128x32xf32, #tpu.memory_space<vmem>>
    %dma_start3A_22 = arith.constant 0 : i32
    %dma_start3A_23 = tpu.memref_slice %arg5[%dma_start3A_16, %dma_start3A_22] : memref<32x128xi32, #tpu.memory_space<vmem>> -> memref<1x128xi32, #tpu.memory_space<vmem>>
    %dma_start3A_24 = tpu.memref_squeeze %dma_start3A_23 : memref<1x128xi32, #tpu.memory_space<vmem>> -> memref<128xi32, #tpu.memory_space<vmem>>
    %dma_start3A_25 = arith.constant 0 : i32
    %dma_start3A_26 = arith.constant 0 : i32
    %dma_start3A_27 = tpu.memref_slice %arg3[%dma_start3A_25, %dma_start3A_26] : memref<4000000x32xf32, #tpu.memory_space<hbm>> -> memref<4000000x32xf32, #tpu.memory_space<hbm>>
    tpu.enqueue_indirect_dma source(%dma_start3A_27 : memref<4000000x32xf32, #tpu.memory_space<hbm>>) target(%dma_start3A_21 : memref<128x32xf32, #tpu.memory_space<vmem>>) offsets(%dma_start3A_24 : memref<128xi32, #tpu.memory_space<vmem>>) semaphore(%arg8 : memref<!tpu.dma_semaphore, #tpu.memory_space<semaphore_mem>>)
    %dma_start3A_28 = arith.constant 2 : i32
    %dma_start3A_29 = arith.constant 2 : i32
    %dma_start3A_30 = arith.constant 0 : i32
    %dma_start3A_31 = arith.constant 0 : i32
    %dma_start3A_32 = tpu.memref_slice %arg6[%dma_start3A_29, %dma_start3A_30, %dma_start3A_31] : memref<8x128x32xf32, #tpu.memory_space<vmem>> -> memref<1x128x32xf32, #tpu.memory_space<vmem>>
    %dma_start3A_33 = tpu.memref_squeeze %dma_start3A_32 : memref<1x128x32xf32, #tpu.memory_space<vmem>> -> memref<128x32xf32, #tpu.memory_space<vmem>>
    %dma_start3A_34 = arith.constant 0 : i32
    %dma_start3A_35 = tpu.memref_slice %arg5[%dma_start3A_28, %dma_start3A_34] : memref<32x128xi32, #tpu.memory_space<vmem>> -> memref<1x128xi32, #tpu.memory_space<vmem>>
    %dma_start3A_36 = tpu.memref_squeeze %dma_start3A_35 : memref<1x128xi32, #tpu.memory_space<vmem>> -> memref<128xi32, #tpu.memory_space<vmem>>
    %dma_start3A_37 = arith.constant 0 : i32
    %dma_start3A_38 = arith.constant 0 : i32
    %dma_start3A_39 = tpu.memref_slice %arg3[%dma_start3A_37, %dma_start3A_38] : memref<4000000x32xf32, #tpu.memory_space<hbm>> -> memref<4000000x32xf32, #tpu.memory_space<hbm>>
    tpu.enqueue_indirect_dma source(%dma_start3A_39 : memref<4000000x32xf32, #tpu.memory_space<hbm>>) target(%dma_start3A_33 : memref<128x32xf32, #tpu.memory_space<vmem>>) offsets(%dma_start3A_36 : memref<128xi32, #tpu.memory_space<vmem>>) semaphore(%arg9 : memref<!tpu.dma_semaphore, #tpu.memory_space<semaphore_mem>>)
    %dma_start3A_40 = arith.constant 3 : i32
    %dma_start3A_41 = arith.constant 3 : i32
    %dma_start3A_42 = arith.constant 0 : i32
    %dma_start3A_43 = arith.constant 0 : i32
    %dma_start3A_44 = tpu.memref_slice %arg6[%dma_start3A_41, %dma_start3A_42, %dma_start3A_43] : memref<8x128x32xf32, #tpu.memory_space<vmem>> -> memref<1x128x32xf32, #tpu.memory_space<vmem>>
    %dma_start3A_45 = tpu.memref_squeeze %dma_start3A_44 : memref<1x128x32xf32, #tpu.memory_space<vmem>> -> memref<128x32xf32, #tpu.memory_space<vmem>>
    %dma_start3A_46 = arith.constant 0 : i32
    %dma_start3A_47 = tpu.memref_slice %arg5[%dma_start3A_40, %dma_start3A_46] : memref<32x128xi32, #tpu.memory_space<vmem>> -> memref<1x128xi32, #tpu.memory_space<vmem>>
    %dma_start3A_48 = tpu.memref_squeeze %dma_start3A_47 : memref<1x128xi32, #tpu.memory_space<vmem>> -> memref<128xi32, #tpu.memory_space<vmem>>
    %dma_start3A_49 = arith.constant 0 : i32
    %dma_start3A_50 = arith.constant 0 : i32
    %dma_start3A_51 = tpu.memref_slice %arg3[%dma_start3A_49, %dma_start3A_50] : memref<4000000x32xf32, #tpu.memory_space<hbm>> -> memref<4000000x32xf32, #tpu.memory_space<hbm>>
    tpu.enqueue_indirect_dma source(%dma_start3A_51 : memref<4000000x32xf32, #tpu.memory_space<hbm>>) target(%dma_start3A_45 : memref<128x32xf32, #tpu.memory_space<vmem>>) offsets(%dma_start3A_48 : memref<128xi32, #tpu.memory_space<vmem>>) semaphore(%arg10 : memref<!tpu.dma_semaphore, #tpu.memory_space<semaphore_mem>>)
    %dma_start3A_52 = arith.constant 4 : i32
    %dma_start3A_53 = arith.constant 4 : i32
    %dma_start3A_54 = arith.constant 0 : i32
    %dma_start3A_55 = arith.constant 0 : i32
    %dma_start3A_56 = tpu.memref_slice %arg6[%dma_start3A_53, %dma_start3A_54, %dma_start3A_55] : memref<8x128x32xf32, #tpu.memory_space<vmem>> -> memref<1x128x32xf32, #tpu.memory_space<vmem>>
    %dma_start3A_57 = tpu.memref_squeeze %dma_start3A_56 : memref<1x128x32xf32, #tpu.memory_space<vmem>> -> memref<128x32xf32, #tpu.memory_space<vmem>>
    %dma_start3A_58 = arith.constant 0 : i32
    %dma_start3A_59 = tpu.memref_slice %arg5[%dma_start3A_52, %dma_start3A_58] : memref<32x128xi32, #tpu.memory_space<vmem>> -> memref<1x128xi32, #tpu.memory_space<vmem>>
    %dma_start3A_60 = tpu.memref_squeeze %dma_start3A_59 : memref<1x128xi32, #tpu.memory_space<vmem>> -> memref<128xi32, #tpu.memory_space<vmem>>
    %dma_start3A_61 = arith.constant 0 : i32
    %dma_start3A_62 = arith.constant 0 : i32
    %dma_start3A_63 = tpu.memref_slice %arg3[%dma_start3A_61, %dma_start3A_62] : memref<4000000x32xf32, #tpu.memory_space<hbm>> -> memref<4000000x32xf32, #tpu.memory_space<hbm>>
    tpu.enqueue_indirect_dma source(%dma_start3A_63 : memref<4000000x32xf32, #tpu.memory_space<hbm>>) target(%dma_start3A_57 : memref<128x32xf32, #tpu.memory_space<vmem>>) offsets(%dma_start3A_60 : memref<128xi32, #tpu.memory_space<vmem>>) semaphore(%arg11 : memref<!tpu.dma_semaphore, #tpu.memory_space<semaphore_mem>>)
    %dma_start3A_64 = arith.constant 5 : i32
    %dma_start3A_65 = arith.constant 5 : i32
    %dma_start3A_66 = arith.constant 0 : i32
    %dma_start3A_67 = arith.constant 0 : i32
    %dma_start3A_68 = tpu.memref_slice %arg6[%dma_start3A_65, %dma_start3A_66, %dma_start3A_67] : memref<8x128x32xf32, #tpu.memory_space<vmem>> -> memref<1x128x32xf32, #tpu.memory_space<vmem>>
    %dma_start3A_69 = tpu.memref_squeeze %dma_start3A_68 : memref<1x128x32xf32, #tpu.memory_space<vmem>> -> memref<128x32xf32, #tpu.memory_space<vmem>>
    %dma_start3A_70 = arith.constant 0 : i32
    %dma_start3A_71 = tpu.memref_slice %arg5[%dma_start3A_64, %dma_start3A_70] : memref<32x128xi32, #tpu.memory_space<vmem>> -> memref<1x128xi32, #tpu.memory_space<vmem>>
    %dma_start3A_72 = tpu.memref_squeeze %dma_start3A_71 : memref<1x128xi32, #tpu.memory_space<vmem>> -> memref<128xi32, #tpu.memory_space<vmem>>
    %dma_start3A_73 = arith.constant 0 : i32
    %dma_start3A_74 = arith.constant 0 : i32
    %dma_start3A_75 = tpu.memref_slice %arg3[%dma_start3A_73, %dma_start3A_74] : memref<4000000x32xf32, #tpu.memory_space<hbm>> -> memref<4000000x32xf32, #tpu.memory_space<hbm>>
    tpu.enqueue_indirect_dma source(%dma_start3A_75 : memref<4000000x32xf32, #tpu.memory_space<hbm>>) target(%dma_start3A_69 : memref<128x32xf32, #tpu.memory_space<vmem>>) offsets(%dma_start3A_72 : memref<128xi32, #tpu.memory_space<vmem>>) semaphore(%arg12 : memref<!tpu.dma_semaphore, #tpu.memory_space<semaphore_mem>>)
    %dma_start3A_76 = arith.constant 6 : i32
    %dma_start3A_77 = arith.constant 6 : i32
    %dma_start3A_78 = arith.constant 0 : i32
    %dma_start3A_79 = arith.constant 0 : i32
    %dma_start3A_80 = tpu.memref_slice %arg6[%dma_start3A_77, %dma_start3A_78, %dma_start3A_79] : memref<8x128x32xf32, #tpu.memory_space<vmem>> -> memref<1x128x32xf32, #tpu.memory_space<vmem>>
    %dma_start3A_81 = tpu.memref_squeeze %dma_start3A_80 : memref<1x128x32xf32, #tpu.memory_space<vmem>> -> memref<128x32xf32, #tpu.memory_space<vmem>>
    %dma_start3A_82 = arith.constant 0 : i32
    %dma_start3A_83 = tpu.memref_slice %arg5[%dma_start3A_76, %dma_start3A_82] : memref<32x128xi32, #tpu.memory_space<vmem>> -> memref<1x128xi32, #tpu.memory_space<vmem>>
    %dma_start3A_84 = tpu.memref_squeeze %dma_start3A_83 : memref<1x128xi32, #tpu.memory_space<vmem>> -> memref<128xi32, #tpu.memory_space<vmem>>
    %dma_start3A_85 = arith.constant 0 : i32
    %dma_start3A_86 = arith.constant 0 : i32
    %dma_start3A_87 = tpu.memref_slice %arg3[%dma_start3A_85, %dma_start3A_86] : memref<4000000x32xf32, #tpu.memory_space<hbm>> -> memref<4000000x32xf32, #tpu.memory_space<hbm>>
    tpu.enqueue_indirect_dma source(%dma_start3A_87 : memref<4000000x32xf32, #tpu.memory_space<hbm>>) target(%dma_start3A_81 : memref<128x32xf32, #tpu.memory_space<vmem>>) offsets(%dma_start3A_84 : memref<128xi32, #tpu.memory_space<vmem>>) semaphore(%arg13 : memref<!tpu.dma_semaphore, #tpu.memory_space<semaphore_mem>>)
    %dma_start3A_88 = arith.constant 7 : i32
    %dma_start3A_89 = arith.constant 7 : i32
    %dma_start3A_90 = arith.constant 0 : i32
    %dma_start3A_91 = arith.constant 0 : i32
    %dma_start3A_92 = tpu.memref_slice %arg6[%dma_start3A_89, %dma_start3A_90, %dma_start3A_91] : memref<8x128x32xf32, #tpu.memory_space<vmem>> -> memref<1x128x32xf32, #tpu.memory_space<vmem>>
    %dma_start3A_93 = tpu.memref_squeeze %dma_start3A_92 : memref<1x128x32xf32, #tpu.memory_space<vmem>> -> memref<128x32xf32, #tpu.memory_space<vmem>>
    %dma_start3A_94 = arith.constant 0 : i32
    %dma_start3A_95 = tpu.memref_slice %arg5[%dma_start3A_88, %dma_start3A_94] : memref<32x128xi32, #tpu.memory_space<vmem>> -> memref<1x128xi32, #tpu.memory_space<vmem>>
    %dma_start3A_96 = tpu.memref_squeeze %dma_start3A_95 : memref<1x128xi32, #tpu.memory_space<vmem>> -> memref<128xi32, #tpu.memory_space<vmem>>
    %dma_start3A_97 = arith.constant 0 : i32
    %dma_start3A_98 = arith.constant 0 : i32
    %dma_start3A_99 = tpu.memref_slice %arg3[%dma_start3A_97, %dma_start3A_98] : memref<4000000x32xf32, #tpu.memory_space<hbm>> -> memref<4000000x32xf32, #tpu.memory_space<hbm>>
    tpu.enqueue_indirect_dma source(%dma_start3A_99 : memref<4000000x32xf32, #tpu.memory_space<hbm>>) target(%dma_start3A_93 : memref<128x32xf32, #tpu.memory_space<vmem>>) offsets(%dma_start3A_96 : memref<128xi32, #tpu.memory_space<vmem>>) semaphore(%arg14 : memref<!tpu.dma_semaphore, #tpu.memory_space<semaphore_mem>>)
    %dma_wait3A = arith.constant 0 : i32
    %dma_wait3A_100 = arith.constant 0 : i32
    %dma_wait3A_101 = arith.constant 0 : i32
    %dma_wait3A_102 = arith.constant 0 : i32
    %dma_wait3A_103 = tpu.memref_slice %arg6[%dma_wait3A_100, %dma_wait3A_101, %dma_wait3A_102] : memref<8x128x32xf32, #tpu.memory_space<vmem>> -> memref<1x128x32xf32, #tpu.memory_space<vmem>>
    %dma_wait3A_104 = tpu.memref_squeeze %dma_wait3A_103 : memref<1x128x32xf32, #tpu.memory_space<vmem>> -> memref<128x32xf32, #tpu.memory_space<vmem>>
    %dma_wait3A_105 = arith.constant 0 : i32
    %dma_wait3A_106 = tpu.memref_slice %arg5[%dma_wait3A, %dma_wait3A_105] : memref<32x128xi32, #tpu.memory_space<vmem>> -> memref<1x128xi32, #tpu.memory_space<vmem>>
    %dma_wait3A_107 = tpu.memref_squeeze %dma_wait3A_106 : memref<1x128xi32, #tpu.memory_space<vmem>> -> memref<128xi32, #tpu.memory_space<vmem>>
    %dma_wait3A_108 = arith.constant 0 : i32
    %dma_wait3A_109 = arith.constant 0 : i32
    %dma_wait3A_110 = tpu.memref_slice %arg3[%dma_wait3A_108, %dma_wait3A_109] : memref<4000000x32xf32, #tpu.memory_space<hbm>> -> memref<4000000x32xf32, #tpu.memory_space<hbm>>
    tpu.wait_indirect_dma semaphore(%arg7 : memref<!tpu.dma_semaphore, #tpu.memory_space<semaphore_mem>>) src(%dma_wait3A_110 : memref<4000000x32xf32, #tpu.memory_space<hbm>>) dst(%dma_wait3A_104 : memref<128x32xf32, #tpu.memory_space<vmem>>)
    %add3A_111 = arith.constant 0 : i32
    %add3A_112 = arith.addi %mul3A_2, %add3A_111 : i32
    %dma_start3A_113 = arith.constant 0 : i32
    %dma_start3A_114 = arith.constant 0 : i32
    %dma_start3A_115 = arith.constant 0 : i32
    %dma_start3A_116 = tpu.memref_slice %arg6[%dma_start3A_113, %dma_start3A_114, %dma_start3A_115] : memref<8x128x32xf32, #tpu.memory_space<vmem>> -> memref<1x128x32xf32, #tpu.memory_space<vmem>>
    %dma_start3A_117 = tpu.memref_squeeze %dma_start3A_116 : memref<1x128x32xf32, #tpu.memory_space<vmem>> -> memref<128x32xf32, #tpu.memory_space<vmem>>
    %dma_start3A_118 = arith.constant 0 : i32
    %dma_start3A_119 = tpu.memref_slice %arg4[%add3A_112, %dma_start3A_118] : memref<131072x32xf32, #tpu.memory_space<hbm>> -> memref<128x32xf32, #tpu.memory_space<hbm>>
    %dma_start3A_120 = arith.constant 0 : i32
    %dma_start3A_121 = tpu.memref_slice %arg4[%add3A_112, %dma_start3A_120] : memref<131072x32xf32, #tpu.memory_space<hbm>> -> memref<128x32xf32, #tpu.memory_space<hbm>>
    %dma_start3A_122 = arith.constant 0 : i32
    %dma_start3A_123 = arith.constant 0 : i32
    %dma_start3A_124 = tpu.memref_slice %arg6[%dma_start3A_113, %dma_start3A_122, %dma_start3A_123] : memref<8x128x32xf32, #tpu.memory_space<vmem>> -> memref<1x128x32xf32, #tpu.memory_space<vmem>>
    %dma_start3A_125 = tpu.memref_squeeze %dma_start3A_124 : memref<1x128x32xf32, #tpu.memory_space<vmem>> -> memref<128x32xf32, #tpu.memory_space<vmem>>
    tpu.enqueue_dma source(%dma_start3A_125 : memref<128x32xf32, #tpu.memory_space<vmem>>) target(%dma_start3A_121 : memref<128x32xf32, #tpu.memory_space<hbm>>) target_semaphore(%arg15 : memref<!tpu.dma_semaphore, #tpu.memory_space<semaphore_mem>>)
    %add3A_126 = arith.constant 0 : i32
    %add3A_127 = arith.addi %mul3A_2, %add3A_126 : i32
    %dma_wait3A_128 = arith.constant 0 : i32
    %dma_wait3A_129 = arith.constant 0 : i32
    %dma_wait3A_130 = arith.constant 0 : i32
    %dma_wait3A_131 = tpu.memref_slice %arg6[%dma_wait3A_128, %dma_wait3A_129, %dma_wait3A_130] : memref<8x128x32xf32, #tpu.memory_space<vmem>> -> memref<1x128x32xf32, #tpu.memory_space<vmem>>
    %dma_wait3A_132 = tpu.memref_squeeze %dma_wait3A_131 : memref<1x128x32xf32, #tpu.memory_space<vmem>> -> memref<128x32xf32, #tpu.memory_space<vmem>>
    %dma_wait3A_133 = arith.constant 0 : i32
    %dma_wait3A_134 = tpu.memref_slice %arg4[%add3A_127, %dma_wait3A_133] : memref<131072x32xf32, #tpu.memory_space<hbm>> -> memref<128x32xf32, #tpu.memory_space<hbm>>
    %dma_wait3A_135 = arith.constant 0 : i32
    %dma_wait3A_136 = tpu.memref_slice %arg4[%add3A_127, %dma_wait3A_135] : memref<131072x32xf32, #tpu.memory_space<hbm>> -> memref<128x32xf32, #tpu.memory_space<hbm>>
    %dma_wait3A_137 = arith.constant 0 : i32
    %dma_wait3A_138 = arith.constant 0 : i32
    %dma_wait3A_139 = tpu.memref_slice %arg6[%dma_wait3A_128, %dma_wait3A_137, %dma_wait3A_138] : memref<8x128x32xf32, #tpu.memory_space<vmem>> -> memref<1x128x32xf32, #tpu.memory_space<vmem>>
    %dma_wait3A_140 = tpu.memref_squeeze %dma_wait3A_139 : memref<1x128x32xf32, #tpu.memory_space<vmem>> -> memref<128x32xf32, #tpu.memory_space<vmem>>
    tpu.wait_dma2 semaphore(%arg15 : memref<!tpu.dma_semaphore, #tpu.memory_space<semaphore_mem>>) src(%dma_wait3A_140 : memref<128x32xf32, #tpu.memory_space<vmem>>) dst(%dma_wait3A_136 : memref<128x32xf32, #tpu.memory_space<hbm>>)
    %dma_start3A_141 = arith.constant 8 : i32
    %dma_start3A_142 = arith.constant 0 : i32
    %dma_start3A_143 = arith.constant 0 : i32
    %dma_start3A_144 = arith.constant 0 : i32
    %dma_start3A_145 = tpu.memref_slice %arg6[%dma_start3A_142, %dma_start3A_143, %dma_start3A_144] : memref<8x128x32xf32, #tpu.memory_space<vmem>> -> memref<1x128x32xf32, #tpu.memory_space<vmem>>
    %dma_start3A_146 = tpu.memref_squeeze %dma_start3A_145 : memref<1x128x32xf32, #tpu.memory_space<vmem>> -> memref<128x32xf32, #tpu.memory_space<vmem>>
    %dma_start3A_147 = arith.constant 0 : i32
    %dma_start3A_148 = tpu.memref_slice %arg5[%dma_start3A_141, %dma_start3A_147] : memref<32x128xi32, #tpu.memory_space<vmem>> -> memref<1x128xi32, #tpu.memory_space<vmem>>
    %dma_start3A_149 = tpu.memref_squeeze %dma_start3A_148 : memref<1x128xi32, #tpu.memory_space<vmem>> -> memref<128xi32, #tpu.memory_space<vmem>>
    %dma_start3A_150 = arith.constant 0 : i32
    %dma_start3A_151 = arith.constant 0 : i32
    %dma_start3A_152 = tpu.memref_slice %arg3[%dma_start3A_150, %dma_start3A_151] : memref<4000000x32xf32, #tpu.memory_space<hbm>> -> memref<4000000x32xf32, #tpu.memory_space<hbm>>
    tpu.enqueue_indirect_dma source(%dma_start3A_152 : memref<4000000x32xf32, #tpu.memory_space<hbm>>) target(%dma_start3A_146 : memref<128x32xf32, #tpu.memory_space<vmem>>) offsets(%dma_start3A_149 : memref<128xi32, #tpu.memory_space<vmem>>) semaphore(%arg7 : memref<!tpu.dma_semaphore, #tpu.memory_space<semaphore_mem>>)
    %dma_wait3A_153 = arith.constant 1 : i32
    %dma_wait3A_154 = arith.constant 1 : i32
    %dma_wait3A_155 = arith.constant 0 : i32
    %dma_wait3A_156 = arith.constant 0 : i32
    %dma_wait3A_157 = tpu.memref_slice %arg6[%dma_wait3A_154, %dma_wait3A_155, %dma_wait3A_156] : memref<8x128x32xf32, #tpu.memory_space<vmem>> -> memref<1x128x32xf32, #tpu.memory_space<vmem>>
    %dma_wait3A_158 = tpu.memref_squeeze %dma_wait3A_157 : memref<1x128x32xf32, #tpu.memory_space<vmem>> -> memref<128x32xf32, #tpu.memory_space<vmem>>
    %dma_wait3A_159 = arith.constant 0 : i32
    %dma_wait3A_160 = tpu.memref_slice %arg5[%dma_wait3A_153, %dma_wait3A_159] : memref<32x128xi32, #tpu.memory_space<vmem>> -> memref<1x128xi32, #tpu.memory_space<vmem>>
    %dma_wait3A_161 = tpu.memref_squeeze %dma_wait3A_160 : memref<1x128xi32, #tpu.memory_space<vmem>> -> memref<128xi32, #tpu.memory_space<vmem>>
    %dma_wait3A_162 = arith.constant 0 : i32
    %dma_wait3A_163 = arith.constant 0 : i32
    %dma_wait3A_164 = tpu.memref_slice %arg3[%dma_wait3A_162, %dma_wait3A_163] : memref<4000000x32xf32, #tpu.memory_space<hbm>> -> memref<4000000x32xf32, #tpu.memory_space<hbm>>
    tpu.wait_indirect_dma semaphore(%arg8 : memref<!tpu.dma_semaphore, #tpu.memory_space<semaphore_mem>>) src(%dma_wait3A_164 : memref<4000000x32xf32, #tpu.memory_space<hbm>>) dst(%dma_wait3A_158 : memref<128x32xf32, #tpu.memory_space<vmem>>)
    %add3A_165 = arith.constant 128 : i32
    %add3A_166 = arith.addi %mul3A_2, %add3A_165 : i32
    %dma_start3A_167 = arith.constant 1 : i32
    %dma_start3A_168 = arith.constant 0 : i32
    %dma_start3A_169 = arith.constant 0 : i32
    %dma_start3A_170 = tpu.memref_slice %arg6[%dma_start3A_167, %dma_start3A_168, %dma_start3A_169] : memref<8x128x32xf32, #tpu.memory_space<vmem>> -> memref<1x128x32xf32, #tpu.memory_space<vmem>>
    %dma_start3A_171 = tpu.memref_squeeze %dma_start3A_170 : memref<1x128x32xf32, #tpu.memory_space<vmem>> -> memref<128x32xf32, #tpu.memory_space<vmem>>
    %dma_start3A_172 = arith.constant 0 : i32
    %dma_start3A_173 = tpu.memref_slice %arg4[%add3A_166, %dma_start3A_172] : memref<131072x32xf32, #tpu.memory_space<hbm>> -> memref<128x32xf32, #tpu.memory_space<hbm>>
    %dma_start3A_174 = arith.constant 0 : i32
    %dma_start3A_175 = tpu.memref_slice %arg4[%add3A_166, %dma_start3A_174] : memref<131072x32xf32, #tpu.memory_space<hbm>> -> memref<128x32xf32, #tpu.memory_space<hbm>>
    %dma_start3A_176 = arith.constant 0 : i32
    %dma_start3A_177 = arith.constant 0 : i32
    %dma_start3A_178 = tpu.memref_slice %arg6[%dma_start3A_167, %dma_start3A_176, %dma_start3A_177] : memref<8x128x32xf32, #tpu.memory_space<vmem>> -> memref<1x128x32xf32, #tpu.memory_space<vmem>>
    %dma_start3A_179 = tpu.memref_squeeze %dma_start3A_178 : memref<1x128x32xf32, #tpu.memory_space<vmem>> -> memref<128x32xf32, #tpu.memory_space<vmem>>
    tpu.enqueue_dma source(%dma_start3A_179 : memref<128x32xf32, #tpu.memory_space<vmem>>) target(%dma_start3A_175 : memref<128x32xf32, #tpu.memory_space<hbm>>) target_semaphore(%arg16 : memref<!tpu.dma_semaphore, #tpu.memory_space<semaphore_mem>>)
    %add3A_180 = arith.constant 128 : i32
    %add3A_181 = arith.addi %mul3A_2, %add3A_180 : i32
    %dma_wait3A_182 = arith.constant 1 : i32
    %dma_wait3A_183 = arith.constant 0 : i32
    %dma_wait3A_184 = arith.constant 0 : i32
    %dma_wait3A_185 = tpu.memref_slice %arg6[%dma_wait3A_182, %dma_wait3A_183, %dma_wait3A_184] : memref<8x128x32xf32, #tpu.memory_space<vmem>> -> memref<1x128x32xf32, #tpu.memory_space<vmem>>
    %dma_wait3A_186 = tpu.memref_squeeze %dma_wait3A_185 : memref<1x128x32xf32, #tpu.memory_space<vmem>> -> memref<128x32xf32, #tpu.memory_space<vmem>>
    %dma_wait3A_187 = arith.constant 0 : i32
    %dma_wait3A_188 = tpu.memref_slice %arg4[%add3A_181, %dma_wait3A_187] : memref<131072x32xf32, #tpu.memory_space<hbm>> -> memref<128x32xf32, #tpu.memory_space<hbm>>
    %dma_wait3A_189 = arith.constant 0 : i32
    %dma_wait3A_190 = tpu.memref_slice %arg4[%add3A_181, %dma_wait3A_189] : memref<131072x32xf32, #tpu.memory_space<hbm>> -> memref<128x32xf32, #tpu.memory_space<hbm>>
    %dma_wait3A_191 = arith.constant 0 : i32
    %dma_wait3A_192 = arith.constant 0 : i32
    %dma_wait3A_193 = tpu.memref_slice %arg6[%dma_wait3A_182, %dma_wait3A_191, %dma_wait3A_192] : memref<8x128x32xf32, #tpu.memory_space<vmem>> -> memref<1x128x32xf32, #tpu.memory_space<vmem>>
    %dma_wait3A_194 = tpu.memref_squeeze %dma_wait3A_193 : memref<1x128x32xf32, #tpu.memory_space<vmem>> -> memref<128x32xf32, #tpu.memory_space<vmem>>
    tpu.wait_dma2 semaphore(%arg16 : memref<!tpu.dma_semaphore, #tpu.memory_space<semaphore_mem>>) src(%dma_wait3A_194 : memref<128x32xf32, #tpu.memory_space<vmem>>) dst(%dma_wait3A_190 : memref<128x32xf32, #tpu.memory_space<hbm>>)
    %dma_start3A_195 = arith.constant 9 : i32
    %dma_start3A_196 = arith.constant 1 : i32
    %dma_start3A_197 = arith.constant 0 : i32
    %dma_start3A_198 = arith.constant 0 : i32
    %dma_start3A_199 = tpu.memref_slice %arg6[%dma_start3A_196, %dma_start3A_197, %dma_start3A_198] : memref<8x128x32xf32, #tpu.memory_space<vmem>> -> memref<1x128x32xf32, #tpu.memory_space<vmem>>
    %dma_start3A_200 = tpu.memref_squeeze %dma_start3A_199 : memref<1x128x32xf32, #tpu.memory_space<vmem>> -> memref<128x32xf32, #tpu.memory_space<vmem>>
    %dma_start3A_201 = arith.constant 0 : i32
    %dma_start3A_202 = tpu.memref_slice %arg5[%dma_start3A_195, %dma_start3A_201] : memref<32x128xi32, #tpu.memory_space<vmem>> -> memref<1x128xi32, #tpu.memory_space<vmem>>
    %dma_start3A_203 = tpu.memref_squeeze %dma_start3A_202 : memref<1x128xi32, #tpu.memory_space<vmem>> -> memref<128xi32, #tpu.memory_space<vmem>>
    %dma_start3A_204 = arith.constant 0 : i32
    %dma_start3A_205 = arith.constant 0 : i32
    %dma_start3A_206 = tpu.memref_slice %arg3[%dma_start3A_204, %dma_start3A_205] : memref<4000000x32xf32, #tpu.memory_space<hbm>> -> memref<4000000x32xf32, #tpu.memory_space<hbm>>
    tpu.enqueue_indirect_dma source(%dma_start3A_206 : memref<4000000x32xf32, #tpu.memory_space<hbm>>) target(%dma_start3A_200 : memref<128x32xf32, #tpu.memory_space<vmem>>) offsets(%dma_start3A_203 : memref<128xi32, #tpu.memory_space<vmem>>) semaphore(%arg8 : memref<!tpu.dma_semaphore, #tpu.memory_space<semaphore_mem>>)
    %dma_wait3A_207 = arith.constant 2 : i32
    %dma_wait3A_208 = arith.constant 2 : i32
    %dma_wait3A_209 = arith.constant 0 : i32
    %dma_wait3A_210 = arith.constant 0 : i32
    %dma_wait3A_211 = tpu.memref_slice %arg6[%dma_wait3A_208, %dma_wait3A_209, %dma_wait3A_210] : memref<8x128x32xf32, #tpu.memory_space<vmem>> -> memref<1x128x32xf32, #tpu.memory_space<vmem>>
    %dma_wait3A_212 = tpu.memref_squeeze %dma_wait3A_211 : memref<1x128x32xf32, #tpu.memory_space<vmem>> -> memref<128x32xf32, #tpu.memory_space<vmem>>
    %dma_wait3A_213 = arith.constant 0 : i32
    %dma_wait3A_214 = tpu.memref_slice %arg5[%dma_wait3A_207, %dma_wait3A_213] : memref<32x128xi32, #tpu.memory_space<vmem>> -> memref<1x128xi32, #tpu.memory_space<vmem>>
    %dma_wait3A_215 = tpu.memref_squeeze %dma_wait3A_214 : memref<1x128xi32, #tpu.memory_space<vmem>> -> memref<128xi32, #tpu.memory_space<vmem>>
    %dma_wait3A_216 = arith.constant 0 : i32
    %dma_wait3A_217 = arith.constant 0 : i32
    %dma_wait3A_218 = tpu.memref_slice %arg3[%dma_wait3A_216, %dma_wait3A_217] : memref<4000000x32xf32, #tpu.memory_space<hbm>> -> memref<4000000x32xf32, #tpu.memory_space<hbm>>
    tpu.wait_indirect_dma semaphore(%arg9 : memref<!tpu.dma_semaphore, #tpu.memory_space<semaphore_mem>>) src(%dma_wait3A_218 : memref<4000000x32xf32, #tpu.memory_space<hbm>>) dst(%dma_wait3A_212 : memref<128x32xf32, #tpu.memory_space<vmem>>)
    %add3A_219 = arith.constant 256 : i32
    %add3A_220 = arith.addi %mul3A_2, %add3A_219 : i32
    %dma_start3A_221 = arith.constant 2 : i32
    %dma_start3A_222 = arith.constant 0 : i32
    %dma_start3A_223 = arith.constant 0 : i32
    %dma_start3A_224 = tpu.memref_slice %arg6[%dma_start3A_221, %dma_start3A_222, %dma_start3A_223] : memref<8x128x32xf32, #tpu.memory_space<vmem>> -> memref<1x128x32xf32, #tpu.memory_space<vmem>>
    %dma_start3A_225 = tpu.memref_squeeze %dma_start3A_224 : memref<1x128x32xf32, #tpu.memory_space<vmem>> -> memref<128x32xf32, #tpu.memory_space<vmem>>
    %dma_start3A_226 = arith.constant 0 : i32
    %dma_start3A_227 = tpu.memref_slice %arg4[%add3A_220, %dma_start3A_226] : memref<131072x32xf32, #tpu.memory_space<hbm>> -> memref<128x32xf32, #tpu.memory_space<hbm>>
    %dma_start3A_228 = arith.constant 0 : i32
    %dma_start3A_229 = tpu.memref_slice %arg4[%add3A_220, %dma_start3A_228] : memref<131072x32xf32, #tpu.memory_space<hbm>> -> memref<128x32xf32, #tpu.memory_space<hbm>>
    %dma_start3A_230 = arith.constant 0 : i32
    %dma_start3A_231 = arith.constant 0 : i32
    %dma_start3A_232 = tpu.memref_slice %arg6[%dma_start3A_221, %dma_start3A_230, %dma_start3A_231] : memref<8x128x32xf32, #tpu.memory_space<vmem>> -> memref<1x128x32xf32, #tpu.memory_space<vmem>>
    %dma_start3A_233 = tpu.memref_squeeze %dma_start3A_232 : memref<1x128x32xf32, #tpu.memory_space<vmem>> -> memref<128x32xf32, #tpu.memory_space<vmem>>
    tpu.enqueue_dma source(%dma_start3A_233 : memref<128x32xf32, #tpu.memory_space<vmem>>) target(%dma_start3A_229 : memref<128x32xf32, #tpu.memory_space<hbm>>) target_semaphore(%arg17 : memref<!tpu.dma_semaphore, #tpu.memory_space<semaphore_mem>>)
    %add3A_234 = arith.constant 256 : i32
    %add3A_235 = arith.addi %mul3A_2, %add3A_234 : i32
    %dma_wait3A_236 = arith.constant 2 : i32
    %dma_wait3A_237 = arith.constant 0 : i32
    %dma_wait3A_238 = arith.constant 0 : i32
    %dma_wait3A_239 = tpu.memref_slice %arg6[%dma_wait3A_236, %dma_wait3A_237, %dma_wait3A_238] : memref<8x128x32xf32, #tpu.memory_space<vmem>> -> memref<1x128x32xf32, #tpu.memory_space<vmem>>
    %dma_wait3A_240 = tpu.memref_squeeze %dma_wait3A_239 : memref<1x128x32xf32, #tpu.memory_space<vmem>> -> memref<128x32xf32, #tpu.memory_space<vmem>>
    %dma_wait3A_241 = arith.constant 0 : i32
    %dma_wait3A_242 = tpu.memref_slice %arg4[%add3A_235, %dma_wait3A_241] : memref<131072x32xf32, #tpu.memory_space<hbm>> -> memref<128x32xf32, #tpu.memory_space<hbm>>
    %dma_wait3A_243 = arith.constant 0 : i32
    %dma_wait3A_244 = tpu.memref_slice %arg4[%add3A_235, %dma_wait3A_243] : memref<131072x32xf32, #tpu.memory_space<hbm>> -> memref<128x32xf32, #tpu.memory_space<hbm>>
    %dma_wait3A_245 = arith.constant 0 : i32
    %dma_wait3A_246 = arith.constant 0 : i32
    %dma_wait3A_247 = tpu.memref_slice %arg6[%dma_wait3A_236, %dma_wait3A_245, %dma_wait3A_246] : memref<8x128x32xf32, #tpu.memory_space<vmem>> -> memref<1x128x32xf32, #tpu.memory_space<vmem>>
    %dma_wait3A_248 = tpu.memref_squeeze %dma_wait3A_247 : memref<1x128x32xf32, #tpu.memory_space<vmem>> -> memref<128x32xf32, #tpu.memory_space<vmem>>
    tpu.wait_dma2 semaphore(%arg17 : memref<!tpu.dma_semaphore, #tpu.memory_space<semaphore_mem>>) src(%dma_wait3A_248 : memref<128x32xf32, #tpu.memory_space<vmem>>) dst(%dma_wait3A_244 : memref<128x32xf32, #tpu.memory_space<hbm>>)
    %dma_start3A_249 = arith.constant 10 : i32
    %dma_start3A_250 = arith.constant 2 : i32
    %dma_start3A_251 = arith.constant 0 : i32
    %dma_start3A_252 = arith.constant 0 : i32
    %dma_start3A_253 = tpu.memref_slice %arg6[%dma_start3A_250, %dma_start3A_251, %dma_start3A_252] : memref<8x128x32xf32, #tpu.memory_space<vmem>> -> memref<1x128x32xf32, #tpu.memory_space<vmem>>
    %dma_start3A_254 = tpu.memref_squeeze %dma_start3A_253 : memref<1x128x32xf32, #tpu.memory_space<vmem>> -> memref<128x32xf32, #tpu.memory_space<vmem>>
    %dma_start3A_255 = arith.constant 0 : i32
    %dma_start3A_256 = tpu.memref_slice %arg5[%dma_start3A_249, %dma_start3A_255] : memref<32x128xi32, #tpu.memory_space<vmem>> -> memref<1x128xi32, #tpu.memory_space<vmem>>
    %dma_start3A_257 = tpu.memref_squeeze %dma_start3A_256 : memref<1x128xi32, #tpu.memory_space<vmem>> -> memref<128xi32, #tpu.memory_space<vmem>>
    %dma_start3A_258 = arith.constant 0 : i32
    %dma_start3A_259 = arith.constant 0 : i32
    %dma_start3A_260 = tpu.memref_slice %arg3[%dma_start3A_258, %dma_start3A_259] : memref<4000000x32xf32, #tpu.memory_space<hbm>> -> memref<4000000x32xf32, #tpu.memory_space<hbm>>
    tpu.enqueue_indirect_dma source(%dma_start3A_260 : memref<4000000x32xf32, #tpu.memory_space<hbm>>) target(%dma_start3A_254 : memref<128x32xf32, #tpu.memory_space<vmem>>) offsets(%dma_start3A_257 : memref<128xi32, #tpu.memory_space<vmem>>) semaphore(%arg9 : memref<!tpu.dma_semaphore, #tpu.memory_space<semaphore_mem>>)
    %dma_wait3A_261 = arith.constant 3 : i32
    %dma_wait3A_262 = arith.constant 3 : i32
    %dma_wait3A_263 = arith.constant 0 : i32
    %dma_wait3A_264 = arith.constant 0 : i32
    %dma_wait3A_265 = tpu.memref_slice %arg6[%dma_wait3A_262, %dma_wait3A_263, %dma_wait3A_264] : memref<8x128x32xf32, #tpu.memory_space<vmem>> -> memref<1x128x32xf32, #tpu.memory_space<vmem>>
    %dma_wait3A_266 = tpu.memref_squeeze %dma_wait3A_265 : memref<1x128x32xf32, #tpu.memory_space<vmem>> -> memref<128x32xf32, #tpu.memory_space<vmem>>
    %dma_wait3A_267 = arith.constant 0 : i32
    %dma_wait3A_268 = tpu.memref_slice %arg5[%dma_wait3A_261, %dma_wait3A_267] : memref<32x128xi32, #tpu.memory_space<vmem>> -> memref<1x128xi32, #tpu.memory_space<vmem>>
    %dma_wait3A_269 = tpu.memref_squeeze %dma_wait3A_268 : memref<1x128xi32, #tpu.memory_space<vmem>> -> memref<128xi32, #tpu.memory_space<vmem>>
    %dma_wait3A_270 = arith.constant 0 : i32
    %dma_wait3A_271 = arith.constant 0 : i32
    %dma_wait3A_272 = tpu.memref_slice %arg3[%dma_wait3A_270, %dma_wait3A_271] : memref<4000000x32xf32, #tpu.memory_space<hbm>> -> memref<4000000x32xf32, #tpu.memory_space<hbm>>
    tpu.wait_indirect_dma semaphore(%arg10 : memref<!tpu.dma_semaphore, #tpu.memory_space<semaphore_mem>>) src(%dma_wait3A_272 : memref<4000000x32xf32, #tpu.memory_space<hbm>>) dst(%dma_wait3A_266 : memref<128x32xf32, #tpu.memory_space<vmem>>)
    %add3A_273 = arith.constant 384 : i32
    %add3A_274 = arith.addi %mul3A_2, %add3A_273 : i32
    %dma_start3A_275 = arith.constant 3 : i32
    %dma_start3A_276 = arith.constant 0 : i32
    %dma_start3A_277 = arith.constant 0 : i32
    %dma_start3A_278 = tpu.memref_slice %arg6[%dma_start3A_275, %dma_start3A_276, %dma_start3A_277] : memref<8x128x32xf32, #tpu.memory_space<vmem>> -> memref<1x128x32xf32, #tpu.memory_space<vmem>>
    %dma_start3A_279 = tpu.memref_squeeze %dma_start3A_278 : memref<1x128x32xf32, #tpu.memory_space<vmem>> -> memref<128x32xf32, #tpu.memory_space<vmem>>
    %dma_start3A_280 = arith.constant 0 : i32
    %dma_start3A_281 = tpu.memref_slice %arg4[%add3A_274, %dma_start3A_280] : memref<131072x32xf32, #tpu.memory_space<hbm>> -> memref<128x32xf32, #tpu.memory_space<hbm>>
    %dma_start3A_282 = arith.constant 0 : i32
    %dma_start3A_283 = tpu.memref_slice %arg4[%add3A_274, %dma_start3A_282] : memref<131072x32xf32, #tpu.memory_space<hbm>> -> memref<128x32xf32, #tpu.memory_space<hbm>>
    %dma_start3A_284 = arith.constant 0 : i32
    %dma_start3A_285 = arith.constant 0 : i32
    %dma_start3A_286 = tpu.memref_slice %arg6[%dma_start3A_275, %dma_start3A_284, %dma_start3A_285] : memref<8x128x32xf32, #tpu.memory_space<vmem>> -> memref<1x128x32xf32, #tpu.memory_space<vmem>>
    %dma_start3A_287 = tpu.memref_squeeze %dma_start3A_286 : memref<1x128x32xf32, #tpu.memory_space<vmem>> -> memref<128x32xf32, #tpu.memory_space<vmem>>
    tpu.enqueue_dma source(%dma_start3A_287 : memref<128x32xf32, #tpu.memory_space<vmem>>) target(%dma_start3A_283 : memref<128x32xf32, #tpu.memory_space<hbm>>) target_semaphore(%arg18 : memref<!tpu.dma_semaphore, #tpu.memory_space<semaphore_mem>>)
    %add3A_288 = arith.constant 384 : i32
    %add3A_289 = arith.addi %mul3A_2, %add3A_288 : i32
    %dma_wait3A_290 = arith.constant 3 : i32
    %dma_wait3A_291 = arith.constant 0 : i32
    %dma_wait3A_292 = arith.constant 0 : i32
    %dma_wait3A_293 = tpu.memref_slice %arg6[%dma_wait3A_290, %dma_wait3A_291, %dma_wait3A_292] : memref<8x128x32xf32, #tpu.memory_space<vmem>> -> memref<1x128x32xf32, #tpu.memory_space<vmem>>
    %dma_wait3A_294 = tpu.memref_squeeze %dma_wait3A_293 : memref<1x128x32xf32, #tpu.memory_space<vmem>> -> memref<128x32xf32, #tpu.memory_space<vmem>>
    %dma_wait3A_295 = arith.constant 0 : i32
    %dma_wait3A_296 = tpu.memref_slice %arg4[%add3A_289, %dma_wait3A_295] : memref<131072x32xf32, #tpu.memory_space<hbm>> -> memref<128x32xf32, #tpu.memory_space<hbm>>
    %dma_wait3A_297 = arith.constant 0 : i32
    %dma_wait3A_298 = tpu.memref_slice %arg4[%add3A_289, %dma_wait3A_297] : memref<131072x32xf32, #tpu.memory_space<hbm>> -> memref<128x32xf32, #tpu.memory_space<hbm>>
    %dma_wait3A_299 = arith.constant 0 : i32
    %dma_wait3A_300 = arith.constant 0 : i32
    %dma_wait3A_301 = tpu.memref_slice %arg6[%dma_wait3A_290, %dma_wait3A_299, %dma_wait3A_300] : memref<8x128x32xf32, #tpu.memory_space<vmem>> -> memref<1x128x32xf32, #tpu.memory_space<vmem>>
    %dma_wait3A_302 = tpu.memref_squeeze %dma_wait3A_301 : memref<1x128x32xf32, #tpu.memory_space<vmem>> -> memref<128x32xf32, #tpu.memory_space<vmem>>
    tpu.wait_dma2 semaphore(%arg18 : memref<!tpu.dma_semaphore, #tpu.memory_space<semaphore_mem>>) src(%dma_wait3A_302 : memref<128x32xf32, #tpu.memory_space<vmem>>) dst(%dma_wait3A_298 : memref<128x32xf32, #tpu.memory_space<hbm>>)
    %dma_start3A_303 = arith.constant 11 : i32
    %dma_start3A_304 = arith.constant 3 : i32
    %dma_start3A_305 = arith.constant 0 : i32
    %dma_start3A_306 = arith.constant 0 : i32
    %dma_start3A_307 = tpu.memref_slice %arg6[%dma_start3A_304, %dma_start3A_305, %dma_start3A_306] : memref<8x128x32xf32, #tpu.memory_space<vmem>> -> memref<1x128x32xf32, #tpu.memory_space<vmem>>
    %dma_start3A_308 = tpu.memref_squeeze %dma_start3A_307 : memref<1x128x32xf32, #tpu.memory_space<vmem>> -> memref<128x32xf32, #tpu.memory_space<vmem>>
    %dma_start3A_309 = arith.constant 0 : i32
    %dma_start3A_310 = tpu.memref_slice %arg5[%dma_start3A_303, %dma_start3A_309] : memref<32x128xi32, #tpu.memory_space<vmem>> -> memref<1x128xi32, #tpu.memory_space<vmem>>
    %dma_start3A_311 = tpu.memref_squeeze %dma_start3A_310 : memref<1x128xi32, #tpu.memory_space<vmem>> -> memref<128xi32, #tpu.memory_space<vmem>>
    %dma_start3A_312 = arith.constant 0 : i32
    %dma_start3A_313 = arith.constant 0 : i32
    %dma_start3A_314 = tpu.memref_slice %arg3[%dma_start3A_312, %dma_start3A_313] : memref<4000000x32xf32, #tpu.memory_space<hbm>> -> memref<4000000x32xf32, #tpu.memory_space<hbm>>
    tpu.enqueue_indirect_dma source(%dma_start3A_314 : memref<4000000x32xf32, #tpu.memory_space<hbm>>) target(%dma_start3A_308 : memref<128x32xf32, #tpu.memory_space<vmem>>) offsets(%dma_start3A_311 : memref<128xi32, #tpu.memory_space<vmem>>) semaphore(%arg10 : memref<!tpu.dma_semaphore, #tpu.memory_space<semaphore_mem>>)
    %dma_wait3A_315 = arith.constant 4 : i32
    %dma_wait3A_316 = arith.constant 4 : i32
    %dma_wait3A_317 = arith.constant 0 : i32
    %dma_wait3A_318 = arith.constant 0 : i32
    %dma_wait3A_319 = tpu.memref_slice %arg6[%dma_wait3A_316, %dma_wait3A_317, %dma_wait3A_318] : memref<8x128x32xf32, #tpu.memory_space<vmem>> -> memref<1x128x32xf32, #tpu.memory_space<vmem>>
    %dma_wait3A_320 = tpu.memref_squeeze %dma_wait3A_319 : memref<1x128x32xf32, #tpu.memory_space<vmem>> -> memref<128x32xf32, #tpu.memory_space<vmem>>
    %dma_wait3A_321 = arith.constant 0 : i32
    %dma_wait3A_322 = tpu.memref_slice %arg5[%dma_wait3A_315, %dma_wait3A_321] : memref<32x128xi32, #tpu.memory_space<vmem>> -> memref<1x128xi32, #tpu.memory_space<vmem>>
    %dma_wait3A_323 = tpu.memref_squeeze %dma_wait3A_322 : memref<1x128xi32, #tpu.memory_space<vmem>> -> memref<128xi32, #tpu.memory_space<vmem>>
    %dma_wait3A_324 = arith.constant 0 : i32
    %dma_wait3A_325 = arith.constant 0 : i32
    %dma_wait3A_326 = tpu.memref_slice %arg3[%dma_wait3A_324, %dma_wait3A_325] : memref<4000000x32xf32, #tpu.memory_space<hbm>> -> memref<4000000x32xf32, #tpu.memory_space<hbm>>
    tpu.wait_indirect_dma semaphore(%arg11 : memref<!tpu.dma_semaphore, #tpu.memory_space<semaphore_mem>>) src(%dma_wait3A_326 : memref<4000000x32xf32, #tpu.memory_space<hbm>>) dst(%dma_wait3A_320 : memref<128x32xf32, #tpu.memory_space<vmem>>)
    %add3A_327 = arith.constant 512 : i32
    %add3A_328 = arith.addi %mul3A_2, %add3A_327 : i32
    %dma_start3A_329 = arith.constant 4 : i32
    %dma_start3A_330 = arith.constant 0 : i32
    %dma_start3A_331 = arith.constant 0 : i32
    %dma_start3A_332 = tpu.memref_slice %arg6[%dma_start3A_329, %dma_start3A_330, %dma_start3A_331] : memref<8x128x32xf32, #tpu.memory_space<vmem>> -> memref<1x128x32xf32, #tpu.memory_space<vmem>>
    %dma_start3A_333 = tpu.memref_squeeze %dma_start3A_332 : memref<1x128x32xf32, #tpu.memory_space<vmem>> -> memref<128x32xf32, #tpu.memory_space<vmem>>
    %dma_start3A_334 = arith.constant 0 : i32
    %dma_start3A_335 = tpu.memref_slice %arg4[%add3A_328, %dma_start3A_334] : memref<131072x32xf32, #tpu.memory_space<hbm>> -> memref<128x32xf32, #tpu.memory_space<hbm>>
    %dma_start3A_336 = arith.constant 0 : i32
    %dma_start3A_337 = tpu.memref_slice %arg4[%add3A_328, %dma_start3A_336] : memref<131072x32xf32, #tpu.memory_space<hbm>> -> memref<128x32xf32, #tpu.memory_space<hbm>>
    %dma_start3A_338 = arith.constant 0 : i32
    %dma_start3A_339 = arith.constant 0 : i32
    %dma_start3A_340 = tpu.memref_slice %arg6[%dma_start3A_329, %dma_start3A_338, %dma_start3A_339] : memref<8x128x32xf32, #tpu.memory_space<vmem>> -> memref<1x128x32xf32, #tpu.memory_space<vmem>>
    %dma_start3A_341 = tpu.memref_squeeze %dma_start3A_340 : memref<1x128x32xf32, #tpu.memory_space<vmem>> -> memref<128x32xf32, #tpu.memory_space<vmem>>
    tpu.enqueue_dma source(%dma_start3A_341 : memref<128x32xf32, #tpu.memory_space<vmem>>) target(%dma_start3A_337 : memref<128x32xf32, #tpu.memory_space<hbm>>) target_semaphore(%arg19 : memref<!tpu.dma_semaphore, #tpu.memory_space<semaphore_mem>>)
    %add3A_342 = arith.constant 512 : i32
    %add3A_343 = arith.addi %mul3A_2, %add3A_342 : i32
    %dma_wait3A_344 = arith.constant 4 : i32
    %dma_wait3A_345 = arith.constant 0 : i32
    %dma_wait3A_346 = arith.constant 0 : i32
    %dma_wait3A_347 = tpu.memref_slice %arg6[%dma_wait3A_344, %dma_wait3A_345, %dma_wait3A_346] : memref<8x128x32xf32, #tpu.memory_space<vmem>> -> memref<1x128x32xf32, #tpu.memory_space<vmem>>
    %dma_wait3A_348 = tpu.memref_squeeze %dma_wait3A_347 : memref<1x128x32xf32, #tpu.memory_space<vmem>> -> memref<128x32xf32, #tpu.memory_space<vmem>>
    %dma_wait3A_349 = arith.constant 0 : i32
    %dma_wait3A_350 = tpu.memref_slice %arg4[%add3A_343, %dma_wait3A_349] : memref<131072x32xf32, #tpu.memory_space<hbm>> -> memref<128x32xf32, #tpu.memory_space<hbm>>
    %dma_wait3A_351 = arith.constant 0 : i32
    %dma_wait3A_352 = tpu.memref_slice %arg4[%add3A_343, %dma_wait3A_351] : memref<131072x32xf32, #tpu.memory_space<hbm>> -> memref<128x32xf32, #tpu.memory_space<hbm>>
    %dma_wait3A_353 = arith.constant 0 : i32
    %dma_wait3A_354 = arith.constant 0 : i32
    %dma_wait3A_355 = tpu.memref_slice %arg6[%dma_wait3A_344, %dma_wait3A_353, %dma_wait3A_354] : memref<8x128x32xf32, #tpu.memory_space<vmem>> -> memref<1x128x32xf32, #tpu.memory_space<vmem>>
    %dma_wait3A_356 = tpu.memref_squeeze %dma_wait3A_355 : memref<1x128x32xf32, #tpu.memory_space<vmem>> -> memref<128x32xf32, #tpu.memory_space<vmem>>
    tpu.wait_dma2 semaphore(%arg19 : memref<!tpu.dma_semaphore, #tpu.memory_space<semaphore_mem>>) src(%dma_wait3A_356 : memref<128x32xf32, #tpu.memory_space<vmem>>) dst(%dma_wait3A_352 : memref<128x32xf32, #tpu.memory_space<hbm>>)
    %dma_start3A_357 = arith.constant 12 : i32
    %dma_start3A_358 = arith.constant 4 : i32
    %dma_start3A_359 = arith.constant 0 : i32
    %dma_start3A_360 = arith.constant 0 : i32
    %dma_start3A_361 = tpu.memref_slice %arg6[%dma_start3A_358, %dma_start3A_359, %dma_start3A_360] : memref<8x128x32xf32, #tpu.memory_space<vmem>> -> memref<1x128x32xf32, #tpu.memory_space<vmem>>
    %dma_start3A_362 = tpu.memref_squeeze %dma_start3A_361 : memref<1x128x32xf32, #tpu.memory_space<vmem>> -> memref<128x32xf32, #tpu.memory_space<vmem>>
    %dma_start3A_363 = arith.constant 0 : i32
    %dma_start3A_364 = tpu.memref_slice %arg5[%dma_start3A_357, %dma_start3A_363] : memref<32x128xi32, #tpu.memory_space<vmem>> -> memref<1x128xi32, #tpu.memory_space<vmem>>
    %dma_start3A_365 = tpu.memref_squeeze %dma_start3A_364 : memref<1x128xi32, #tpu.memory_space<vmem>> -> memref<128xi32, #tpu.memory_space<vmem>>
    %dma_start3A_366 = arith.constant 0 : i32
    %dma_start3A_367 = arith.constant 0 : i32
    %dma_start3A_368 = tpu.memref_slice %arg3[%dma_start3A_366, %dma_start3A_367] : memref<4000000x32xf32, #tpu.memory_space<hbm>> -> memref<4000000x32xf32, #tpu.memory_space<hbm>>
    tpu.enqueue_indirect_dma source(%dma_start3A_368 : memref<4000000x32xf32, #tpu.memory_space<hbm>>) target(%dma_start3A_362 : memref<128x32xf32, #tpu.memory_space<vmem>>) offsets(%dma_start3A_365 : memref<128xi32, #tpu.memory_space<vmem>>) semaphore(%arg11 : memref<!tpu.dma_semaphore, #tpu.memory_space<semaphore_mem>>)
    %dma_wait3A_369 = arith.constant 5 : i32
    %dma_wait3A_370 = arith.constant 5 : i32
    %dma_wait3A_371 = arith.constant 0 : i32
    %dma_wait3A_372 = arith.constant 0 : i32
    %dma_wait3A_373 = tpu.memref_slice %arg6[%dma_wait3A_370, %dma_wait3A_371, %dma_wait3A_372] : memref<8x128x32xf32, #tpu.memory_space<vmem>> -> memref<1x128x32xf32, #tpu.memory_space<vmem>>
    %dma_wait3A_374 = tpu.memref_squeeze %dma_wait3A_373 : memref<1x128x32xf32, #tpu.memory_space<vmem>> -> memref<128x32xf32, #tpu.memory_space<vmem>>
    %dma_wait3A_375 = arith.constant 0 : i32
    %dma_wait3A_376 = tpu.memref_slice %arg5[%dma_wait3A_369, %dma_wait3A_375] : memref<32x128xi32, #tpu.memory_space<vmem>> -> memref<1x128xi32, #tpu.memory_space<vmem>>
    %dma_wait3A_377 = tpu.memref_squeeze %dma_wait3A_376 : memref<1x128xi32, #tpu.memory_space<vmem>> -> memref<128xi32, #tpu.memory_space<vmem>>
    %dma_wait3A_378 = arith.constant 0 : i32
    %dma_wait3A_379 = arith.constant 0 : i32
    %dma_wait3A_380 = tpu.memref_slice %arg3[%dma_wait3A_378, %dma_wait3A_379] : memref<4000000x32xf32, #tpu.memory_space<hbm>> -> memref<4000000x32xf32, #tpu.memory_space<hbm>>
    tpu.wait_indirect_dma semaphore(%arg12 : memref<!tpu.dma_semaphore, #tpu.memory_space<semaphore_mem>>) src(%dma_wait3A_380 : memref<4000000x32xf32, #tpu.memory_space<hbm>>) dst(%dma_wait3A_374 : memref<128x32xf32, #tpu.memory_space<vmem>>)
    %add3A_381 = arith.constant 640 : i32
    %add3A_382 = arith.addi %mul3A_2, %add3A_381 : i32
    %dma_start3A_383 = arith.constant 5 : i32
    %dma_start3A_384 = arith.constant 0 : i32
    %dma_start3A_385 = arith.constant 0 : i32
    %dma_start3A_386 = tpu.memref_slice %arg6[%dma_start3A_383, %dma_start3A_384, %dma_start3A_385] : memref<8x128x32xf32, #tpu.memory_space<vmem>> -> memref<1x128x32xf32, #tpu.memory_space<vmem>>
    %dma_start3A_387 = tpu.memref_squeeze %dma_start3A_386 : memref<1x128x32xf32, #tpu.memory_space<vmem>> -> memref<128x32xf32, #tpu.memory_space<vmem>>
    %dma_start3A_388 = arith.constant 0 : i32
    %dma_start3A_389 = tpu.memref_slice %arg4[%add3A_382, %dma_start3A_388] : memref<131072x32xf32, #tpu.memory_space<hbm>> -> memref<128x32xf32, #tpu.memory_space<hbm>>
    %dma_start3A_390 = arith.constant 0 : i32
    %dma_start3A_391 = tpu.memref_slice %arg4[%add3A_382, %dma_start3A_390] : memref<131072x32xf32, #tpu.memory_space<hbm>> -> memref<128x32xf32, #tpu.memory_space<hbm>>
    %dma_start3A_392 = arith.constant 0 : i32
    %dma_start3A_393 = arith.constant 0 : i32
    %dma_start3A_394 = tpu.memref_slice %arg6[%dma_start3A_383, %dma_start3A_392, %dma_start3A_393] : memref<8x128x32xf32, #tpu.memory_space<vmem>> -> memref<1x128x32xf32, #tpu.memory_space<vmem>>
    %dma_start3A_395 = tpu.memref_squeeze %dma_start3A_394 : memref<1x128x32xf32, #tpu.memory_space<vmem>> -> memref<128x32xf32, #tpu.memory_space<vmem>>
    tpu.enqueue_dma source(%dma_start3A_395 : memref<128x32xf32, #tpu.memory_space<vmem>>) target(%dma_start3A_391 : memref<128x32xf32, #tpu.memory_space<hbm>>) target_semaphore(%arg20 : memref<!tpu.dma_semaphore, #tpu.memory_space<semaphore_mem>>)
    %add3A_396 = arith.constant 640 : i32
    %add3A_397 = arith.addi %mul3A_2, %add3A_396 : i32
    %dma_wait3A_398 = arith.constant 5 : i32
    %dma_wait3A_399 = arith.constant 0 : i32
    %dma_wait3A_400 = arith.constant 0 : i32
    %dma_wait3A_401 = tpu.memref_slice %arg6[%dma_wait3A_398, %dma_wait3A_399, %dma_wait3A_400] : memref<8x128x32xf32, #tpu.memory_space<vmem>> -> memref<1x128x32xf32, #tpu.memory_space<vmem>>
    %dma_wait3A_402 = tpu.memref_squeeze %dma_wait3A_401 : memref<1x128x32xf32, #tpu.memory_space<vmem>> -> memref<128x32xf32, #tpu.memory_space<vmem>>
    %dma_wait3A_403 = arith.constant 0 : i32
    %dma_wait3A_404 = tpu.memref_slice %arg4[%add3A_397, %dma_wait3A_403] : memref<131072x32xf32, #tpu.memory_space<hbm>> -> memref<128x32xf32, #tpu.memory_space<hbm>>
    %dma_wait3A_405 = arith.constant 0 : i32
    %dma_wait3A_406 = tpu.memref_slice %arg4[%add3A_397, %dma_wait3A_405] : memref<131072x32xf32, #tpu.memory_space<hbm>> -> memref<128x32xf32, #tpu.memory_space<hbm>>
    %dma_wait3A_407 = arith.constant 0 : i32
    %dma_wait3A_408 = arith.constant 0 : i32
    %dma_wait3A_409 = tpu.memref_slice %arg6[%dma_wait3A_398, %dma_wait3A_407, %dma_wait3A_408] : memref<8x128x32xf32, #tpu.memory_space<vmem>> -> memref<1x128x32xf32, #tpu.memory_space<vmem>>
    %dma_wait3A_410 = tpu.memref_squeeze %dma_wait3A_409 : memref<1x128x32xf32, #tpu.memory_space<vmem>> -> memref<128x32xf32, #tpu.memory_space<vmem>>
    tpu.wait_dma2 semaphore(%arg20 : memref<!tpu.dma_semaphore, #tpu.memory_space<semaphore_mem>>) src(%dma_wait3A_410 : memref<128x32xf32, #tpu.memory_space<vmem>>) dst(%dma_wait3A_406 : memref<128x32xf32, #tpu.memory_space<hbm>>)
    %dma_start3A_411 = arith.constant 13 : i32
    %dma_start3A_412 = arith.constant 5 : i32
    %dma_start3A_413 = arith.constant 0 : i32
    %dma_start3A_414 = arith.constant 0 : i32
    %dma_start3A_415 = tpu.memref_slice %arg6[%dma_start3A_412, %dma_start3A_413, %dma_start3A_414] : memref<8x128x32xf32, #tpu.memory_space<vmem>> -> memref<1x128x32xf32, #tpu.memory_space<vmem>>
    %dma_start3A_416 = tpu.memref_squeeze %dma_start3A_415 : memref<1x128x32xf32, #tpu.memory_space<vmem>> -> memref<128x32xf32, #tpu.memory_space<vmem>>
    %dma_start3A_417 = arith.constant 0 : i32
    %dma_start3A_418 = tpu.memref_slice %arg5[%dma_start3A_411, %dma_start3A_417] : memref<32x128xi32, #tpu.memory_space<vmem>> -> memref<1x128xi32, #tpu.memory_space<vmem>>
    %dma_start3A_419 = tpu.memref_squeeze %dma_start3A_418 : memref<1x128xi32, #tpu.memory_space<vmem>> -> memref<128xi32, #tpu.memory_space<vmem>>
    %dma_start3A_420 = arith.constant 0 : i32
    %dma_start3A_421 = arith.constant 0 : i32
    %dma_start3A_422 = tpu.memref_slice %arg3[%dma_start3A_420, %dma_start3A_421] : memref<4000000x32xf32, #tpu.memory_space<hbm>> -> memref<4000000x32xf32, #tpu.memory_space<hbm>>
    tpu.enqueue_indirect_dma source(%dma_start3A_422 : memref<4000000x32xf32, #tpu.memory_space<hbm>>) target(%dma_start3A_416 : memref<128x32xf32, #tpu.memory_space<vmem>>) offsets(%dma_start3A_419 : memref<128xi32, #tpu.memory_space<vmem>>) semaphore(%arg12 : memref<!tpu.dma_semaphore, #tpu.memory_space<semaphore_mem>>)
    %dma_wait3A_423 = arith.constant 6 : i32
    %dma_wait3A_424 = arith.constant 6 : i32
    %dma_wait3A_425 = arith.constant 0 : i32
    %dma_wait3A_426 = arith.constant 0 : i32
    %dma_wait3A_427 = tpu.memref_slice %arg6[%dma_wait3A_424, %dma_wait3A_425, %dma_wait3A_426] : memref<8x128x32xf32, #tpu.memory_space<vmem>> -> memref<1x128x32xf32, #tpu.memory_space<vmem>>
    %dma_wait3A_428 = tpu.memref_squeeze %dma_wait3A_427 : memref<1x128x32xf32, #tpu.memory_space<vmem>> -> memref<128x32xf32, #tpu.memory_space<vmem>>
    %dma_wait3A_429 = arith.constant 0 : i32
    %dma_wait3A_430 = tpu.memref_slice %arg5[%dma_wait3A_423, %dma_wait3A_429] : memref<32x128xi32, #tpu.memory_space<vmem>> -> memref<1x128xi32, #tpu.memory_space<vmem>>
    %dma_wait3A_431 = tpu.memref_squeeze %dma_wait3A_430 : memref<1x128xi32, #tpu.memory_space<vmem>> -> memref<128xi32, #tpu.memory_space<vmem>>
    %dma_wait3A_432 = arith.constant 0 : i32
    %dma_wait3A_433 = arith.constant 0 : i32
    %dma_wait3A_434 = tpu.memref_slice %arg3[%dma_wait3A_432, %dma_wait3A_433] : memref<4000000x32xf32, #tpu.memory_space<hbm>> -> memref<4000000x32xf32, #tpu.memory_space<hbm>>
    tpu.wait_indirect_dma semaphore(%arg13 : memref<!tpu.dma_semaphore, #tpu.memory_space<semaphore_mem>>) src(%dma_wait3A_434 : memref<4000000x32xf32, #tpu.memory_space<hbm>>) dst(%dma_wait3A_428 : memref<128x32xf32, #tpu.memory_space<vmem>>)
    %add3A_435 = arith.constant 768 : i32
    %add3A_436 = arith.addi %mul3A_2, %add3A_435 : i32
    %dma_start3A_437 = arith.constant 6 : i32
    %dma_start3A_438 = arith.constant 0 : i32
    %dma_start3A_439 = arith.constant 0 : i32
    %dma_start3A_440 = tpu.memref_slice %arg6[%dma_start3A_437, %dma_start3A_438, %dma_start3A_439] : memref<8x128x32xf32, #tpu.memory_space<vmem>> -> memref<1x128x32xf32, #tpu.memory_space<vmem>>
    %dma_start3A_441 = tpu.memref_squeeze %dma_start3A_440 : memref<1x128x32xf32, #tpu.memory_space<vmem>> -> memref<128x32xf32, #tpu.memory_space<vmem>>
    %dma_start3A_442 = arith.constant 0 : i32
    %dma_start3A_443 = tpu.memref_slice %arg4[%add3A_436, %dma_start3A_442] : memref<131072x32xf32, #tpu.memory_space<hbm>> -> memref<128x32xf32, #tpu.memory_space<hbm>>
    %dma_start3A_444 = arith.constant 0 : i32
    %dma_start3A_445 = tpu.memref_slice %arg4[%add3A_436, %dma_start3A_444] : memref<131072x32xf32, #tpu.memory_space<hbm>> -> memref<128x32xf32, #tpu.memory_space<hbm>>
    %dma_start3A_446 = arith.constant 0 : i32
    %dma_start3A_447 = arith.constant 0 : i32
    %dma_start3A_448 = tpu.memref_slice %arg6[%dma_start3A_437, %dma_start3A_446, %dma_start3A_447] : memref<8x128x32xf32, #tpu.memory_space<vmem>> -> memref<1x128x32xf32, #tpu.memory_space<vmem>>
    %dma_start3A_449 = tpu.memref_squeeze %dma_start3A_448 : memref<1x128x32xf32, #tpu.memory_space<vmem>> -> memref<128x32xf32, #tpu.memory_space<vmem>>
    tpu.enqueue_dma source(%dma_start3A_449 : memref<128x32xf32, #tpu.memory_space<vmem>>) target(%dma_start3A_445 : memref<128x32xf32, #tpu.memory_space<hbm>>) target_semaphore(%arg21 : memref<!tpu.dma_semaphore, #tpu.memory_space<semaphore_mem>>)
    %add3A_450 = arith.constant 768 : i32
    %add3A_451 = arith.addi %mul3A_2, %add3A_450 : i32
    %dma_wait3A_452 = arith.constant 6 : i32
    %dma_wait3A_453 = arith.constant 0 : i32
    %dma_wait3A_454 = arith.constant 0 : i32
    %dma_wait3A_455 = tpu.memref_slice %arg6[%dma_wait3A_452, %dma_wait3A_453, %dma_wait3A_454] : memref<8x128x32xf32, #tpu.memory_space<vmem>> -> memref<1x128x32xf32, #tpu.memory_space<vmem>>
    %dma_wait3A_456 = tpu.memref_squeeze %dma_wait3A_455 : memref<1x128x32xf32, #tpu.memory_space<vmem>> -> memref<128x32xf32, #tpu.memory_space<vmem>>
    %dma_wait3A_457 = arith.constant 0 : i32
    %dma_wait3A_458 = tpu.memref_slice %arg4[%add3A_451, %dma_wait3A_457] : memref<131072x32xf32, #tpu.memory_space<hbm>> -> memref<128x32xf32, #tpu.memory_space<hbm>>
    %dma_wait3A_459 = arith.constant 0 : i32
    %dma_wait3A_460 = tpu.memref_slice %arg4[%add3A_451, %dma_wait3A_459] : memref<131072x32xf32, #tpu.memory_space<hbm>> -> memref<128x32xf32, #tpu.memory_space<hbm>>
    %dma_wait3A_461 = arith.constant 0 : i32
    %dma_wait3A_462 = arith.constant 0 : i32
    %dma_wait3A_463 = tpu.memref_slice %arg6[%dma_wait3A_452, %dma_wait3A_461, %dma_wait3A_462] : memref<8x128x32xf32, #tpu.memory_space<vmem>> -> memref<1x128x32xf32, #tpu.memory_space<vmem>>
    %dma_wait3A_464 = tpu.memref_squeeze %dma_wait3A_463 : memref<1x128x32xf32, #tpu.memory_space<vmem>> -> memref<128x32xf32, #tpu.memory_space<vmem>>
    tpu.wait_dma2 semaphore(%arg21 : memref<!tpu.dma_semaphore, #tpu.memory_space<semaphore_mem>>) src(%dma_wait3A_464 : memref<128x32xf32, #tpu.memory_space<vmem>>) dst(%dma_wait3A_460 : memref<128x32xf32, #tpu.memory_space<hbm>>)
    %dma_start3A_465 = arith.constant 14 : i32
    %dma_start3A_466 = arith.constant 6 : i32
    %dma_start3A_467 = arith.constant 0 : i32
    %dma_start3A_468 = arith.constant 0 : i32
    %dma_start3A_469 = tpu.memref_slice %arg6[%dma_start3A_466, %dma_start3A_467, %dma_start3A_468] : memref<8x128x32xf32, #tpu.memory_space<vmem>> -> memref<1x128x32xf32, #tpu.memory_space<vmem>>
    %dma_start3A_470 = tpu.memref_squeeze %dma_start3A_469 : memref<1x128x32xf32, #tpu.memory_space<vmem>> -> memref<128x32xf32, #tpu.memory_space<vmem>>
    %dma_start3A_471 = arith.constant 0 : i32
    %dma_start3A_472 = tpu.memref_slice %arg5[%dma_start3A_465, %dma_start3A_471] : memref<32x128xi32, #tpu.memory_space<vmem>> -> memref<1x128xi32, #tpu.memory_space<vmem>>
    %dma_start3A_473 = tpu.memref_squeeze %dma_start3A_472 : memref<1x128xi32, #tpu.memory_space<vmem>> -> memref<128xi32, #tpu.memory_space<vmem>>
    %dma_start3A_474 = arith.constant 0 : i32
    %dma_start3A_475 = arith.constant 0 : i32
    %dma_start3A_476 = tpu.memref_slice %arg3[%dma_start3A_474, %dma_start3A_475] : memref<4000000x32xf32, #tpu.memory_space<hbm>> -> memref<4000000x32xf32, #tpu.memory_space<hbm>>
    tpu.enqueue_indirect_dma source(%dma_start3A_476 : memref<4000000x32xf32, #tpu.memory_space<hbm>>) target(%dma_start3A_470 : memref<128x32xf32, #tpu.memory_space<vmem>>) offsets(%dma_start3A_473 : memref<128xi32, #tpu.memory_space<vmem>>) semaphore(%arg13 : memref<!tpu.dma_semaphore, #tpu.memory_space<semaphore_mem>>)
    %dma_wait3A_477 = arith.constant 7 : i32
    %dma_wait3A_478 = arith.constant 7 : i32
    %dma_wait3A_479 = arith.constant 0 : i32
    %dma_wait3A_480 = arith.constant 0 : i32
    %dma_wait3A_481 = tpu.memref_slice %arg6[%dma_wait3A_478, %dma_wait3A_479, %dma_wait3A_480] : memref<8x128x32xf32, #tpu.memory_space<vmem>> -> memref<1x128x32xf32, #tpu.memory_space<vmem>>
    %dma_wait3A_482 = tpu.memref_squeeze %dma_wait3A_481 : memref<1x128x32xf32, #tpu.memory_space<vmem>> -> memref<128x32xf32, #tpu.memory_space<vmem>>
    %dma_wait3A_483 = arith.constant 0 : i32
    %dma_wait3A_484 = tpu.memref_slice %arg5[%dma_wait3A_477, %dma_wait3A_483] : memref<32x128xi32, #tpu.memory_space<vmem>> -> memref<1x128xi32, #tpu.memory_space<vmem>>
    %dma_wait3A_485 = tpu.memref_squeeze %dma_wait3A_484 : memref<1x128xi32, #tpu.memory_space<vmem>> -> memref<128xi32, #tpu.memory_space<vmem>>
    %dma_wait3A_486 = arith.constant 0 : i32
    %dma_wait3A_487 = arith.constant 0 : i32
    %dma_wait3A_488 = tpu.memref_slice %arg3[%dma_wait3A_486, %dma_wait3A_487] : memref<4000000x32xf32, #tpu.memory_space<hbm>> -> memref<4000000x32xf32, #tpu.memory_space<hbm>>
    tpu.wait_indirect_dma semaphore(%arg14 : memref<!tpu.dma_semaphore, #tpu.memory_space<semaphore_mem>>) src(%dma_wait3A_488 : memref<4000000x32xf32, #tpu.memory_space<hbm>>) dst(%dma_wait3A_482 : memref<128x32xf32, #tpu.memory_space<vmem>>)
    %add3A_489 = arith.constant 896 : i32
    %add3A_490 = arith.addi %mul3A_2, %add3A_489 : i32
    %dma_start3A_491 = arith.constant 7 : i32
    %dma_start3A_492 = arith.constant 0 : i32
    %dma_start3A_493 = arith.constant 0 : i32
    %dma_start3A_494 = tpu.memref_slice %arg6[%dma_start3A_491, %dma_start3A_492, %dma_start3A_493] : memref<8x128x32xf32, #tpu.memory_space<vmem>> -> memref<1x128x32xf32, #tpu.memory_space<vmem>>
    %dma_start3A_495 = tpu.memref_squeeze %dma_start3A_494 : memref<1x128x32xf32, #tpu.memory_space<vmem>> -> memref<128x32xf32, #tpu.memory_space<vmem>>
    %dma_start3A_496 = arith.constant 0 : i32
    %dma_start3A_497 = tpu.memref_slice %arg4[%add3A_490, %dma_start3A_496] : memref<131072x32xf32, #tpu.memory_space<hbm>> -> memref<128x32xf32, #tpu.memory_space<hbm>>
    %dma_start3A_498 = arith.constant 0 : i32
    %dma_start3A_499 = tpu.memref_slice %arg4[%add3A_490, %dma_start3A_498] : memref<131072x32xf32, #tpu.memory_space<hbm>> -> memref<128x32xf32, #tpu.memory_space<hbm>>
    %dma_start3A_500 = arith.constant 0 : i32
    %dma_start3A_501 = arith.constant 0 : i32
    %dma_start3A_502 = tpu.memref_slice %arg6[%dma_start3A_491, %dma_start3A_500, %dma_start3A_501] : memref<8x128x32xf32, #tpu.memory_space<vmem>> -> memref<1x128x32xf32, #tpu.memory_space<vmem>>
    %dma_start3A_503 = tpu.memref_squeeze %dma_start3A_502 : memref<1x128x32xf32, #tpu.memory_space<vmem>> -> memref<128x32xf32, #tpu.memory_space<vmem>>
    tpu.enqueue_dma source(%dma_start3A_503 : memref<128x32xf32, #tpu.memory_space<vmem>>) target(%dma_start3A_499 : memref<128x32xf32, #tpu.memory_space<hbm>>) target_semaphore(%arg22 : memref<!tpu.dma_semaphore, #tpu.memory_space<semaphore_mem>>)
    %add3A_504 = arith.constant 896 : i32
    %add3A_505 = arith.addi %mul3A_2, %add3A_504 : i32
    %dma_wait3A_506 = arith.constant 7 : i32
    %dma_wait3A_507 = arith.constant 0 : i32
    %dma_wait3A_508 = arith.constant 0 : i32
    %dma_wait3A_509 = tpu.memref_slice %arg6[%dma_wait3A_506, %dma_wait3A_507, %dma_wait3A_508] : memref<8x128x32xf32, #tpu.memory_space<vmem>> -> memref<1x128x32xf32, #tpu.memory_space<vmem>>
    %dma_wait3A_510 = tpu.memref_squeeze %dma_wait3A_509 : memref<1x128x32xf32, #tpu.memory_space<vmem>> -> memref<128x32xf32, #tpu.memory_space<vmem>>
    %dma_wait3A_511 = arith.constant 0 : i32
    %dma_wait3A_512 = tpu.memref_slice %arg4[%add3A_505, %dma_wait3A_511] : memref<131072x32xf32, #tpu.memory_space<hbm>> -> memref<128x32xf32, #tpu.memory_space<hbm>>
    %dma_wait3A_513 = arith.constant 0 : i32
    %dma_wait3A_514 = tpu.memref_slice %arg4[%add3A_505, %dma_wait3A_513] : memref<131072x32xf32, #tpu.memory_space<hbm>> -> memref<128x32xf32, #tpu.memory_space<hbm>>
    %dma_wait3A_515 = arith.constant 0 : i32
    %dma_wait3A_516 = arith.constant 0 : i32
    %dma_wait3A_517 = tpu.memref_slice %arg6[%dma_wait3A_506, %dma_wait3A_515, %dma_wait3A_516] : memref<8x128x32xf32, #tpu.memory_space<vmem>> -> memref<1x128x32xf32, #tpu.memory_space<vmem>>
    %dma_wait3A_518 = tpu.memref_squeeze %dma_wait3A_517 : memref<1x128x32xf32, #tpu.memory_space<vmem>> -> memref<128x32xf32, #tpu.memory_space<vmem>>
    tpu.wait_dma2 semaphore(%arg22 : memref<!tpu.dma_semaphore, #tpu.memory_space<semaphore_mem>>) src(%dma_wait3A_518 : memref<128x32xf32, #tpu.memory_space<vmem>>) dst(%dma_wait3A_514 : memref<128x32xf32, #tpu.memory_space<hbm>>)
    %dma_start3A_519 = arith.constant 15 : i32
    %dma_start3A_520 = arith.constant 7 : i32
    %dma_start3A_521 = arith.constant 0 : i32
    %dma_start3A_522 = arith.constant 0 : i32
    %dma_start3A_523 = tpu.memref_slice %arg6[%dma_start3A_520, %dma_start3A_521, %dma_start3A_522] : memref<8x128x32xf32, #tpu.memory_space<vmem>> -> memref<1x128x32xf32, #tpu.memory_space<vmem>>
    %dma_start3A_524 = tpu.memref_squeeze %dma_start3A_523 : memref<1x128x32xf32, #tpu.memory_space<vmem>> -> memref<128x32xf32, #tpu.memory_space<vmem>>
    %dma_start3A_525 = arith.constant 0 : i32
    %dma_start3A_526 = tpu.memref_slice %arg5[%dma_start3A_519, %dma_start3A_525] : memref<32x128xi32, #tpu.memory_space<vmem>> -> memref<1x128xi32, #tpu.memory_space<vmem>>
    %dma_start3A_527 = tpu.memref_squeeze %dma_start3A_526 : memref<1x128xi32, #tpu.memory_space<vmem>> -> memref<128xi32, #tpu.memory_space<vmem>>
    %dma_start3A_528 = arith.constant 0 : i32
    %dma_start3A_529 = arith.constant 0 : i32
    %dma_start3A_530 = tpu.memref_slice %arg3[%dma_start3A_528, %dma_start3A_529] : memref<4000000x32xf32, #tpu.memory_space<hbm>> -> memref<4000000x32xf32, #tpu.memory_space<hbm>>
    tpu.enqueue_indirect_dma source(%dma_start3A_530 : memref<4000000x32xf32, #tpu.memory_space<hbm>>) target(%dma_start3A_524 : memref<128x32xf32, #tpu.memory_space<vmem>>) offsets(%dma_start3A_527 : memref<128xi32, #tpu.memory_space<vmem>>) semaphore(%arg14 : memref<!tpu.dma_semaphore, #tpu.memory_space<semaphore_mem>>)
    %dma_wait3A_531 = arith.constant 8 : i32
    %dma_wait3A_532 = arith.constant 0 : i32
    %dma_wait3A_533 = arith.constant 0 : i32
    %dma_wait3A_534 = arith.constant 0 : i32
    %dma_wait3A_535 = tpu.memref_slice %arg6[%dma_wait3A_532, %dma_wait3A_533, %dma_wait3A_534] : memref<8x128x32xf32, #tpu.memory_space<vmem>> -> memref<1x128x32xf32, #tpu.memory_space<vmem>>
    %dma_wait3A_536 = tpu.memref_squeeze %dma_wait3A_535 : memref<1x128x32xf32, #tpu.memory_space<vmem>> -> memref<128x32xf32, #tpu.memory_space<vmem>>
    %dma_wait3A_537 = arith.constant 0 : i32
    %dma_wait3A_538 = tpu.memref_slice %arg5[%dma_wait3A_531, %dma_wait3A_537] : memref<32x128xi32, #tpu.memory_space<vmem>> -> memref<1x128xi32, #tpu.memory_space<vmem>>
    %dma_wait3A_539 = tpu.memref_squeeze %dma_wait3A_538 : memref<1x128xi32, #tpu.memory_space<vmem>> -> memref<128xi32, #tpu.memory_space<vmem>>
    %dma_wait3A_540 = arith.constant 0 : i32
    %dma_wait3A_541 = arith.constant 0 : i32
    %dma_wait3A_542 = tpu.memref_slice %arg3[%dma_wait3A_540, %dma_wait3A_541] : memref<4000000x32xf32, #tpu.memory_space<hbm>> -> memref<4000000x32xf32, #tpu.memory_space<hbm>>
    tpu.wait_indirect_dma semaphore(%arg7 : memref<!tpu.dma_semaphore, #tpu.memory_space<semaphore_mem>>) src(%dma_wait3A_542 : memref<4000000x32xf32, #tpu.memory_space<hbm>>) dst(%dma_wait3A_536 : memref<128x32xf32, #tpu.memory_space<vmem>>)
    %add3A_543 = arith.constant 1024 : i32
    %add3A_544 = arith.addi %mul3A_2, %add3A_543 : i32
    %dma_start3A_545 = arith.constant 0 : i32
    %dma_start3A_546 = arith.constant 0 : i32
    %dma_start3A_547 = arith.constant 0 : i32
    %dma_start3A_548 = tpu.memref_slice %arg6[%dma_start3A_545, %dma_start3A_546, %dma_start3A_547] : memref<8x128x32xf32, #tpu.memory_space<vmem>> -> memref<1x128x32xf32, #tpu.memory_space<vmem>>
    %dma_start3A_549 = tpu.memref_squeeze %dma_start3A_548 : memref<1x128x32xf32, #tpu.memory_space<vmem>> -> memref<128x32xf32, #tpu.memory_space<vmem>>
    %dma_start3A_550 = arith.constant 0 : i32
    %dma_start3A_551 = tpu.memref_slice %arg4[%add3A_544, %dma_start3A_550] : memref<131072x32xf32, #tpu.memory_space<hbm>> -> memref<128x32xf32, #tpu.memory_space<hbm>>
    %dma_start3A_552 = arith.constant 0 : i32
    %dma_start3A_553 = tpu.memref_slice %arg4[%add3A_544, %dma_start3A_552] : memref<131072x32xf32, #tpu.memory_space<hbm>> -> memref<128x32xf32, #tpu.memory_space<hbm>>
    %dma_start3A_554 = arith.constant 0 : i32
    %dma_start3A_555 = arith.constant 0 : i32
    %dma_start3A_556 = tpu.memref_slice %arg6[%dma_start3A_545, %dma_start3A_554, %dma_start3A_555] : memref<8x128x32xf32, #tpu.memory_space<vmem>> -> memref<1x128x32xf32, #tpu.memory_space<vmem>>
    %dma_start3A_557 = tpu.memref_squeeze %dma_start3A_556 : memref<1x128x32xf32, #tpu.memory_space<vmem>> -> memref<128x32xf32, #tpu.memory_space<vmem>>
    tpu.enqueue_dma source(%dma_start3A_557 : memref<128x32xf32, #tpu.memory_space<vmem>>) target(%dma_start3A_553 : memref<128x32xf32, #tpu.memory_space<hbm>>) target_semaphore(%arg15 : memref<!tpu.dma_semaphore, #tpu.memory_space<semaphore_mem>>)
    %add3A_558 = arith.constant 1024 : i32
    %add3A_559 = arith.addi %mul3A_2, %add3A_558 : i32
    %dma_wait3A_560 = arith.constant 0 : i32
    %dma_wait3A_561 = arith.constant 0 : i32
    %dma_wait3A_562 = arith.constant 0 : i32
    %dma_wait3A_563 = tpu.memref_slice %arg6[%dma_wait3A_560, %dma_wait3A_561, %dma_wait3A_562] : memref<8x128x32xf32, #tpu.memory_space<vmem>> -> memref<1x128x32xf32, #tpu.memory_space<vmem>>
    %dma_wait3A_564 = tpu.memref_squeeze %dma_wait3A_563 : memref<1x128x32xf32, #tpu.memory_space<vmem>> -> memref<128x32xf32, #tpu.memory_space<vmem>>
    %dma_wait3A_565 = arith.constant 0 : i32
    %dma_wait3A_566 = tpu.memref_slice %arg4[%add3A_559, %dma_wait3A_565] : memref<131072x32xf32, #tpu.memory_space<hbm>> -> memref<128x32xf32, #tpu.memory_space<hbm>>
    %dma_wait3A_567 = arith.constant 0 : i32
    %dma_wait3A_568 = tpu.memref_slice %arg4[%add3A_559, %dma_wait3A_567] : memref<131072x32xf32, #tpu.memory_space<hbm>> -> memref<128x32xf32, #tpu.memory_space<hbm>>
    %dma_wait3A_569 = arith.constant 0 : i32
    %dma_wait3A_570 = arith.constant 0 : i32
    %dma_wait3A_571 = tpu.memref_slice %arg6[%dma_wait3A_560, %dma_wait3A_569, %dma_wait3A_570] : memref<8x128x32xf32, #tpu.memory_space<vmem>> -> memref<1x128x32xf32, #tpu.memory_space<vmem>>
    %dma_wait3A_572 = tpu.memref_squeeze %dma_wait3A_571 : memref<1x128x32xf32, #tpu.memory_space<vmem>> -> memref<128x32xf32, #tpu.memory_space<vmem>>
    tpu.wait_dma2 semaphore(%arg15 : memref<!tpu.dma_semaphore, #tpu.memory_space<semaphore_mem>>) src(%dma_wait3A_572 : memref<128x32xf32, #tpu.memory_space<vmem>>) dst(%dma_wait3A_568 : memref<128x32xf32, #tpu.memory_space<hbm>>)
    %dma_start3A_573 = arith.constant 16 : i32
    %dma_start3A_574 = arith.constant 0 : i32
    %dma_start3A_575 = arith.constant 0 : i32
    %dma_start3A_576 = arith.constant 0 : i32
    %dma_start3A_577 = tpu.memref_slice %arg6[%dma_start3A_574, %dma_start3A_575, %dma_start3A_576] : memref<8x128x32xf32, #tpu.memory_space<vmem>> -> memref<1x128x32xf32, #tpu.memory_space<vmem>>
    %dma_start3A_578 = tpu.memref_squeeze %dma_start3A_577 : memref<1x128x32xf32, #tpu.memory_space<vmem>> -> memref<128x32xf32, #tpu.memory_space<vmem>>
    %dma_start3A_579 = arith.constant 0 : i32
    %dma_start3A_580 = tpu.memref_slice %arg5[%dma_start3A_573, %dma_start3A_579] : memref<32x128xi32, #tpu.memory_space<vmem>> -> memref<1x128xi32, #tpu.memory_space<vmem>>
    %dma_start3A_581 = tpu.memref_squeeze %dma_start3A_580 : memref<1x128xi32, #tpu.memory_space<vmem>> -> memref<128xi32, #tpu.memory_space<vmem>>
    %dma_start3A_582 = arith.constant 0 : i32
    %dma_start3A_583 = arith.constant 0 : i32
    %dma_start3A_584 = tpu.memref_slice %arg3[%dma_start3A_582, %dma_start3A_583] : memref<4000000x32xf32, #tpu.memory_space<hbm>> -> memref<4000000x32xf32, #tpu.memory_space<hbm>>
    tpu.enqueue_indirect_dma source(%dma_start3A_584 : memref<4000000x32xf32, #tpu.memory_space<hbm>>) target(%dma_start3A_578 : memref<128x32xf32, #tpu.memory_space<vmem>>) offsets(%dma_start3A_581 : memref<128xi32, #tpu.memory_space<vmem>>) semaphore(%arg7 : memref<!tpu.dma_semaphore, #tpu.memory_space<semaphore_mem>>)
    %dma_wait3A_585 = arith.constant 9 : i32
    %dma_wait3A_586 = arith.constant 1 : i32
    %dma_wait3A_587 = arith.constant 0 : i32
    %dma_wait3A_588 = arith.constant 0 : i32
    %dma_wait3A_589 = tpu.memref_slice %arg6[%dma_wait3A_586, %dma_wait3A_587, %dma_wait3A_588] : memref<8x128x32xf32, #tpu.memory_space<vmem>> -> memref<1x128x32xf32, #tpu.memory_space<vmem>>
    %dma_wait3A_590 = tpu.memref_squeeze %dma_wait3A_589 : memref<1x128x32xf32, #tpu.memory_space<vmem>> -> memref<128x32xf32, #tpu.memory_space<vmem>>
    %dma_wait3A_591 = arith.constant 0 : i32
    %dma_wait3A_592 = tpu.memref_slice %arg5[%dma_wait3A_585, %dma_wait3A_591] : memref<32x128xi32, #tpu.memory_space<vmem>> -> memref<1x128xi32, #tpu.memory_space<vmem>>
    %dma_wait3A_593 = tpu.memref_squeeze %dma_wait3A_592 : memref<1x128xi32, #tpu.memory_space<vmem>> -> memref<128xi32, #tpu.memory_space<vmem>>
    %dma_wait3A_594 = arith.constant 0 : i32
    %dma_wait3A_595 = arith.constant 0 : i32
    %dma_wait3A_596 = tpu.memref_slice %arg3[%dma_wait3A_594, %dma_wait3A_595] : memref<4000000x32xf32, #tpu.memory_space<hbm>> -> memref<4000000x32xf32, #tpu.memory_space<hbm>>
    tpu.wait_indirect_dma semaphore(%arg8 : memref<!tpu.dma_semaphore, #tpu.memory_space<semaphore_mem>>) src(%dma_wait3A_596 : memref<4000000x32xf32, #tpu.memory_space<hbm>>) dst(%dma_wait3A_590 : memref<128x32xf32, #tpu.memory_space<vmem>>)
    %add3A_597 = arith.constant 1152 : i32
    %add3A_598 = arith.addi %mul3A_2, %add3A_597 : i32
    %dma_start3A_599 = arith.constant 1 : i32
    %dma_start3A_600 = arith.constant 0 : i32
    %dma_start3A_601 = arith.constant 0 : i32
    %dma_start3A_602 = tpu.memref_slice %arg6[%dma_start3A_599, %dma_start3A_600, %dma_start3A_601] : memref<8x128x32xf32, #tpu.memory_space<vmem>> -> memref<1x128x32xf32, #tpu.memory_space<vmem>>
    %dma_start3A_603 = tpu.memref_squeeze %dma_start3A_602 : memref<1x128x32xf32, #tpu.memory_space<vmem>> -> memref<128x32xf32, #tpu.memory_space<vmem>>
    %dma_start3A_604 = arith.constant 0 : i32
    %dma_start3A_605 = tpu.memref_slice %arg4[%add3A_598, %dma_start3A_604] : memref<131072x32xf32, #tpu.memory_space<hbm>> -> memref<128x32xf32, #tpu.memory_space<hbm>>
    %dma_start3A_606 = arith.constant 0 : i32
    %dma_start3A_607 = tpu.memref_slice %arg4[%add3A_598, %dma_start3A_606] : memref<131072x32xf32, #tpu.memory_space<hbm>> -> memref<128x32xf32, #tpu.memory_space<hbm>>
    %dma_start3A_608 = arith.constant 0 : i32
    %dma_start3A_609 = arith.constant 0 : i32
    %dma_start3A_610 = tpu.memref_slice %arg6[%dma_start3A_599, %dma_start3A_608, %dma_start3A_609] : memref<8x128x32xf32, #tpu.memory_space<vmem>> -> memref<1x128x32xf32, #tpu.memory_space<vmem>>
    %dma_start3A_611 = tpu.memref_squeeze %dma_start3A_610 : memref<1x128x32xf32, #tpu.memory_space<vmem>> -> memref<128x32xf32, #tpu.memory_space<vmem>>
    tpu.enqueue_dma source(%dma_start3A_611 : memref<128x32xf32, #tpu.memory_space<vmem>>) target(%dma_start3A_607 : memref<128x32xf32, #tpu.memory_space<hbm>>) target_semaphore(%arg16 : memref<!tpu.dma_semaphore, #tpu.memory_space<semaphore_mem>>)
    %add3A_612 = arith.constant 1152 : i32
    %add3A_613 = arith.addi %mul3A_2, %add3A_612 : i32
    %dma_wait3A_614 = arith.constant 1 : i32
    %dma_wait3A_615 = arith.constant 0 : i32
    %dma_wait3A_616 = arith.constant 0 : i32
    %dma_wait3A_617 = tpu.memref_slice %arg6[%dma_wait3A_614, %dma_wait3A_615, %dma_wait3A_616] : memref<8x128x32xf32, #tpu.memory_space<vmem>> -> memref<1x128x32xf32, #tpu.memory_space<vmem>>
    %dma_wait3A_618 = tpu.memref_squeeze %dma_wait3A_617 : memref<1x128x32xf32, #tpu.memory_space<vmem>> -> memref<128x32xf32, #tpu.memory_space<vmem>>
    %dma_wait3A_619 = arith.constant 0 : i32
    %dma_wait3A_620 = tpu.memref_slice %arg4[%add3A_613, %dma_wait3A_619] : memref<131072x32xf32, #tpu.memory_space<hbm>> -> memref<128x32xf32, #tpu.memory_space<hbm>>
    %dma_wait3A_621 = arith.constant 0 : i32
    %dma_wait3A_622 = tpu.memref_slice %arg4[%add3A_613, %dma_wait3A_621] : memref<131072x32xf32, #tpu.memory_space<hbm>> -> memref<128x32xf32, #tpu.memory_space<hbm>>
    %dma_wait3A_623 = arith.constant 0 : i32
    %dma_wait3A_624 = arith.constant 0 : i32
    %dma_wait3A_625 = tpu.memref_slice %arg6[%dma_wait3A_614, %dma_wait3A_623, %dma_wait3A_624] : memref<8x128x32xf32, #tpu.memory_space<vmem>> -> memref<1x128x32xf32, #tpu.memory_space<vmem>>
    %dma_wait3A_626 = tpu.memref_squeeze %dma_wait3A_625 : memref<1x128x32xf32, #tpu.memory_space<vmem>> -> memref<128x32xf32, #tpu.memory_space<vmem>>
    tpu.wait_dma2 semaphore(%arg16 : memref<!tpu.dma_semaphore, #tpu.memory_space<semaphore_mem>>) src(%dma_wait3A_626 : memref<128x32xf32, #tpu.memory_space<vmem>>) dst(%dma_wait3A_622 : memref<128x32xf32, #tpu.memory_space<hbm>>)
    %dma_start3A_627 = arith.constant 17 : i32
    %dma_start3A_628 = arith.constant 1 : i32
    %dma_start3A_629 = arith.constant 0 : i32
    %dma_start3A_630 = arith.constant 0 : i32
    %dma_start3A_631 = tpu.memref_slice %arg6[%dma_start3A_628, %dma_start3A_629, %dma_start3A_630] : memref<8x128x32xf32, #tpu.memory_space<vmem>> -> memref<1x128x32xf32, #tpu.memory_space<vmem>>
    %dma_start3A_632 = tpu.memref_squeeze %dma_start3A_631 : memref<1x128x32xf32, #tpu.memory_space<vmem>> -> memref<128x32xf32, #tpu.memory_space<vmem>>
    %dma_start3A_633 = arith.constant 0 : i32
    %dma_start3A_634 = tpu.memref_slice %arg5[%dma_start3A_627, %dma_start3A_633] : memref<32x128xi32, #tpu.memory_space<vmem>> -> memref<1x128xi32, #tpu.memory_space<vmem>>
    %dma_start3A_635 = tpu.memref_squeeze %dma_start3A_634 : memref<1x128xi32, #tpu.memory_space<vmem>> -> memref<128xi32, #tpu.memory_space<vmem>>
    %dma_start3A_636 = arith.constant 0 : i32
    %dma_start3A_637 = arith.constant 0 : i32
    %dma_start3A_638 = tpu.memref_slice %arg3[%dma_start3A_636, %dma_start3A_637] : memref<4000000x32xf32, #tpu.memory_space<hbm>> -> memref<4000000x32xf32, #tpu.memory_space<hbm>>
    tpu.enqueue_indirect_dma source(%dma_start3A_638 : memref<4000000x32xf32, #tpu.memory_space<hbm>>) target(%dma_start3A_632 : memref<128x32xf32, #tpu.memory_space<vmem>>) offsets(%dma_start3A_635 : memref<128xi32, #tpu.memory_space<vmem>>) semaphore(%arg8 : memref<!tpu.dma_semaphore, #tpu.memory_space<semaphore_mem>>)
    %dma_wait3A_639 = arith.constant 10 : i32
    %dma_wait3A_640 = arith.constant 2 : i32
    %dma_wait3A_641 = arith.constant 0 : i32
    %dma_wait3A_642 = arith.constant 0 : i32
    %dma_wait3A_643 = tpu.memref_slice %arg6[%dma_wait3A_640, %dma_wait3A_641, %dma_wait3A_642] : memref<8x128x32xf32, #tpu.memory_space<vmem>> -> memref<1x128x32xf32, #tpu.memory_space<vmem>>
    %dma_wait3A_644 = tpu.memref_squeeze %dma_wait3A_643 : memref<1x128x32xf32, #tpu.memory_space<vmem>> -> memref<128x32xf32, #tpu.memory_space<vmem>>
    %dma_wait3A_645 = arith.constant 0 : i32
    %dma_wait3A_646 = tpu.memref_slice %arg5[%dma_wait3A_639, %dma_wait3A_645] : memref<32x128xi32, #tpu.memory_space<vmem>> -> memref<1x128xi32, #tpu.memory_space<vmem>>
    %dma_wait3A_647 = tpu.memref_squeeze %dma_wait3A_646 : memref<1x128xi32, #tpu.memory_space<vmem>> -> memref<128xi32, #tpu.memory_space<vmem>>
    %dma_wait3A_648 = arith.constant 0 : i32
    %dma_wait3A_649 = arith.constant 0 : i32
    %dma_wait3A_650 = tpu.memref_slice %arg3[%dma_wait3A_648, %dma_wait3A_649] : memref<4000000x32xf32, #tpu.memory_space<hbm>> -> memref<4000000x32xf32, #tpu.memory_space<hbm>>
    tpu.wait_indirect_dma semaphore(%arg9 : memref<!tpu.dma_semaphore, #tpu.memory_space<semaphore_mem>>) src(%dma_wait3A_650 : memref<4000000x32xf32, #tpu.memory_space<hbm>>) dst(%dma_wait3A_644 : memref<128x32xf32, #tpu.memory_space<vmem>>)
    %add3A_651 = arith.constant 1280 : i32
    %add3A_652 = arith.addi %mul3A_2, %add3A_651 : i32
    %dma_start3A_653 = arith.constant 2 : i32
    %dma_start3A_654 = arith.constant 0 : i32
    %dma_start3A_655 = arith.constant 0 : i32
    %dma_start3A_656 = tpu.memref_slice %arg6[%dma_start3A_653, %dma_start3A_654, %dma_start3A_655] : memref<8x128x32xf32, #tpu.memory_space<vmem>> -> memref<1x128x32xf32, #tpu.memory_space<vmem>>
    %dma_start3A_657 = tpu.memref_squeeze %dma_start3A_656 : memref<1x128x32xf32, #tpu.memory_space<vmem>> -> memref<128x32xf32, #tpu.memory_space<vmem>>
    %dma_start3A_658 = arith.constant 0 : i32
    %dma_start3A_659 = tpu.memref_slice %arg4[%add3A_652, %dma_start3A_658] : memref<131072x32xf32, #tpu.memory_space<hbm>> -> memref<128x32xf32, #tpu.memory_space<hbm>>
    %dma_start3A_660 = arith.constant 0 : i32
    %dma_start3A_661 = tpu.memref_slice %arg4[%add3A_652, %dma_start3A_660] : memref<131072x32xf32, #tpu.memory_space<hbm>> -> memref<128x32xf32, #tpu.memory_space<hbm>>
    %dma_start3A_662 = arith.constant 0 : i32
    %dma_start3A_663 = arith.constant 0 : i32
    %dma_start3A_664 = tpu.memref_slice %arg6[%dma_start3A_653, %dma_start3A_662, %dma_start3A_663] : memref<8x128x32xf32, #tpu.memory_space<vmem>> -> memref<1x128x32xf32, #tpu.memory_space<vmem>>
    %dma_start3A_665 = tpu.memref_squeeze %dma_start3A_664 : memref<1x128x32xf32, #tpu.memory_space<vmem>> -> memref<128x32xf32, #tpu.memory_space<vmem>>
    tpu.enqueue_dma source(%dma_start3A_665 : memref<128x32xf32, #tpu.memory_space<vmem>>) target(%dma_start3A_661 : memref<128x32xf32, #tpu.memory_space<hbm>>) target_semaphore(%arg17 : memref<!tpu.dma_semaphore, #tpu.memory_space<semaphore_mem>>)
    %add3A_666 = arith.constant 1280 : i32
    %add3A_667 = arith.addi %mul3A_2, %add3A_666 : i32
    %dma_wait3A_668 = arith.constant 2 : i32
    %dma_wait3A_669 = arith.constant 0 : i32
    %dma_wait3A_670 = arith.constant 0 : i32
    %dma_wait3A_671 = tpu.memref_slice %arg6[%dma_wait3A_668, %dma_wait3A_669, %dma_wait3A_670] : memref<8x128x32xf32, #tpu.memory_space<vmem>> -> memref<1x128x32xf32, #tpu.memory_space<vmem>>
    %dma_wait3A_672 = tpu.memref_squeeze %dma_wait3A_671 : memref<1x128x32xf32, #tpu.memory_space<vmem>> -> memref<128x32xf32, #tpu.memory_space<vmem>>
    %dma_wait3A_673 = arith.constant 0 : i32
    %dma_wait3A_674 = tpu.memref_slice %arg4[%add3A_667, %dma_wait3A_673] : memref<131072x32xf32, #tpu.memory_space<hbm>> -> memref<128x32xf32, #tpu.memory_space<hbm>>
    %dma_wait3A_675 = arith.constant 0 : i32
    %dma_wait3A_676 = tpu.memref_slice %arg4[%add3A_667, %dma_wait3A_675] : memref<131072x32xf32, #tpu.memory_space<hbm>> -> memref<128x32xf32, #tpu.memory_space<hbm>>
    %dma_wait3A_677 = arith.constant 0 : i32
    %dma_wait3A_678 = arith.constant 0 : i32
    %dma_wait3A_679 = tpu.memref_slice %arg6[%dma_wait3A_668, %dma_wait3A_677, %dma_wait3A_678] : memref<8x128x32xf32, #tpu.memory_space<vmem>> -> memref<1x128x32xf32, #tpu.memory_space<vmem>>
    %dma_wait3A_680 = tpu.memref_squeeze %dma_wait3A_679 : memref<1x128x32xf32, #tpu.memory_space<vmem>> -> memref<128x32xf32, #tpu.memory_space<vmem>>
    tpu.wait_dma2 semaphore(%arg17 : memref<!tpu.dma_semaphore, #tpu.memory_space<semaphore_mem>>) src(%dma_wait3A_680 : memref<128x32xf32, #tpu.memory_space<vmem>>) dst(%dma_wait3A_676 : memref<128x32xf32, #tpu.memory_space<hbm>>)
    %dma_start3A_681 = arith.constant 18 : i32
    %dma_start3A_682 = arith.constant 2 : i32
    %dma_start3A_683 = arith.constant 0 : i32
    %dma_start3A_684 = arith.constant 0 : i32
    %dma_start3A_685 = tpu.memref_slice %arg6[%dma_start3A_682, %dma_start3A_683, %dma_start3A_684] : memref<8x128x32xf32, #tpu.memory_space<vmem>> -> memref<1x128x32xf32, #tpu.memory_space<vmem>>
    %dma_start3A_686 = tpu.memref_squeeze %dma_start3A_685 : memref<1x128x32xf32, #tpu.memory_space<vmem>> -> memref<128x32xf32, #tpu.memory_space<vmem>>
    %dma_start3A_687 = arith.constant 0 : i32
    %dma_start3A_688 = tpu.memref_slice %arg5[%dma_start3A_681, %dma_start3A_687] : memref<32x128xi32, #tpu.memory_space<vmem>> -> memref<1x128xi32, #tpu.memory_space<vmem>>
    %dma_start3A_689 = tpu.memref_squeeze %dma_start3A_688 : memref<1x128xi32, #tpu.memory_space<vmem>> -> memref<128xi32, #tpu.memory_space<vmem>>
    %dma_start3A_690 = arith.constant 0 : i32
    %dma_start3A_691 = arith.constant 0 : i32
    %dma_start3A_692 = tpu.memref_slice %arg3[%dma_start3A_690, %dma_start3A_691] : memref<4000000x32xf32, #tpu.memory_space<hbm>> -> memref<4000000x32xf32, #tpu.memory_space<hbm>>
    tpu.enqueue_indirect_dma source(%dma_start3A_692 : memref<4000000x32xf32, #tpu.memory_space<hbm>>) target(%dma_start3A_686 : memref<128x32xf32, #tpu.memory_space<vmem>>) offsets(%dma_start3A_689 : memref<128xi32, #tpu.memory_space<vmem>>) semaphore(%arg9 : memref<!tpu.dma_semaphore, #tpu.memory_space<semaphore_mem>>)
    %dma_wait3A_693 = arith.constant 11 : i32
    %dma_wait3A_694 = arith.constant 3 : i32
    %dma_wait3A_695 = arith.constant 0 : i32
    %dma_wait3A_696 = arith.constant 0 : i32
    %dma_wait3A_697 = tpu.memref_slice %arg6[%dma_wait3A_694, %dma_wait3A_695, %dma_wait3A_696] : memref<8x128x32xf32, #tpu.memory_space<vmem>> -> memref<1x128x32xf32, #tpu.memory_space<vmem>>
    %dma_wait3A_698 = tpu.memref_squeeze %dma_wait3A_697 : memref<1x128x32xf32, #tpu.memory_space<vmem>> -> memref<128x32xf32, #tpu.memory_space<vmem>>
    %dma_wait3A_699 = arith.constant 0 : i32
    %dma_wait3A_700 = tpu.memref_slice %arg5[%dma_wait3A_693, %dma_wait3A_699] : memref<32x128xi32, #tpu.memory_space<vmem>> -> memref<1x128xi32, #tpu.memory_space<vmem>>
    %dma_wait3A_701 = tpu.memref_squeeze %dma_wait3A_700 : memref<1x128xi32, #tpu.memory_space<vmem>> -> memref<128xi32, #tpu.memory_space<vmem>>
    %dma_wait3A_702 = arith.constant 0 : i32
    %dma_wait3A_703 = arith.constant 0 : i32
    %dma_wait3A_704 = tpu.memref_slice %arg3[%dma_wait3A_702, %dma_wait3A_703] : memref<4000000x32xf32, #tpu.memory_space<hbm>> -> memref<4000000x32xf32, #tpu.memory_space<hbm>>
    tpu.wait_indirect_dma semaphore(%arg10 : memref<!tpu.dma_semaphore, #tpu.memory_space<semaphore_mem>>) src(%dma_wait3A_704 : memref<4000000x32xf32, #tpu.memory_space<hbm>>) dst(%dma_wait3A_698 : memref<128x32xf32, #tpu.memory_space<vmem>>)
    %add3A_705 = arith.constant 1408 : i32
    %add3A_706 = arith.addi %mul3A_2, %add3A_705 : i32
    %dma_start3A_707 = arith.constant 3 : i32
    %dma_start3A_708 = arith.constant 0 : i32
    %dma_start3A_709 = arith.constant 0 : i32
    %dma_start3A_710 = tpu.memref_slice %arg6[%dma_start3A_707, %dma_start3A_708, %dma_start3A_709] : memref<8x128x32xf32, #tpu.memory_space<vmem>> -> memref<1x128x32xf32, #tpu.memory_space<vmem>>
    %dma_start3A_711 = tpu.memref_squeeze %dma_start3A_710 : memref<1x128x32xf32, #tpu.memory_space<vmem>> -> memref<128x32xf32, #tpu.memory_space<vmem>>
    %dma_start3A_712 = arith.constant 0 : i32
    %dma_start3A_713 = tpu.memref_slice %arg4[%add3A_706, %dma_start3A_712] : memref<131072x32xf32, #tpu.memory_space<hbm>> -> memref<128x32xf32, #tpu.memory_space<hbm>>
    %dma_start3A_714 = arith.constant 0 : i32
    %dma_start3A_715 = tpu.memref_slice %arg4[%add3A_706, %dma_start3A_714] : memref<131072x32xf32, #tpu.memory_space<hbm>> -> memref<128x32xf32, #tpu.memory_space<hbm>>
    %dma_start3A_716 = arith.constant 0 : i32
    %dma_start3A_717 = arith.constant 0 : i32
    %dma_start3A_718 = tpu.memref_slice %arg6[%dma_start3A_707, %dma_start3A_716, %dma_start3A_717] : memref<8x128x32xf32, #tpu.memory_space<vmem>> -> memref<1x128x32xf32, #tpu.memory_space<vmem>>
    %dma_start3A_719 = tpu.memref_squeeze %dma_start3A_718 : memref<1x128x32xf32, #tpu.memory_space<vmem>> -> memref<128x32xf32, #tpu.memory_space<vmem>>
    tpu.enqueue_dma source(%dma_start3A_719 : memref<128x32xf32, #tpu.memory_space<vmem>>) target(%dma_start3A_715 : memref<128x32xf32, #tpu.memory_space<hbm>>) target_semaphore(%arg18 : memref<!tpu.dma_semaphore, #tpu.memory_space<semaphore_mem>>)
    %add3A_720 = arith.constant 1408 : i32
    %add3A_721 = arith.addi %mul3A_2, %add3A_720 : i32
    %dma_wait3A_722 = arith.constant 3 : i32
    %dma_wait3A_723 = arith.constant 0 : i32
    %dma_wait3A_724 = arith.constant 0 : i32
    %dma_wait3A_725 = tpu.memref_slice %arg6[%dma_wait3A_722, %dma_wait3A_723, %dma_wait3A_724] : memref<8x128x32xf32, #tpu.memory_space<vmem>> -> memref<1x128x32xf32, #tpu.memory_space<vmem>>
    %dma_wait3A_726 = tpu.memref_squeeze %dma_wait3A_725 : memref<1x128x32xf32, #tpu.memory_space<vmem>> -> memref<128x32xf32, #tpu.memory_space<vmem>>
    %dma_wait3A_727 = arith.constant 0 : i32
    %dma_wait3A_728 = tpu.memref_slice %arg4[%add3A_721, %dma_wait3A_727] : memref<131072x32xf32, #tpu.memory_space<hbm>> -> memref<128x32xf32, #tpu.memory_space<hbm>>
    %dma_wait3A_729 = arith.constant 0 : i32
    %dma_wait3A_730 = tpu.memref_slice %arg4[%add3A_721, %dma_wait3A_729] : memref<131072x32xf32, #tpu.memory_space<hbm>> -> memref<128x32xf32, #tpu.memory_space<hbm>>
    %dma_wait3A_731 = arith.constant 0 : i32
    %dma_wait3A_732 = arith.constant 0 : i32
    %dma_wait3A_733 = tpu.memref_slice %arg6[%dma_wait3A_722, %dma_wait3A_731, %dma_wait3A_732] : memref<8x128x32xf32, #tpu.memory_space<vmem>> -> memref<1x128x32xf32, #tpu.memory_space<vmem>>
    %dma_wait3A_734 = tpu.memref_squeeze %dma_wait3A_733 : memref<1x128x32xf32, #tpu.memory_space<vmem>> -> memref<128x32xf32, #tpu.memory_space<vmem>>
    tpu.wait_dma2 semaphore(%arg18 : memref<!tpu.dma_semaphore, #tpu.memory_space<semaphore_mem>>) src(%dma_wait3A_734 : memref<128x32xf32, #tpu.memory_space<vmem>>) dst(%dma_wait3A_730 : memref<128x32xf32, #tpu.memory_space<hbm>>)
    %dma_start3A_735 = arith.constant 19 : i32
    %dma_start3A_736 = arith.constant 3 : i32
    %dma_start3A_737 = arith.constant 0 : i32
    %dma_start3A_738 = arith.constant 0 : i32
    %dma_start3A_739 = tpu.memref_slice %arg6[%dma_start3A_736, %dma_start3A_737, %dma_start3A_738] : memref<8x128x32xf32, #tpu.memory_space<vmem>> -> memref<1x128x32xf32, #tpu.memory_space<vmem>>
    %dma_start3A_740 = tpu.memref_squeeze %dma_start3A_739 : memref<1x128x32xf32, #tpu.memory_space<vmem>> -> memref<128x32xf32, #tpu.memory_space<vmem>>
    %dma_start3A_741 = arith.constant 0 : i32
    %dma_start3A_742 = tpu.memref_slice %arg5[%dma_start3A_735, %dma_start3A_741] : memref<32x128xi32, #tpu.memory_space<vmem>> -> memref<1x128xi32, #tpu.memory_space<vmem>>
    %dma_start3A_743 = tpu.memref_squeeze %dma_start3A_742 : memref<1x128xi32, #tpu.memory_space<vmem>> -> memref<128xi32, #tpu.memory_space<vmem>>
    %dma_start3A_744 = arith.constant 0 : i32
    %dma_start3A_745 = arith.constant 0 : i32
    %dma_start3A_746 = tpu.memref_slice %arg3[%dma_start3A_744, %dma_start3A_745] : memref<4000000x32xf32, #tpu.memory_space<hbm>> -> memref<4000000x32xf32, #tpu.memory_space<hbm>>
    tpu.enqueue_indirect_dma source(%dma_start3A_746 : memref<4000000x32xf32, #tpu.memory_space<hbm>>) target(%dma_start3A_740 : memref<128x32xf32, #tpu.memory_space<vmem>>) offsets(%dma_start3A_743 : memref<128xi32, #tpu.memory_space<vmem>>) semaphore(%arg10 : memref<!tpu.dma_semaphore, #tpu.memory_space<semaphore_mem>>)
    %dma_wait3A_747 = arith.constant 12 : i32
    %dma_wait3A_748 = arith.constant 4 : i32
    %dma_wait3A_749 = arith.constant 0 : i32
    %dma_wait3A_750 = arith.constant 0 : i32
    %dma_wait3A_751 = tpu.memref_slice %arg6[%dma_wait3A_748, %dma_wait3A_749, %dma_wait3A_750] : memref<8x128x32xf32, #tpu.memory_space<vmem>> -> memref<1x128x32xf32, #tpu.memory_space<vmem>>
    %dma_wait3A_752 = tpu.memref_squeeze %dma_wait3A_751 : memref<1x128x32xf32, #tpu.memory_space<vmem>> -> memref<128x32xf32, #tpu.memory_space<vmem>>
    %dma_wait3A_753 = arith.constant 0 : i32
    %dma_wait3A_754 = tpu.memref_slice %arg5[%dma_wait3A_747, %dma_wait3A_753] : memref<32x128xi32, #tpu.memory_space<vmem>> -> memref<1x128xi32, #tpu.memory_space<vmem>>
    %dma_wait3A_755 = tpu.memref_squeeze %dma_wait3A_754 : memref<1x128xi32, #tpu.memory_space<vmem>> -> memref<128xi32, #tpu.memory_space<vmem>>
    %dma_wait3A_756 = arith.constant 0 : i32
    %dma_wait3A_757 = arith.constant 0 : i32
    %dma_wait3A_758 = tpu.memref_slice %arg3[%dma_wait3A_756, %dma_wait3A_757] : memref<4000000x32xf32, #tpu.memory_space<hbm>> -> memref<4000000x32xf32, #tpu.memory_space<hbm>>
    tpu.wait_indirect_dma semaphore(%arg11 : memref<!tpu.dma_semaphore, #tpu.memory_space<semaphore_mem>>) src(%dma_wait3A_758 : memref<4000000x32xf32, #tpu.memory_space<hbm>>) dst(%dma_wait3A_752 : memref<128x32xf32, #tpu.memory_space<vmem>>)
    %add3A_759 = arith.constant 1536 : i32
    %add3A_760 = arith.addi %mul3A_2, %add3A_759 : i32
    %dma_start3A_761 = arith.constant 4 : i32
    %dma_start3A_762 = arith.constant 0 : i32
    %dma_start3A_763 = arith.constant 0 : i32
    %dma_start3A_764 = tpu.memref_slice %arg6[%dma_start3A_761, %dma_start3A_762, %dma_start3A_763] : memref<8x128x32xf32, #tpu.memory_space<vmem>> -> memref<1x128x32xf32, #tpu.memory_space<vmem>>
    %dma_start3A_765 = tpu.memref_squeeze %dma_start3A_764 : memref<1x128x32xf32, #tpu.memory_space<vmem>> -> memref<128x32xf32, #tpu.memory_space<vmem>>
    %dma_start3A_766 = arith.constant 0 : i32
    %dma_start3A_767 = tpu.memref_slice %arg4[%add3A_760, %dma_start3A_766] : memref<131072x32xf32, #tpu.memory_space<hbm>> -> memref<128x32xf32, #tpu.memory_space<hbm>>
    %dma_start3A_768 = arith.constant 0 : i32
    %dma_start3A_769 = tpu.memref_slice %arg4[%add3A_760, %dma_start3A_768] : memref<131072x32xf32, #tpu.memory_space<hbm>> -> memref<128x32xf32, #tpu.memory_space<hbm>>
    %dma_start3A_770 = arith.constant 0 : i32
    %dma_start3A_771 = arith.constant 0 : i32
    %dma_start3A_772 = tpu.memref_slice %arg6[%dma_start3A_761, %dma_start3A_770, %dma_start3A_771] : memref<8x128x32xf32, #tpu.memory_space<vmem>> -> memref<1x128x32xf32, #tpu.memory_space<vmem>>
    %dma_start3A_773 = tpu.memref_squeeze %dma_start3A_772 : memref<1x128x32xf32, #tpu.memory_space<vmem>> -> memref<128x32xf32, #tpu.memory_space<vmem>>
    tpu.enqueue_dma source(%dma_start3A_773 : memref<128x32xf32, #tpu.memory_space<vmem>>) target(%dma_start3A_769 : memref<128x32xf32, #tpu.memory_space<hbm>>) target_semaphore(%arg19 : memref<!tpu.dma_semaphore, #tpu.memory_space<semaphore_mem>>)
    %add3A_774 = arith.constant 1536 : i32
    %add3A_775 = arith.addi %mul3A_2, %add3A_774 : i32
    %dma_wait3A_776 = arith.constant 4 : i32
    %dma_wait3A_777 = arith.constant 0 : i32
    %dma_wait3A_778 = arith.constant 0 : i32
    %dma_wait3A_779 = tpu.memref_slice %arg6[%dma_wait3A_776, %dma_wait3A_777, %dma_wait3A_778] : memref<8x128x32xf32, #tpu.memory_space<vmem>> -> memref<1x128x32xf32, #tpu.memory_space<vmem>>
    %dma_wait3A_780 = tpu.memref_squeeze %dma_wait3A_779 : memref<1x128x32xf32, #tpu.memory_space<vmem>> -> memref<128x32xf32, #tpu.memory_space<vmem>>
    %dma_wait3A_781 = arith.constant 0 : i32
    %dma_wait3A_782 = tpu.memref_slice %arg4[%add3A_775, %dma_wait3A_781] : memref<131072x32xf32, #tpu.memory_space<hbm>> -> memref<128x32xf32, #tpu.memory_space<hbm>>
    %dma_wait3A_783 = arith.constant 0 : i32
    %dma_wait3A_784 = tpu.memref_slice %arg4[%add3A_775, %dma_wait3A_783] : memref<131072x32xf32, #tpu.memory_space<hbm>> -> memref<128x32xf32, #tpu.memory_space<hbm>>
    %dma_wait3A_785 = arith.constant 0 : i32
    %dma_wait3A_786 = arith.constant 0 : i32
    %dma_wait3A_787 = tpu.memref_slice %arg6[%dma_wait3A_776, %dma_wait3A_785, %dma_wait3A_786] : memref<8x128x32xf32, #tpu.memory_space<vmem>> -> memref<1x128x32xf32, #tpu.memory_space<vmem>>
    %dma_wait3A_788 = tpu.memref_squeeze %dma_wait3A_787 : memref<1x128x32xf32, #tpu.memory_space<vmem>> -> memref<128x32xf32, #tpu.memory_space<vmem>>
    tpu.wait_dma2 semaphore(%arg19 : memref<!tpu.dma_semaphore, #tpu.memory_space<semaphore_mem>>) src(%dma_wait3A_788 : memref<128x32xf32, #tpu.memory_space<vmem>>) dst(%dma_wait3A_784 : memref<128x32xf32, #tpu.memory_space<hbm>>)
    %dma_start3A_789 = arith.constant 20 : i32
    %dma_start3A_790 = arith.constant 4 : i32
    %dma_start3A_791 = arith.constant 0 : i32
    %dma_start3A_792 = arith.constant 0 : i32
    %dma_start3A_793 = tpu.memref_slice %arg6[%dma_start3A_790, %dma_start3A_791, %dma_start3A_792] : memref<8x128x32xf32, #tpu.memory_space<vmem>> -> memref<1x128x32xf32, #tpu.memory_space<vmem>>
    %dma_start3A_794 = tpu.memref_squeeze %dma_start3A_793 : memref<1x128x32xf32, #tpu.memory_space<vmem>> -> memref<128x32xf32, #tpu.memory_space<vmem>>
    %dma_start3A_795 = arith.constant 0 : i32
    %dma_start3A_796 = tpu.memref_slice %arg5[%dma_start3A_789, %dma_start3A_795] : memref<32x128xi32, #tpu.memory_space<vmem>> -> memref<1x128xi32, #tpu.memory_space<vmem>>
    %dma_start3A_797 = tpu.memref_squeeze %dma_start3A_796 : memref<1x128xi32, #tpu.memory_space<vmem>> -> memref<128xi32, #tpu.memory_space<vmem>>
    %dma_start3A_798 = arith.constant 0 : i32
    %dma_start3A_799 = arith.constant 0 : i32
    %dma_start3A_800 = tpu.memref_slice %arg3[%dma_start3A_798, %dma_start3A_799] : memref<4000000x32xf32, #tpu.memory_space<hbm>> -> memref<4000000x32xf32, #tpu.memory_space<hbm>>
    tpu.enqueue_indirect_dma source(%dma_start3A_800 : memref<4000000x32xf32, #tpu.memory_space<hbm>>) target(%dma_start3A_794 : memref<128x32xf32, #tpu.memory_space<vmem>>) offsets(%dma_start3A_797 : memref<128xi32, #tpu.memory_space<vmem>>) semaphore(%arg11 : memref<!tpu.dma_semaphore, #tpu.memory_space<semaphore_mem>>)
    %dma_wait3A_801 = arith.constant 13 : i32
    %dma_wait3A_802 = arith.constant 5 : i32
    %dma_wait3A_803 = arith.constant 0 : i32
    %dma_wait3A_804 = arith.constant 0 : i32
    %dma_wait3A_805 = tpu.memref_slice %arg6[%dma_wait3A_802, %dma_wait3A_803, %dma_wait3A_804] : memref<8x128x32xf32, #tpu.memory_space<vmem>> -> memref<1x128x32xf32, #tpu.memory_space<vmem>>
    %dma_wait3A_806 = tpu.memref_squeeze %dma_wait3A_805 : memref<1x128x32xf32, #tpu.memory_space<vmem>> -> memref<128x32xf32, #tpu.memory_space<vmem>>
    %dma_wait3A_807 = arith.constant 0 : i32
    %dma_wait3A_808 = tpu.memref_slice %arg5[%dma_wait3A_801, %dma_wait3A_807] : memref<32x128xi32, #tpu.memory_space<vmem>> -> memref<1x128xi32, #tpu.memory_space<vmem>>
    %dma_wait3A_809 = tpu.memref_squeeze %dma_wait3A_808 : memref<1x128xi32, #tpu.memory_space<vmem>> -> memref<128xi32, #tpu.memory_space<vmem>>
    %dma_wait3A_810 = arith.constant 0 : i32
    %dma_wait3A_811 = arith.constant 0 : i32
    %dma_wait3A_812 = tpu.memref_slice %arg3[%dma_wait3A_810, %dma_wait3A_811] : memref<4000000x32xf32, #tpu.memory_space<hbm>> -> memref<4000000x32xf32, #tpu.memory_space<hbm>>
    tpu.wait_indirect_dma semaphore(%arg12 : memref<!tpu.dma_semaphore, #tpu.memory_space<semaphore_mem>>) src(%dma_wait3A_812 : memref<4000000x32xf32, #tpu.memory_space<hbm>>) dst(%dma_wait3A_806 : memref<128x32xf32, #tpu.memory_space<vmem>>)
    %add3A_813 = arith.constant 1664 : i32
    %add3A_814 = arith.addi %mul3A_2, %add3A_813 : i32
    %dma_start3A_815 = arith.constant 5 : i32
    %dma_start3A_816 = arith.constant 0 : i32
    %dma_start3A_817 = arith.constant 0 : i32
    %dma_start3A_818 = tpu.memref_slice %arg6[%dma_start3A_815, %dma_start3A_816, %dma_start3A_817] : memref<8x128x32xf32, #tpu.memory_space<vmem>> -> memref<1x128x32xf32, #tpu.memory_space<vmem>>
    %dma_start3A_819 = tpu.memref_squeeze %dma_start3A_818 : memref<1x128x32xf32, #tpu.memory_space<vmem>> -> memref<128x32xf32, #tpu.memory_space<vmem>>
    %dma_start3A_820 = arith.constant 0 : i32
    %dma_start3A_821 = tpu.memref_slice %arg4[%add3A_814, %dma_start3A_820] : memref<131072x32xf32, #tpu.memory_space<hbm>> -> memref<128x32xf32, #tpu.memory_space<hbm>>
    %dma_start3A_822 = arith.constant 0 : i32
    %dma_start3A_823 = tpu.memref_slice %arg4[%add3A_814, %dma_start3A_822] : memref<131072x32xf32, #tpu.memory_space<hbm>> -> memref<128x32xf32, #tpu.memory_space<hbm>>
    %dma_start3A_824 = arith.constant 0 : i32
    %dma_start3A_825 = arith.constant 0 : i32
    %dma_start3A_826 = tpu.memref_slice %arg6[%dma_start3A_815, %dma_start3A_824, %dma_start3A_825] : memref<8x128x32xf32, #tpu.memory_space<vmem>> -> memref<1x128x32xf32, #tpu.memory_space<vmem>>
    %dma_start3A_827 = tpu.memref_squeeze %dma_start3A_826 : memref<1x128x32xf32, #tpu.memory_space<vmem>> -> memref<128x32xf32, #tpu.memory_space<vmem>>
    tpu.enqueue_dma source(%dma_start3A_827 : memref<128x32xf32, #tpu.memory_space<vmem>>) target(%dma_start3A_823 : memref<128x32xf32, #tpu.memory_space<hbm>>) target_semaphore(%arg20 : memref<!tpu.dma_semaphore, #tpu.memory_space<semaphore_mem>>)
    %add3A_828 = arith.constant 1664 : i32
    %add3A_829 = arith.addi %mul3A_2, %add3A_828 : i32
    %dma_wait3A_830 = arith.constant 5 : i32
    %dma_wait3A_831 = arith.constant 0 : i32
    %dma_wait3A_832 = arith.constant 0 : i32
    %dma_wait3A_833 = tpu.memref_slice %arg6[%dma_wait3A_830, %dma_wait3A_831, %dma_wait3A_832] : memref<8x128x32xf32, #tpu.memory_space<vmem>> -> memref<1x128x32xf32, #tpu.memory_space<vmem>>
    %dma_wait3A_834 = tpu.memref_squeeze %dma_wait3A_833 : memref<1x128x32xf32, #tpu.memory_space<vmem>> -> memref<128x32xf32, #tpu.memory_space<vmem>>
    %dma_wait3A_835 = arith.constant 0 : i32
    %dma_wait3A_836 = tpu.memref_slice %arg4[%add3A_829, %dma_wait3A_835] : memref<131072x32xf32, #tpu.memory_space<hbm>> -> memref<128x32xf32, #tpu.memory_space<hbm>>
    %dma_wait3A_837 = arith.constant 0 : i32
    %dma_wait3A_838 = tpu.memref_slice %arg4[%add3A_829, %dma_wait3A_837] : memref<131072x32xf32, #tpu.memory_space<hbm>> -> memref<128x32xf32, #tpu.memory_space<hbm>>
    %dma_wait3A_839 = arith.constant 0 : i32
    %dma_wait3A_840 = arith.constant 0 : i32
    %dma_wait3A_841 = tpu.memref_slice %arg6[%dma_wait3A_830, %dma_wait3A_839, %dma_wait3A_840] : memref<8x128x32xf32, #tpu.memory_space<vmem>> -> memref<1x128x32xf32, #tpu.memory_space<vmem>>
    %dma_wait3A_842 = tpu.memref_squeeze %dma_wait3A_841 : memref<1x128x32xf32, #tpu.memory_space<vmem>> -> memref<128x32xf32, #tpu.memory_space<vmem>>
    tpu.wait_dma2 semaphore(%arg20 : memref<!tpu.dma_semaphore, #tpu.memory_space<semaphore_mem>>) src(%dma_wait3A_842 : memref<128x32xf32, #tpu.memory_space<vmem>>) dst(%dma_wait3A_838 : memref<128x32xf32, #tpu.memory_space<hbm>>)
    %dma_start3A_843 = arith.constant 21 : i32
    %dma_start3A_844 = arith.constant 5 : i32
    %dma_start3A_845 = arith.constant 0 : i32
    %dma_start3A_846 = arith.constant 0 : i32
    %dma_start3A_847 = tpu.memref_slice %arg6[%dma_start3A_844, %dma_start3A_845, %dma_start3A_846] : memref<8x128x32xf32, #tpu.memory_space<vmem>> -> memref<1x128x32xf32, #tpu.memory_space<vmem>>
    %dma_start3A_848 = tpu.memref_squeeze %dma_start3A_847 : memref<1x128x32xf32, #tpu.memory_space<vmem>> -> memref<128x32xf32, #tpu.memory_space<vmem>>
    %dma_start3A_849 = arith.constant 0 : i32
    %dma_start3A_850 = tpu.memref_slice %arg5[%dma_start3A_843, %dma_start3A_849] : memref<32x128xi32, #tpu.memory_space<vmem>> -> memref<1x128xi32, #tpu.memory_space<vmem>>
    %dma_start3A_851 = tpu.memref_squeeze %dma_start3A_850 : memref<1x128xi32, #tpu.memory_space<vmem>> -> memref<128xi32, #tpu.memory_space<vmem>>
    %dma_start3A_852 = arith.constant 0 : i32
    %dma_start3A_853 = arith.constant 0 : i32
    %dma_start3A_854 = tpu.memref_slice %arg3[%dma_start3A_852, %dma_start3A_853] : memref<4000000x32xf32, #tpu.memory_space<hbm>> -> memref<4000000x32xf32, #tpu.memory_space<hbm>>
    tpu.enqueue_indirect_dma source(%dma_start3A_854 : memref<4000000x32xf32, #tpu.memory_space<hbm>>) target(%dma_start3A_848 : memref<128x32xf32, #tpu.memory_space<vmem>>) offsets(%dma_start3A_851 : memref<128xi32, #tpu.memory_space<vmem>>) semaphore(%arg12 : memref<!tpu.dma_semaphore, #tpu.memory_space<semaphore_mem>>)
    %dma_wait3A_855 = arith.constant 14 : i32
    %dma_wait3A_856 = arith.constant 6 : i32
    %dma_wait3A_857 = arith.constant 0 : i32
    %dma_wait3A_858 = arith.constant 0 : i32
    %dma_wait3A_859 = tpu.memref_slice %arg6[%dma_wait3A_856, %dma_wait3A_857, %dma_wait3A_858] : memref<8x128x32xf32, #tpu.memory_space<vmem>> -> memref<1x128x32xf32, #tpu.memory_space<vmem>>
    %dma_wait3A_860 = tpu.memref_squeeze %dma_wait3A_859 : memref<1x128x32xf32, #tpu.memory_space<vmem>> -> memref<128x32xf32, #tpu.memory_space<vmem>>
    %dma_wait3A_861 = arith.constant 0 : i32
    %dma_wait3A_862 = tpu.memref_slice %arg5[%dma_wait3A_855, %dma_wait3A_861] : memref<32x128xi32, #tpu.memory_space<vmem>> -> memref<1x128xi32, #tpu.memory_space<vmem>>
    %dma_wait3A_863 = tpu.memref_squeeze %dma_wait3A_862 : memref<1x128xi32, #tpu.memory_space<vmem>> -> memref<128xi32, #tpu.memory_space<vmem>>
    %dma_wait3A_864 = arith.constant 0 : i32
    %dma_wait3A_865 = arith.constant 0 : i32
    %dma_wait3A_866 = tpu.memref_slice %arg3[%dma_wait3A_864, %dma_wait3A_865] : memref<4000000x32xf32, #tpu.memory_space<hbm>> -> memref<4000000x32xf32, #tpu.memory_space<hbm>>
    tpu.wait_indirect_dma semaphore(%arg13 : memref<!tpu.dma_semaphore, #tpu.memory_space<semaphore_mem>>) src(%dma_wait3A_866 : memref<4000000x32xf32, #tpu.memory_space<hbm>>) dst(%dma_wait3A_860 : memref<128x32xf32, #tpu.memory_space<vmem>>)
    %add3A_867 = arith.constant 1792 : i32
    %add3A_868 = arith.addi %mul3A_2, %add3A_867 : i32
    %dma_start3A_869 = arith.constant 6 : i32
    %dma_start3A_870 = arith.constant 0 : i32
    %dma_start3A_871 = arith.constant 0 : i32
    %dma_start3A_872 = tpu.memref_slice %arg6[%dma_start3A_869, %dma_start3A_870, %dma_start3A_871] : memref<8x128x32xf32, #tpu.memory_space<vmem>> -> memref<1x128x32xf32, #tpu.memory_space<vmem>>
    %dma_start3A_873 = tpu.memref_squeeze %dma_start3A_872 : memref<1x128x32xf32, #tpu.memory_space<vmem>> -> memref<128x32xf32, #tpu.memory_space<vmem>>
    %dma_start3A_874 = arith.constant 0 : i32
    %dma_start3A_875 = tpu.memref_slice %arg4[%add3A_868, %dma_start3A_874] : memref<131072x32xf32, #tpu.memory_space<hbm>> -> memref<128x32xf32, #tpu.memory_space<hbm>>
    %dma_start3A_876 = arith.constant 0 : i32
    %dma_start3A_877 = tpu.memref_slice %arg4[%add3A_868, %dma_start3A_876] : memref<131072x32xf32, #tpu.memory_space<hbm>> -> memref<128x32xf32, #tpu.memory_space<hbm>>
    %dma_start3A_878 = arith.constant 0 : i32
    %dma_start3A_879 = arith.constant 0 : i32
    %dma_start3A_880 = tpu.memref_slice %arg6[%dma_start3A_869, %dma_start3A_878, %dma_start3A_879] : memref<8x128x32xf32, #tpu.memory_space<vmem>> -> memref<1x128x32xf32, #tpu.memory_space<vmem>>
    %dma_start3A_881 = tpu.memref_squeeze %dma_start3A_880 : memref<1x128x32xf32, #tpu.memory_space<vmem>> -> memref<128x32xf32, #tpu.memory_space<vmem>>
    tpu.enqueue_dma source(%dma_start3A_881 : memref<128x32xf32, #tpu.memory_space<vmem>>) target(%dma_start3A_877 : memref<128x32xf32, #tpu.memory_space<hbm>>) target_semaphore(%arg21 : memref<!tpu.dma_semaphore, #tpu.memory_space<semaphore_mem>>)
    %add3A_882 = arith.constant 1792 : i32
    %add3A_883 = arith.addi %mul3A_2, %add3A_882 : i32
    %dma_wait3A_884 = arith.constant 6 : i32
    %dma_wait3A_885 = arith.constant 0 : i32
    %dma_wait3A_886 = arith.constant 0 : i32
    %dma_wait3A_887 = tpu.memref_slice %arg6[%dma_wait3A_884, %dma_wait3A_885, %dma_wait3A_886] : memref<8x128x32xf32, #tpu.memory_space<vmem>> -> memref<1x128x32xf32, #tpu.memory_space<vmem>>
    %dma_wait3A_888 = tpu.memref_squeeze %dma_wait3A_887 : memref<1x128x32xf32, #tpu.memory_space<vmem>> -> memref<128x32xf32, #tpu.memory_space<vmem>>
    %dma_wait3A_889 = arith.constant 0 : i32
    %dma_wait3A_890 = tpu.memref_slice %arg4[%add3A_883, %dma_wait3A_889] : memref<131072x32xf32, #tpu.memory_space<hbm>> -> memref<128x32xf32, #tpu.memory_space<hbm>>
    %dma_wait3A_891 = arith.constant 0 : i32
    %dma_wait3A_892 = tpu.memref_slice %arg4[%add3A_883, %dma_wait3A_891] : memref<131072x32xf32, #tpu.memory_space<hbm>> -> memref<128x32xf32, #tpu.memory_space<hbm>>
    %dma_wait3A_893 = arith.constant 0 : i32
    %dma_wait3A_894 = arith.constant 0 : i32
    %dma_wait3A_895 = tpu.memref_slice %arg6[%dma_wait3A_884, %dma_wait3A_893, %dma_wait3A_894] : memref<8x128x32xf32, #tpu.memory_space<vmem>> -> memref<1x128x32xf32, #tpu.memory_space<vmem>>
    %dma_wait3A_896 = tpu.memref_squeeze %dma_wait3A_895 : memref<1x128x32xf32, #tpu.memory_space<vmem>> -> memref<128x32xf32, #tpu.memory_space<vmem>>
    tpu.wait_dma2 semaphore(%arg21 : memref<!tpu.dma_semaphore, #tpu.memory_space<semaphore_mem>>) src(%dma_wait3A_896 : memref<128x32xf32, #tpu.memory_space<vmem>>) dst(%dma_wait3A_892 : memref<128x32xf32, #tpu.memory_space<hbm>>)
    %dma_start3A_897 = arith.constant 22 : i32
    %dma_start3A_898 = arith.constant 6 : i32
    %dma_start3A_899 = arith.constant 0 : i32
    %dma_start3A_900 = arith.constant 0 : i32
    %dma_start3A_901 = tpu.memref_slice %arg6[%dma_start3A_898, %dma_start3A_899, %dma_start3A_900] : memref<8x128x32xf32, #tpu.memory_space<vmem>> -> memref<1x128x32xf32, #tpu.memory_space<vmem>>
    %dma_start3A_902 = tpu.memref_squeeze %dma_start3A_901 : memref<1x128x32xf32, #tpu.memory_space<vmem>> -> memref<128x32xf32, #tpu.memory_space<vmem>>
    %dma_start3A_903 = arith.constant 0 : i32
    %dma_start3A_904 = tpu.memref_slice %arg5[%dma_start3A_897, %dma_start3A_903] : memref<32x128xi32, #tpu.memory_space<vmem>> -> memref<1x128xi32, #tpu.memory_space<vmem>>
    %dma_start3A_905 = tpu.memref_squeeze %dma_start3A_904 : memref<1x128xi32, #tpu.memory_space<vmem>> -> memref<128xi32, #tpu.memory_space<vmem>>
    %dma_start3A_906 = arith.constant 0 : i32
    %dma_start3A_907 = arith.constant 0 : i32
    %dma_start3A_908 = tpu.memref_slice %arg3[%dma_start3A_906, %dma_start3A_907] : memref<4000000x32xf32, #tpu.memory_space<hbm>> -> memref<4000000x32xf32, #tpu.memory_space<hbm>>
    tpu.enqueue_indirect_dma source(%dma_start3A_908 : memref<4000000x32xf32, #tpu.memory_space<hbm>>) target(%dma_start3A_902 : memref<128x32xf32, #tpu.memory_space<vmem>>) offsets(%dma_start3A_905 : memref<128xi32, #tpu.memory_space<vmem>>) semaphore(%arg13 : memref<!tpu.dma_semaphore, #tpu.memory_space<semaphore_mem>>)
    %dma_wait3A_909 = arith.constant 15 : i32
    %dma_wait3A_910 = arith.constant 7 : i32
    %dma_wait3A_911 = arith.constant 0 : i32
    %dma_wait3A_912 = arith.constant 0 : i32
    %dma_wait3A_913 = tpu.memref_slice %arg6[%dma_wait3A_910, %dma_wait3A_911, %dma_wait3A_912] : memref<8x128x32xf32, #tpu.memory_space<vmem>> -> memref<1x128x32xf32, #tpu.memory_space<vmem>>
    %dma_wait3A_914 = tpu.memref_squeeze %dma_wait3A_913 : memref<1x128x32xf32, #tpu.memory_space<vmem>> -> memref<128x32xf32, #tpu.memory_space<vmem>>
    %dma_wait3A_915 = arith.constant 0 : i32
    %dma_wait3A_916 = tpu.memref_slice %arg5[%dma_wait3A_909, %dma_wait3A_915] : memref<32x128xi32, #tpu.memory_space<vmem>> -> memref<1x128xi32, #tpu.memory_space<vmem>>
    %dma_wait3A_917 = tpu.memref_squeeze %dma_wait3A_916 : memref<1x128xi32, #tpu.memory_space<vmem>> -> memref<128xi32, #tpu.memory_space<vmem>>
    %dma_wait3A_918 = arith.constant 0 : i32
    %dma_wait3A_919 = arith.constant 0 : i32
    %dma_wait3A_920 = tpu.memref_slice %arg3[%dma_wait3A_918, %dma_wait3A_919] : memref<4000000x32xf32, #tpu.memory_space<hbm>> -> memref<4000000x32xf32, #tpu.memory_space<hbm>>
    tpu.wait_indirect_dma semaphore(%arg14 : memref<!tpu.dma_semaphore, #tpu.memory_space<semaphore_mem>>) src(%dma_wait3A_920 : memref<4000000x32xf32, #tpu.memory_space<hbm>>) dst(%dma_wait3A_914 : memref<128x32xf32, #tpu.memory_space<vmem>>)
    %add3A_921 = arith.constant 1920 : i32
    %add3A_922 = arith.addi %mul3A_2, %add3A_921 : i32
    %dma_start3A_923 = arith.constant 7 : i32
    %dma_start3A_924 = arith.constant 0 : i32
    %dma_start3A_925 = arith.constant 0 : i32
    %dma_start3A_926 = tpu.memref_slice %arg6[%dma_start3A_923, %dma_start3A_924, %dma_start3A_925] : memref<8x128x32xf32, #tpu.memory_space<vmem>> -> memref<1x128x32xf32, #tpu.memory_space<vmem>>
    %dma_start3A_927 = tpu.memref_squeeze %dma_start3A_926 : memref<1x128x32xf32, #tpu.memory_space<vmem>> -> memref<128x32xf32, #tpu.memory_space<vmem>>
    %dma_start3A_928 = arith.constant 0 : i32
    %dma_start3A_929 = tpu.memref_slice %arg4[%add3A_922, %dma_start3A_928] : memref<131072x32xf32, #tpu.memory_space<hbm>> -> memref<128x32xf32, #tpu.memory_space<hbm>>
    %dma_start3A_930 = arith.constant 0 : i32
    %dma_start3A_931 = tpu.memref_slice %arg4[%add3A_922, %dma_start3A_930] : memref<131072x32xf32, #tpu.memory_space<hbm>> -> memref<128x32xf32, #tpu.memory_space<hbm>>
    %dma_start3A_932 = arith.constant 0 : i32
    %dma_start3A_933 = arith.constant 0 : i32
    %dma_start3A_934 = tpu.memref_slice %arg6[%dma_start3A_923, %dma_start3A_932, %dma_start3A_933] : memref<8x128x32xf32, #tpu.memory_space<vmem>> -> memref<1x128x32xf32, #tpu.memory_space<vmem>>
    %dma_start3A_935 = tpu.memref_squeeze %dma_start3A_934 : memref<1x128x32xf32, #tpu.memory_space<vmem>> -> memref<128x32xf32, #tpu.memory_space<vmem>>
    tpu.enqueue_dma source(%dma_start3A_935 : memref<128x32xf32, #tpu.memory_space<vmem>>) target(%dma_start3A_931 : memref<128x32xf32, #tpu.memory_space<hbm>>) target_semaphore(%arg22 : memref<!tpu.dma_semaphore, #tpu.memory_space<semaphore_mem>>)
    %add3A_936 = arith.constant 1920 : i32
    %add3A_937 = arith.addi %mul3A_2, %add3A_936 : i32
    %dma_wait3A_938 = arith.constant 7 : i32
    %dma_wait3A_939 = arith.constant 0 : i32
    %dma_wait3A_940 = arith.constant 0 : i32
    %dma_wait3A_941 = tpu.memref_slice %arg6[%dma_wait3A_938, %dma_wait3A_939, %dma_wait3A_940] : memref<8x128x32xf32, #tpu.memory_space<vmem>> -> memref<1x128x32xf32, #tpu.memory_space<vmem>>
    %dma_wait3A_942 = tpu.memref_squeeze %dma_wait3A_941 : memref<1x128x32xf32, #tpu.memory_space<vmem>> -> memref<128x32xf32, #tpu.memory_space<vmem>>
    %dma_wait3A_943 = arith.constant 0 : i32
    %dma_wait3A_944 = tpu.memref_slice %arg4[%add3A_937, %dma_wait3A_943] : memref<131072x32xf32, #tpu.memory_space<hbm>> -> memref<128x32xf32, #tpu.memory_space<hbm>>
    %dma_wait3A_945 = arith.constant 0 : i32
    %dma_wait3A_946 = tpu.memref_slice %arg4[%add3A_937, %dma_wait3A_945] : memref<131072x32xf32, #tpu.memory_space<hbm>> -> memref<128x32xf32, #tpu.memory_space<hbm>>
    %dma_wait3A_947 = arith.constant 0 : i32
    %dma_wait3A_948 = arith.constant 0 : i32
    %dma_wait3A_949 = tpu.memref_slice %arg6[%dma_wait3A_938, %dma_wait3A_947, %dma_wait3A_948] : memref<8x128x32xf32, #tpu.memory_space<vmem>> -> memref<1x128x32xf32, #tpu.memory_space<vmem>>
    %dma_wait3A_950 = tpu.memref_squeeze %dma_wait3A_949 : memref<1x128x32xf32, #tpu.memory_space<vmem>> -> memref<128x32xf32, #tpu.memory_space<vmem>>
    tpu.wait_dma2 semaphore(%arg22 : memref<!tpu.dma_semaphore, #tpu.memory_space<semaphore_mem>>) src(%dma_wait3A_950 : memref<128x32xf32, #tpu.memory_space<vmem>>) dst(%dma_wait3A_946 : memref<128x32xf32, #tpu.memory_space<hbm>>)
    %dma_start3A_951 = arith.constant 23 : i32
    %dma_start3A_952 = arith.constant 7 : i32
    %dma_start3A_953 = arith.constant 0 : i32
    %dma_start3A_954 = arith.constant 0 : i32
    %dma_start3A_955 = tpu.memref_slice %arg6[%dma_start3A_952, %dma_start3A_953, %dma_start3A_954] : memref<8x128x32xf32, #tpu.memory_space<vmem>> -> memref<1x128x32xf32, #tpu.memory_space<vmem>>
    %dma_start3A_956 = tpu.memref_squeeze %dma_start3A_955 : memref<1x128x32xf32, #tpu.memory_space<vmem>> -> memref<128x32xf32, #tpu.memory_space<vmem>>
    %dma_start3A_957 = arith.constant 0 : i32
    %dma_start3A_958 = tpu.memref_slice %arg5[%dma_start3A_951, %dma_start3A_957] : memref<32x128xi32, #tpu.memory_space<vmem>> -> memref<1x128xi32, #tpu.memory_space<vmem>>
    %dma_start3A_959 = tpu.memref_squeeze %dma_start3A_958 : memref<1x128xi32, #tpu.memory_space<vmem>> -> memref<128xi32, #tpu.memory_space<vmem>>
    %dma_start3A_960 = arith.constant 0 : i32
    %dma_start3A_961 = arith.constant 0 : i32
    %dma_start3A_962 = tpu.memref_slice %arg3[%dma_start3A_960, %dma_start3A_961] : memref<4000000x32xf32, #tpu.memory_space<hbm>> -> memref<4000000x32xf32, #tpu.memory_space<hbm>>
    tpu.enqueue_indirect_dma source(%dma_start3A_962 : memref<4000000x32xf32, #tpu.memory_space<hbm>>) target(%dma_start3A_956 : memref<128x32xf32, #tpu.memory_space<vmem>>) offsets(%dma_start3A_959 : memref<128xi32, #tpu.memory_space<vmem>>) semaphore(%arg14 : memref<!tpu.dma_semaphore, #tpu.memory_space<semaphore_mem>>)
    %dma_wait3A_963 = arith.constant 16 : i32
    %dma_wait3A_964 = arith.constant 0 : i32
    %dma_wait3A_965 = arith.constant 0 : i32
    %dma_wait3A_966 = arith.constant 0 : i32
    %dma_wait3A_967 = tpu.memref_slice %arg6[%dma_wait3A_964, %dma_wait3A_965, %dma_wait3A_966] : memref<8x128x32xf32, #tpu.memory_space<vmem>> -> memref<1x128x32xf32, #tpu.memory_space<vmem>>
    %dma_wait3A_968 = tpu.memref_squeeze %dma_wait3A_967 : memref<1x128x32xf32, #tpu.memory_space<vmem>> -> memref<128x32xf32, #tpu.memory_space<vmem>>
    %dma_wait3A_969 = arith.constant 0 : i32
    %dma_wait3A_970 = tpu.memref_slice %arg5[%dma_wait3A_963, %dma_wait3A_969] : memref<32x128xi32, #tpu.memory_space<vmem>> -> memref<1x128xi32, #tpu.memory_space<vmem>>
    %dma_wait3A_971 = tpu.memref_squeeze %dma_wait3A_970 : memref<1x128xi32, #tpu.memory_space<vmem>> -> memref<128xi32, #tpu.memory_space<vmem>>
    %dma_wait3A_972 = arith.constant 0 : i32
    %dma_wait3A_973 = arith.constant 0 : i32
    %dma_wait3A_974 = tpu.memref_slice %arg3[%dma_wait3A_972, %dma_wait3A_973] : memref<4000000x32xf32, #tpu.memory_space<hbm>> -> memref<4000000x32xf32, #tpu.memory_space<hbm>>
    tpu.wait_indirect_dma semaphore(%arg7 : memref<!tpu.dma_semaphore, #tpu.memory_space<semaphore_mem>>) src(%dma_wait3A_974 : memref<4000000x32xf32, #tpu.memory_space<hbm>>) dst(%dma_wait3A_968 : memref<128x32xf32, #tpu.memory_space<vmem>>)
    %add3A_975 = arith.constant 2048 : i32
    %add3A_976 = arith.addi %mul3A_2, %add3A_975 : i32
    %dma_start3A_977 = arith.constant 0 : i32
    %dma_start3A_978 = arith.constant 0 : i32
    %dma_start3A_979 = arith.constant 0 : i32
    %dma_start3A_980 = tpu.memref_slice %arg6[%dma_start3A_977, %dma_start3A_978, %dma_start3A_979] : memref<8x128x32xf32, #tpu.memory_space<vmem>> -> memref<1x128x32xf32, #tpu.memory_space<vmem>>
    %dma_start3A_981 = tpu.memref_squeeze %dma_start3A_980 : memref<1x128x32xf32, #tpu.memory_space<vmem>> -> memref<128x32xf32, #tpu.memory_space<vmem>>
    %dma_start3A_982 = arith.constant 0 : i32
    %dma_start3A_983 = tpu.memref_slice %arg4[%add3A_976, %dma_start3A_982] : memref<131072x32xf32, #tpu.memory_space<hbm>> -> memref<128x32xf32, #tpu.memory_space<hbm>>
    %dma_start3A_984 = arith.constant 0 : i32
    %dma_start3A_985 = tpu.memref_slice %arg4[%add3A_976, %dma_start3A_984] : memref<131072x32xf32, #tpu.memory_space<hbm>> -> memref<128x32xf32, #tpu.memory_space<hbm>>
    %dma_start3A_986 = arith.constant 0 : i32
    %dma_start3A_987 = arith.constant 0 : i32
    %dma_start3A_988 = tpu.memref_slice %arg6[%dma_start3A_977, %dma_start3A_986, %dma_start3A_987] : memref<8x128x32xf32, #tpu.memory_space<vmem>> -> memref<1x128x32xf32, #tpu.memory_space<vmem>>
    %dma_start3A_989 = tpu.memref_squeeze %dma_start3A_988 : memref<1x128x32xf32, #tpu.memory_space<vmem>> -> memref<128x32xf32, #tpu.memory_space<vmem>>
    tpu.enqueue_dma source(%dma_start3A_989 : memref<128x32xf32, #tpu.memory_space<vmem>>) target(%dma_start3A_985 : memref<128x32xf32, #tpu.memory_space<hbm>>) target_semaphore(%arg15 : memref<!tpu.dma_semaphore, #tpu.memory_space<semaphore_mem>>)
    %add3A_990 = arith.constant 2048 : i32
    %add3A_991 = arith.addi %mul3A_2, %add3A_990 : i32
    %dma_wait3A_992 = arith.constant 0 : i32
    %dma_wait3A_993 = arith.constant 0 : i32
    %dma_wait3A_994 = arith.constant 0 : i32
    %dma_wait3A_995 = tpu.memref_slice %arg6[%dma_wait3A_992, %dma_wait3A_993, %dma_wait3A_994] : memref<8x128x32xf32, #tpu.memory_space<vmem>> -> memref<1x128x32xf32, #tpu.memory_space<vmem>>
    %dma_wait3A_996 = tpu.memref_squeeze %dma_wait3A_995 : memref<1x128x32xf32, #tpu.memory_space<vmem>> -> memref<128x32xf32, #tpu.memory_space<vmem>>
    %dma_wait3A_997 = arith.constant 0 : i32
    %dma_wait3A_998 = tpu.memref_slice %arg4[%add3A_991, %dma_wait3A_997] : memref<131072x32xf32, #tpu.memory_space<hbm>> -> memref<128x32xf32, #tpu.memory_space<hbm>>
    %dma_wait3A_999 = arith.constant 0 : i32
    %dma_wait3A_1000 = tpu.memref_slice %arg4[%add3A_991, %dma_wait3A_999] : memref<131072x32xf32, #tpu.memory_space<hbm>> -> memref<128x32xf32, #tpu.memory_space<hbm>>
    %dma_wait3A_1001 = arith.constant 0 : i32
    %dma_wait3A_1002 = arith.constant 0 : i32
    %dma_wait3A_1003 = tpu.memref_slice %arg6[%dma_wait3A_992, %dma_wait3A_1001, %dma_wait3A_1002] : memref<8x128x32xf32, #tpu.memory_space<vmem>> -> memref<1x128x32xf32, #tpu.memory_space<vmem>>
    %dma_wait3A_1004 = tpu.memref_squeeze %dma_wait3A_1003 : memref<1x128x32xf32, #tpu.memory_space<vmem>> -> memref<128x32xf32, #tpu.memory_space<vmem>>
    tpu.wait_dma2 semaphore(%arg15 : memref<!tpu.dma_semaphore, #tpu.memory_space<semaphore_mem>>) src(%dma_wait3A_1004 : memref<128x32xf32, #tpu.memory_space<vmem>>) dst(%dma_wait3A_1000 : memref<128x32xf32, #tpu.memory_space<hbm>>)
    %dma_start3A_1005 = arith.constant 24 : i32
    %dma_start3A_1006 = arith.constant 0 : i32
    %dma_start3A_1007 = arith.constant 0 : i32
    %dma_start3A_1008 = arith.constant 0 : i32
    %dma_start3A_1009 = tpu.memref_slice %arg6[%dma_start3A_1006, %dma_start3A_1007, %dma_start3A_1008] : memref<8x128x32xf32, #tpu.memory_space<vmem>> -> memref<1x128x32xf32, #tpu.memory_space<vmem>>
    %dma_start3A_1010 = tpu.memref_squeeze %dma_start3A_1009 : memref<1x128x32xf32, #tpu.memory_space<vmem>> -> memref<128x32xf32, #tpu.memory_space<vmem>>
    %dma_start3A_1011 = arith.constant 0 : i32
    %dma_start3A_1012 = tpu.memref_slice %arg5[%dma_start3A_1005, %dma_start3A_1011] : memref<32x128xi32, #tpu.memory_space<vmem>> -> memref<1x128xi32, #tpu.memory_space<vmem>>
    %dma_start3A_1013 = tpu.memref_squeeze %dma_start3A_1012 : memref<1x128xi32, #tpu.memory_space<vmem>> -> memref<128xi32, #tpu.memory_space<vmem>>
    %dma_start3A_1014 = arith.constant 0 : i32
    %dma_start3A_1015 = arith.constant 0 : i32
    %dma_start3A_1016 = tpu.memref_slice %arg3[%dma_start3A_1014, %dma_start3A_1015] : memref<4000000x32xf32, #tpu.memory_space<hbm>> -> memref<4000000x32xf32, #tpu.memory_space<hbm>>
    tpu.enqueue_indirect_dma source(%dma_start3A_1016 : memref<4000000x32xf32, #tpu.memory_space<hbm>>) target(%dma_start3A_1010 : memref<128x32xf32, #tpu.memory_space<vmem>>) offsets(%dma_start3A_1013 : memref<128xi32, #tpu.memory_space<vmem>>) semaphore(%arg7 : memref<!tpu.dma_semaphore, #tpu.memory_space<semaphore_mem>>)
    %dma_wait3A_1017 = arith.constant 17 : i32
    %dma_wait3A_1018 = arith.constant 1 : i32
    %dma_wait3A_1019 = arith.constant 0 : i32
    %dma_wait3A_1020 = arith.constant 0 : i32
    %dma_wait3A_1021 = tpu.memref_slice %arg6[%dma_wait3A_1018, %dma_wait3A_1019, %dma_wait3A_1020] : memref<8x128x32xf32, #tpu.memory_space<vmem>> -> memref<1x128x32xf32, #tpu.memory_space<vmem>>
    %dma_wait3A_1022 = tpu.memref_squeeze %dma_wait3A_1021 : memref<1x128x32xf32, #tpu.memory_space<vmem>> -> memref<128x32xf32, #tpu.memory_space<vmem>>
    %dma_wait3A_1023 = arith.constant 0 : i32
    %dma_wait3A_1024 = tpu.memref_slice %arg5[%dma_wait3A_1017, %dma_wait3A_1023] : memref<32x128xi32, #tpu.memory_space<vmem>> -> memref<1x128xi32, #tpu.memory_space<vmem>>
    %dma_wait3A_1025 = tpu.memref_squeeze %dma_wait3A_1024 : memref<1x128xi32, #tpu.memory_space<vmem>> -> memref<128xi32, #tpu.memory_space<vmem>>
    %dma_wait3A_1026 = arith.constant 0 : i32
    %dma_wait3A_1027 = arith.constant 0 : i32
    %dma_wait3A_1028 = tpu.memref_slice %arg3[%dma_wait3A_1026, %dma_wait3A_1027] : memref<4000000x32xf32, #tpu.memory_space<hbm>> -> memref<4000000x32xf32, #tpu.memory_space<hbm>>
    tpu.wait_indirect_dma semaphore(%arg8 : memref<!tpu.dma_semaphore, #tpu.memory_space<semaphore_mem>>) src(%dma_wait3A_1028 : memref<4000000x32xf32, #tpu.memory_space<hbm>>) dst(%dma_wait3A_1022 : memref<128x32xf32, #tpu.memory_space<vmem>>)
    %add3A_1029 = arith.constant 2176 : i32
    %add3A_1030 = arith.addi %mul3A_2, %add3A_1029 : i32
    %dma_start3A_1031 = arith.constant 1 : i32
    %dma_start3A_1032 = arith.constant 0 : i32
    %dma_start3A_1033 = arith.constant 0 : i32
    %dma_start3A_1034 = tpu.memref_slice %arg6[%dma_start3A_1031, %dma_start3A_1032, %dma_start3A_1033] : memref<8x128x32xf32, #tpu.memory_space<vmem>> -> memref<1x128x32xf32, #tpu.memory_space<vmem>>
    %dma_start3A_1035 = tpu.memref_squeeze %dma_start3A_1034 : memref<1x128x32xf32, #tpu.memory_space<vmem>> -> memref<128x32xf32, #tpu.memory_space<vmem>>
    %dma_start3A_1036 = arith.constant 0 : i32
    %dma_start3A_1037 = tpu.memref_slice %arg4[%add3A_1030, %dma_start3A_1036] : memref<131072x32xf32, #tpu.memory_space<hbm>> -> memref<128x32xf32, #tpu.memory_space<hbm>>
    %dma_start3A_1038 = arith.constant 0 : i32
    %dma_start3A_1039 = tpu.memref_slice %arg4[%add3A_1030, %dma_start3A_1038] : memref<131072x32xf32, #tpu.memory_space<hbm>> -> memref<128x32xf32, #tpu.memory_space<hbm>>
    %dma_start3A_1040 = arith.constant 0 : i32
    %dma_start3A_1041 = arith.constant 0 : i32
    %dma_start3A_1042 = tpu.memref_slice %arg6[%dma_start3A_1031, %dma_start3A_1040, %dma_start3A_1041] : memref<8x128x32xf32, #tpu.memory_space<vmem>> -> memref<1x128x32xf32, #tpu.memory_space<vmem>>
    %dma_start3A_1043 = tpu.memref_squeeze %dma_start3A_1042 : memref<1x128x32xf32, #tpu.memory_space<vmem>> -> memref<128x32xf32, #tpu.memory_space<vmem>>
    tpu.enqueue_dma source(%dma_start3A_1043 : memref<128x32xf32, #tpu.memory_space<vmem>>) target(%dma_start3A_1039 : memref<128x32xf32, #tpu.memory_space<hbm>>) target_semaphore(%arg16 : memref<!tpu.dma_semaphore, #tpu.memory_space<semaphore_mem>>)
    %add3A_1044 = arith.constant 2176 : i32
    %add3A_1045 = arith.addi %mul3A_2, %add3A_1044 : i32
    %dma_wait3A_1046 = arith.constant 1 : i32
    %dma_wait3A_1047 = arith.constant 0 : i32
    %dma_wait3A_1048 = arith.constant 0 : i32
    %dma_wait3A_1049 = tpu.memref_slice %arg6[%dma_wait3A_1046, %dma_wait3A_1047, %dma_wait3A_1048] : memref<8x128x32xf32, #tpu.memory_space<vmem>> -> memref<1x128x32xf32, #tpu.memory_space<vmem>>
    %dma_wait3A_1050 = tpu.memref_squeeze %dma_wait3A_1049 : memref<1x128x32xf32, #tpu.memory_space<vmem>> -> memref<128x32xf32, #tpu.memory_space<vmem>>
    %dma_wait3A_1051 = arith.constant 0 : i32
    %dma_wait3A_1052 = tpu.memref_slice %arg4[%add3A_1045, %dma_wait3A_1051] : memref<131072x32xf32, #tpu.memory_space<hbm>> -> memref<128x32xf32, #tpu.memory_space<hbm>>
    %dma_wait3A_1053 = arith.constant 0 : i32
    %dma_wait3A_1054 = tpu.memref_slice %arg4[%add3A_1045, %dma_wait3A_1053] : memref<131072x32xf32, #tpu.memory_space<hbm>> -> memref<128x32xf32, #tpu.memory_space<hbm>>
    %dma_wait3A_1055 = arith.constant 0 : i32
    %dma_wait3A_1056 = arith.constant 0 : i32
    %dma_wait3A_1057 = tpu.memref_slice %arg6[%dma_wait3A_1046, %dma_wait3A_1055, %dma_wait3A_1056] : memref<8x128x32xf32, #tpu.memory_space<vmem>> -> memref<1x128x32xf32, #tpu.memory_space<vmem>>
    %dma_wait3A_1058 = tpu.memref_squeeze %dma_wait3A_1057 : memref<1x128x32xf32, #tpu.memory_space<vmem>> -> memref<128x32xf32, #tpu.memory_space<vmem>>
    tpu.wait_dma2 semaphore(%arg16 : memref<!tpu.dma_semaphore, #tpu.memory_space<semaphore_mem>>) src(%dma_wait3A_1058 : memref<128x32xf32, #tpu.memory_space<vmem>>) dst(%dma_wait3A_1054 : memref<128x32xf32, #tpu.memory_space<hbm>>)
    %dma_start3A_1059 = arith.constant 25 : i32
    %dma_start3A_1060 = arith.constant 1 : i32
    %dma_start3A_1061 = arith.constant 0 : i32
    %dma_start3A_1062 = arith.constant 0 : i32
    %dma_start3A_1063 = tpu.memref_slice %arg6[%dma_start3A_1060, %dma_start3A_1061, %dma_start3A_1062] : memref<8x128x32xf32, #tpu.memory_space<vmem>> -> memref<1x128x32xf32, #tpu.memory_space<vmem>>
    %dma_start3A_1064 = tpu.memref_squeeze %dma_start3A_1063 : memref<1x128x32xf32, #tpu.memory_space<vmem>> -> memref<128x32xf32, #tpu.memory_space<vmem>>
    %dma_start3A_1065 = arith.constant 0 : i32
    %dma_start3A_1066 = tpu.memref_slice %arg5[%dma_start3A_1059, %dma_start3A_1065] : memref<32x128xi32, #tpu.memory_space<vmem>> -> memref<1x128xi32, #tpu.memory_space<vmem>>
    %dma_start3A_1067 = tpu.memref_squeeze %dma_start3A_1066 : memref<1x128xi32, #tpu.memory_space<vmem>> -> memref<128xi32, #tpu.memory_space<vmem>>
    %dma_start3A_1068 = arith.constant 0 : i32
    %dma_start3A_1069 = arith.constant 0 : i32
    %dma_start3A_1070 = tpu.memref_slice %arg3[%dma_start3A_1068, %dma_start3A_1069] : memref<4000000x32xf32, #tpu.memory_space<hbm>> -> memref<4000000x32xf32, #tpu.memory_space<hbm>>
    tpu.enqueue_indirect_dma source(%dma_start3A_1070 : memref<4000000x32xf32, #tpu.memory_space<hbm>>) target(%dma_start3A_1064 : memref<128x32xf32, #tpu.memory_space<vmem>>) offsets(%dma_start3A_1067 : memref<128xi32, #tpu.memory_space<vmem>>) semaphore(%arg8 : memref<!tpu.dma_semaphore, #tpu.memory_space<semaphore_mem>>)
    %dma_wait3A_1071 = arith.constant 18 : i32
    %dma_wait3A_1072 = arith.constant 2 : i32
    %dma_wait3A_1073 = arith.constant 0 : i32
    %dma_wait3A_1074 = arith.constant 0 : i32
    %dma_wait3A_1075 = tpu.memref_slice %arg6[%dma_wait3A_1072, %dma_wait3A_1073, %dma_wait3A_1074] : memref<8x128x32xf32, #tpu.memory_space<vmem>> -> memref<1x128x32xf32, #tpu.memory_space<vmem>>
    %dma_wait3A_1076 = tpu.memref_squeeze %dma_wait3A_1075 : memref<1x128x32xf32, #tpu.memory_space<vmem>> -> memref<128x32xf32, #tpu.memory_space<vmem>>
    %dma_wait3A_1077 = arith.constant 0 : i32
    %dma_wait3A_1078 = tpu.memref_slice %arg5[%dma_wait3A_1071, %dma_wait3A_1077] : memref<32x128xi32, #tpu.memory_space<vmem>> -> memref<1x128xi32, #tpu.memory_space<vmem>>
    %dma_wait3A_1079 = tpu.memref_squeeze %dma_wait3A_1078 : memref<1x128xi32, #tpu.memory_space<vmem>> -> memref<128xi32, #tpu.memory_space<vmem>>
    %dma_wait3A_1080 = arith.constant 0 : i32
    %dma_wait3A_1081 = arith.constant 0 : i32
    %dma_wait3A_1082 = tpu.memref_slice %arg3[%dma_wait3A_1080, %dma_wait3A_1081] : memref<4000000x32xf32, #tpu.memory_space<hbm>> -> memref<4000000x32xf32, #tpu.memory_space<hbm>>
    tpu.wait_indirect_dma semaphore(%arg9 : memref<!tpu.dma_semaphore, #tpu.memory_space<semaphore_mem>>) src(%dma_wait3A_1082 : memref<4000000x32xf32, #tpu.memory_space<hbm>>) dst(%dma_wait3A_1076 : memref<128x32xf32, #tpu.memory_space<vmem>>)
    %add3A_1083 = arith.constant 2304 : i32
    %add3A_1084 = arith.addi %mul3A_2, %add3A_1083 : i32
    %dma_start3A_1085 = arith.constant 2 : i32
    %dma_start3A_1086 = arith.constant 0 : i32
    %dma_start3A_1087 = arith.constant 0 : i32
    %dma_start3A_1088 = tpu.memref_slice %arg6[%dma_start3A_1085, %dma_start3A_1086, %dma_start3A_1087] : memref<8x128x32xf32, #tpu.memory_space<vmem>> -> memref<1x128x32xf32, #tpu.memory_space<vmem>>
    %dma_start3A_1089 = tpu.memref_squeeze %dma_start3A_1088 : memref<1x128x32xf32, #tpu.memory_space<vmem>> -> memref<128x32xf32, #tpu.memory_space<vmem>>
    %dma_start3A_1090 = arith.constant 0 : i32
    %dma_start3A_1091 = tpu.memref_slice %arg4[%add3A_1084, %dma_start3A_1090] : memref<131072x32xf32, #tpu.memory_space<hbm>> -> memref<128x32xf32, #tpu.memory_space<hbm>>
    %dma_start3A_1092 = arith.constant 0 : i32
    %dma_start3A_1093 = tpu.memref_slice %arg4[%add3A_1084, %dma_start3A_1092] : memref<131072x32xf32, #tpu.memory_space<hbm>> -> memref<128x32xf32, #tpu.memory_space<hbm>>
    %dma_start3A_1094 = arith.constant 0 : i32
    %dma_start3A_1095 = arith.constant 0 : i32
    %dma_start3A_1096 = tpu.memref_slice %arg6[%dma_start3A_1085, %dma_start3A_1094, %dma_start3A_1095] : memref<8x128x32xf32, #tpu.memory_space<vmem>> -> memref<1x128x32xf32, #tpu.memory_space<vmem>>
    %dma_start3A_1097 = tpu.memref_squeeze %dma_start3A_1096 : memref<1x128x32xf32, #tpu.memory_space<vmem>> -> memref<128x32xf32, #tpu.memory_space<vmem>>
    tpu.enqueue_dma source(%dma_start3A_1097 : memref<128x32xf32, #tpu.memory_space<vmem>>) target(%dma_start3A_1093 : memref<128x32xf32, #tpu.memory_space<hbm>>) target_semaphore(%arg17 : memref<!tpu.dma_semaphore, #tpu.memory_space<semaphore_mem>>)
    %add3A_1098 = arith.constant 2304 : i32
    %add3A_1099 = arith.addi %mul3A_2, %add3A_1098 : i32
    %dma_wait3A_1100 = arith.constant 2 : i32
    %dma_wait3A_1101 = arith.constant 0 : i32
    %dma_wait3A_1102 = arith.constant 0 : i32
    %dma_wait3A_1103 = tpu.memref_slice %arg6[%dma_wait3A_1100, %dma_wait3A_1101, %dma_wait3A_1102] : memref<8x128x32xf32, #tpu.memory_space<vmem>> -> memref<1x128x32xf32, #tpu.memory_space<vmem>>
    %dma_wait3A_1104 = tpu.memref_squeeze %dma_wait3A_1103 : memref<1x128x32xf32, #tpu.memory_space<vmem>> -> memref<128x32xf32, #tpu.memory_space<vmem>>
    %dma_wait3A_1105 = arith.constant 0 : i32
    %dma_wait3A_1106 = tpu.memref_slice %arg4[%add3A_1099, %dma_wait3A_1105] : memref<131072x32xf32, #tpu.memory_space<hbm>> -> memref<128x32xf32, #tpu.memory_space<hbm>>
    %dma_wait3A_1107 = arith.constant 0 : i32
    %dma_wait3A_1108 = tpu.memref_slice %arg4[%add3A_1099, %dma_wait3A_1107] : memref<131072x32xf32, #tpu.memory_space<hbm>> -> memref<128x32xf32, #tpu.memory_space<hbm>>
    %dma_wait3A_1109 = arith.constant 0 : i32
    %dma_wait3A_1110 = arith.constant 0 : i32
    %dma_wait3A_1111 = tpu.memref_slice %arg6[%dma_wait3A_1100, %dma_wait3A_1109, %dma_wait3A_1110] : memref<8x128x32xf32, #tpu.memory_space<vmem>> -> memref<1x128x32xf32, #tpu.memory_space<vmem>>
    %dma_wait3A_1112 = tpu.memref_squeeze %dma_wait3A_1111 : memref<1x128x32xf32, #tpu.memory_space<vmem>> -> memref<128x32xf32, #tpu.memory_space<vmem>>
    tpu.wait_dma2 semaphore(%arg17 : memref<!tpu.dma_semaphore, #tpu.memory_space<semaphore_mem>>) src(%dma_wait3A_1112 : memref<128x32xf32, #tpu.memory_space<vmem>>) dst(%dma_wait3A_1108 : memref<128x32xf32, #tpu.memory_space<hbm>>)
    %dma_start3A_1113 = arith.constant 26 : i32
    %dma_start3A_1114 = arith.constant 2 : i32
    %dma_start3A_1115 = arith.constant 0 : i32
    %dma_start3A_1116 = arith.constant 0 : i32
    %dma_start3A_1117 = tpu.memref_slice %arg6[%dma_start3A_1114, %dma_start3A_1115, %dma_start3A_1116] : memref<8x128x32xf32, #tpu.memory_space<vmem>> -> memref<1x128x32xf32, #tpu.memory_space<vmem>>
    %dma_start3A_1118 = tpu.memref_squeeze %dma_start3A_1117 : memref<1x128x32xf32, #tpu.memory_space<vmem>> -> memref<128x32xf32, #tpu.memory_space<vmem>>
    %dma_start3A_1119 = arith.constant 0 : i32
    %dma_start3A_1120 = tpu.memref_slice %arg5[%dma_start3A_1113, %dma_start3A_1119] : memref<32x128xi32, #tpu.memory_space<vmem>> -> memref<1x128xi32, #tpu.memory_space<vmem>>
    %dma_start3A_1121 = tpu.memref_squeeze %dma_start3A_1120 : memref<1x128xi32, #tpu.memory_space<vmem>> -> memref<128xi32, #tpu.memory_space<vmem>>
    %dma_start3A_1122 = arith.constant 0 : i32
    %dma_start3A_1123 = arith.constant 0 : i32
    %dma_start3A_1124 = tpu.memref_slice %arg3[%dma_start3A_1122, %dma_start3A_1123] : memref<4000000x32xf32, #tpu.memory_space<hbm>> -> memref<4000000x32xf32, #tpu.memory_space<hbm>>
    tpu.enqueue_indirect_dma source(%dma_start3A_1124 : memref<4000000x32xf32, #tpu.memory_space<hbm>>) target(%dma_start3A_1118 : memref<128x32xf32, #tpu.memory_space<vmem>>) offsets(%dma_start3A_1121 : memref<128xi32, #tpu.memory_space<vmem>>) semaphore(%arg9 : memref<!tpu.dma_semaphore, #tpu.memory_space<semaphore_mem>>)
    %dma_wait3A_1125 = arith.constant 19 : i32
    %dma_wait3A_1126 = arith.constant 3 : i32
    %dma_wait3A_1127 = arith.constant 0 : i32
    %dma_wait3A_1128 = arith.constant 0 : i32
    %dma_wait3A_1129 = tpu.memref_slice %arg6[%dma_wait3A_1126, %dma_wait3A_1127, %dma_wait3A_1128] : memref<8x128x32xf32, #tpu.memory_space<vmem>> -> memref<1x128x32xf32, #tpu.memory_space<vmem>>
    %dma_wait3A_1130 = tpu.memref_squeeze %dma_wait3A_1129 : memref<1x128x32xf32, #tpu.memory_space<vmem>> -> memref<128x32xf32, #tpu.memory_space<vmem>>
    %dma_wait3A_1131 = arith.constant 0 : i32
    %dma_wait3A_1132 = tpu.memref_slice %arg5[%dma_wait3A_1125, %dma_wait3A_1131] : memref<32x128xi32, #tpu.memory_space<vmem>> -> memref<1x128xi32, #tpu.memory_space<vmem>>
    %dma_wait3A_1133 = tpu.memref_squeeze %dma_wait3A_1132 : memref<1x128xi32, #tpu.memory_space<vmem>> -> memref<128xi32, #tpu.memory_space<vmem>>
    %dma_wait3A_1134 = arith.constant 0 : i32
    %dma_wait3A_1135 = arith.constant 0 : i32
    %dma_wait3A_1136 = tpu.memref_slice %arg3[%dma_wait3A_1134, %dma_wait3A_1135] : memref<4000000x32xf32, #tpu.memory_space<hbm>> -> memref<4000000x32xf32, #tpu.memory_space<hbm>>
    tpu.wait_indirect_dma semaphore(%arg10 : memref<!tpu.dma_semaphore, #tpu.memory_space<semaphore_mem>>) src(%dma_wait3A_1136 : memref<4000000x32xf32, #tpu.memory_space<hbm>>) dst(%dma_wait3A_1130 : memref<128x32xf32, #tpu.memory_space<vmem>>)
    %add3A_1137 = arith.constant 2432 : i32
    %add3A_1138 = arith.addi %mul3A_2, %add3A_1137 : i32
    %dma_start3A_1139 = arith.constant 3 : i32
    %dma_start3A_1140 = arith.constant 0 : i32
    %dma_start3A_1141 = arith.constant 0 : i32
    %dma_start3A_1142 = tpu.memref_slice %arg6[%dma_start3A_1139, %dma_start3A_1140, %dma_start3A_1141] : memref<8x128x32xf32, #tpu.memory_space<vmem>> -> memref<1x128x32xf32, #tpu.memory_space<vmem>>
    %dma_start3A_1143 = tpu.memref_squeeze %dma_start3A_1142 : memref<1x128x32xf32, #tpu.memory_space<vmem>> -> memref<128x32xf32, #tpu.memory_space<vmem>>
    %dma_start3A_1144 = arith.constant 0 : i32
    %dma_start3A_1145 = tpu.memref_slice %arg4[%add3A_1138, %dma_start3A_1144] : memref<131072x32xf32, #tpu.memory_space<hbm>> -> memref<128x32xf32, #tpu.memory_space<hbm>>
    %dma_start3A_1146 = arith.constant 0 : i32
    %dma_start3A_1147 = tpu.memref_slice %arg4[%add3A_1138, %dma_start3A_1146] : memref<131072x32xf32, #tpu.memory_space<hbm>> -> memref<128x32xf32, #tpu.memory_space<hbm>>
    %dma_start3A_1148 = arith.constant 0 : i32
    %dma_start3A_1149 = arith.constant 0 : i32
    %dma_start3A_1150 = tpu.memref_slice %arg6[%dma_start3A_1139, %dma_start3A_1148, %dma_start3A_1149] : memref<8x128x32xf32, #tpu.memory_space<vmem>> -> memref<1x128x32xf32, #tpu.memory_space<vmem>>
    %dma_start3A_1151 = tpu.memref_squeeze %dma_start3A_1150 : memref<1x128x32xf32, #tpu.memory_space<vmem>> -> memref<128x32xf32, #tpu.memory_space<vmem>>
    tpu.enqueue_dma source(%dma_start3A_1151 : memref<128x32xf32, #tpu.memory_space<vmem>>) target(%dma_start3A_1147 : memref<128x32xf32, #tpu.memory_space<hbm>>) target_semaphore(%arg18 : memref<!tpu.dma_semaphore, #tpu.memory_space<semaphore_mem>>)
    %add3A_1152 = arith.constant 2432 : i32
    %add3A_1153 = arith.addi %mul3A_2, %add3A_1152 : i32
    %dma_wait3A_1154 = arith.constant 3 : i32
    %dma_wait3A_1155 = arith.constant 0 : i32
    %dma_wait3A_1156 = arith.constant 0 : i32
    %dma_wait3A_1157 = tpu.memref_slice %arg6[%dma_wait3A_1154, %dma_wait3A_1155, %dma_wait3A_1156] : memref<8x128x32xf32, #tpu.memory_space<vmem>> -> memref<1x128x32xf32, #tpu.memory_space<vmem>>
    %dma_wait3A_1158 = tpu.memref_squeeze %dma_wait3A_1157 : memref<1x128x32xf32, #tpu.memory_space<vmem>> -> memref<128x32xf32, #tpu.memory_space<vmem>>
    %dma_wait3A_1159 = arith.constant 0 : i32
    %dma_wait3A_1160 = tpu.memref_slice %arg4[%add3A_1153, %dma_wait3A_1159] : memref<131072x32xf32, #tpu.memory_space<hbm>> -> memref<128x32xf32, #tpu.memory_space<hbm>>
    %dma_wait3A_1161 = arith.constant 0 : i32
    %dma_wait3A_1162 = tpu.memref_slice %arg4[%add3A_1153, %dma_wait3A_1161] : memref<131072x32xf32, #tpu.memory_space<hbm>> -> memref<128x32xf32, #tpu.memory_space<hbm>>
    %dma_wait3A_1163 = arith.constant 0 : i32
    %dma_wait3A_1164 = arith.constant 0 : i32
    %dma_wait3A_1165 = tpu.memref_slice %arg6[%dma_wait3A_1154, %dma_wait3A_1163, %dma_wait3A_1164] : memref<8x128x32xf32, #tpu.memory_space<vmem>> -> memref<1x128x32xf32, #tpu.memory_space<vmem>>
    %dma_wait3A_1166 = tpu.memref_squeeze %dma_wait3A_1165 : memref<1x128x32xf32, #tpu.memory_space<vmem>> -> memref<128x32xf32, #tpu.memory_space<vmem>>
    tpu.wait_dma2 semaphore(%arg18 : memref<!tpu.dma_semaphore, #tpu.memory_space<semaphore_mem>>) src(%dma_wait3A_1166 : memref<128x32xf32, #tpu.memory_space<vmem>>) dst(%dma_wait3A_1162 : memref<128x32xf32, #tpu.memory_space<hbm>>)
    %dma_start3A_1167 = arith.constant 27 : i32
    %dma_start3A_1168 = arith.constant 3 : i32
    %dma_start3A_1169 = arith.constant 0 : i32
    %dma_start3A_1170 = arith.constant 0 : i32
    %dma_start3A_1171 = tpu.memref_slice %arg6[%dma_start3A_1168, %dma_start3A_1169, %dma_start3A_1170] : memref<8x128x32xf32, #tpu.memory_space<vmem>> -> memref<1x128x32xf32, #tpu.memory_space<vmem>>
    %dma_start3A_1172 = tpu.memref_squeeze %dma_start3A_1171 : memref<1x128x32xf32, #tpu.memory_space<vmem>> -> memref<128x32xf32, #tpu.memory_space<vmem>>
    %dma_start3A_1173 = arith.constant 0 : i32
    %dma_start3A_1174 = tpu.memref_slice %arg5[%dma_start3A_1167, %dma_start3A_1173] : memref<32x128xi32, #tpu.memory_space<vmem>> -> memref<1x128xi32, #tpu.memory_space<vmem>>
    %dma_start3A_1175 = tpu.memref_squeeze %dma_start3A_1174 : memref<1x128xi32, #tpu.memory_space<vmem>> -> memref<128xi32, #tpu.memory_space<vmem>>
    %dma_start3A_1176 = arith.constant 0 : i32
    %dma_start3A_1177 = arith.constant 0 : i32
    %dma_start3A_1178 = tpu.memref_slice %arg3[%dma_start3A_1176, %dma_start3A_1177] : memref<4000000x32xf32, #tpu.memory_space<hbm>> -> memref<4000000x32xf32, #tpu.memory_space<hbm>>
    tpu.enqueue_indirect_dma source(%dma_start3A_1178 : memref<4000000x32xf32, #tpu.memory_space<hbm>>) target(%dma_start3A_1172 : memref<128x32xf32, #tpu.memory_space<vmem>>) offsets(%dma_start3A_1175 : memref<128xi32, #tpu.memory_space<vmem>>) semaphore(%arg10 : memref<!tpu.dma_semaphore, #tpu.memory_space<semaphore_mem>>)
    %dma_wait3A_1179 = arith.constant 20 : i32
    %dma_wait3A_1180 = arith.constant 4 : i32
    %dma_wait3A_1181 = arith.constant 0 : i32
    %dma_wait3A_1182 = arith.constant 0 : i32
    %dma_wait3A_1183 = tpu.memref_slice %arg6[%dma_wait3A_1180, %dma_wait3A_1181, %dma_wait3A_1182] : memref<8x128x32xf32, #tpu.memory_space<vmem>> -> memref<1x128x32xf32, #tpu.memory_space<vmem>>
    %dma_wait3A_1184 = tpu.memref_squeeze %dma_wait3A_1183 : memref<1x128x32xf32, #tpu.memory_space<vmem>> -> memref<128x32xf32, #tpu.memory_space<vmem>>
    %dma_wait3A_1185 = arith.constant 0 : i32
    %dma_wait3A_1186 = tpu.memref_slice %arg5[%dma_wait3A_1179, %dma_wait3A_1185] : memref<32x128xi32, #tpu.memory_space<vmem>> -> memref<1x128xi32, #tpu.memory_space<vmem>>
    %dma_wait3A_1187 = tpu.memref_squeeze %dma_wait3A_1186 : memref<1x128xi32, #tpu.memory_space<vmem>> -> memref<128xi32, #tpu.memory_space<vmem>>
    %dma_wait3A_1188 = arith.constant 0 : i32
    %dma_wait3A_1189 = arith.constant 0 : i32
    %dma_wait3A_1190 = tpu.memref_slice %arg3[%dma_wait3A_1188, %dma_wait3A_1189] : memref<4000000x32xf32, #tpu.memory_space<hbm>> -> memref<4000000x32xf32, #tpu.memory_space<hbm>>
    tpu.wait_indirect_dma semaphore(%arg11 : memref<!tpu.dma_semaphore, #tpu.memory_space<semaphore_mem>>) src(%dma_wait3A_1190 : memref<4000000x32xf32, #tpu.memory_space<hbm>>) dst(%dma_wait3A_1184 : memref<128x32xf32, #tpu.memory_space<vmem>>)
    %add3A_1191 = arith.constant 2560 : i32
    %add3A_1192 = arith.addi %mul3A_2, %add3A_1191 : i32
    %dma_start3A_1193 = arith.constant 4 : i32
    %dma_start3A_1194 = arith.constant 0 : i32
    %dma_start3A_1195 = arith.constant 0 : i32
    %dma_start3A_1196 = tpu.memref_slice %arg6[%dma_start3A_1193, %dma_start3A_1194, %dma_start3A_1195] : memref<8x128x32xf32, #tpu.memory_space<vmem>> -> memref<1x128x32xf32, #tpu.memory_space<vmem>>
    %dma_start3A_1197 = tpu.memref_squeeze %dma_start3A_1196 : memref<1x128x32xf32, #tpu.memory_space<vmem>> -> memref<128x32xf32, #tpu.memory_space<vmem>>
    %dma_start3A_1198 = arith.constant 0 : i32
    %dma_start3A_1199 = tpu.memref_slice %arg4[%add3A_1192, %dma_start3A_1198] : memref<131072x32xf32, #tpu.memory_space<hbm>> -> memref<128x32xf32, #tpu.memory_space<hbm>>
    %dma_start3A_1200 = arith.constant 0 : i32
    %dma_start3A_1201 = tpu.memref_slice %arg4[%add3A_1192, %dma_start3A_1200] : memref<131072x32xf32, #tpu.memory_space<hbm>> -> memref<128x32xf32, #tpu.memory_space<hbm>>
    %dma_start3A_1202 = arith.constant 0 : i32
    %dma_start3A_1203 = arith.constant 0 : i32
    %dma_start3A_1204 = tpu.memref_slice %arg6[%dma_start3A_1193, %dma_start3A_1202, %dma_start3A_1203] : memref<8x128x32xf32, #tpu.memory_space<vmem>> -> memref<1x128x32xf32, #tpu.memory_space<vmem>>
    %dma_start3A_1205 = tpu.memref_squeeze %dma_start3A_1204 : memref<1x128x32xf32, #tpu.memory_space<vmem>> -> memref<128x32xf32, #tpu.memory_space<vmem>>
    tpu.enqueue_dma source(%dma_start3A_1205 : memref<128x32xf32, #tpu.memory_space<vmem>>) target(%dma_start3A_1201 : memref<128x32xf32, #tpu.memory_space<hbm>>) target_semaphore(%arg19 : memref<!tpu.dma_semaphore, #tpu.memory_space<semaphore_mem>>)
    %add3A_1206 = arith.constant 2560 : i32
    %add3A_1207 = arith.addi %mul3A_2, %add3A_1206 : i32
    %dma_wait3A_1208 = arith.constant 4 : i32
    %dma_wait3A_1209 = arith.constant 0 : i32
    %dma_wait3A_1210 = arith.constant 0 : i32
    %dma_wait3A_1211 = tpu.memref_slice %arg6[%dma_wait3A_1208, %dma_wait3A_1209, %dma_wait3A_1210] : memref<8x128x32xf32, #tpu.memory_space<vmem>> -> memref<1x128x32xf32, #tpu.memory_space<vmem>>
    %dma_wait3A_1212 = tpu.memref_squeeze %dma_wait3A_1211 : memref<1x128x32xf32, #tpu.memory_space<vmem>> -> memref<128x32xf32, #tpu.memory_space<vmem>>
    %dma_wait3A_1213 = arith.constant 0 : i32
    %dma_wait3A_1214 = tpu.memref_slice %arg4[%add3A_1207, %dma_wait3A_1213] : memref<131072x32xf32, #tpu.memory_space<hbm>> -> memref<128x32xf32, #tpu.memory_space<hbm>>
    %dma_wait3A_1215 = arith.constant 0 : i32
    %dma_wait3A_1216 = tpu.memref_slice %arg4[%add3A_1207, %dma_wait3A_1215] : memref<131072x32xf32, #tpu.memory_space<hbm>> -> memref<128x32xf32, #tpu.memory_space<hbm>>
    %dma_wait3A_1217 = arith.constant 0 : i32
    %dma_wait3A_1218 = arith.constant 0 : i32
    %dma_wait3A_1219 = tpu.memref_slice %arg6[%dma_wait3A_1208, %dma_wait3A_1217, %dma_wait3A_1218] : memref<8x128x32xf32, #tpu.memory_space<vmem>> -> memref<1x128x32xf32, #tpu.memory_space<vmem>>
    %dma_wait3A_1220 = tpu.memref_squeeze %dma_wait3A_1219 : memref<1x128x32xf32, #tpu.memory_space<vmem>> -> memref<128x32xf32, #tpu.memory_space<vmem>>
    tpu.wait_dma2 semaphore(%arg19 : memref<!tpu.dma_semaphore, #tpu.memory_space<semaphore_mem>>) src(%dma_wait3A_1220 : memref<128x32xf32, #tpu.memory_space<vmem>>) dst(%dma_wait3A_1216 : memref<128x32xf32, #tpu.memory_space<hbm>>)
    %dma_start3A_1221 = arith.constant 28 : i32
    %dma_start3A_1222 = arith.constant 4 : i32
    %dma_start3A_1223 = arith.constant 0 : i32
    %dma_start3A_1224 = arith.constant 0 : i32
    %dma_start3A_1225 = tpu.memref_slice %arg6[%dma_start3A_1222, %dma_start3A_1223, %dma_start3A_1224] : memref<8x128x32xf32, #tpu.memory_space<vmem>> -> memref<1x128x32xf32, #tpu.memory_space<vmem>>
    %dma_start3A_1226 = tpu.memref_squeeze %dma_start3A_1225 : memref<1x128x32xf32, #tpu.memory_space<vmem>> -> memref<128x32xf32, #tpu.memory_space<vmem>>
    %dma_start3A_1227 = arith.constant 0 : i32
    %dma_start3A_1228 = tpu.memref_slice %arg5[%dma_start3A_1221, %dma_start3A_1227] : memref<32x128xi32, #tpu.memory_space<vmem>> -> memref<1x128xi32, #tpu.memory_space<vmem>>
    %dma_start3A_1229 = tpu.memref_squeeze %dma_start3A_1228 : memref<1x128xi32, #tpu.memory_space<vmem>> -> memref<128xi32, #tpu.memory_space<vmem>>
    %dma_start3A_1230 = arith.constant 0 : i32
    %dma_start3A_1231 = arith.constant 0 : i32
    %dma_start3A_1232 = tpu.memref_slice %arg3[%dma_start3A_1230, %dma_start3A_1231] : memref<4000000x32xf32, #tpu.memory_space<hbm>> -> memref<4000000x32xf32, #tpu.memory_space<hbm>>
    tpu.enqueue_indirect_dma source(%dma_start3A_1232 : memref<4000000x32xf32, #tpu.memory_space<hbm>>) target(%dma_start3A_1226 : memref<128x32xf32, #tpu.memory_space<vmem>>) offsets(%dma_start3A_1229 : memref<128xi32, #tpu.memory_space<vmem>>) semaphore(%arg11 : memref<!tpu.dma_semaphore, #tpu.memory_space<semaphore_mem>>)
    %dma_wait3A_1233 = arith.constant 21 : i32
    %dma_wait3A_1234 = arith.constant 5 : i32
    %dma_wait3A_1235 = arith.constant 0 : i32
    %dma_wait3A_1236 = arith.constant 0 : i32
    %dma_wait3A_1237 = tpu.memref_slice %arg6[%dma_wait3A_1234, %dma_wait3A_1235, %dma_wait3A_1236] : memref<8x128x32xf32, #tpu.memory_space<vmem>> -> memref<1x128x32xf32, #tpu.memory_space<vmem>>
    %dma_wait3A_1238 = tpu.memref_squeeze %dma_wait3A_1237 : memref<1x128x32xf32, #tpu.memory_space<vmem>> -> memref<128x32xf32, #tpu.memory_space<vmem>>
    %dma_wait3A_1239 = arith.constant 0 : i32
    %dma_wait3A_1240 = tpu.memref_slice %arg5[%dma_wait3A_1233, %dma_wait3A_1239] : memref<32x128xi32, #tpu.memory_space<vmem>> -> memref<1x128xi32, #tpu.memory_space<vmem>>
    %dma_wait3A_1241 = tpu.memref_squeeze %dma_wait3A_1240 : memref<1x128xi32, #tpu.memory_space<vmem>> -> memref<128xi32, #tpu.memory_space<vmem>>
    %dma_wait3A_1242 = arith.constant 0 : i32
    %dma_wait3A_1243 = arith.constant 0 : i32
    %dma_wait3A_1244 = tpu.memref_slice %arg3[%dma_wait3A_1242, %dma_wait3A_1243] : memref<4000000x32xf32, #tpu.memory_space<hbm>> -> memref<4000000x32xf32, #tpu.memory_space<hbm>>
    tpu.wait_indirect_dma semaphore(%arg12 : memref<!tpu.dma_semaphore, #tpu.memory_space<semaphore_mem>>) src(%dma_wait3A_1244 : memref<4000000x32xf32, #tpu.memory_space<hbm>>) dst(%dma_wait3A_1238 : memref<128x32xf32, #tpu.memory_space<vmem>>)
    %add3A_1245 = arith.constant 2688 : i32
    %add3A_1246 = arith.addi %mul3A_2, %add3A_1245 : i32
    %dma_start3A_1247 = arith.constant 5 : i32
    %dma_start3A_1248 = arith.constant 0 : i32
    %dma_start3A_1249 = arith.constant 0 : i32
    %dma_start3A_1250 = tpu.memref_slice %arg6[%dma_start3A_1247, %dma_start3A_1248, %dma_start3A_1249] : memref<8x128x32xf32, #tpu.memory_space<vmem>> -> memref<1x128x32xf32, #tpu.memory_space<vmem>>
    %dma_start3A_1251 = tpu.memref_squeeze %dma_start3A_1250 : memref<1x128x32xf32, #tpu.memory_space<vmem>> -> memref<128x32xf32, #tpu.memory_space<vmem>>
    %dma_start3A_1252 = arith.constant 0 : i32
    %dma_start3A_1253 = tpu.memref_slice %arg4[%add3A_1246, %dma_start3A_1252] : memref<131072x32xf32, #tpu.memory_space<hbm>> -> memref<128x32xf32, #tpu.memory_space<hbm>>
    %dma_start3A_1254 = arith.constant 0 : i32
    %dma_start3A_1255 = tpu.memref_slice %arg4[%add3A_1246, %dma_start3A_1254] : memref<131072x32xf32, #tpu.memory_space<hbm>> -> memref<128x32xf32, #tpu.memory_space<hbm>>
    %dma_start3A_1256 = arith.constant 0 : i32
    %dma_start3A_1257 = arith.constant 0 : i32
    %dma_start3A_1258 = tpu.memref_slice %arg6[%dma_start3A_1247, %dma_start3A_1256, %dma_start3A_1257] : memref<8x128x32xf32, #tpu.memory_space<vmem>> -> memref<1x128x32xf32, #tpu.memory_space<vmem>>
    %dma_start3A_1259 = tpu.memref_squeeze %dma_start3A_1258 : memref<1x128x32xf32, #tpu.memory_space<vmem>> -> memref<128x32xf32, #tpu.memory_space<vmem>>
    tpu.enqueue_dma source(%dma_start3A_1259 : memref<128x32xf32, #tpu.memory_space<vmem>>) target(%dma_start3A_1255 : memref<128x32xf32, #tpu.memory_space<hbm>>) target_semaphore(%arg20 : memref<!tpu.dma_semaphore, #tpu.memory_space<semaphore_mem>>)
    %add3A_1260 = arith.constant 2688 : i32
    %add3A_1261 = arith.addi %mul3A_2, %add3A_1260 : i32
    %dma_wait3A_1262 = arith.constant 5 : i32
    %dma_wait3A_1263 = arith.constant 0 : i32
    %dma_wait3A_1264 = arith.constant 0 : i32
    %dma_wait3A_1265 = tpu.memref_slice %arg6[%dma_wait3A_1262, %dma_wait3A_1263, %dma_wait3A_1264] : memref<8x128x32xf32, #tpu.memory_space<vmem>> -> memref<1x128x32xf32, #tpu.memory_space<vmem>>
    %dma_wait3A_1266 = tpu.memref_squeeze %dma_wait3A_1265 : memref<1x128x32xf32, #tpu.memory_space<vmem>> -> memref<128x32xf32, #tpu.memory_space<vmem>>
    %dma_wait3A_1267 = arith.constant 0 : i32
    %dma_wait3A_1268 = tpu.memref_slice %arg4[%add3A_1261, %dma_wait3A_1267] : memref<131072x32xf32, #tpu.memory_space<hbm>> -> memref<128x32xf32, #tpu.memory_space<hbm>>
    %dma_wait3A_1269 = arith.constant 0 : i32
    %dma_wait3A_1270 = tpu.memref_slice %arg4[%add3A_1261, %dma_wait3A_1269] : memref<131072x32xf32, #tpu.memory_space<hbm>> -> memref<128x32xf32, #tpu.memory_space<hbm>>
    %dma_wait3A_1271 = arith.constant 0 : i32
    %dma_wait3A_1272 = arith.constant 0 : i32
    %dma_wait3A_1273 = tpu.memref_slice %arg6[%dma_wait3A_1262, %dma_wait3A_1271, %dma_wait3A_1272] : memref<8x128x32xf32, #tpu.memory_space<vmem>> -> memref<1x128x32xf32, #tpu.memory_space<vmem>>
    %dma_wait3A_1274 = tpu.memref_squeeze %dma_wait3A_1273 : memref<1x128x32xf32, #tpu.memory_space<vmem>> -> memref<128x32xf32, #tpu.memory_space<vmem>>
    tpu.wait_dma2 semaphore(%arg20 : memref<!tpu.dma_semaphore, #tpu.memory_space<semaphore_mem>>) src(%dma_wait3A_1274 : memref<128x32xf32, #tpu.memory_space<vmem>>) dst(%dma_wait3A_1270 : memref<128x32xf32, #tpu.memory_space<hbm>>)
    %dma_start3A_1275 = arith.constant 29 : i32
    %dma_start3A_1276 = arith.constant 5 : i32
    %dma_start3A_1277 = arith.constant 0 : i32
    %dma_start3A_1278 = arith.constant 0 : i32
    %dma_start3A_1279 = tpu.memref_slice %arg6[%dma_start3A_1276, %dma_start3A_1277, %dma_start3A_1278] : memref<8x128x32xf32, #tpu.memory_space<vmem>> -> memref<1x128x32xf32, #tpu.memory_space<vmem>>
    %dma_start3A_1280 = tpu.memref_squeeze %dma_start3A_1279 : memref<1x128x32xf32, #tpu.memory_space<vmem>> -> memref<128x32xf32, #tpu.memory_space<vmem>>
    %dma_start3A_1281 = arith.constant 0 : i32
    %dma_start3A_1282 = tpu.memref_slice %arg5[%dma_start3A_1275, %dma_start3A_1281] : memref<32x128xi32, #tpu.memory_space<vmem>> -> memref<1x128xi32, #tpu.memory_space<vmem>>
    %dma_start3A_1283 = tpu.memref_squeeze %dma_start3A_1282 : memref<1x128xi32, #tpu.memory_space<vmem>> -> memref<128xi32, #tpu.memory_space<vmem>>
    %dma_start3A_1284 = arith.constant 0 : i32
    %dma_start3A_1285 = arith.constant 0 : i32
    %dma_start3A_1286 = tpu.memref_slice %arg3[%dma_start3A_1284, %dma_start3A_1285] : memref<4000000x32xf32, #tpu.memory_space<hbm>> -> memref<4000000x32xf32, #tpu.memory_space<hbm>>
    tpu.enqueue_indirect_dma source(%dma_start3A_1286 : memref<4000000x32xf32, #tpu.memory_space<hbm>>) target(%dma_start3A_1280 : memref<128x32xf32, #tpu.memory_space<vmem>>) offsets(%dma_start3A_1283 : memref<128xi32, #tpu.memory_space<vmem>>) semaphore(%arg12 : memref<!tpu.dma_semaphore, #tpu.memory_space<semaphore_mem>>)
    %dma_wait3A_1287 = arith.constant 22 : i32
    %dma_wait3A_1288 = arith.constant 6 : i32
    %dma_wait3A_1289 = arith.constant 0 : i32
    %dma_wait3A_1290 = arith.constant 0 : i32
    %dma_wait3A_1291 = tpu.memref_slice %arg6[%dma_wait3A_1288, %dma_wait3A_1289, %dma_wait3A_1290] : memref<8x128x32xf32, #tpu.memory_space<vmem>> -> memref<1x128x32xf32, #tpu.memory_space<vmem>>
    %dma_wait3A_1292 = tpu.memref_squeeze %dma_wait3A_1291 : memref<1x128x32xf32, #tpu.memory_space<vmem>> -> memref<128x32xf32, #tpu.memory_space<vmem>>
    %dma_wait3A_1293 = arith.constant 0 : i32
    %dma_wait3A_1294 = tpu.memref_slice %arg5[%dma_wait3A_1287, %dma_wait3A_1293] : memref<32x128xi32, #tpu.memory_space<vmem>> -> memref<1x128xi32, #tpu.memory_space<vmem>>
    %dma_wait3A_1295 = tpu.memref_squeeze %dma_wait3A_1294 : memref<1x128xi32, #tpu.memory_space<vmem>> -> memref<128xi32, #tpu.memory_space<vmem>>
    %dma_wait3A_1296 = arith.constant 0 : i32
    %dma_wait3A_1297 = arith.constant 0 : i32
    %dma_wait3A_1298 = tpu.memref_slice %arg3[%dma_wait3A_1296, %dma_wait3A_1297] : memref<4000000x32xf32, #tpu.memory_space<hbm>> -> memref<4000000x32xf32, #tpu.memory_space<hbm>>
    tpu.wait_indirect_dma semaphore(%arg13 : memref<!tpu.dma_semaphore, #tpu.memory_space<semaphore_mem>>) src(%dma_wait3A_1298 : memref<4000000x32xf32, #tpu.memory_space<hbm>>) dst(%dma_wait3A_1292 : memref<128x32xf32, #tpu.memory_space<vmem>>)
    %add3A_1299 = arith.constant 2816 : i32
    %add3A_1300 = arith.addi %mul3A_2, %add3A_1299 : i32
    %dma_start3A_1301 = arith.constant 6 : i32
    %dma_start3A_1302 = arith.constant 0 : i32
    %dma_start3A_1303 = arith.constant 0 : i32
    %dma_start3A_1304 = tpu.memref_slice %arg6[%dma_start3A_1301, %dma_start3A_1302, %dma_start3A_1303] : memref<8x128x32xf32, #tpu.memory_space<vmem>> -> memref<1x128x32xf32, #tpu.memory_space<vmem>>
    %dma_start3A_1305 = tpu.memref_squeeze %dma_start3A_1304 : memref<1x128x32xf32, #tpu.memory_space<vmem>> -> memref<128x32xf32, #tpu.memory_space<vmem>>
    %dma_start3A_1306 = arith.constant 0 : i32
    %dma_start3A_1307 = tpu.memref_slice %arg4[%add3A_1300, %dma_start3A_1306] : memref<131072x32xf32, #tpu.memory_space<hbm>> -> memref<128x32xf32, #tpu.memory_space<hbm>>
    %dma_start3A_1308 = arith.constant 0 : i32
    %dma_start3A_1309 = tpu.memref_slice %arg4[%add3A_1300, %dma_start3A_1308] : memref<131072x32xf32, #tpu.memory_space<hbm>> -> memref<128x32xf32, #tpu.memory_space<hbm>>
    %dma_start3A_1310 = arith.constant 0 : i32
    %dma_start3A_1311 = arith.constant 0 : i32
    %dma_start3A_1312 = tpu.memref_slice %arg6[%dma_start3A_1301, %dma_start3A_1310, %dma_start3A_1311] : memref<8x128x32xf32, #tpu.memory_space<vmem>> -> memref<1x128x32xf32, #tpu.memory_space<vmem>>
    %dma_start3A_1313 = tpu.memref_squeeze %dma_start3A_1312 : memref<1x128x32xf32, #tpu.memory_space<vmem>> -> memref<128x32xf32, #tpu.memory_space<vmem>>
    tpu.enqueue_dma source(%dma_start3A_1313 : memref<128x32xf32, #tpu.memory_space<vmem>>) target(%dma_start3A_1309 : memref<128x32xf32, #tpu.memory_space<hbm>>) target_semaphore(%arg21 : memref<!tpu.dma_semaphore, #tpu.memory_space<semaphore_mem>>)
    %add3A_1314 = arith.constant 2816 : i32
    %add3A_1315 = arith.addi %mul3A_2, %add3A_1314 : i32
    %dma_wait3A_1316 = arith.constant 6 : i32
    %dma_wait3A_1317 = arith.constant 0 : i32
    %dma_wait3A_1318 = arith.constant 0 : i32
    %dma_wait3A_1319 = tpu.memref_slice %arg6[%dma_wait3A_1316, %dma_wait3A_1317, %dma_wait3A_1318] : memref<8x128x32xf32, #tpu.memory_space<vmem>> -> memref<1x128x32xf32, #tpu.memory_space<vmem>>
    %dma_wait3A_1320 = tpu.memref_squeeze %dma_wait3A_1319 : memref<1x128x32xf32, #tpu.memory_space<vmem>> -> memref<128x32xf32, #tpu.memory_space<vmem>>
    %dma_wait3A_1321 = arith.constant 0 : i32
    %dma_wait3A_1322 = tpu.memref_slice %arg4[%add3A_1315, %dma_wait3A_1321] : memref<131072x32xf32, #tpu.memory_space<hbm>> -> memref<128x32xf32, #tpu.memory_space<hbm>>
    %dma_wait3A_1323 = arith.constant 0 : i32
    %dma_wait3A_1324 = tpu.memref_slice %arg4[%add3A_1315, %dma_wait3A_1323] : memref<131072x32xf32, #tpu.memory_space<hbm>> -> memref<128x32xf32, #tpu.memory_space<hbm>>
    %dma_wait3A_1325 = arith.constant 0 : i32
    %dma_wait3A_1326 = arith.constant 0 : i32
    %dma_wait3A_1327 = tpu.memref_slice %arg6[%dma_wait3A_1316, %dma_wait3A_1325, %dma_wait3A_1326] : memref<8x128x32xf32, #tpu.memory_space<vmem>> -> memref<1x128x32xf32, #tpu.memory_space<vmem>>
    %dma_wait3A_1328 = tpu.memref_squeeze %dma_wait3A_1327 : memref<1x128x32xf32, #tpu.memory_space<vmem>> -> memref<128x32xf32, #tpu.memory_space<vmem>>
    tpu.wait_dma2 semaphore(%arg21 : memref<!tpu.dma_semaphore, #tpu.memory_space<semaphore_mem>>) src(%dma_wait3A_1328 : memref<128x32xf32, #tpu.memory_space<vmem>>) dst(%dma_wait3A_1324 : memref<128x32xf32, #tpu.memory_space<hbm>>)
    %dma_start3A_1329 = arith.constant 30 : i32
    %dma_start3A_1330 = arith.constant 6 : i32
    %dma_start3A_1331 = arith.constant 0 : i32
    %dma_start3A_1332 = arith.constant 0 : i32
    %dma_start3A_1333 = tpu.memref_slice %arg6[%dma_start3A_1330, %dma_start3A_1331, %dma_start3A_1332] : memref<8x128x32xf32, #tpu.memory_space<vmem>> -> memref<1x128x32xf32, #tpu.memory_space<vmem>>
    %dma_start3A_1334 = tpu.memref_squeeze %dma_start3A_1333 : memref<1x128x32xf32, #tpu.memory_space<vmem>> -> memref<128x32xf32, #tpu.memory_space<vmem>>
    %dma_start3A_1335 = arith.constant 0 : i32
    %dma_start3A_1336 = tpu.memref_slice %arg5[%dma_start3A_1329, %dma_start3A_1335] : memref<32x128xi32, #tpu.memory_space<vmem>> -> memref<1x128xi32, #tpu.memory_space<vmem>>
    %dma_start3A_1337 = tpu.memref_squeeze %dma_start3A_1336 : memref<1x128xi32, #tpu.memory_space<vmem>> -> memref<128xi32, #tpu.memory_space<vmem>>
    %dma_start3A_1338 = arith.constant 0 : i32
    %dma_start3A_1339 = arith.constant 0 : i32
    %dma_start3A_1340 = tpu.memref_slice %arg3[%dma_start3A_1338, %dma_start3A_1339] : memref<4000000x32xf32, #tpu.memory_space<hbm>> -> memref<4000000x32xf32, #tpu.memory_space<hbm>>
    tpu.enqueue_indirect_dma source(%dma_start3A_1340 : memref<4000000x32xf32, #tpu.memory_space<hbm>>) target(%dma_start3A_1334 : memref<128x32xf32, #tpu.memory_space<vmem>>) offsets(%dma_start3A_1337 : memref<128xi32, #tpu.memory_space<vmem>>) semaphore(%arg13 : memref<!tpu.dma_semaphore, #tpu.memory_space<semaphore_mem>>)
    %dma_wait3A_1341 = arith.constant 23 : i32
    %dma_wait3A_1342 = arith.constant 7 : i32
    %dma_wait3A_1343 = arith.constant 0 : i32
    %dma_wait3A_1344 = arith.constant 0 : i32
    %dma_wait3A_1345 = tpu.memref_slice %arg6[%dma_wait3A_1342, %dma_wait3A_1343, %dma_wait3A_1344] : memref<8x128x32xf32, #tpu.memory_space<vmem>> -> memref<1x128x32xf32, #tpu.memory_space<vmem>>
    %dma_wait3A_1346 = tpu.memref_squeeze %dma_wait3A_1345 : memref<1x128x32xf32, #tpu.memory_space<vmem>> -> memref<128x32xf32, #tpu.memory_space<vmem>>
    %dma_wait3A_1347 = arith.constant 0 : i32
    %dma_wait3A_1348 = tpu.memref_slice %arg5[%dma_wait3A_1341, %dma_wait3A_1347] : memref<32x128xi32, #tpu.memory_space<vmem>> -> memref<1x128xi32, #tpu.memory_space<vmem>>
    %dma_wait3A_1349 = tpu.memref_squeeze %dma_wait3A_1348 : memref<1x128xi32, #tpu.memory_space<vmem>> -> memref<128xi32, #tpu.memory_space<vmem>>
    %dma_wait3A_1350 = arith.constant 0 : i32
    %dma_wait3A_1351 = arith.constant 0 : i32
    %dma_wait3A_1352 = tpu.memref_slice %arg3[%dma_wait3A_1350, %dma_wait3A_1351] : memref<4000000x32xf32, #tpu.memory_space<hbm>> -> memref<4000000x32xf32, #tpu.memory_space<hbm>>
    tpu.wait_indirect_dma semaphore(%arg14 : memref<!tpu.dma_semaphore, #tpu.memory_space<semaphore_mem>>) src(%dma_wait3A_1352 : memref<4000000x32xf32, #tpu.memory_space<hbm>>) dst(%dma_wait3A_1346 : memref<128x32xf32, #tpu.memory_space<vmem>>)
    %add3A_1353 = arith.constant 2944 : i32
    %add3A_1354 = arith.addi %mul3A_2, %add3A_1353 : i32
    %dma_start3A_1355 = arith.constant 7 : i32
    %dma_start3A_1356 = arith.constant 0 : i32
    %dma_start3A_1357 = arith.constant 0 : i32
    %dma_start3A_1358 = tpu.memref_slice %arg6[%dma_start3A_1355, %dma_start3A_1356, %dma_start3A_1357] : memref<8x128x32xf32, #tpu.memory_space<vmem>> -> memref<1x128x32xf32, #tpu.memory_space<vmem>>
    %dma_start3A_1359 = tpu.memref_squeeze %dma_start3A_1358 : memref<1x128x32xf32, #tpu.memory_space<vmem>> -> memref<128x32xf32, #tpu.memory_space<vmem>>
    %dma_start3A_1360 = arith.constant 0 : i32
    %dma_start3A_1361 = tpu.memref_slice %arg4[%add3A_1354, %dma_start3A_1360] : memref<131072x32xf32, #tpu.memory_space<hbm>> -> memref<128x32xf32, #tpu.memory_space<hbm>>
    %dma_start3A_1362 = arith.constant 0 : i32
    %dma_start3A_1363 = tpu.memref_slice %arg4[%add3A_1354, %dma_start3A_1362] : memref<131072x32xf32, #tpu.memory_space<hbm>> -> memref<128x32xf32, #tpu.memory_space<hbm>>
    %dma_start3A_1364 = arith.constant 0 : i32
    %dma_start3A_1365 = arith.constant 0 : i32
    %dma_start3A_1366 = tpu.memref_slice %arg6[%dma_start3A_1355, %dma_start3A_1364, %dma_start3A_1365] : memref<8x128x32xf32, #tpu.memory_space<vmem>> -> memref<1x128x32xf32, #tpu.memory_space<vmem>>
    %dma_start3A_1367 = tpu.memref_squeeze %dma_start3A_1366 : memref<1x128x32xf32, #tpu.memory_space<vmem>> -> memref<128x32xf32, #tpu.memory_space<vmem>>
    tpu.enqueue_dma source(%dma_start3A_1367 : memref<128x32xf32, #tpu.memory_space<vmem>>) target(%dma_start3A_1363 : memref<128x32xf32, #tpu.memory_space<hbm>>) target_semaphore(%arg22 : memref<!tpu.dma_semaphore, #tpu.memory_space<semaphore_mem>>)
    %add3A_1368 = arith.constant 2944 : i32
    %add3A_1369 = arith.addi %mul3A_2, %add3A_1368 : i32
    %dma_wait3A_1370 = arith.constant 7 : i32
    %dma_wait3A_1371 = arith.constant 0 : i32
    %dma_wait3A_1372 = arith.constant 0 : i32
    %dma_wait3A_1373 = tpu.memref_slice %arg6[%dma_wait3A_1370, %dma_wait3A_1371, %dma_wait3A_1372] : memref<8x128x32xf32, #tpu.memory_space<vmem>> -> memref<1x128x32xf32, #tpu.memory_space<vmem>>
    %dma_wait3A_1374 = tpu.memref_squeeze %dma_wait3A_1373 : memref<1x128x32xf32, #tpu.memory_space<vmem>> -> memref<128x32xf32, #tpu.memory_space<vmem>>
    %dma_wait3A_1375 = arith.constant 0 : i32
    %dma_wait3A_1376 = tpu.memref_slice %arg4[%add3A_1369, %dma_wait3A_1375] : memref<131072x32xf32, #tpu.memory_space<hbm>> -> memref<128x32xf32, #tpu.memory_space<hbm>>
    %dma_wait3A_1377 = arith.constant 0 : i32
    %dma_wait3A_1378 = tpu.memref_slice %arg4[%add3A_1369, %dma_wait3A_1377] : memref<131072x32xf32, #tpu.memory_space<hbm>> -> memref<128x32xf32, #tpu.memory_space<hbm>>
    %dma_wait3A_1379 = arith.constant 0 : i32
    %dma_wait3A_1380 = arith.constant 0 : i32
    %dma_wait3A_1381 = tpu.memref_slice %arg6[%dma_wait3A_1370, %dma_wait3A_1379, %dma_wait3A_1380] : memref<8x128x32xf32, #tpu.memory_space<vmem>> -> memref<1x128x32xf32, #tpu.memory_space<vmem>>
    %dma_wait3A_1382 = tpu.memref_squeeze %dma_wait3A_1381 : memref<1x128x32xf32, #tpu.memory_space<vmem>> -> memref<128x32xf32, #tpu.memory_space<vmem>>
    tpu.wait_dma2 semaphore(%arg22 : memref<!tpu.dma_semaphore, #tpu.memory_space<semaphore_mem>>) src(%dma_wait3A_1382 : memref<128x32xf32, #tpu.memory_space<vmem>>) dst(%dma_wait3A_1378 : memref<128x32xf32, #tpu.memory_space<hbm>>)
    %dma_start3A_1383 = arith.constant 31 : i32
    %dma_start3A_1384 = arith.constant 7 : i32
    %dma_start3A_1385 = arith.constant 0 : i32
    %dma_start3A_1386 = arith.constant 0 : i32
    %dma_start3A_1387 = tpu.memref_slice %arg6[%dma_start3A_1384, %dma_start3A_1385, %dma_start3A_1386] : memref<8x128x32xf32, #tpu.memory_space<vmem>> -> memref<1x128x32xf32, #tpu.memory_space<vmem>>
    %dma_start3A_1388 = tpu.memref_squeeze %dma_start3A_1387 : memref<1x128x32xf32, #tpu.memory_space<vmem>> -> memref<128x32xf32, #tpu.memory_space<vmem>>
    %dma_start3A_1389 = arith.constant 0 : i32
    %dma_start3A_1390 = tpu.memref_slice %arg5[%dma_start3A_1383, %dma_start3A_1389] : memref<32x128xi32, #tpu.memory_space<vmem>> -> memref<1x128xi32, #tpu.memory_space<vmem>>
    %dma_start3A_1391 = tpu.memref_squeeze %dma_start3A_1390 : memref<1x128xi32, #tpu.memory_space<vmem>> -> memref<128xi32, #tpu.memory_space<vmem>>
    %dma_start3A_1392 = arith.constant 0 : i32
    %dma_start3A_1393 = arith.constant 0 : i32
    %dma_start3A_1394 = tpu.memref_slice %arg3[%dma_start3A_1392, %dma_start3A_1393] : memref<4000000x32xf32, #tpu.memory_space<hbm>> -> memref<4000000x32xf32, #tpu.memory_space<hbm>>
    tpu.enqueue_indirect_dma source(%dma_start3A_1394 : memref<4000000x32xf32, #tpu.memory_space<hbm>>) target(%dma_start3A_1388 : memref<128x32xf32, #tpu.memory_space<vmem>>) offsets(%dma_start3A_1391 : memref<128xi32, #tpu.memory_space<vmem>>) semaphore(%arg14 : memref<!tpu.dma_semaphore, #tpu.memory_space<semaphore_mem>>)
    %dma_wait3A_1395 = arith.constant 24 : i32
    %dma_wait3A_1396 = arith.constant 0 : i32
    %dma_wait3A_1397 = arith.constant 0 : i32
    %dma_wait3A_1398 = arith.constant 0 : i32
    %dma_wait3A_1399 = tpu.memref_slice %arg6[%dma_wait3A_1396, %dma_wait3A_1397, %dma_wait3A_1398] : memref<8x128x32xf32, #tpu.memory_space<vmem>> -> memref<1x128x32xf32, #tpu.memory_space<vmem>>
    %dma_wait3A_1400 = tpu.memref_squeeze %dma_wait3A_1399 : memref<1x128x32xf32, #tpu.memory_space<vmem>> -> memref<128x32xf32, #tpu.memory_space<vmem>>
    %dma_wait3A_1401 = arith.constant 0 : i32
    %dma_wait3A_1402 = tpu.memref_slice %arg5[%dma_wait3A_1395, %dma_wait3A_1401] : memref<32x128xi32, #tpu.memory_space<vmem>> -> memref<1x128xi32, #tpu.memory_space<vmem>>
    %dma_wait3A_1403 = tpu.memref_squeeze %dma_wait3A_1402 : memref<1x128xi32, #tpu.memory_space<vmem>> -> memref<128xi32, #tpu.memory_space<vmem>>
    %dma_wait3A_1404 = arith.constant 0 : i32
    %dma_wait3A_1405 = arith.constant 0 : i32
    %dma_wait3A_1406 = tpu.memref_slice %arg3[%dma_wait3A_1404, %dma_wait3A_1405] : memref<4000000x32xf32, #tpu.memory_space<hbm>> -> memref<4000000x32xf32, #tpu.memory_space<hbm>>
    tpu.wait_indirect_dma semaphore(%arg7 : memref<!tpu.dma_semaphore, #tpu.memory_space<semaphore_mem>>) src(%dma_wait3A_1406 : memref<4000000x32xf32, #tpu.memory_space<hbm>>) dst(%dma_wait3A_1400 : memref<128x32xf32, #tpu.memory_space<vmem>>)
    %add3A_1407 = arith.constant 3072 : i32
    %add3A_1408 = arith.addi %mul3A_2, %add3A_1407 : i32
    %dma_start3A_1409 = arith.constant 0 : i32
    %dma_start3A_1410 = arith.constant 0 : i32
    %dma_start3A_1411 = arith.constant 0 : i32
    %dma_start3A_1412 = tpu.memref_slice %arg6[%dma_start3A_1409, %dma_start3A_1410, %dma_start3A_1411] : memref<8x128x32xf32, #tpu.memory_space<vmem>> -> memref<1x128x32xf32, #tpu.memory_space<vmem>>
    %dma_start3A_1413 = tpu.memref_squeeze %dma_start3A_1412 : memref<1x128x32xf32, #tpu.memory_space<vmem>> -> memref<128x32xf32, #tpu.memory_space<vmem>>
    %dma_start3A_1414 = arith.constant 0 : i32
    %dma_start3A_1415 = tpu.memref_slice %arg4[%add3A_1408, %dma_start3A_1414] : memref<131072x32xf32, #tpu.memory_space<hbm>> -> memref<128x32xf32, #tpu.memory_space<hbm>>
    %dma_start3A_1416 = arith.constant 0 : i32
    %dma_start3A_1417 = tpu.memref_slice %arg4[%add3A_1408, %dma_start3A_1416] : memref<131072x32xf32, #tpu.memory_space<hbm>> -> memref<128x32xf32, #tpu.memory_space<hbm>>
    %dma_start3A_1418 = arith.constant 0 : i32
    %dma_start3A_1419 = arith.constant 0 : i32
    %dma_start3A_1420 = tpu.memref_slice %arg6[%dma_start3A_1409, %dma_start3A_1418, %dma_start3A_1419] : memref<8x128x32xf32, #tpu.memory_space<vmem>> -> memref<1x128x32xf32, #tpu.memory_space<vmem>>
    %dma_start3A_1421 = tpu.memref_squeeze %dma_start3A_1420 : memref<1x128x32xf32, #tpu.memory_space<vmem>> -> memref<128x32xf32, #tpu.memory_space<vmem>>
    tpu.enqueue_dma source(%dma_start3A_1421 : memref<128x32xf32, #tpu.memory_space<vmem>>) target(%dma_start3A_1417 : memref<128x32xf32, #tpu.memory_space<hbm>>) target_semaphore(%arg15 : memref<!tpu.dma_semaphore, #tpu.memory_space<semaphore_mem>>)
    %dma_wait3A_1422 = arith.constant 25 : i32
    %dma_wait3A_1423 = arith.constant 1 : i32
    %dma_wait3A_1424 = arith.constant 0 : i32
    %dma_wait3A_1425 = arith.constant 0 : i32
    %dma_wait3A_1426 = tpu.memref_slice %arg6[%dma_wait3A_1423, %dma_wait3A_1424, %dma_wait3A_1425] : memref<8x128x32xf32, #tpu.memory_space<vmem>> -> memref<1x128x32xf32, #tpu.memory_space<vmem>>
    %dma_wait3A_1427 = tpu.memref_squeeze %dma_wait3A_1426 : memref<1x128x32xf32, #tpu.memory_space<vmem>> -> memref<128x32xf32, #tpu.memory_space<vmem>>
    %dma_wait3A_1428 = arith.constant 0 : i32
    %dma_wait3A_1429 = tpu.memref_slice %arg5[%dma_wait3A_1422, %dma_wait3A_1428] : memref<32x128xi32, #tpu.memory_space<vmem>> -> memref<1x128xi32, #tpu.memory_space<vmem>>
    %dma_wait3A_1430 = tpu.memref_squeeze %dma_wait3A_1429 : memref<1x128xi32, #tpu.memory_space<vmem>> -> memref<128xi32, #tpu.memory_space<vmem>>
    %dma_wait3A_1431 = arith.constant 0 : i32
    %dma_wait3A_1432 = arith.constant 0 : i32
    %dma_wait3A_1433 = tpu.memref_slice %arg3[%dma_wait3A_1431, %dma_wait3A_1432] : memref<4000000x32xf32, #tpu.memory_space<hbm>> -> memref<4000000x32xf32, #tpu.memory_space<hbm>>
    tpu.wait_indirect_dma semaphore(%arg8 : memref<!tpu.dma_semaphore, #tpu.memory_space<semaphore_mem>>) src(%dma_wait3A_1433 : memref<4000000x32xf32, #tpu.memory_space<hbm>>) dst(%dma_wait3A_1427 : memref<128x32xf32, #tpu.memory_space<vmem>>)
    %add3A_1434 = arith.constant 3200 : i32
    %add3A_1435 = arith.addi %mul3A_2, %add3A_1434 : i32
    %dma_start3A_1436 = arith.constant 1 : i32
    %dma_start3A_1437 = arith.constant 0 : i32
    %dma_start3A_1438 = arith.constant 0 : i32
    %dma_start3A_1439 = tpu.memref_slice %arg6[%dma_start3A_1436, %dma_start3A_1437, %dma_start3A_1438] : memref<8x128x32xf32, #tpu.memory_space<vmem>> -> memref<1x128x32xf32, #tpu.memory_space<vmem>>
    %dma_start3A_1440 = tpu.memref_squeeze %dma_start3A_1439 : memref<1x128x32xf32, #tpu.memory_space<vmem>> -> memref<128x32xf32, #tpu.memory_space<vmem>>
    %dma_start3A_1441 = arith.constant 0 : i32
    %dma_start3A_1442 = tpu.memref_slice %arg4[%add3A_1435, %dma_start3A_1441] : memref<131072x32xf32, #tpu.memory_space<hbm>> -> memref<128x32xf32, #tpu.memory_space<hbm>>
    %dma_start3A_1443 = arith.constant 0 : i32
    %dma_start3A_1444 = tpu.memref_slice %arg4[%add3A_1435, %dma_start3A_1443] : memref<131072x32xf32, #tpu.memory_space<hbm>> -> memref<128x32xf32, #tpu.memory_space<hbm>>
    %dma_start3A_1445 = arith.constant 0 : i32
    %dma_start3A_1446 = arith.constant 0 : i32
    %dma_start3A_1447 = tpu.memref_slice %arg6[%dma_start3A_1436, %dma_start3A_1445, %dma_start3A_1446] : memref<8x128x32xf32, #tpu.memory_space<vmem>> -> memref<1x128x32xf32, #tpu.memory_space<vmem>>
    %dma_start3A_1448 = tpu.memref_squeeze %dma_start3A_1447 : memref<1x128x32xf32, #tpu.memory_space<vmem>> -> memref<128x32xf32, #tpu.memory_space<vmem>>
    tpu.enqueue_dma source(%dma_start3A_1448 : memref<128x32xf32, #tpu.memory_space<vmem>>) target(%dma_start3A_1444 : memref<128x32xf32, #tpu.memory_space<hbm>>) target_semaphore(%arg16 : memref<!tpu.dma_semaphore, #tpu.memory_space<semaphore_mem>>)
    %dma_wait3A_1449 = arith.constant 26 : i32
    %dma_wait3A_1450 = arith.constant 2 : i32
    %dma_wait3A_1451 = arith.constant 0 : i32
    %dma_wait3A_1452 = arith.constant 0 : i32
    %dma_wait3A_1453 = tpu.memref_slice %arg6[%dma_wait3A_1450, %dma_wait3A_1451, %dma_wait3A_1452] : memref<8x128x32xf32, #tpu.memory_space<vmem>> -> memref<1x128x32xf32, #tpu.memory_space<vmem>>
    %dma_wait3A_1454 = tpu.memref_squeeze %dma_wait3A_1453 : memref<1x128x32xf32, #tpu.memory_space<vmem>> -> memref<128x32xf32, #tpu.memory_space<vmem>>
    %dma_wait3A_1455 = arith.constant 0 : i32
    %dma_wait3A_1456 = tpu.memref_slice %arg5[%dma_wait3A_1449, %dma_wait3A_1455] : memref<32x128xi32, #tpu.memory_space<vmem>> -> memref<1x128xi32, #tpu.memory_space<vmem>>
    %dma_wait3A_1457 = tpu.memref_squeeze %dma_wait3A_1456 : memref<1x128xi32, #tpu.memory_space<vmem>> -> memref<128xi32, #tpu.memory_space<vmem>>
    %dma_wait3A_1458 = arith.constant 0 : i32
    %dma_wait3A_1459 = arith.constant 0 : i32
    %dma_wait3A_1460 = tpu.memref_slice %arg3[%dma_wait3A_1458, %dma_wait3A_1459] : memref<4000000x32xf32, #tpu.memory_space<hbm>> -> memref<4000000x32xf32, #tpu.memory_space<hbm>>
    tpu.wait_indirect_dma semaphore(%arg9 : memref<!tpu.dma_semaphore, #tpu.memory_space<semaphore_mem>>) src(%dma_wait3A_1460 : memref<4000000x32xf32, #tpu.memory_space<hbm>>) dst(%dma_wait3A_1454 : memref<128x32xf32, #tpu.memory_space<vmem>>)
    %add3A_1461 = arith.constant 3328 : i32
    %add3A_1462 = arith.addi %mul3A_2, %add3A_1461 : i32
    %dma_start3A_1463 = arith.constant 2 : i32
    %dma_start3A_1464 = arith.constant 0 : i32
    %dma_start3A_1465 = arith.constant 0 : i32
    %dma_start3A_1466 = tpu.memref_slice %arg6[%dma_start3A_1463, %dma_start3A_1464, %dma_start3A_1465] : memref<8x128x32xf32, #tpu.memory_space<vmem>> -> memref<1x128x32xf32, #tpu.memory_space<vmem>>
    %dma_start3A_1467 = tpu.memref_squeeze %dma_start3A_1466 : memref<1x128x32xf32, #tpu.memory_space<vmem>> -> memref<128x32xf32, #tpu.memory_space<vmem>>
    %dma_start3A_1468 = arith.constant 0 : i32
    %dma_start3A_1469 = tpu.memref_slice %arg4[%add3A_1462, %dma_start3A_1468] : memref<131072x32xf32, #tpu.memory_space<hbm>> -> memref<128x32xf32, #tpu.memory_space<hbm>>
    %dma_start3A_1470 = arith.constant 0 : i32
    %dma_start3A_1471 = tpu.memref_slice %arg4[%add3A_1462, %dma_start3A_1470] : memref<131072x32xf32, #tpu.memory_space<hbm>> -> memref<128x32xf32, #tpu.memory_space<hbm>>
    %dma_start3A_1472 = arith.constant 0 : i32
    %dma_start3A_1473 = arith.constant 0 : i32
    %dma_start3A_1474 = tpu.memref_slice %arg6[%dma_start3A_1463, %dma_start3A_1472, %dma_start3A_1473] : memref<8x128x32xf32, #tpu.memory_space<vmem>> -> memref<1x128x32xf32, #tpu.memory_space<vmem>>
    %dma_start3A_1475 = tpu.memref_squeeze %dma_start3A_1474 : memref<1x128x32xf32, #tpu.memory_space<vmem>> -> memref<128x32xf32, #tpu.memory_space<vmem>>
    tpu.enqueue_dma source(%dma_start3A_1475 : memref<128x32xf32, #tpu.memory_space<vmem>>) target(%dma_start3A_1471 : memref<128x32xf32, #tpu.memory_space<hbm>>) target_semaphore(%arg17 : memref<!tpu.dma_semaphore, #tpu.memory_space<semaphore_mem>>)
    %dma_wait3A_1476 = arith.constant 27 : i32
    %dma_wait3A_1477 = arith.constant 3 : i32
    %dma_wait3A_1478 = arith.constant 0 : i32
    %dma_wait3A_1479 = arith.constant 0 : i32
    %dma_wait3A_1480 = tpu.memref_slice %arg6[%dma_wait3A_1477, %dma_wait3A_1478, %dma_wait3A_1479] : memref<8x128x32xf32, #tpu.memory_space<vmem>> -> memref<1x128x32xf32, #tpu.memory_space<vmem>>
    %dma_wait3A_1481 = tpu.memref_squeeze %dma_wait3A_1480 : memref<1x128x32xf32, #tpu.memory_space<vmem>> -> memref<128x32xf32, #tpu.memory_space<vmem>>
    %dma_wait3A_1482 = arith.constant 0 : i32
    %dma_wait3A_1483 = tpu.memref_slice %arg5[%dma_wait3A_1476, %dma_wait3A_1482] : memref<32x128xi32, #tpu.memory_space<vmem>> -> memref<1x128xi32, #tpu.memory_space<vmem>>
    %dma_wait3A_1484 = tpu.memref_squeeze %dma_wait3A_1483 : memref<1x128xi32, #tpu.memory_space<vmem>> -> memref<128xi32, #tpu.memory_space<vmem>>
    %dma_wait3A_1485 = arith.constant 0 : i32
    %dma_wait3A_1486 = arith.constant 0 : i32
    %dma_wait3A_1487 = tpu.memref_slice %arg3[%dma_wait3A_1485, %dma_wait3A_1486] : memref<4000000x32xf32, #tpu.memory_space<hbm>> -> memref<4000000x32xf32, #tpu.memory_space<hbm>>
    tpu.wait_indirect_dma semaphore(%arg10 : memref<!tpu.dma_semaphore, #tpu.memory_space<semaphore_mem>>) src(%dma_wait3A_1487 : memref<4000000x32xf32, #tpu.memory_space<hbm>>) dst(%dma_wait3A_1481 : memref<128x32xf32, #tpu.memory_space<vmem>>)
    %add3A_1488 = arith.constant 3456 : i32
    %add3A_1489 = arith.addi %mul3A_2, %add3A_1488 : i32
    %dma_start3A_1490 = arith.constant 3 : i32
    %dma_start3A_1491 = arith.constant 0 : i32
    %dma_start3A_1492 = arith.constant 0 : i32
    %dma_start3A_1493 = tpu.memref_slice %arg6[%dma_start3A_1490, %dma_start3A_1491, %dma_start3A_1492] : memref<8x128x32xf32, #tpu.memory_space<vmem>> -> memref<1x128x32xf32, #tpu.memory_space<vmem>>
    %dma_start3A_1494 = tpu.memref_squeeze %dma_start3A_1493 : memref<1x128x32xf32, #tpu.memory_space<vmem>> -> memref<128x32xf32, #tpu.memory_space<vmem>>
    %dma_start3A_1495 = arith.constant 0 : i32
    %dma_start3A_1496 = tpu.memref_slice %arg4[%add3A_1489, %dma_start3A_1495] : memref<131072x32xf32, #tpu.memory_space<hbm>> -> memref<128x32xf32, #tpu.memory_space<hbm>>
    %dma_start3A_1497 = arith.constant 0 : i32
    %dma_start3A_1498 = tpu.memref_slice %arg4[%add3A_1489, %dma_start3A_1497] : memref<131072x32xf32, #tpu.memory_space<hbm>> -> memref<128x32xf32, #tpu.memory_space<hbm>>
    %dma_start3A_1499 = arith.constant 0 : i32
    %dma_start3A_1500 = arith.constant 0 : i32
    %dma_start3A_1501 = tpu.memref_slice %arg6[%dma_start3A_1490, %dma_start3A_1499, %dma_start3A_1500] : memref<8x128x32xf32, #tpu.memory_space<vmem>> -> memref<1x128x32xf32, #tpu.memory_space<vmem>>
    %dma_start3A_1502 = tpu.memref_squeeze %dma_start3A_1501 : memref<1x128x32xf32, #tpu.memory_space<vmem>> -> memref<128x32xf32, #tpu.memory_space<vmem>>
    tpu.enqueue_dma source(%dma_start3A_1502 : memref<128x32xf32, #tpu.memory_space<vmem>>) target(%dma_start3A_1498 : memref<128x32xf32, #tpu.memory_space<hbm>>) target_semaphore(%arg18 : memref<!tpu.dma_semaphore, #tpu.memory_space<semaphore_mem>>)
    %dma_wait3A_1503 = arith.constant 28 : i32
    %dma_wait3A_1504 = arith.constant 4 : i32
    %dma_wait3A_1505 = arith.constant 0 : i32
    %dma_wait3A_1506 = arith.constant 0 : i32
    %dma_wait3A_1507 = tpu.memref_slice %arg6[%dma_wait3A_1504, %dma_wait3A_1505, %dma_wait3A_1506] : memref<8x128x32xf32, #tpu.memory_space<vmem>> -> memref<1x128x32xf32, #tpu.memory_space<vmem>>
    %dma_wait3A_1508 = tpu.memref_squeeze %dma_wait3A_1507 : memref<1x128x32xf32, #tpu.memory_space<vmem>> -> memref<128x32xf32, #tpu.memory_space<vmem>>
    %dma_wait3A_1509 = arith.constant 0 : i32
    %dma_wait3A_1510 = tpu.memref_slice %arg5[%dma_wait3A_1503, %dma_wait3A_1509] : memref<32x128xi32, #tpu.memory_space<vmem>> -> memref<1x128xi32, #tpu.memory_space<vmem>>
    %dma_wait3A_1511 = tpu.memref_squeeze %dma_wait3A_1510 : memref<1x128xi32, #tpu.memory_space<vmem>> -> memref<128xi32, #tpu.memory_space<vmem>>
    %dma_wait3A_1512 = arith.constant 0 : i32
    %dma_wait3A_1513 = arith.constant 0 : i32
    %dma_wait3A_1514 = tpu.memref_slice %arg3[%dma_wait3A_1512, %dma_wait3A_1513] : memref<4000000x32xf32, #tpu.memory_space<hbm>> -> memref<4000000x32xf32, #tpu.memory_space<hbm>>
    tpu.wait_indirect_dma semaphore(%arg11 : memref<!tpu.dma_semaphore, #tpu.memory_space<semaphore_mem>>) src(%dma_wait3A_1514 : memref<4000000x32xf32, #tpu.memory_space<hbm>>) dst(%dma_wait3A_1508 : memref<128x32xf32, #tpu.memory_space<vmem>>)
    %add3A_1515 = arith.constant 3584 : i32
    %add3A_1516 = arith.addi %mul3A_2, %add3A_1515 : i32
    %dma_start3A_1517 = arith.constant 4 : i32
    %dma_start3A_1518 = arith.constant 0 : i32
    %dma_start3A_1519 = arith.constant 0 : i32
    %dma_start3A_1520 = tpu.memref_slice %arg6[%dma_start3A_1517, %dma_start3A_1518, %dma_start3A_1519] : memref<8x128x32xf32, #tpu.memory_space<vmem>> -> memref<1x128x32xf32, #tpu.memory_space<vmem>>
    %dma_start3A_1521 = tpu.memref_squeeze %dma_start3A_1520 : memref<1x128x32xf32, #tpu.memory_space<vmem>> -> memref<128x32xf32, #tpu.memory_space<vmem>>
    %dma_start3A_1522 = arith.constant 0 : i32
    %dma_start3A_1523 = tpu.memref_slice %arg4[%add3A_1516, %dma_start3A_1522] : memref<131072x32xf32, #tpu.memory_space<hbm>> -> memref<128x32xf32, #tpu.memory_space<hbm>>
    %dma_start3A_1524 = arith.constant 0 : i32
    %dma_start3A_1525 = tpu.memref_slice %arg4[%add3A_1516, %dma_start3A_1524] : memref<131072x32xf32, #tpu.memory_space<hbm>> -> memref<128x32xf32, #tpu.memory_space<hbm>>
    %dma_start3A_1526 = arith.constant 0 : i32
    %dma_start3A_1527 = arith.constant 0 : i32
    %dma_start3A_1528 = tpu.memref_slice %arg6[%dma_start3A_1517, %dma_start3A_1526, %dma_start3A_1527] : memref<8x128x32xf32, #tpu.memory_space<vmem>> -> memref<1x128x32xf32, #tpu.memory_space<vmem>>
    %dma_start3A_1529 = tpu.memref_squeeze %dma_start3A_1528 : memref<1x128x32xf32, #tpu.memory_space<vmem>> -> memref<128x32xf32, #tpu.memory_space<vmem>>
    tpu.enqueue_dma source(%dma_start3A_1529 : memref<128x32xf32, #tpu.memory_space<vmem>>) target(%dma_start3A_1525 : memref<128x32xf32, #tpu.memory_space<hbm>>) target_semaphore(%arg19 : memref<!tpu.dma_semaphore, #tpu.memory_space<semaphore_mem>>)
    %dma_wait3A_1530 = arith.constant 29 : i32
    %dma_wait3A_1531 = arith.constant 5 : i32
    %dma_wait3A_1532 = arith.constant 0 : i32
    %dma_wait3A_1533 = arith.constant 0 : i32
    %dma_wait3A_1534 = tpu.memref_slice %arg6[%dma_wait3A_1531, %dma_wait3A_1532, %dma_wait3A_1533] : memref<8x128x32xf32, #tpu.memory_space<vmem>> -> memref<1x128x32xf32, #tpu.memory_space<vmem>>
    %dma_wait3A_1535 = tpu.memref_squeeze %dma_wait3A_1534 : memref<1x128x32xf32, #tpu.memory_space<vmem>> -> memref<128x32xf32, #tpu.memory_space<vmem>>
    %dma_wait3A_1536 = arith.constant 0 : i32
    %dma_wait3A_1537 = tpu.memref_slice %arg5[%dma_wait3A_1530, %dma_wait3A_1536] : memref<32x128xi32, #tpu.memory_space<vmem>> -> memref<1x128xi32, #tpu.memory_space<vmem>>
    %dma_wait3A_1538 = tpu.memref_squeeze %dma_wait3A_1537 : memref<1x128xi32, #tpu.memory_space<vmem>> -> memref<128xi32, #tpu.memory_space<vmem>>
    %dma_wait3A_1539 = arith.constant 0 : i32
    %dma_wait3A_1540 = arith.constant 0 : i32
    %dma_wait3A_1541 = tpu.memref_slice %arg3[%dma_wait3A_1539, %dma_wait3A_1540] : memref<4000000x32xf32, #tpu.memory_space<hbm>> -> memref<4000000x32xf32, #tpu.memory_space<hbm>>
    tpu.wait_indirect_dma semaphore(%arg12 : memref<!tpu.dma_semaphore, #tpu.memory_space<semaphore_mem>>) src(%dma_wait3A_1541 : memref<4000000x32xf32, #tpu.memory_space<hbm>>) dst(%dma_wait3A_1535 : memref<128x32xf32, #tpu.memory_space<vmem>>)
    %add3A_1542 = arith.constant 3712 : i32
    %add3A_1543 = arith.addi %mul3A_2, %add3A_1542 : i32
    %dma_start3A_1544 = arith.constant 5 : i32
    %dma_start3A_1545 = arith.constant 0 : i32
    %dma_start3A_1546 = arith.constant 0 : i32
    %dma_start3A_1547 = tpu.memref_slice %arg6[%dma_start3A_1544, %dma_start3A_1545, %dma_start3A_1546] : memref<8x128x32xf32, #tpu.memory_space<vmem>> -> memref<1x128x32xf32, #tpu.memory_space<vmem>>
    %dma_start3A_1548 = tpu.memref_squeeze %dma_start3A_1547 : memref<1x128x32xf32, #tpu.memory_space<vmem>> -> memref<128x32xf32, #tpu.memory_space<vmem>>
    %dma_start3A_1549 = arith.constant 0 : i32
    %dma_start3A_1550 = tpu.memref_slice %arg4[%add3A_1543, %dma_start3A_1549] : memref<131072x32xf32, #tpu.memory_space<hbm>> -> memref<128x32xf32, #tpu.memory_space<hbm>>
    %dma_start3A_1551 = arith.constant 0 : i32
    %dma_start3A_1552 = tpu.memref_slice %arg4[%add3A_1543, %dma_start3A_1551] : memref<131072x32xf32, #tpu.memory_space<hbm>> -> memref<128x32xf32, #tpu.memory_space<hbm>>
    %dma_start3A_1553 = arith.constant 0 : i32
    %dma_start3A_1554 = arith.constant 0 : i32
    %dma_start3A_1555 = tpu.memref_slice %arg6[%dma_start3A_1544, %dma_start3A_1553, %dma_start3A_1554] : memref<8x128x32xf32, #tpu.memory_space<vmem>> -> memref<1x128x32xf32, #tpu.memory_space<vmem>>
    %dma_start3A_1556 = tpu.memref_squeeze %dma_start3A_1555 : memref<1x128x32xf32, #tpu.memory_space<vmem>> -> memref<128x32xf32, #tpu.memory_space<vmem>>
    tpu.enqueue_dma source(%dma_start3A_1556 : memref<128x32xf32, #tpu.memory_space<vmem>>) target(%dma_start3A_1552 : memref<128x32xf32, #tpu.memory_space<hbm>>) target_semaphore(%arg20 : memref<!tpu.dma_semaphore, #tpu.memory_space<semaphore_mem>>)
    %dma_wait3A_1557 = arith.constant 30 : i32
    %dma_wait3A_1558 = arith.constant 6 : i32
    %dma_wait3A_1559 = arith.constant 0 : i32
    %dma_wait3A_1560 = arith.constant 0 : i32
    %dma_wait3A_1561 = tpu.memref_slice %arg6[%dma_wait3A_1558, %dma_wait3A_1559, %dma_wait3A_1560] : memref<8x128x32xf32, #tpu.memory_space<vmem>> -> memref<1x128x32xf32, #tpu.memory_space<vmem>>
    %dma_wait3A_1562 = tpu.memref_squeeze %dma_wait3A_1561 : memref<1x128x32xf32, #tpu.memory_space<vmem>> -> memref<128x32xf32, #tpu.memory_space<vmem>>
    %dma_wait3A_1563 = arith.constant 0 : i32
    %dma_wait3A_1564 = tpu.memref_slice %arg5[%dma_wait3A_1557, %dma_wait3A_1563] : memref<32x128xi32, #tpu.memory_space<vmem>> -> memref<1x128xi32, #tpu.memory_space<vmem>>
    %dma_wait3A_1565 = tpu.memref_squeeze %dma_wait3A_1564 : memref<1x128xi32, #tpu.memory_space<vmem>> -> memref<128xi32, #tpu.memory_space<vmem>>
    %dma_wait3A_1566 = arith.constant 0 : i32
    %dma_wait3A_1567 = arith.constant 0 : i32
    %dma_wait3A_1568 = tpu.memref_slice %arg3[%dma_wait3A_1566, %dma_wait3A_1567] : memref<4000000x32xf32, #tpu.memory_space<hbm>> -> memref<4000000x32xf32, #tpu.memory_space<hbm>>
    tpu.wait_indirect_dma semaphore(%arg13 : memref<!tpu.dma_semaphore, #tpu.memory_space<semaphore_mem>>) src(%dma_wait3A_1568 : memref<4000000x32xf32, #tpu.memory_space<hbm>>) dst(%dma_wait3A_1562 : memref<128x32xf32, #tpu.memory_space<vmem>>)
    %add3A_1569 = arith.constant 3840 : i32
    %add3A_1570 = arith.addi %mul3A_2, %add3A_1569 : i32
    %dma_start3A_1571 = arith.constant 6 : i32
    %dma_start3A_1572 = arith.constant 0 : i32
    %dma_start3A_1573 = arith.constant 0 : i32
    %dma_start3A_1574 = tpu.memref_slice %arg6[%dma_start3A_1571, %dma_start3A_1572, %dma_start3A_1573] : memref<8x128x32xf32, #tpu.memory_space<vmem>> -> memref<1x128x32xf32, #tpu.memory_space<vmem>>
    %dma_start3A_1575 = tpu.memref_squeeze %dma_start3A_1574 : memref<1x128x32xf32, #tpu.memory_space<vmem>> -> memref<128x32xf32, #tpu.memory_space<vmem>>
    %dma_start3A_1576 = arith.constant 0 : i32
    %dma_start3A_1577 = tpu.memref_slice %arg4[%add3A_1570, %dma_start3A_1576] : memref<131072x32xf32, #tpu.memory_space<hbm>> -> memref<128x32xf32, #tpu.memory_space<hbm>>
    %dma_start3A_1578 = arith.constant 0 : i32
    %dma_start3A_1579 = tpu.memref_slice %arg4[%add3A_1570, %dma_start3A_1578] : memref<131072x32xf32, #tpu.memory_space<hbm>> -> memref<128x32xf32, #tpu.memory_space<hbm>>
    %dma_start3A_1580 = arith.constant 0 : i32
    %dma_start3A_1581 = arith.constant 0 : i32
    %dma_start3A_1582 = tpu.memref_slice %arg6[%dma_start3A_1571, %dma_start3A_1580, %dma_start3A_1581] : memref<8x128x32xf32, #tpu.memory_space<vmem>> -> memref<1x128x32xf32, #tpu.memory_space<vmem>>
    %dma_start3A_1583 = tpu.memref_squeeze %dma_start3A_1582 : memref<1x128x32xf32, #tpu.memory_space<vmem>> -> memref<128x32xf32, #tpu.memory_space<vmem>>
    tpu.enqueue_dma source(%dma_start3A_1583 : memref<128x32xf32, #tpu.memory_space<vmem>>) target(%dma_start3A_1579 : memref<128x32xf32, #tpu.memory_space<hbm>>) target_semaphore(%arg21 : memref<!tpu.dma_semaphore, #tpu.memory_space<semaphore_mem>>)
    %dma_wait3A_1584 = arith.constant 31 : i32
    %dma_wait3A_1585 = arith.constant 7 : i32
    %dma_wait3A_1586 = arith.constant 0 : i32
    %dma_wait3A_1587 = arith.constant 0 : i32
    %dma_wait3A_1588 = tpu.memref_slice %arg6[%dma_wait3A_1585, %dma_wait3A_1586, %dma_wait3A_1587] : memref<8x128x32xf32, #tpu.memory_space<vmem>> -> memref<1x128x32xf32, #tpu.memory_space<vmem>>
    %dma_wait3A_1589 = tpu.memref_squeeze %dma_wait3A_1588 : memref<1x128x32xf32, #tpu.memory_space<vmem>> -> memref<128x32xf32, #tpu.memory_space<vmem>>
    %dma_wait3A_1590 = arith.constant 0 : i32
    %dma_wait3A_1591 = tpu.memref_slice %arg5[%dma_wait3A_1584, %dma_wait3A_1590] : memref<32x128xi32, #tpu.memory_space<vmem>> -> memref<1x128xi32, #tpu.memory_space<vmem>>
    %dma_wait3A_1592 = tpu.memref_squeeze %dma_wait3A_1591 : memref<1x128xi32, #tpu.memory_space<vmem>> -> memref<128xi32, #tpu.memory_space<vmem>>
    %dma_wait3A_1593 = arith.constant 0 : i32
    %dma_wait3A_1594 = arith.constant 0 : i32
    %dma_wait3A_1595 = tpu.memref_slice %arg3[%dma_wait3A_1593, %dma_wait3A_1594] : memref<4000000x32xf32, #tpu.memory_space<hbm>> -> memref<4000000x32xf32, #tpu.memory_space<hbm>>
    tpu.wait_indirect_dma semaphore(%arg14 : memref<!tpu.dma_semaphore, #tpu.memory_space<semaphore_mem>>) src(%dma_wait3A_1595 : memref<4000000x32xf32, #tpu.memory_space<hbm>>) dst(%dma_wait3A_1589 : memref<128x32xf32, #tpu.memory_space<vmem>>)
    %add3A_1596 = arith.constant 3968 : i32
    %add3A_1597 = arith.addi %mul3A_2, %add3A_1596 : i32
    %dma_start3A_1598 = arith.constant 7 : i32
    %dma_start3A_1599 = arith.constant 0 : i32
    %dma_start3A_1600 = arith.constant 0 : i32
    %dma_start3A_1601 = tpu.memref_slice %arg6[%dma_start3A_1598, %dma_start3A_1599, %dma_start3A_1600] : memref<8x128x32xf32, #tpu.memory_space<vmem>> -> memref<1x128x32xf32, #tpu.memory_space<vmem>>
    %dma_start3A_1602 = tpu.memref_squeeze %dma_start3A_1601 : memref<1x128x32xf32, #tpu.memory_space<vmem>> -> memref<128x32xf32, #tpu.memory_space<vmem>>
    %dma_start3A_1603 = arith.constant 0 : i32
    %dma_start3A_1604 = tpu.memref_slice %arg4[%add3A_1597, %dma_start3A_1603] : memref<131072x32xf32, #tpu.memory_space<hbm>> -> memref<128x32xf32, #tpu.memory_space<hbm>>
    %dma_start3A_1605 = arith.constant 0 : i32
    %dma_start3A_1606 = tpu.memref_slice %arg4[%add3A_1597, %dma_start3A_1605] : memref<131072x32xf32, #tpu.memory_space<hbm>> -> memref<128x32xf32, #tpu.memory_space<hbm>>
    %dma_start3A_1607 = arith.constant 0 : i32
    %dma_start3A_1608 = arith.constant 0 : i32
    %dma_start3A_1609 = tpu.memref_slice %arg6[%dma_start3A_1598, %dma_start3A_1607, %dma_start3A_1608] : memref<8x128x32xf32, #tpu.memory_space<vmem>> -> memref<1x128x32xf32, #tpu.memory_space<vmem>>
    %dma_start3A_1610 = tpu.memref_squeeze %dma_start3A_1609 : memref<1x128x32xf32, #tpu.memory_space<vmem>> -> memref<128x32xf32, #tpu.memory_space<vmem>>
    tpu.enqueue_dma source(%dma_start3A_1610 : memref<128x32xf32, #tpu.memory_space<vmem>>) target(%dma_start3A_1606 : memref<128x32xf32, #tpu.memory_space<hbm>>) target_semaphore(%arg22 : memref<!tpu.dma_semaphore, #tpu.memory_space<semaphore_mem>>)
    %add3A_1611 = arith.constant 3072 : i32
    %add3A_1612 = arith.addi %mul3A_2, %add3A_1611 : i32
    %dma_wait3A_1613 = arith.constant 0 : i32
    %dma_wait3A_1614 = arith.constant 0 : i32
    %dma_wait3A_1615 = arith.constant 0 : i32
    %dma_wait3A_1616 = tpu.memref_slice %arg6[%dma_wait3A_1613, %dma_wait3A_1614, %dma_wait3A_1615] : memref<8x128x32xf32, #tpu.memory_space<vmem>> -> memref<1x128x32xf32, #tpu.memory_space<vmem>>
    %dma_wait3A_1617 = tpu.memref_squeeze %dma_wait3A_1616 : memref<1x128x32xf32, #tpu.memory_space<vmem>> -> memref<128x32xf32, #tpu.memory_space<vmem>>
    %dma_wait3A_1618 = arith.constant 0 : i32
    %dma_wait3A_1619 = tpu.memref_slice %arg4[%add3A_1612, %dma_wait3A_1618] : memref<131072x32xf32, #tpu.memory_space<hbm>> -> memref<128x32xf32, #tpu.memory_space<hbm>>
    %dma_wait3A_1620 = arith.constant 0 : i32
    %dma_wait3A_1621 = tpu.memref_slice %arg4[%add3A_1612, %dma_wait3A_1620] : memref<131072x32xf32, #tpu.memory_space<hbm>> -> memref<128x32xf32, #tpu.memory_space<hbm>>
    %dma_wait3A_1622 = arith.constant 0 : i32
    %dma_wait3A_1623 = arith.constant 0 : i32
    %dma_wait3A_1624 = tpu.memref_slice %arg6[%dma_wait3A_1613, %dma_wait3A_1622, %dma_wait3A_1623] : memref<8x128x32xf32, #tpu.memory_space<vmem>> -> memref<1x128x32xf32, #tpu.memory_space<vmem>>
    %dma_wait3A_1625 = tpu.memref_squeeze %dma_wait3A_1624 : memref<1x128x32xf32, #tpu.memory_space<vmem>> -> memref<128x32xf32, #tpu.memory_space<vmem>>
    tpu.wait_dma2 semaphore(%arg15 : memref<!tpu.dma_semaphore, #tpu.memory_space<semaphore_mem>>) src(%dma_wait3A_1625 : memref<128x32xf32, #tpu.memory_space<vmem>>) dst(%dma_wait3A_1621 : memref<128x32xf32, #tpu.memory_space<hbm>>)
    %add3A_1626 = arith.constant 3200 : i32
    %add3A_1627 = arith.addi %mul3A_2, %add3A_1626 : i32
    %dma_wait3A_1628 = arith.constant 1 : i32
    %dma_wait3A_1629 = arith.constant 0 : i32
    %dma_wait3A_1630 = arith.constant 0 : i32
    %dma_wait3A_1631 = tpu.memref_slice %arg6[%dma_wait3A_1628, %dma_wait3A_1629, %dma_wait3A_1630] : memref<8x128x32xf32, #tpu.memory_space<vmem>> -> memref<1x128x32xf32, #tpu.memory_space<vmem>>
    %dma_wait3A_1632 = tpu.memref_squeeze %dma_wait3A_1631 : memref<1x128x32xf32, #tpu.memory_space<vmem>> -> memref<128x32xf32, #tpu.memory_space<vmem>>
    %dma_wait3A_1633 = arith.constant 0 : i32
    %dma_wait3A_1634 = tpu.memref_slice %arg4[%add3A_1627, %dma_wait3A_1633] : memref<131072x32xf32, #tpu.memory_space<hbm>> -> memref<128x32xf32, #tpu.memory_space<hbm>>
    %dma_wait3A_1635 = arith.constant 0 : i32
    %dma_wait3A_1636 = tpu.memref_slice %arg4[%add3A_1627, %dma_wait3A_1635] : memref<131072x32xf32, #tpu.memory_space<hbm>> -> memref<128x32xf32, #tpu.memory_space<hbm>>
    %dma_wait3A_1637 = arith.constant 0 : i32
    %dma_wait3A_1638 = arith.constant 0 : i32
    %dma_wait3A_1639 = tpu.memref_slice %arg6[%dma_wait3A_1628, %dma_wait3A_1637, %dma_wait3A_1638] : memref<8x128x32xf32, #tpu.memory_space<vmem>> -> memref<1x128x32xf32, #tpu.memory_space<vmem>>
    %dma_wait3A_1640 = tpu.memref_squeeze %dma_wait3A_1639 : memref<1x128x32xf32, #tpu.memory_space<vmem>> -> memref<128x32xf32, #tpu.memory_space<vmem>>
    tpu.wait_dma2 semaphore(%arg16 : memref<!tpu.dma_semaphore, #tpu.memory_space<semaphore_mem>>) src(%dma_wait3A_1640 : memref<128x32xf32, #tpu.memory_space<vmem>>) dst(%dma_wait3A_1636 : memref<128x32xf32, #tpu.memory_space<hbm>>)
    %add3A_1641 = arith.constant 3328 : i32
    %add3A_1642 = arith.addi %mul3A_2, %add3A_1641 : i32
    %dma_wait3A_1643 = arith.constant 2 : i32
    %dma_wait3A_1644 = arith.constant 0 : i32
    %dma_wait3A_1645 = arith.constant 0 : i32
    %dma_wait3A_1646 = tpu.memref_slice %arg6[%dma_wait3A_1643, %dma_wait3A_1644, %dma_wait3A_1645] : memref<8x128x32xf32, #tpu.memory_space<vmem>> -> memref<1x128x32xf32, #tpu.memory_space<vmem>>
    %dma_wait3A_1647 = tpu.memref_squeeze %dma_wait3A_1646 : memref<1x128x32xf32, #tpu.memory_space<vmem>> -> memref<128x32xf32, #tpu.memory_space<vmem>>
    %dma_wait3A_1648 = arith.constant 0 : i32
    %dma_wait3A_1649 = tpu.memref_slice %arg4[%add3A_1642, %dma_wait3A_1648] : memref<131072x32xf32, #tpu.memory_space<hbm>> -> memref<128x32xf32, #tpu.memory_space<hbm>>
    %dma_wait3A_1650 = arith.constant 0 : i32
    %dma_wait3A_1651 = tpu.memref_slice %arg4[%add3A_1642, %dma_wait3A_1650] : memref<131072x32xf32, #tpu.memory_space<hbm>> -> memref<128x32xf32, #tpu.memory_space<hbm>>
    %dma_wait3A_1652 = arith.constant 0 : i32
    %dma_wait3A_1653 = arith.constant 0 : i32
    %dma_wait3A_1654 = tpu.memref_slice %arg6[%dma_wait3A_1643, %dma_wait3A_1652, %dma_wait3A_1653] : memref<8x128x32xf32, #tpu.memory_space<vmem>> -> memref<1x128x32xf32, #tpu.memory_space<vmem>>
    %dma_wait3A_1655 = tpu.memref_squeeze %dma_wait3A_1654 : memref<1x128x32xf32, #tpu.memory_space<vmem>> -> memref<128x32xf32, #tpu.memory_space<vmem>>
    tpu.wait_dma2 semaphore(%arg17 : memref<!tpu.dma_semaphore, #tpu.memory_space<semaphore_mem>>) src(%dma_wait3A_1655 : memref<128x32xf32, #tpu.memory_space<vmem>>) dst(%dma_wait3A_1651 : memref<128x32xf32, #tpu.memory_space<hbm>>)
    %add3A_1656 = arith.constant 3456 : i32
    %add3A_1657 = arith.addi %mul3A_2, %add3A_1656 : i32
    %dma_wait3A_1658 = arith.constant 3 : i32
    %dma_wait3A_1659 = arith.constant 0 : i32
    %dma_wait3A_1660 = arith.constant 0 : i32
    %dma_wait3A_1661 = tpu.memref_slice %arg6[%dma_wait3A_1658, %dma_wait3A_1659, %dma_wait3A_1660] : memref<8x128x32xf32, #tpu.memory_space<vmem>> -> memref<1x128x32xf32, #tpu.memory_space<vmem>>
    %dma_wait3A_1662 = tpu.memref_squeeze %dma_wait3A_1661 : memref<1x128x32xf32, #tpu.memory_space<vmem>> -> memref<128x32xf32, #tpu.memory_space<vmem>>
    %dma_wait3A_1663 = arith.constant 0 : i32
    %dma_wait3A_1664 = tpu.memref_slice %arg4[%add3A_1657, %dma_wait3A_1663] : memref<131072x32xf32, #tpu.memory_space<hbm>> -> memref<128x32xf32, #tpu.memory_space<hbm>>
    %dma_wait3A_1665 = arith.constant 0 : i32
    %dma_wait3A_1666 = tpu.memref_slice %arg4[%add3A_1657, %dma_wait3A_1665] : memref<131072x32xf32, #tpu.memory_space<hbm>> -> memref<128x32xf32, #tpu.memory_space<hbm>>
    %dma_wait3A_1667 = arith.constant 0 : i32
    %dma_wait3A_1668 = arith.constant 0 : i32
    %dma_wait3A_1669 = tpu.memref_slice %arg6[%dma_wait3A_1658, %dma_wait3A_1667, %dma_wait3A_1668] : memref<8x128x32xf32, #tpu.memory_space<vmem>> -> memref<1x128x32xf32, #tpu.memory_space<vmem>>
    %dma_wait3A_1670 = tpu.memref_squeeze %dma_wait3A_1669 : memref<1x128x32xf32, #tpu.memory_space<vmem>> -> memref<128x32xf32, #tpu.memory_space<vmem>>
    tpu.wait_dma2 semaphore(%arg18 : memref<!tpu.dma_semaphore, #tpu.memory_space<semaphore_mem>>) src(%dma_wait3A_1670 : memref<128x32xf32, #tpu.memory_space<vmem>>) dst(%dma_wait3A_1666 : memref<128x32xf32, #tpu.memory_space<hbm>>)
    %add3A_1671 = arith.constant 3584 : i32
    %add3A_1672 = arith.addi %mul3A_2, %add3A_1671 : i32
    %dma_wait3A_1673 = arith.constant 4 : i32
    %dma_wait3A_1674 = arith.constant 0 : i32
    %dma_wait3A_1675 = arith.constant 0 : i32
    %dma_wait3A_1676 = tpu.memref_slice %arg6[%dma_wait3A_1673, %dma_wait3A_1674, %dma_wait3A_1675] : memref<8x128x32xf32, #tpu.memory_space<vmem>> -> memref<1x128x32xf32, #tpu.memory_space<vmem>>
    %dma_wait3A_1677 = tpu.memref_squeeze %dma_wait3A_1676 : memref<1x128x32xf32, #tpu.memory_space<vmem>> -> memref<128x32xf32, #tpu.memory_space<vmem>>
    %dma_wait3A_1678 = arith.constant 0 : i32
    %dma_wait3A_1679 = tpu.memref_slice %arg4[%add3A_1672, %dma_wait3A_1678] : memref<131072x32xf32, #tpu.memory_space<hbm>> -> memref<128x32xf32, #tpu.memory_space<hbm>>
    %dma_wait3A_1680 = arith.constant 0 : i32
    %dma_wait3A_1681 = tpu.memref_slice %arg4[%add3A_1672, %dma_wait3A_1680] : memref<131072x32xf32, #tpu.memory_space<hbm>> -> memref<128x32xf32, #tpu.memory_space<hbm>>
    %dma_wait3A_1682 = arith.constant 0 : i32
    %dma_wait3A_1683 = arith.constant 0 : i32
    %dma_wait3A_1684 = tpu.memref_slice %arg6[%dma_wait3A_1673, %dma_wait3A_1682, %dma_wait3A_1683] : memref<8x128x32xf32, #tpu.memory_space<vmem>> -> memref<1x128x32xf32, #tpu.memory_space<vmem>>
    %dma_wait3A_1685 = tpu.memref_squeeze %dma_wait3A_1684 : memref<1x128x32xf32, #tpu.memory_space<vmem>> -> memref<128x32xf32, #tpu.memory_space<vmem>>
    tpu.wait_dma2 semaphore(%arg19 : memref<!tpu.dma_semaphore, #tpu.memory_space<semaphore_mem>>) src(%dma_wait3A_1685 : memref<128x32xf32, #tpu.memory_space<vmem>>) dst(%dma_wait3A_1681 : memref<128x32xf32, #tpu.memory_space<hbm>>)
    %add3A_1686 = arith.constant 3712 : i32
    %add3A_1687 = arith.addi %mul3A_2, %add3A_1686 : i32
    %dma_wait3A_1688 = arith.constant 5 : i32
    %dma_wait3A_1689 = arith.constant 0 : i32
    %dma_wait3A_1690 = arith.constant 0 : i32
    %dma_wait3A_1691 = tpu.memref_slice %arg6[%dma_wait3A_1688, %dma_wait3A_1689, %dma_wait3A_1690] : memref<8x128x32xf32, #tpu.memory_space<vmem>> -> memref<1x128x32xf32, #tpu.memory_space<vmem>>
    %dma_wait3A_1692 = tpu.memref_squeeze %dma_wait3A_1691 : memref<1x128x32xf32, #tpu.memory_space<vmem>> -> memref<128x32xf32, #tpu.memory_space<vmem>>
    %dma_wait3A_1693 = arith.constant 0 : i32
    %dma_wait3A_1694 = tpu.memref_slice %arg4[%add3A_1687, %dma_wait3A_1693] : memref<131072x32xf32, #tpu.memory_space<hbm>> -> memref<128x32xf32, #tpu.memory_space<hbm>>
    %dma_wait3A_1695 = arith.constant 0 : i32
    %dma_wait3A_1696 = tpu.memref_slice %arg4[%add3A_1687, %dma_wait3A_1695] : memref<131072x32xf32, #tpu.memory_space<hbm>> -> memref<128x32xf32, #tpu.memory_space<hbm>>
    %dma_wait3A_1697 = arith.constant 0 : i32
    %dma_wait3A_1698 = arith.constant 0 : i32
    %dma_wait3A_1699 = tpu.memref_slice %arg6[%dma_wait3A_1688, %dma_wait3A_1697, %dma_wait3A_1698] : memref<8x128x32xf32, #tpu.memory_space<vmem>> -> memref<1x128x32xf32, #tpu.memory_space<vmem>>
    %dma_wait3A_1700 = tpu.memref_squeeze %dma_wait3A_1699 : memref<1x128x32xf32, #tpu.memory_space<vmem>> -> memref<128x32xf32, #tpu.memory_space<vmem>>
    tpu.wait_dma2 semaphore(%arg20 : memref<!tpu.dma_semaphore, #tpu.memory_space<semaphore_mem>>) src(%dma_wait3A_1700 : memref<128x32xf32, #tpu.memory_space<vmem>>) dst(%dma_wait3A_1696 : memref<128x32xf32, #tpu.memory_space<hbm>>)
    %add3A_1701 = arith.constant 3840 : i32
    %add3A_1702 = arith.addi %mul3A_2, %add3A_1701 : i32
    %dma_wait3A_1703 = arith.constant 6 : i32
    %dma_wait3A_1704 = arith.constant 0 : i32
    %dma_wait3A_1705 = arith.constant 0 : i32
    %dma_wait3A_1706 = tpu.memref_slice %arg6[%dma_wait3A_1703, %dma_wait3A_1704, %dma_wait3A_1705] : memref<8x128x32xf32, #tpu.memory_space<vmem>> -> memref<1x128x32xf32, #tpu.memory_space<vmem>>
    %dma_wait3A_1707 = tpu.memref_squeeze %dma_wait3A_1706 : memref<1x128x32xf32, #tpu.memory_space<vmem>> -> memref<128x32xf32, #tpu.memory_space<vmem>>
    %dma_wait3A_1708 = arith.constant 0 : i32
    %dma_wait3A_1709 = tpu.memref_slice %arg4[%add3A_1702, %dma_wait3A_1708] : memref<131072x32xf32, #tpu.memory_space<hbm>> -> memref<128x32xf32, #tpu.memory_space<hbm>>
    %dma_wait3A_1710 = arith.constant 0 : i32
    %dma_wait3A_1711 = tpu.memref_slice %arg4[%add3A_1702, %dma_wait3A_1710] : memref<131072x32xf32, #tpu.memory_space<hbm>> -> memref<128x32xf32, #tpu.memory_space<hbm>>
    %dma_wait3A_1712 = arith.constant 0 : i32
    %dma_wait3A_1713 = arith.constant 0 : i32
    %dma_wait3A_1714 = tpu.memref_slice %arg6[%dma_wait3A_1703, %dma_wait3A_1712, %dma_wait3A_1713] : memref<8x128x32xf32, #tpu.memory_space<vmem>> -> memref<1x128x32xf32, #tpu.memory_space<vmem>>
    %dma_wait3A_1715 = tpu.memref_squeeze %dma_wait3A_1714 : memref<1x128x32xf32, #tpu.memory_space<vmem>> -> memref<128x32xf32, #tpu.memory_space<vmem>>
    tpu.wait_dma2 semaphore(%arg21 : memref<!tpu.dma_semaphore, #tpu.memory_space<semaphore_mem>>) src(%dma_wait3A_1715 : memref<128x32xf32, #tpu.memory_space<vmem>>) dst(%dma_wait3A_1711 : memref<128x32xf32, #tpu.memory_space<hbm>>)
    %add3A_1716 = arith.constant 3968 : i32
    %add3A_1717 = arith.addi %mul3A_2, %add3A_1716 : i32
    %dma_wait3A_1718 = arith.constant 7 : i32
    %dma_wait3A_1719 = arith.constant 0 : i32
    %dma_wait3A_1720 = arith.constant 0 : i32
    %dma_wait3A_1721 = tpu.memref_slice %arg6[%dma_wait3A_1718, %dma_wait3A_1719, %dma_wait3A_1720] : memref<8x128x32xf32, #tpu.memory_space<vmem>> -> memref<1x128x32xf32, #tpu.memory_space<vmem>>
    %dma_wait3A_1722 = tpu.memref_squeeze %dma_wait3A_1721 : memref<1x128x32xf32, #tpu.memory_space<vmem>> -> memref<128x32xf32, #tpu.memory_space<vmem>>
    %dma_wait3A_1723 = arith.constant 0 : i32
    %dma_wait3A_1724 = tpu.memref_slice %arg4[%add3A_1717, %dma_wait3A_1723] : memref<131072x32xf32, #tpu.memory_space<hbm>> -> memref<128x32xf32, #tpu.memory_space<hbm>>
    %dma_wait3A_1725 = arith.constant 0 : i32
    %dma_wait3A_1726 = tpu.memref_slice %arg4[%add3A_1717, %dma_wait3A_1725] : memref<131072x32xf32, #tpu.memory_space<hbm>> -> memref<128x32xf32, #tpu.memory_space<hbm>>
    %dma_wait3A_1727 = arith.constant 0 : i32
    %dma_wait3A_1728 = arith.constant 0 : i32
    %dma_wait3A_1729 = tpu.memref_slice %arg6[%dma_wait3A_1718, %dma_wait3A_1727, %dma_wait3A_1728] : memref<8x128x32xf32, #tpu.memory_space<vmem>> -> memref<1x128x32xf32, #tpu.memory_space<vmem>>
    %dma_wait3A_1730 = tpu.memref_squeeze %dma_wait3A_1729 : memref<1x128x32xf32, #tpu.memory_space<vmem>> -> memref<128x32xf32, #tpu.memory_space<vmem>>
    tpu.wait_dma2 semaphore(%arg22 : memref<!tpu.dma_semaphore, #tpu.memory_space<semaphore_mem>>) src(%dma_wait3A_1730 : memref<128x32xf32, #tpu.memory_space<vmem>>) dst(%dma_wait3A_1726 : memref<128x32xf32, #tpu.memory_space<hbm>>)
    return
  }
}

</mosaic_0001>

<sc_bundles>
// kernel: kernel.3.cloned.1.call-start
scs
__scs_entry_jumppad:
0x0: {  	(pc) =	sbr.rel $0x88, $3  }
0x1: {  	(tag) =	ssettag $0x0;
	lr =	simm.s32 $0x1  }
0x2: {  	[smem:$0x3F9F] =	sst lr;
	_ =	strace $0xD0000000  }
0x3: {  	_ = 	snop  }
0x4: {  	_ = 	snop  }
0x5: {  	_ = 	snop  }
0x6: {  	_ = 	snop  }
0x7: {  	_ = 	snop  }
__scs_overlays_trampoline_lowered:
0x8: {  	[smem:$0x3FAE] =	sst s0  }
0x9: {  	[smem:$0x3FAF] =	sst s1  }
0xa: {  	[smem:$0x3FB0] =	sst s2  }
0xb: {  	[smem:$0x3FB1] =	sst s3  }
0xc: {  	[smem:$0x3FB2] =	sst s4  }
0xd: {  	[smem:$0x3FB3] =	sst s5  }
0xe: {  	[smem:$0x3FB4] =	sst s6  }
0xf: {  	[smem:$0x3FB5] =	sst s7  }
0x10: {  	[smem:$0x3FB6] =	sst s8  }
0x11: {  	[smem:$0x3FB7] =	sst s9;
	s0 =	simm.s32 @!p0 $0x0  }
0x12: {  	s1 =	sld [smem:$0x3F9D];
	s0 =	simm.s32 @p0 $0x1  }
0x13: {  	[smem:$0x3FB8] =	sst s0;
	s0 =	simm.s32 @!p1 $0x0  }
0x14: {  	s2 =	sld [smem:$0x3F9C];
	s0 =	simm.s32 @p1 $0x1  }
0x15: {  	[smem:$0x3FB9] =	sst s0;
	s0 =	simm.s32 @!p2 $0x0  }
0x16: {  	s3 =	sld [smem:$0x3FDB];
	s0 =	simm.s32 @p2 $0x1  }
0x17: {  	s4 =	simm.s32 $0x1BF5;
	[smem:$0x3FBB] =	sst s0  }
0x18: {  	s0 =	sld [smem:$0x3F9E];
	_ =	swait.ge [sflag:s4], $0x0  }
0x19: {  	s7 =	sld [smem:$0x3F9F]  }
0x1a: {  	s8 =	sadd.s32 $0xFFFFE003, lr  }
0x1b: {  	s9 =	sadd.s32 $0xFFFFFEF7, lr;
	s5 =	simm.s32 $0xFFFFFFFF;
	p2 =	slt.u32 s8, $0xFFFFF086  }
0x1c: {  	p1 =	slt.u32 s9, $0xF7A;
	s5 =	simm.s32 @!p2 $0x0  }
0x1d: {  	s5 =	simm.s32 @p1 $0x1;
	p0 =	seq.s32 s7, s2  }
0x1e: {  	s7 =	smul.u32 @!p0 $0xF7A, s2;
	p2 =	seq.s32 @!p0 s5, $0x0  }
0x1f: {  	s9 =	smul.u32 $0xF7A, s1;
	s8 =	simm.s32 @!p0 $0x1BF5;
	p2 =	por !p2, p0  }
0x20: {  	[sflag:s8] =	ssyncset.s32 @!p0 $0xFFFFF086;
	s6 =	sadd.s32 @!p0 s3, s7;
	s7 =	simm.s32 @!p0 $0x108  }
0x21: {  	s3 =	sadd.s32 s3, s9;
	s6 =	sadd.s32 @!p0 $0x88, s6;
	s7 =	simm.s32 @p2 $0x1082  }
0x22: {  	[simem:s7], [sflag:s8] =	dma.local @!p0 [hbm:s6], $0xF7A  }
0x23: {  	s9 =	sor.u32 $0xD0000000, s2;
	s6 =	simm.s32 $0x108;
	_ =	swait.ge @!p0 [sflag:s8], $0x0  }
0x24: {  	s3 =	sadd.s32 $0x88, s3;
	s6 =	simm.s32 @!p1 $0x1082;
	[sflag:s4] =	ssyncset.s32 $0xFFFFF086  }
0x25: {  	[simem:s6], [sflag:s4] =	dma.local [hbm:s3], $0xF7A  }
0x26: {  	[smem:$0x3F9F] =	sst s1;
	(tag) =	ssettag s2;
	_ =	strace s9  }
0x27: {  	s1 =	sld [smem:$0x3FAF]  }
0x28: {  	s2 =	sld [smem:$0x3FB0]  }
0x29: {  	s4 =	sld [smem:$0x3FB2]  }
0x2a: {  	p0 =	seq.s32 s5, $0x0;
	s5 =	sld [smem:$0x3FB3]  }
0x2b: {  	s6 =	sld [smem:$0x3FB4]  }
0x2c: {  	s7 =	sld [smem:$0x3FB5]  }
0x2d: {  	s3 =	simm.s32 $0x108;
	s8 =	sld [smem:$0x3FB6]  }
0x2e: {  	s3 =	simm.s32 @!p0 $0x1082;
	s9 =	sld [smem:$0x3FB7]  }
0x2f: {  	lr =	sadd.s32 s0, s3;
	s0 =	sld [smem:$0x3FAE]  }
0x30: {  	s3 =	sld [smem:$0x3FB1]  }
0x31: {  	[smem:$0x3FBA] =	sst s10  }
0x32: {  	s10 =	sld [smem:$0x3FB8];
	_ =	sdelay $0x3  }
0x33: {  	p0 =	seq.s32 s10, $0x1;
	s10 =	sld [smem:$0x3FBA];
	_ =	sdelay $0x3  }
0x34: {  	[smem:$0x3FBA] =	sst s10  }
0x35: {  	s10 =	sld [smem:$0x3FB9];
	_ =	sdelay $0x3  }
0x36: {  	p1 =	seq.s32 s10, $0x1;
	s10 =	sld [smem:$0x3FBA];
	_ =	sdelay $0x3  }
0x37: {  	[smem:$0x3FBA] =	sst s10  }
0x38: {  	s10 =	sld [smem:$0x3FBB]  }
0x39: {  	_ = 	snop;
	(pc) =	sbr.ind lr, $3  }
0x3a: {  	_ = 	snop  }
0x3b: {  	_ = 	snop  }
0x3c: {  	p2 =	seq.s32 s10, $0x1;
	s10 =	sld [smem:$0x3FBA]  }
0x3d: {  	_ =	shalt  }
0x3e: {  	_ =	shalt  }
0x3f: {  	_ =	shalt  }
0x40: {  	_ =	shalt  }
0x41: {  	_ =	shalt  }
0x42: {  	_ =	shalt  }
0x43: {  	_ =	shalt  }
0x44: {  	_ =	shalt  }
0x45: {  	_ =	shalt  }
0x46: {  	_ =	shalt  }
0x47: {  	_ =	shalt  }
0x48: {  	_ =	shalt  }
0x49: {  	_ =	shalt  }
0x4a: {  	_ =	shalt  }
0x4b: {  	_ =	shalt  }
0x4c: {  	_ =	shalt  }
0x4d: {  	_ =	shalt  }
0x4e: {  	_ =	shalt  }
0x4f: {  	_ =	shalt  }
0x50: {  	_ =	shalt  }
0x51: {  	_ =	shalt  }
0x52: {  	_ =	shalt  }
0x53: {  	_ =	shalt  }
0x54: {  	_ =	shalt  }
0x55: {  	_ =	shalt  }
0x56: {  	_ =	shalt  }
0x57: {  	_ =	shalt  }
0x58: {  	_ =	shalt  }
0x59: {  	_ =	shalt  }
0x5a: {  	_ =	shalt  }
0x5b: {  	_ =	shalt  }
0x5c: {  	_ =	shalt  }
0x5d: {  	_ =	shalt  }
0x5e: {  	_ =	shalt  }
0x5f: {  	_ =	shalt  }
0x60: {  	_ =	shalt  }
0x61: {  	_ =	shalt  }
0x62: {  	_ =	shalt  }
0x63: {  	_ =	shalt  }
0x64: {  	_ =	shalt  }
0x65: {  	_ =	shalt  }
0x66: {  	_ =	shalt  }
0x67: {  	_ =	shalt  }
0x68: {  	_ =	shalt  }
0x69: {  	_ =	shalt  }
0x6a: {  	_ =	shalt  }
0x6b: {  	_ =	shalt  }
0x6c: {  	_ =	shalt  }
0x6d: {  	_ =	shalt  }
0x6e: {  	_ =	shalt  }
0x6f: {  	_ =	shalt  }
0x70: {  	_ =	shalt  }
0x71: {  	_ =	shalt  }
0x72: {  	_ =	shalt  }
0x73: {  	_ =	shalt  }
0x74: {  	_ =	shalt  }
0x75: {  	_ =	shalt  }
0x76: {  	_ =	shalt  }
0x77: {  	_ =	shalt  }
0x78: {  	_ =	shalt  }
0x79: {  	_ =	shalt  }
0x7a: {  	_ =	shalt  }
0x7b: {  	_ =	shalt  }
0x7c: {  	_ =	shalt  }
0x7d: {  	_ =	shalt  }
0x7e: {  	_ =	shalt  }
0x7f: {  	_ =	shalt  }
0x80: {  	_ =	shalt  }
0x81: {  	_ =	shalt  }
0x82: {  	_ =	shalt  }
0x83: {  	_ =	shalt  }
0x84: {  	_ =	shalt  }
0x85: {  	_ =	shalt  }
0x86: {  	_ =	shalt  }
0x87: {  	_ =	shalt  }
.Lfunc_end0:
.L_simem_size_0:
called_computation.1_lowered:
.L_overlay_start_0:
0x88: {  	s2 =	sld [smem:$0x3FD9]  }
0x89: {  	s3 =	sld [smem:$0x3FFE];
	_ =	sdelay $0x1  }
0x8a: {  	s1 =	srdreg.scid  }
0x8b: {  	s0 =	sand.u32 $0x1, s1  }
0x8c: {  	s17 =	sshll.u32 s0, $0xA;
	s2 =	sadd.s32 s3, s2  }
0x8d: {  	s2 =	sadd.s32 s2, s17  }
0x8e: {  	[smem:$0x3FC6] =	sst s2  }
0x8f: {  	_ = 	snop  }
0x90: {  	s2 =	sld [smem:$0x3FD0];
	(tm) =	ssettm $0x1  }
0x91: {  	s18 =	sld [smem:$0x3FFB];
	_ =	sdelay $0x3  }
0x92: {  	_ =	strace s18  }
0x93: {  	s3 =	sld [smem:$0x3FFC];
	_ =	sdelay $0x3  }
0x94: {  	_ =	strace s3  }
0x95: {  	s3 =	sld [smem:$0x3FFD];
	_ =	sdelay $0x3  }
0x96: {  	_ =	strace s3  }
0x97: {  	_ =	strace $0x8FFFFFFF  }
0x98: {  	s19 =	sld [smem:$0x3FDB];
	_ =	sdelay $0x1  }
0x99: {  	s4 =	simm.s32 $_scs_section_size  }
0x9a: {  	s5 =	simm.s32 $_size__tile_overlayer_lowered;
	s6 =	simm.s32 $_tile_overlayer_lowered  }
0x9b: {  	s22 =	simm.s32 $0x1BFF;
	s21 =	sshll.u32 s6, $0x1;
	s3 =	sadd.s32 s4, s19  }
0x9c: {  	s7 =	simm.s32 $0x0;
	s20 =	sshll.u32 s5, $0x1;
	s5 =	sadd.s32 s21, s3  }
0x9d: {  	[timem:s7], [sflag:s22] =	dma.local [hbm:s5], s20  }
0x9e: {  	_ =	swait.ge [sflag:s22], s20  }
0x9f: {  	s4 =	ssub.s32 $0x0, s20;
	[sflag:s22] =	ssyncset.done $0x0  }
0xa0: {  	[sflag:s22] =	ssyncadd.s32 s4;
	_ =	sdelay $0x1  }
0xa1: {  	s23 =	simm.s32 $0x1B8B  }
0xa2: {  	_ =	swait.ge [sflag:s23], $0x1  }
0xa3: {  	[sflag:s23] =	ssyncset.done $0x0  }
0xa4: {  	s25 =	simm.s32 $0x1B8E;
	s24 =	sld [smem:$0x3FFE];
	[sflag:s23] =	ssyncadd.s32 $0xFFFFFFFF  }
0xa5: {  	s26 =	simm.s32 $execute0_lowered;
	[smem:$0x3FD2] =	sst s25  }
0xa6: {  	s5 =	sshll.u32 s26, $0x1;
	_ =	strace $0x80000049;
	[dreg:$0x1] =	wrdreg $0xFFFFFFFF  }
0xa7: {  	s28 =	simm.s32 $_size_execute0_lowered;
	s3 =	sadd.s32 s3, s5;
	[dreg:$0x0] =	wrdreg $0x0  }
0xa8: {  	s5 =	sshll.u32 s28, $0x1;
	[dreg:$0x2] =	wrdreg s3  }
0xa9: {  	[dreg:$0x3] =	wrdreg s5  }
0xaa: {  	[dreg:$0x4] =	wrdreg $0xC0  }
0xab: {  	_ =	task [dreg:s7], $0x5FFFF  }
0xac: {  	[dreg:$0x1] =	wrdreg $0xFFFFFFFF  }
0xad: {  	[dreg:$0x0] =	wrdreg $0x60  }
0xae: {  	[dreg:$0x2] =	wrdreg s24  }
0xaf: {  	[dreg:$0x3] =	wrdreg s2  }
0xb0: {  	[dreg:$0x4] =	wrdreg $0x9  }
0xb1: {  	_ =	task.clear_ibuf [dreg:s7], $0x5FFFF;
	_ =	strace $0x90000049  }
0xb2: {  	s29 =	simm.s32 $0x9;
	_ =	strace $0x8000004B  }
0xb3: {  	_ =	swait.ge [sflag:s29], $0x1  }
0xb4: {  	[sflag:s29] =	ssyncadd.s32 $0xFFFFFFFF  }
0xb5: {  	_ =	strace $0x9000004B  }
0xb6: {  	_ =	sfence  }
0xb7: {  	s30 =	sld [smem:$0x0];
	_ =	sdelay $0x2  }
0xb8: {  	s31 =	sshll.u32 s1, $0xD;
	s1 =	sshrl.u32 s1, $0x2  }
0xb9: {  	s3 =	sand.u32 $0x4000, s31;
	s1 =	sadd.s32 s1, s30  }
0xba: {  	s0 =	sor.u32 s3, s0;
	s1 =	sshll.u32 s1, $0x11  }
0xbb: {  	s0 =	sor.u32 s1, s0  }
0xbc: {  	s0 =	sadd.s32 $0x8F2B, s0  }
0xbd: {  	[sflag:s0] =	ssyncadd.remote.s32 $0x1  }
0xbe: {  	_ =	sfence.sel $0xFFFF  }
0xbf: {  	[dreg:$0x0] =	wrdreg $0xFFFFFFFF;
	(pc) =	sbr.abs _section_cstart, $3  }
0xc0: {  	[dreg:$0x1] =	wrdreg $0xFFFFFFFF  }
0xc1: {  	_ =	task.clear_ibuf [dreg:s7], $0x2FFFF;
	_ =	strace $0x9FFFFFFF  }
0xc2: {  	(tm) =	ssettm $0x7FFFFFFF  }
0xc3: {  	_ =	shalt  }
tec
execute0_lowered:
.L_overlay_start_1:
0x0: {  	(tag) =	ssettag $0x1  }
0x1: {  	s0 =	srdreg.scid;
	s2 =	stileid.u32  }
0x2: {  	s3 =	rddreg [dreg:$0x0];
	s1 =	sand.u32 $0x1, s0;
	s17 =	sshll.u32 s2, $0x1  }
0x3: {  	s4 =	rddreg [dreg:$0x1];
	s2 =	simm.s32 $0x0;
	s0 =	sor.u32 s1, s17  }
0x4: {  	[smem:$0x7FF] =	sst s2;
	s5 =	sshll.u32 s0, $0x9;
	s0 =	sshll.u32 s0, $0xE  }
0x5: {  	_ =	strace $0x8000004A;
	s5 =	sadd.s32 s5, s3;
	s4 =	sadd.s32 s4, s0  }
0x6: {  	s5 =	sadd.s32 $0xF42E00, s5;
	[smem:$0x7DE] =	sst s4  }
0x7: {  	s0 =	sadd.s32 $0x200, s4;
	[dreg:$0x3] =	wrdreg s5  }
0x8: {  	s18 =	sadd.s32 $0x400, s4;
	[dreg:$0x4] =	wrdreg s0  }
0x9: {  	s19 =	sadd.s32 $0x600, s4;
	[dreg:$0x5] =	wrdreg s18  }
0xa: {  	s20 =	sadd.s32 $0x800, s4;
	[dreg:$0x6] =	wrdreg s19  }
0xb: {  	s21 =	sadd.s32 $0xA00, s4;
	[dreg:$0x7] =	wrdreg s20  }
0xc: {  	s22 =	sadd.s32 $0xC00, s4;
	[dreg:$0x8] =	wrdreg s21  }
0xd: {  	s23 =	sadd.s32 $0xE00, s4;
	[dreg:$0x9] =	wrdreg s22  }
0xe: {  	s24 =	sadd.s32 $0x1000, s4;
	[dreg:$0xa] =	wrdreg s23  }
0xf: {  	s25 =	sadd.s32 $0x1200, s4;
	[dreg:$0xb] =	wrdreg s24  }
0x10: {  	s26 =	sadd.s32 $0x1400, s4;
	[dreg:$0xc] =	wrdreg s25  }
0x11: {  	s6 =	sadd.s32 $0x1800, s4;
	[dreg:$0xd] =	wrdreg s26  }
0x12: {  	s7 =	sadd.s32 $0x1A00, s4;
	[dreg:$0xf] =	wrdreg s6  }
0x13: {  	s8 =	sadd.s32 $0x1C00, s4;
	[dreg:$0x10] =	wrdreg s7  }
0x14: {  	s9 =	sadd.s32 $0x1E00, s4;
	[dreg:$0x11] =	wrdreg s8  }
0x15: {  	s10 =	sadd.s32 $0x2000, s4;
	[dreg:$0x12] =	wrdreg s9  }
0x16: {  	s11 =	sadd.s32 $0x2200, s4;
	[dreg:$0x13] =	wrdreg s10  }
0x17: {  	s12 =	sadd.s32 $0x2400, s4;
	[dreg:$0x14] =	wrdreg s11  }
0x18: {  	s13 =	sadd.s32 $0x2600, s4;
	[dreg:$0x15] =	wrdreg s12  }
0x19: {  	s14 =	sadd.s32 $0x2800, s4;
	[dreg:$0x16] =	wrdreg s13  }
0x1a: {  	s15 =	sadd.s32 $0x2A00, s4;
	[dreg:$0x17] =	wrdreg s14  }
0x1b: {  	s16 =	sadd.s32 $0x2C00, s4;
	[dreg:$0x18] =	wrdreg s15  }
0x1c: {  	s17 =	sadd.s32 $0x2E00, s4;
	[dreg:$0x19] =	wrdreg s16  }
0x1d: {  	s5 =	sadd.s32 $0x1600, s4;
	[dreg:$0x1a] =	wrdreg s17  }
0x1e: {  	s18 =	sadd.s32 $0x3000, s4;
	[dreg:$0xe] =	wrdreg s5  }
0x1f: {  	s19 =	sadd.s32 $0x3200, s4;
	[dreg:$0x1b] =	wrdreg s18  }
0x20: {  	s20 =	sadd.s32 $0x3400, s4;
	[dreg:$0x1c] =	wrdreg s19  }
0x21: {  	s21 =	sadd.s32 $0x3600, s4;
	[dreg:$0x1d] =	wrdreg s20  }
0x22: {  	s22 =	sadd.s32 $0x3800, s4;
	[dreg:$0x1e] =	wrdreg s21  }
0x23: {  	s23 =	sadd.s32 $0x3A00, s4;
	[dreg:$0x1f] =	wrdreg s22  }
0x24: {  	s24 =	sadd.s32 $0x3C00, s4;
	[smem:$0x7DC] =	sst s23  }
0x25: {  	s25 =	sadd.s32 $0x3E00, s4;
	[smem:$0x7DD] =	sst s24  }
0x26: {  	s26 =	simm.s32 $0x100;
	[smem:$0x7DF] =	sst s25  }
0x27: {  	s4 =	simm.s32 $0x180;
	[smem:$0x7E0] =	sst s26  }
0x28: {  	s6 =	simm.s32 $0x280;
	[smem:$0x7E1] =	sst s4  }
0x29: {  	s7 =	simm.s32 $0x300;
	[smem:$0x7E3] =	sst s6  }
0x2a: {  	s8 =	simm.s32 $0x380;
	[smem:$0x7E4] =	sst s7  }
0x2b: {  	s31 =	simm.s32 $0x11;
	s9 =	simm.s32 $0x400;
	[smem:$0x7E5] =	sst s8  }
0x2c: {  	p0 =	por $0x0, $0x0;
	s10 =	simm.s32 $0x480;
	[smem:$0x7E6] =	sst s9  }
0x2d: {  	s29 =	simm.s32 $0x6;
	s12 =	simm.s32 $0x500;
	[smem:$0x7E7] =	sst s10  }
0x2e: {  	s28 =	simm.s32 $0x7;
	s13 =	simm.s32 $0x580;
	[smem:$0x7E8] =	sst s12  }
0x2f: {  	s1 =	ssub.s32 $0x2, s1;
	s14 =	simm.s32 $0x600;
	[smem:$0x7E9] =	sst s13  }
0x30: {  	s3 =	sadd.s32 $0xF46E00, s3;
	s15 =	simm.s32 $0x680;
	[smem:$0x7EA] =	sst s14  }
0x31: {  	s11 =	sshrl.u32 s1, $0x1;
	s17 =	simm.s32 $0x700;
	[smem:$0x7EB] =	sst s15  }
0x32: {  	s16 =	simm.s32 $0x80;
	s5 =	simm.s32 $0x200;
	[smem:$0x7EC] =	sst s17  }
0x33: {  	s1 =	ssub.s32 s1, s11;
	s15 =	simm.s32 $0x1000;
	s0 =	rddreg [dreg:$0x3]  }
0x34: {  	s18 =	simm.s32 $0x780;
	s13 =	simm.s32 $0x2000;
	[smem:$0x7E2] =	sst s5  }
0x35: {  	s19 =	simm.s32 $0x800;
	s12 =	simm.s32 $0x3000;
	[smem:$0x7ED] =	sst s18  }
0x36: {  	s20 =	simm.s32 $0x880;
	s10 =	simm.s32 $0x4000;
	[smem:$0x7EE] =	sst s19  }
0x37: {  	s21 =	simm.s32 $0x900;
	s8 =	simm.s32 $0x5000;
	[smem:$0x7EF] =	sst s20  }
0x38: {  	s22 =	simm.s32 $0x980;
	s7 =	simm.s32 $0x6000;
	[smem:$0x7F0] =	sst s21  }
0x39: {  	s23 =	simm.s32 $0xA00;
	s24 =	simm.s32 $0xA80;
	[smem:$0x7F1] =	sst s22  }
0x3a: {  	s4 =	simm.s32 $0x8000;
	s25 =	simm.s32 $0xB00;
	[smem:$0x7F2] =	sst s23  }
0x3b: {  	s26 =	simm.s32 $0xB80;
	s6 =	simm.s32 $0x9;
	[smem:$0x7F3] =	sst s24  }
0x3c: {  	s9 =	simm.s32 $0xC00;
	s11 =	simm.s32 $0xC80;
	[smem:$0x7F4] =	sst s25  }
0x3d: {  	s14 =	simm.s32 $0xD00;
	s17 =	simm.s32 $0xD80;
	[smem:$0x7F5] =	sst s26  }
0x3e: {  	s1 =	smax.u32 s1, $0x1;
	s5 =	simm.s32 $0x7000;
	[smem:$0x7F6] =	sst s9  }
0x3f: {  	s21 =	simm.s32 $0x1;
	s22 =	simm.s32 $0x2;
	[smem:$0x7F7] =	sst s11  }
0x40: {  	s9 =	simm.s32 $0xA;
	s24 =	simm.s32 $0x3;
	[smem:$0x7F8] =	sst s14  }
0x41: {  	s11 =	simm.s32 $0xB;
	[smem:$0x7F9] =	sst s17;
	s18 =	simm.s32 $0xE00  }
0x42: {  	s25 =	simm.s32 $0x4;
	s19 =	simm.s32 $0xE80;
	p1 =	sne.s32 s1, $0x1  }
.Ltmp0:
0x43: {  	s14 =	simm.s32 $0xC;
	[smem:$0x7FA] =	sst s18;
	(pc) =	sbr.rel @!p1 .LBB2_1-.Ltmp0, $4  }
0x44: {  	s20 =	simm.s32 $0xF00;
	s26 =	simm.s32 $0x5;
	[smem:$0x7FB] =	sst s19  }
0x45: {  	s23 =	simm.s32 $0xF80;
	s17 =	simm.s32 $0xD;
	[smem:$0x7FC] =	sst s20  }
0x46: {  	[smem:$0x7FD] =	sst s23;
	s30 =	sadd.s32 $0xFFFFFFFF, s1;
	s20 =	simm.s32 $0xE  }
0x47: {  	s19 =	simm.s32 $0xF;
	s23 =	simm.s32 $0x8;
	s18 =	simm.s32 $0x10  }
0x48: {  	[tilespmem:s2], [sflag:$0x11] =	stream.linear.gather [hbm4b:s0+s2], $0x1000, $0x38;
	[tilespmem:$0x9000] =	vst v63  }
0x49: {  	_ =	swait.ge [sflag:s31], $0x1000  }
0x4a: {  	[sflag:s31] =	ssyncset.done $0x0  }
0x4b: {  	[sflag:s31] =	ssyncadd.s32 $0xFFFFF000  }
0x4c: {  	[tilespmem:s15], [sflag:$0x1] =	stream.indirect.gather [hbm4b:s3+s16], $0x20, s2, s16, $0xb8;
	[tilespmem:$0x9000] =	vst v63  }
0x4d: {  	s0 =	sld [smem:$0x7E0]  }
0x4e: {  	[tilespmem:s13], [sflag:$0x2] =	stream.indirect.gather [hbm4b:s3+s16], $0x20, s16, s16, $0xb8;
	[tilespmem:$0x9000] =	vst v63  }
0x4f: {  	s1 =	sld [smem:$0x7E1]  }
0x50: {  	[tilespmem:s12], [sflag:$0x3] =	stream.indirect.gather [hbm4b:s3+s16], $0x20, s0, s16, $0xb8;
	[tilespmem:$0x9000] =	vst v63  }
0x51: {  	s0 =	sld [smem:$0x7E2]  }
0x52: {  	[tilespmem:s10], [sflag:$0x4] =	stream.indirect.gather [hbm4b:s3+s16], $0x20, s1, s16, $0xb8;
	[tilespmem:$0x9000] =	vst v63  }
0x53: {  	s1 =	sld [smem:$0x7E3]  }
0x54: {  	[tilespmem:s8], [sflag:$0x5] =	stream.indirect.gather [hbm4b:s3+s16], $0x20, s0, s16, $0xb8;
	[tilespmem:$0x9000] =	vst v63  }
0x55: {  	s0 =	sld [smem:$0x7E4]  }
0x56: {  	[tilespmem:s7], [sflag:$0x6] =	stream.indirect.gather [hbm4b:s3+s16], $0x20, s1, s16, $0xb8;
	[tilespmem:$0x9000] =	vst v63  }
0x57: {  	s1 =	sld [smem:$0x7E5]  }
0x58: {  	[tilespmem:s5], [sflag:$0x7] =	stream.indirect.gather [hbm4b:s3+s16], $0x20, s0, s16, $0xb8;
	[tilespmem:$0x9000] =	vst v63  }
0x59: {  	_ = 	snop  }
0x5a: {  	[tilespmem:s4], [sflag:$0x8] =	stream.indirect.gather [hbm4b:s3+s16], $0x20, s1, s16, $0xb8;
	[tilespmem:$0x9000] =	vst v63  }
0x5b: {  	_ =	swait.ge [sflag:s21], $0x1000  }
0x5c: {  	s1 =	sld [smem:$0x7DE]  }
0x5d: {  	[sflag:s21] =	ssyncset.done $0x0  }
0x5e: {  	[sflag:s21] =	ssyncadd.s32 $0xFFFFF000  }
0x5f: {  	[hbm4b:s1+s2] =	stream.linear.scatter [tilespmem:s15], [sflag:$0x9], $0x1000, $0x38;
	[tilespmem:$0x9000] =	vst v63  }
0x60: {  	_ =	swait.ge [sflag:s6], $0x1000  }
0x61: {  	s1 =	sld [smem:$0x7E6]  }
0x62: {  	[sflag:s6] =	ssyncset.done $0x0  }
0x63: {  	[sflag:s6] =	ssyncadd.s32 $0xFFFFF000  }
0x64: {  	[tilespmem:s15], [sflag:$0x1] =	stream.indirect.gather [hbm4b:s3+s16], $0x20, s1, s16, $0xb8;
	[tilespmem:$0x9000] =	vst v63  }
0x65: {  	_ =	swait.ge [sflag:s22], $0x1000  }
0x66: {  	[sflag:s22] =	ssyncset.done $0x0  }
0x67: {  	s1 =	rddreg [dreg:$0x4];
	[sflag:s22] =	ssyncadd.s32 $0xFFFFF000  }
0x68: {  	[hbm4b:s1+s2] =	stream.linear.scatter [tilespmem:s13], [sflag:$0xA], $0x1000, $0x38;
	[tilespmem:$0x9000] =	vst v63  }
0x69: {  	_ =	swait.ge [sflag:s9], $0x1000  }
0x6a: {  	s1 =	sld [smem:$0x7E7]  }
0x6b: {  	[sflag:s9] =	ssyncset.done $0x0  }
0x6c: {  	[sflag:s9] =	ssyncadd.s32 $0xFFFFF000  }
0x6d: {  	[tilespmem:s13], [sflag:$0x2] =	stream.indirect.gather [hbm4b:s3+s16], $0x20, s1, s16, $0xb8;
	[tilespmem:$0x9000] =	vst v63  }
0x6e: {  	_ =	swait.ge [sflag:s24], $0x1000  }
0x6f: {  	[sflag:s24] =	ssyncset.done $0x0  }
0x70: {  	s1 =	rddreg [dreg:$0x5];
	[sflag:s24] =	ssyncadd.s32 $0xFFFFF000  }
0x71: {  	[hbm4b:s1+s2] =	stream.linear.scatter [tilespmem:s12], [sflag:$0xB], $0x1000, $0x38;
	[tilespmem:$0x9000] =	vst v63  }
0x72: {  	_ =	swait.ge [sflag:s11], $0x1000  }
0x73: {  	s1 =	sld [smem:$0x7E8]  }
0x74: {  	[sflag:s11] =	ssyncset.done $0x0  }
0x75: {  	[sflag:s11] =	ssyncadd.s32 $0xFFFFF000  }
0x76: {  	[tilespmem:s12], [sflag:$0x3] =	stream.indirect.gather [hbm4b:s3+s16], $0x20, s1, s16, $0xb8;
	[tilespmem:$0x9000] =	vst v63  }
0x77: {  	_ =	swait.ge [sflag:s25], $0x1000  }
0x78: {  	[sflag:s25] =	ssyncset.done $0x0  }
0x79: {  	s1 =	rddreg [dreg:$0x6];
	[sflag:s25] =	ssyncadd.s32 $0xFFFFF000  }
0x7a: {  	[hbm4b:s1+s2] =	stream.linear.scatter [tilespmem:s10], [sflag:$0xC], $0x1000, $0x38;
	[tilespmem:$0x9000] =	vst v63  }
0x7b: {  	_ =	swait.ge [sflag:s14], $0x1000  }
0x7c: {  	s1 =	sld [smem:$0x7E9]  }
0x7d: {  	[sflag:s14] =	ssyncset.done $0x0  }
0x7e: {  	[sflag:s14] =	ssyncadd.s32 $0xFFFFF000  }
0x7f: {  	[tilespmem:s10], [sflag:$0x4] =	stream.indirect.gather [hbm4b:s3+s16], $0x20, s1, s16, $0xb8;
	[tilespmem:$0x9000] =	vst v63  }
0x80: {  	_ =	swait.ge [sflag:s26], $0x1000  }
0x81: {  	[sflag:s26] =	ssyncset.done $0x0  }
0x82: {  	s1 =	rddreg [dreg:$0x7];
	[sflag:s26] =	ssyncadd.s32 $0xFFFFF000  }
0x83: {  	[hbm4b:s1+s2] =	stream.linear.scatter [tilespmem:s8], [sflag:$0xD], $0x1000, $0x38;
	[tilespmem:$0x9000] =	vst v63  }
0x84: {  	_ =	swait.ge [sflag:s17], $0x1000  }
0x85: {  	s1 =	sld [smem:$0x7EA]  }
0x86: {  	[sflag:s17] =	ssyncset.done $0x0  }
0x87: {  	[sflag:s17] =	ssyncadd.s32 $0xFFFFF000  }
0x88: {  	[tilespmem:s8], [sflag:$0x5] =	stream.indirect.gather [hbm4b:s3+s16], $0x20, s1, s16, $0xb8;
	[tilespmem:$0x9000] =	vst v63  }
0x89: {  	_ =	swait.ge [sflag:s29], $0x1000  }
0x8a: {  	[sflag:s29] =	ssyncset.done $0x0  }
0x8b: {  	s1 =	rddreg [dreg:$0x8];
	[sflag:s29] =	ssyncadd.s32 $0xFFFFF000  }
0x8c: {  	[hbm4b:s1+s2] =	stream.linear.scatter [tilespmem:s7], [sflag:$0xE], $0x1000, $0x38;
	[tilespmem:$0x9000] =	vst v63  }
0x8d: {  	_ =	swait.ge [sflag:s20], $0x1000  }
0x8e: {  	s1 =	sld [smem:$0x7EB]  }
0x8f: {  	[sflag:s20] =	ssyncset.done $0x0  }
0x90: {  	[sflag:s20] =	ssyncadd.s32 $0xFFFFF000  }
0x91: {  	[tilespmem:s7], [sflag:$0x6] =	stream.indirect.gather [hbm4b:s3+s16], $0x20, s1, s16, $0xb8;
	[tilespmem:$0x9000] =	vst v63  }
0x92: {  	_ =	swait.ge [sflag:s28], $0x1000  }
0x93: {  	[sflag:s28] =	ssyncset.done $0x0  }
0x94: {  	s1 =	rddreg [dreg:$0x9];
	[sflag:s28] =	ssyncadd.s32 $0xFFFFF000  }
0x95: {  	[hbm4b:s1+s2] =	stream.linear.scatter [tilespmem:s5], [sflag:$0xF], $0x1000, $0x38;
	[tilespmem:$0x9000] =	vst v63  }
0x96: {  	_ =	swait.ge [sflag:s19], $0x1000  }
0x97: {  	s1 =	sld [smem:$0x7EC]  }
0x98: {  	[sflag:s19] =	ssyncset.done $0x0  }
0x99: {  	[sflag:s19] =	ssyncadd.s32 $0xFFFFF000  }
0x9a: {  	[tilespmem:s5], [sflag:$0x7] =	stream.indirect.gather [hbm4b:s3+s16], $0x20, s1, s16, $0xb8;
	[tilespmem:$0x9000] =	vst v63  }
0x9b: {  	_ =	swait.ge [sflag:s23], $0x1000  }
0x9c: {  	[sflag:s23] =	ssyncset.done $0x0  }
0x9d: {  	s1 =	rddreg [dreg:$0xa];
	[sflag:s23] =	ssyncadd.s32 $0xFFFFF000  }
0x9e: {  	[hbm4b:s1+s2] =	stream.linear.scatter [tilespmem:s4], [sflag:$0x10], $0x1000, $0x38;
	[tilespmem:$0x9000] =	vst v63  }
0x9f: {  	_ =	swait.ge [sflag:s18], $0x1000  }
0xa0: {  	s1 =	sld [smem:$0x7ED]  }
0xa1: {  	[sflag:s18] =	ssyncset.done $0x0  }
0xa2: {  	[sflag:s18] =	ssyncadd.s32 $0xFFFFF000  }
0xa3: {  	[tilespmem:s4], [sflag:$0x8] =	stream.indirect.gather [hbm4b:s3+s16], $0x20, s1, s16, $0xb8;
	[tilespmem:$0x9000] =	vst v63  }
0xa4: {  	_ =	swait.ge [sflag:s21], $0x1000  }
0xa5: {  	[sflag:s21] =	ssyncset.done $0x0  }
0xa6: {  	s1 =	rddreg [dreg:$0xb];
	[sflag:s21] =	ssyncadd.s32 $0xFFFFF000  }
0xa7: {  	[hbm4b:s1+s2] =	stream.linear.scatter [tilespmem:s15], [sflag:$0x9], $0x1000, $0x38;
	[tilespmem:$0x9000] =	vst v63  }
0xa8: {  	_ =	swait.ge [sflag:s6], $0x1000  }
0xa9: {  	s1 =	sld [smem:$0x7EE]  }
0xaa: {  	[sflag:s6] =	ssyncset.done $0x0  }
0xab: {  	[sflag:s6] =	ssyncadd.s32 $0xFFFFF000  }
0xac: {  	[tilespmem:s15], [sflag:$0x1] =	stream.indirect.gather [hbm4b:s3+s16], $0x20, s1, s16, $0xb8;
	[tilespmem:$0x9000] =	vst v63  }
0xad: {  	_ =	swait.ge [sflag:s22], $0x1000  }
0xae: {  	[sflag:s22] =	ssyncset.done $0x0  }
0xaf: {  	s1 =	rddreg [dreg:$0xc];
	[sflag:s22] =	ssyncadd.s32 $0xFFFFF000  }
0xb0: {  	[hbm4b:s1+s2] =	stream.linear.scatter [tilespmem:s13], [sflag:$0xA], $0x1000, $0x38;
	[tilespmem:$0x9000] =	vst v63  }
0xb1: {  	_ =	swait.ge [sflag:s9], $0x1000  }
0xb2: {  	s1 =	sld [smem:$0x7EF]  }
0xb3: {  	[sflag:s9] =	ssyncset.done $0x0  }
0xb4: {  	[sflag:s9] =	ssyncadd.s32 $0xFFFFF000  }
0xb5: {  	[tilespmem:s13], [sflag:$0x2] =	stream.indirect.gather [hbm4b:s3+s16], $0x20, s1, s16, $0xb8;
	[tilespmem:$0x9000] =	vst v63  }
0xb6: {  	_ =	swait.ge [sflag:s24], $0x1000  }
0xb7: {  	[sflag:s24] =	ssyncset.done $0x0  }
0xb8: {  	s1 =	rddreg [dreg:$0xd];
	[sflag:s24] =	ssyncadd.s32 $0xFFFFF000  }
0xb9: {  	[hbm4b:s1+s2] =	stream.linear.scatter [tilespmem:s12], [sflag:$0xB], $0x1000, $0x38;
	[tilespmem:$0x9000] =	vst v63  }
0xba: {  	_ =	swait.ge [sflag:s11], $0x1000  }
0xbb: {  	s1 =	sld [smem:$0x7F0]  }
0xbc: {  	[sflag:s11] =	ssyncset.done $0x0  }
0xbd: {  	[sflag:s11] =	ssyncadd.s32 $0xFFFFF000  }
0xbe: {  	[tilespmem:s12], [sflag:$0x3] =	stream.indirect.gather [hbm4b:s3+s16], $0x20, s1, s16, $0xb8;
	[tilespmem:$0x9000] =	vst v63  }
0xbf: {  	_ =	swait.ge [sflag:s25], $0x1000  }
0xc0: {  	[sflag:s25] =	ssyncset.done $0x0  }
0xc1: {  	s1 =	rddreg [dreg:$0xe];
	[sflag:s25] =	ssyncadd.s32 $0xFFFFF000  }
0xc2: {  	[hbm4b:s1+s2] =	stream.linear.scatter [tilespmem:s10], [sflag:$0xC], $0x1000, $0x38;
	[tilespmem:$0x9000] =	vst v63  }
0xc3: {  	_ =	swait.ge [sflag:s14], $0x1000  }
0xc4: {  	s1 =	sld [smem:$0x7F1]  }
0xc5: {  	[sflag:s14] =	ssyncset.done $0x0  }
0xc6: {  	[sflag:s14] =	ssyncadd.s32 $0xFFFFF000  }
0xc7: {  	[tilespmem:s10], [sflag:$0x4] =	stream.indirect.gather [hbm4b:s3+s16], $0x20, s1, s16, $0xb8;
	[tilespmem:$0x9000] =	vst v63  }
0xc8: {  	_ =	swait.ge [sflag:s26], $0x1000  }
0xc9: {  	[sflag:s26] =	ssyncset.done $0x0  }
0xca: {  	s1 =	rddreg [dreg:$0xf];
	[sflag:s26] =	ssyncadd.s32 $0xFFFFF000  }
0xcb: {  	[hbm4b:s1+s2] =	stream.linear.scatter [tilespmem:s8], [sflag:$0xD], $0x1000, $0x38;
	[tilespmem:$0x9000] =	vst v63  }
0xcc: {  	_ =	swait.ge [sflag:s17], $0x1000  }
0xcd: {  	s1 =	sld [smem:$0x7F2]  }
0xce: {  	[sflag:s17] =	ssyncset.done $0x0  }
0xcf: {  	[sflag:s17] =	ssyncadd.s32 $0xFFFFF000  }
0xd0: {  	[tilespmem:s8], [sflag:$0x5] =	stream.indirect.gather [hbm4b:s3+s16], $0x20, s1, s16, $0xb8;
	[tilespmem:$0x9000] =	vst v63  }
0xd1: {  	_ =	swait.ge [sflag:s29], $0x1000  }
0xd2: {  	[sflag:s29] =	ssyncset.done $0x0  }
0xd3: {  	s1 =	rddreg [dreg:$0x10];
	[sflag:s29] =	ssyncadd.s32 $0xFFFFF000  }
0xd4: {  	[hbm4b:s1+s2] =	stream.linear.scatter [tilespmem:s7], [sflag:$0xE], $0x1000, $0x38;
	[tilespmem:$0x9000] =	vst v63  }
0xd5: {  	_ =	swait.ge [sflag:s20], $0x1000  }
0xd6: {  	s1 =	sld [smem:$0x7F3]  }
0xd7: {  	[sflag:s20] =	ssyncset.done $0x0  }
0xd8: {  	[sflag:s20] =	ssyncadd.s32 $0xFFFFF000  }
0xd9: {  	[tilespmem:s7], [sflag:$0x6] =	stream.indirect.gather [hbm4b:s3+s16], $0x20, s1, s16, $0xb8;
	[tilespmem:$0x9000] =	vst v63  }
0xda: {  	_ =	swait.ge [sflag:s28], $0x1000  }
0xdb: {  	[sflag:s28] =	ssyncset.done $0x0  }
0xdc: {  	s1 =	rddreg [dreg:$0x11];
	[sflag:s28] =	ssyncadd.s32 $0xFFFFF000  }
0xdd: {  	[hbm4b:s1+s2] =	stream.linear.scatter [tilespmem:s5], [sflag:$0xF], $0x1000, $0x38;
	[tilespmem:$0x9000] =	vst v63  }
0xde: {  	_ =	swait.ge [sflag:s19], $0x1000  }
0xdf: {  	s1 =	sld [smem:$0x7F4]  }
0xe0: {  	[sflag:s19] =	ssyncset.done $0x0  }
0xe1: {  	[sflag:s19] =	ssyncadd.s32 $0xFFFFF000  }
0xe2: {  	[tilespmem:s5], [sflag:$0x7] =	stream.indirect.gather [hbm4b:s3+s16], $0x20, s1, s16, $0xb8;
	[tilespmem:$0x9000] =	vst v63  }
0xe3: {  	_ =	swait.ge [sflag:s23], $0x1000  }
0xe4: {  	[sflag:s23] =	ssyncset.done $0x0  }
0xe5: {  	s1 =	rddreg [dreg:$0x12];
	[sflag:s23] =	ssyncadd.s32 $0xFFFFF000  }
0xe6: {  	[hbm4b:s1+s2] =	stream.linear.scatter [tilespmem:s4], [sflag:$0x10], $0x1000, $0x38;
	[tilespmem:$0x9000] =	vst v63  }
0xe7: {  	_ =	swait.ge [sflag:s18], $0x1000  }
0xe8: {  	s1 =	sld [smem:$0x7F5]  }
0xe9: {  	[sflag:s18] =	ssyncset.done $0x0  }
0xea: {  	[sflag:s18] =	ssyncadd.s32 $0xFFFFF000  }
0xeb: {  	[tilespmem:s4], [sflag:$0x8] =	stream.indirect.gather [hbm4b:s3+s16], $0x20, s1, s16, $0xb8;
	[tilespmem:$0x9000] =	vst v63  }
0xec: {  	_ =	swait.ge [sflag:s21], $0x1000  }
0xed: {  	[sflag:s21] =	ssyncset.done $0x0  }
0xee: {  	s1 =	rddreg [dreg:$0x13];
	[sflag:s21] =	ssyncadd.s32 $0xFFFFF000  }
0xef: {  	[hbm4b:s1+s2] =	stream.linear.scatter [tilespmem:s15], [sflag:$0x9], $0x1000, $0x38;
	[tilespmem:$0x9000] =	vst v63  }
0xf0: {  	_ =	swait.ge [sflag:s6], $0x1000  }
0xf1: {  	s1 =	sld [smem:$0x7F6]  }
0xf2: {  	[sflag:s6] =	ssyncset.done $0x0  }
0xf3: {  	[sflag:s6] =	ssyncadd.s32 $0xFFFFF000  }
0xf4: {  	[tilespmem:s15], [sflag:$0x1] =	stream.indirect.gather [hbm4b:s3+s16], $0x20, s1, s16, $0xb8;
	[tilespmem:$0x9000] =	vst v63  }
0xf5: {  	_ =	swait.ge [sflag:s22], $0x1000  }
0xf6: {  	[sflag:s22] =	ssyncset.done $0x0  }
0xf7: {  	s1 =	rddreg [dreg:$0x14];
	[sflag:s22] =	ssyncadd.s32 $0xFFFFF000  }
0xf8: {  	[hbm4b:s1+s2] =	stream.linear.scatter [tilespmem:s13], [sflag:$0xA], $0x1000, $0x38;
	[tilespmem:$0x9000] =	vst v63  }
0xf9: {  	_ =	swait.ge [sflag:s9], $0x1000  }
0xfa: {  	s1 =	sld [smem:$0x7F7]  }
0xfb: {  	[sflag:s9] =	ssyncset.done $0x0  }
0xfc: {  	[sflag:s9] =	ssyncadd.s32 $0xFFFFF000  }
0xfd: {  	[tilespmem:s13], [sflag:$0x2] =	stream.indirect.gather [hbm4b:s3+s16], $0x20, s1, s16, $0xb8;
	[tilespmem:$0x9000] =	vst v63  }
0xfe: {  	_ =	swait.ge [sflag:s24], $0x1000  }
0xff: {  	[sflag:s24] =	ssyncset.done $0x0  }
0x100: {  	s1 =	rddreg [dreg:$0x15];
	[sflag:s24] =	ssyncadd.s32 $0xFFFFF000  }
0x101: {  	[hbm4b:s1+s2] =	stream.linear.scatter [tilespmem:s12], [sflag:$0xB], $0x1000, $0x38;
	[tilespmem:$0x9000] =	vst v63  }
0x102: {  	_ =	swait.ge [sflag:s11], $0x1000  }
0x103: {  	s1 =	sld [smem:$0x7F8]  }
0x104: {  	[sflag:s11] =	ssyncset.done $0x0  }
0x105: {  	[sflag:s11] =	ssyncadd.s32 $0xFFFFF000  }
0x106: {  	[tilespmem:s12], [sflag:$0x3] =	stream.indirect.gather [hbm4b:s3+s16], $0x20, s1, s16, $0xb8;
	[tilespmem:$0x9000] =	vst v63  }
0x107: {  	_ =	swait.ge [sflag:s25], $0x1000  }
0x108: {  	[sflag:s25] =	ssyncset.done $0x0  }
0x109: {  	s1 =	rddreg [dreg:$0x16];
	[sflag:s25] =	ssyncadd.s32 $0xFFFFF000  }
0x10a: {  	[hbm4b:s1+s2] =	stream.linear.scatter [tilespmem:s10], [sflag:$0xC], $0x1000, $0x38;
	[tilespmem:$0x9000] =	vst v63  }
0x10b: {  	_ =	swait.ge [sflag:s14], $0x1000  }
0x10c: {  	s1 =	sld [smem:$0x7F9]  }
0x10d: {  	[sflag:s14] =	ssyncset.done $0x0  }
0x10e: {  	[sflag:s14] =	ssyncadd.s32 $0xFFFFF000  }
0x10f: {  	[tilespmem:s10], [sflag:$0x4] =	stream.indirect.gather [hbm4b:s3+s16], $0x20, s1, s16, $0xb8;
	[tilespmem:$0x9000] =	vst v63  }
0x110: {  	_ =	swait.ge [sflag:s26], $0x1000  }
0x111: {  	[sflag:s26] =	ssyncset.done $0x0  }
0x112: {  	s1 =	rddreg [dreg:$0x17];
	[sflag:s26] =	ssyncadd.s32 $0xFFFFF000  }
0x113: {  	[hbm4b:s1+s2] =	stream.linear.scatter [tilespmem:s8], [sflag:$0xD], $0x1000, $0x38;
	[tilespmem:$0x9000] =	vst v63  }
0x114: {  	_ =	swait.ge [sflag:s17], $0x1000  }
0x115: {  	s1 =	sld [smem:$0x7FA]  }
0x116: {  	[sflag:s17] =	ssyncset.done $0x0  }
0x117: {  	[sflag:s17] =	ssyncadd.s32 $0xFFFFF000  }
0x118: {  	[tilespmem:s8], [sflag:$0x5] =	stream.indirect.gather [hbm4b:s3+s16], $0x20, s1, s16, $0xb8;
	[tilespmem:$0x9000] =	vst v63  }
0x119: {  	_ =	swait.ge [sflag:s29], $0x1000  }
0x11a: {  	[sflag:s29] =	ssyncset.done $0x0  }
0x11b: {  	s1 =	rddreg [dreg:$0x18];
	[sflag:s29] =	ssyncadd.s32 $0xFFFFF000  }
0x11c: {  	[hbm4b:s1+s2] =	stream.linear.scatter [tilespmem:s7], [sflag:$0xE], $0x1000, $0x38;
	[tilespmem:$0x9000] =	vst v63  }
0x11d: {  	_ =	swait.ge [sflag:s20], $0x1000  }
0x11e: {  	s1 =	sld [smem:$0x7FB]  }
0x11f: {  	[sflag:s20] =	ssyncset.done $0x0  }
0x120: {  	[sflag:s20] =	ssyncadd.s32 $0xFFFFF000  }
0x121: {  	[tilespmem:s7], [sflag:$0x6] =	stream.indirect.gather [hbm4b:s3+s16], $0x20, s1, s16, $0xb8;
	[tilespmem:$0x9000] =	vst v63  }
0x122: {  	_ =	swait.ge [sflag:s28], $0x1000  }
0x123: {  	[sflag:s28] =	ssyncset.done $0x0  }
0x124: {  	s1 =	rddreg [dreg:$0x19];
	[sflag:s28] =	ssyncadd.s32 $0xFFFFF000  }
0x125: {  	[hbm4b:s1+s2] =	stream.linear.scatter [tilespmem:s5], [sflag:$0xF], $0x1000, $0x38;
	[tilespmem:$0x9000] =	vst v63  }
0x126: {  	_ =	swait.ge [sflag:s19], $0x1000  }
0x127: {  	s1 =	sld [smem:$0x7FC]  }
0x128: {  	[sflag:s19] =	ssyncset.done $0x0  }
0x129: {  	[sflag:s19] =	ssyncadd.s32 $0xFFFFF000  }
0x12a: {  	[tilespmem:s5], [sflag:$0x7] =	stream.indirect.gather [hbm4b:s3+s16], $0x20, s1, s16, $0xb8;
	[tilespmem:$0x9000] =	vst v63  }
0x12b: {  	_ =	swait.ge [sflag:s23], $0x1000  }
0x12c: {  	[sflag:s23] =	ssyncset.done $0x0  }
0x12d: {  	s1 =	rddreg [dreg:$0x1a];
	[sflag:s23] =	ssyncadd.s32 $0xFFFFF000  }
0x12e: {  	[hbm4b:s1+s2] =	stream.linear.scatter [tilespmem:s4], [sflag:$0x10], $0x1000, $0x38;
	[tilespmem:$0x9000] =	vst v63  }
0x12f: {  	_ =	swait.ge [sflag:s18], $0x1000  }
0x130: {  	s1 =	sld [smem:$0x7FD]  }
0x131: {  	[sflag:s18] =	ssyncset.done $0x0  }
0x132: {  	[sflag:s18] =	ssyncadd.s32 $0xFFFFF000  }
0x133: {  	[tilespmem:s4], [sflag:$0x8] =	stream.indirect.gather [hbm4b:s3+s16], $0x20, s1, s16, $0xb8;
	[tilespmem:$0x9000] =	vst v63  }
0x134: {  	_ =	swait.ge [sflag:s21], $0x1000  }
0x135: {  	[sflag:s21] =	ssyncset.done $0x0  }
0x136: {  	s1 =	rddreg [dreg:$0x1b];
	[sflag:s21] =	ssyncadd.s32 $0xFFFFF000  }
0x137: {  	[hbm4b:s1+s2] =	stream.linear.scatter [tilespmem:s15], [sflag:$0x9], $0x1000, $0x38;
	[tilespmem:$0x9000] =	vst v63  }
0x138: {  	_ =	swait.ge [sflag:s22], $0x1000  }
0x139: {  	[sflag:s22] =	ssyncset.done $0x0  }
0x13a: {  	s1 =	rddreg [dreg:$0x1c];
	[sflag:s22] =	ssyncadd.s32 $0xFFFFF000  }
0x13b: {  	[hbm4b:s1+s2] =	stream.linear.scatter [tilespmem:s13], [sflag:$0xA], $0x1000, $0x38;
	[tilespmem:$0x9000] =	vst v63  }
0x13c: {  	_ =	swait.ge [sflag:s24], $0x1000  }
0x13d: {  	[sflag:s24] =	ssyncset.done $0x0  }
0x13e: {  	s1 =	rddreg [dreg:$0x1d];
	[sflag:s24] =	ssyncadd.s32 $0xFFFFF000  }
0x13f: {  	[hbm4b:s1+s2] =	stream.linear.scatter [tilespmem:s12], [sflag:$0xB], $0x1000, $0x38;
	[tilespmem:$0x9000] =	vst v63  }
0x140: {  	_ =	swait.ge [sflag:s25], $0x1000  }
0x141: {  	[sflag:s25] =	ssyncset.done $0x0  }
0x142: {  	s1 =	rddreg [dreg:$0x1e];
	[sflag:s25] =	ssyncadd.s32 $0xFFFFF000  }
0x143: {  	[hbm4b:s1+s2] =	stream.linear.scatter [tilespmem:s10], [sflag:$0xC], $0x1000, $0x38;
	[tilespmem:$0x9000] =	vst v63  }
0x144: {  	_ =	swait.ge [sflag:s26], $0x1000  }
0x145: {  	[sflag:s26] =	ssyncset.done $0x0  }
0x146: {  	s1 =	rddreg [dreg:$0x1f];
	[sflag:s26] =	ssyncadd.s32 $0xFFFFF000  }
0x147: {  	[hbm4b:s1+s2] =	stream.linear.scatter [tilespmem:s8], [sflag:$0xD], $0x1000, $0x38;
	[tilespmem:$0x9000] =	vst v63  }
0x148: {  	_ =	swait.ge [sflag:s29], $0x1000  }
0x149: {  	s1 =	sld [smem:$0x7DC]  }
0x14a: {  	[sflag:s29] =	ssyncset.done $0x0  }
0x14b: {  	[sflag:s29] =	ssyncadd.s32 $0xFFFFF000  }
0x14c: {  	[hbm4b:s1+s2] =	stream.linear.scatter [tilespmem:s7], [sflag:$0xE], $0x1000, $0x38;
	[tilespmem:$0x9000] =	vst v63  }
0x14d: {  	_ =	swait.ge [sflag:s28], $0x1000  }
0x14e: {  	s1 =	sld [smem:$0x7DD]  }
0x14f: {  	[sflag:s28] =	ssyncset.done $0x0  }
0x150: {  	[sflag:s28] =	ssyncadd.s32 $0xFFFFF000  }
0x151: {  	[hbm4b:s1+s2] =	stream.linear.scatter [tilespmem:s5], [sflag:$0xF], $0x1000, $0x38;
	[tilespmem:$0x9000] =	vst v63  }
0x152: {  	_ =	swait.ge [sflag:s23], $0x1000  }
0x153: {  	s1 =	sld [smem:$0x7DF]  }
0x154: {  	[sflag:s23] =	ssyncset.done $0x0  }
0x155: {  	[sflag:s23] =	ssyncadd.s32 $0xFFFFF000  }
0x156: {  	[hbm4b:s1+s2] =	stream.linear.scatter [tilespmem:s4], [sflag:$0x10], $0x1000, $0x38;
	[tilespmem:$0x9000] =	vst v63  }
0x157: {  	_ =	swait.ge [sflag:s6], $0x1000  }
0x158: {  	[sflag:s6] =	ssyncset.done $0x0  }
0x159: {  	[sflag:s6] =	ssyncadd.s32 $0xFFFFF000  }
0x15a: {  	_ =	swait.ge [sflag:s9], $0x1000  }
0x15b: {  	[sflag:s9] =	ssyncset.done $0x0  }
0x15c: {  	[sflag:s9] =	ssyncadd.s32 $0xFFFFF000  }
0x15d: {  	_ =	swait.ge [sflag:s11], $0x1000  }
0x15e: {  	[sflag:s11] =	ssyncset.done $0x0  }
0x15f: {  	[sflag:s11] =	ssyncadd.s32 $0xFFFFF000  }
0x160: {  	_ =	swait.ge [sflag:s14], $0x1000  }
0x161: {  	[sflag:s14] =	ssyncset.done $0x0  }
0x162: {  	[sflag:s14] =	ssyncadd.s32 $0xFFFFF000  }
0x163: {  	_ =	swait.ge [sflag:s17], $0x1000  }
0x164: {  	[sflag:s17] =	ssyncset.done $0x0  }
0x165: {  	[sflag:s17] =	ssyncadd.s32 $0xFFFFF000  }
0x166: {  	_ =	swait.ge [sflag:s20], $0x1000  }
0x167: {  	[sflag:s20] =	ssyncset.done $0x0  }
0x168: {  	p1 =	sne.s32 s30, $0x1;
	[sflag:s20] =	ssyncadd.s32 $0xFFFFF000  }
.Ltmp1:
0x169: {  	_ =	swait.ge [sflag:s19], $0x1000;
	(pc) =	sbr.rel @!p1 .LBB2_3-.Ltmp1, $4  }
0x16a: {  	[sflag:s19] =	ssyncset.done $0x0  }
0x16b: {  	[sflag:s19] =	ssyncadd.s32 $0xFFFFF000  }
0x16c: {  	p0 =	por $0x1, $0x1;
	_ =	swait.ge [sflag:s18], $0x1000  }
0x16d: {  	s1 =	sadd.s32 $0xFFFFFFFF, s30;
	s0 =	rddreg [dreg:$0x3];
	[sflag:s18] =	ssyncset.done $0x0  }
.LBB2_4:
0x16e: {  	[sflag:s18] =	ssyncadd.s32 $0xFFFFF000  }
0x16f: {  	[tilespmem:s2], [sflag:$0x11] =	stream.linear.gather [hbm4b:s0+s2], $0x1000, $0x38;
	[tilespmem:$0x9000] =	vst v63  }
0x170: {  	_ =	swait.ge [sflag:s31], $0x1000  }
0x171: {  	[sflag:s31] =	ssyncset.done $0x0  }
0x172: {  	[sflag:s31] =	ssyncadd.s32 $0xFFFFF000  }
0x173: {  	[tilespmem:s15], [sflag:$0x1] =	stream.indirect.gather [hbm4b:s3+s16], $0x20, s2, s16, $0xb8;
	[tilespmem:$0x9000] =	vst v63  }
0x174: {  	s0 =	sld [smem:$0x7E0]  }
0x175: {  	[tilespmem:s13], [sflag:$0x2] =	stream.indirect.gather [hbm4b:s3+s16], $0x20, s16, s16, $0xb8;
	[tilespmem:$0x9000] =	vst v63  }
0x176: {  	s30 =	sld [smem:$0x7E1]  }
0x177: {  	[tilespmem:s12], [sflag:$0x3] =	stream.indirect.gather [hbm4b:s3+s16], $0x20, s0, s16, $0xb8;
	[tilespmem:$0x9000] =	vst v63  }
0x178: {  	s0 =	sld [smem:$0x7E2]  }
0x179: {  	[tilespmem:s10], [sflag:$0x4] =	stream.indirect.gather [hbm4b:s3+s16], $0x20, s30, s16, $0xb8;
	[tilespmem:$0x9000] =	vst v63  }
0x17a: {  	s30 =	sld [smem:$0x7E3]  }
0x17b: {  	[tilespmem:s8], [sflag:$0x5] =	stream.indirect.gather [hbm4b:s3+s16], $0x20, s0, s16, $0xb8;
	[tilespmem:$0x9000] =	vst v63  }
0x17c: {  	s0 =	sld [smem:$0x7E4]  }
0x17d: {  	[tilespmem:s7], [sflag:$0x6] =	stream.indirect.gather [hbm4b:s3+s16], $0x20, s30, s16, $0xb8;
	[tilespmem:$0x9000] =	vst v63  }
0x17e: {  	s30 =	sld [smem:$0x7E5]  }
0x17f: {  	[tilespmem:s5], [sflag:$0x7] =	stream.indirect.gather [hbm4b:s3+s16], $0x20, s0, s16, $0xb8;
	[tilespmem:$0x9000] =	vst v63  }
0x180: {  	_ = 	snop  }
0x181: {  	[tilespmem:s4], [sflag:$0x8] =	stream.indirect.gather [hbm4b:s3+s16], $0x20, s30, s16, $0xb8;
	[tilespmem:$0x9000] =	vst v63  }
0x182: {  	_ =	swait.ge [sflag:s21], $0x1000  }
0x183: {  	s30 =	sld [smem:$0x7DE]  }
0x184: {  	[sflag:s21] =	ssyncset.done $0x0  }
0x185: {  	[sflag:s21] =	ssyncadd.s32 $0xFFFFF000  }
0x186: {  	[hbm4b:s30+s2] =	stream.linear.scatter [tilespmem:s15], [sflag:$0x9], $0x1000, $0x38;
	[tilespmem:$0x9000] =	vst v63  }
0x187: {  	_ =	swait.ge [sflag:s6], $0x1000  }
0x188: {  	s30 =	sld [smem:$0x7E6]  }
0x189: {  	[sflag:s6] =	ssyncset.done $0x0  }
0x18a: {  	[sflag:s6] =	ssyncadd.s32 $0xFFFFF000  }
0x18b: {  	[tilespmem:s15], [sflag:$0x1] =	stream.indirect.gather [hbm4b:s3+s16], $0x20, s30, s16, $0xb8;
	[tilespmem:$0x9000] =	vst v63  }
0x18c: {  	_ =	swait.ge [sflag:s22], $0x1000  }
0x18d: {  	[sflag:s22] =	ssyncset.done $0x0  }
0x18e: {  	s30 =	rddreg [dreg:$0x4];
	[sflag:s22] =	ssyncadd.s32 $0xFFFFF000  }
0x18f: {  	[hbm4b:s30+s2] =	stream.linear.scatter [tilespmem:s13], [sflag:$0xA], $0x1000, $0x38;
	[tilespmem:$0x9000] =	vst v63  }
0x190: {  	_ =	swait.ge [sflag:s9], $0x1000  }
0x191: {  	s30 =	sld [smem:$0x7E7]  }
0x192: {  	[sflag:s9] =	ssyncset.done $0x0  }
0x193: {  	[sflag:s9] =	ssyncadd.s32 $0xFFFFF000  }
0x194: {  	[tilespmem:s13], [sflag:$0x2] =	stream.indirect.gather [hbm4b:s3+s16], $0x20, s30, s16, $0xb8;
	[tilespmem:$0x9000] =	vst v63  }
0x195: {  	_ =	swait.ge [sflag:s24], $0x1000  }
0x196: {  	[sflag:s24] =	ssyncset.done $0x0  }
0x197: {  	s30 =	rddreg [dreg:$0x5];
	[sflag:s24] =	ssyncadd.s32 $0xFFFFF000  }
0x198: {  	[hbm4b:s30+s2] =	stream.linear.scatter [tilespmem:s12], [sflag:$0xB], $0x1000, $0x38;
	[tilespmem:$0x9000] =	vst v63  }
0x199: {  	_ =	swait.ge [sflag:s11], $0x1000  }
0x19a: {  	s30 =	sld [smem:$0x7E8]  }
0x19b: {  	[sflag:s11] =	ssyncset.done $0x0  }
0x19c: {  	[sflag:s11] =	ssyncadd.s32 $0xFFFFF000  }
0x19d: {  	[tilespmem:s12], [sflag:$0x3] =	stream.indirect.gather [hbm4b:s3+s16], $0x20, s30, s16, $0xb8;
	[tilespmem:$0x9000] =	vst v63  }
0x19e: {  	_ =	swait.ge [sflag:s25], $0x1000  }
0x19f: {  	[sflag:s25] =	ssyncset.done $0x0  }
0x1a0: {  	s30 =	rddreg [dreg:$0x6];
	[sflag:s25] =	ssyncadd.s32 $0xFFFFF000  }
0x1a1: {  	[hbm4b:s30+s2] =	stream.linear.scatter [tilespmem:s10], [sflag:$0xC], $0x1000, $0x38;
	[tilespmem:$0x9000] =	vst v63  }
0x1a2: {  	_ =	swait.ge [sflag:s14], $0x1000  }
0x1a3: {  	s30 =	sld [smem:$0x7E9]  }
0x1a4: {  	[sflag:s14] =	ssyncset.done $0x0  }
0x1a5: {  	[sflag:s14] =	ssyncadd.s32 $0xFFFFF000  }
0x1a6: {  	[tilespmem:s10], [sflag:$0x4] =	stream.indirect.gather [hbm4b:s3+s16], $0x20, s30, s16, $0xb8;
	[tilespmem:$0x9000] =	vst v63  }
0x1a7: {  	_ =	swait.ge [sflag:s26], $0x1000  }
0x1a8: {  	[sflag:s26] =	ssyncset.done $0x0  }
0x1a9: {  	s30 =	rddreg [dreg:$0x7];
	[sflag:s26] =	ssyncadd.s32 $0xFFFFF000  }
0x1aa: {  	[hbm4b:s30+s2] =	stream.linear.scatter [tilespmem:s8], [sflag:$0xD], $0x1000, $0x38;
	[tilespmem:$0x9000] =	vst v63  }
0x1ab: {  	_ =	swait.ge [sflag:s17], $0x1000  }
0x1ac: {  	s30 =	sld [smem:$0x7EA]  }
0x1ad: {  	[sflag:s17] =	ssyncset.done $0x0  }
0x1ae: {  	[sflag:s17] =	ssyncadd.s32 $0xFFFFF000  }
0x1af: {  	[tilespmem:s8], [sflag:$0x5] =	stream.indirect.gather [hbm4b:s3+s16], $0x20, s30, s16, $0xb8;
	[tilespmem:$0x9000] =	vst v63  }
0x1b0: {  	_ =	swait.ge [sflag:s29], $0x1000  }
0x1b1: {  	[sflag:s29] =	ssyncset.done $0x0  }
0x1b2: {  	s30 =	rddreg [dreg:$0x8];
	[sflag:s29] =	ssyncadd.s32 $0xFFFFF000  }
0x1b3: {  	[hbm4b:s30+s2] =	stream.linear.scatter [tilespmem:s7], [sflag:$0xE], $0x1000, $0x38;
	[tilespmem:$0x9000] =	vst v63  }
0x1b4: {  	_ =	swait.ge [sflag:s20], $0x1000  }
0x1b5: {  	s30 =	sld [smem:$0x7EB]  }
0x1b6: {  	[sflag:s20] =	ssyncset.done $0x0  }
0x1b7: {  	[sflag:s20] =	ssyncadd.s32 $0xFFFFF000  }
0x1b8: {  	[tilespmem:s7], [sflag:$0x6] =	stream.indirect.gather [hbm4b:s3+s16], $0x20, s30, s16, $0xb8;
	[tilespmem:$0x9000] =	vst v63  }
0x1b9: {  	_ =	swait.ge [sflag:s28], $0x1000  }
0x1ba: {  	[sflag:s28] =	ssyncset.done $0x0  }
0x1bb: {  	s30 =	rddreg [dreg:$0x9];
	[sflag:s28] =	ssyncadd.s32 $0xFFFFF000  }
0x1bc: {  	[hbm4b:s30+s2] =	stream.linear.scatter [tilespmem:s5], [sflag:$0xF], $0x1000, $0x38;
	[tilespmem:$0x9000] =	vst v63  }
0x1bd: {  	_ =	swait.ge [sflag:s19], $0x1000  }
0x1be: {  	s30 =	sld [smem:$0x7EC]  }
0x1bf: {  	[sflag:s19] =	ssyncset.done $0x0  }
0x1c0: {  	[sflag:s19] =	ssyncadd.s32 $0xFFFFF000  }
0x1c1: {  	[tilespmem:s5], [sflag:$0x7] =	stream.indirect.gather [hbm4b:s3+s16], $0x20, s30, s16, $0xb8;
	[tilespmem:$0x9000] =	vst v63  }
0x1c2: {  	_ =	swait.ge [sflag:s23], $0x1000  }
0x1c3: {  	[sflag:s23] =	ssyncset.done $0x0  }
0x1c4: {  	s30 =	rddreg [dreg:$0xa];
	[sflag:s23] =	ssyncadd.s32 $0xFFFFF000  }
0x1c5: {  	[hbm4b:s30+s2] =	stream.linear.scatter [tilespmem:s4], [sflag:$0x10], $0x1000, $0x38;
	[tilespmem:$0x9000] =	vst v63  }
0x1c6: {  	_ =	swait.ge [sflag:s18], $0x1000  }
0x1c7: {  	s30 =	sld [smem:$0x7ED]  }
0x1c8: {  	[sflag:s18] =	ssyncset.done $0x0  }
0x1c9: {  	[sflag:s18] =	ssyncadd.s32 $0xFFFFF000  }
0x1ca: {  	[tilespmem:s4], [sflag:$0x8] =	stream.indirect.gather [hbm4b:s3+s16], $0x20, s30, s16, $0xb8;
	[tilespmem:$0x9000] =	vst v63  }
0x1cb: {  	_ =	swait.ge [sflag:s21], $0x1000  }
0x1cc: {  	[sflag:s21] =	ssyncset.done $0x0  }
0x1cd: {  	s30 =	rddreg [dreg:$0xb];
	[sflag:s21] =	ssyncadd.s32 $0xFFFFF000  }
0x1ce: {  	[hbm4b:s30+s2] =	stream.linear.scatter [tilespmem:s15], [sflag:$0x9], $0x1000, $0x38;
	[tilespmem:$0x9000] =	vst v63  }
0x1cf: {  	_ =	swait.ge [sflag:s6], $0x1000  }
0x1d0: {  	s30 =	sld [smem:$0x7EE]  }
0x1d1: {  	[sflag:s6] =	ssyncset.done $0x0  }
0x1d2: {  	[sflag:s6] =	ssyncadd.s32 $0xFFFFF000  }
0x1d3: {  	[tilespmem:s15], [sflag:$0x1] =	stream.indirect.gather [hbm4b:s3+s16], $0x20, s30, s16, $0xb8;
	[tilespmem:$0x9000] =	vst v63  }
0x1d4: {  	_ =	swait.ge [sflag:s22], $0x1000  }
0x1d5: {  	[sflag:s22] =	ssyncset.done $0x0  }
0x1d6: {  	s30 =	rddreg [dreg:$0xc];
	[sflag:s22] =	ssyncadd.s32 $0xFFFFF000  }
0x1d7: {  	[hbm4b:s30+s2] =	stream.linear.scatter [tilespmem:s13], [sflag:$0xA], $0x1000, $0x38;
	[tilespmem:$0x9000] =	vst v63  }
0x1d8: {  	_ =	swait.ge [sflag:s9], $0x1000  }
0x1d9: {  	s30 =	sld [smem:$0x7EF]  }
0x1da: {  	[sflag:s9] =	ssyncset.done $0x0  }
0x1db: {  	[sflag:s9] =	ssyncadd.s32 $0xFFFFF000  }
0x1dc: {  	[tilespmem:s13], [sflag:$0x2] =	stream.indirect.gather [hbm4b:s3+s16], $0x20, s30, s16, $0xb8;
	[tilespmem:$0x9000] =	vst v63  }
0x1dd: {  	_ =	swait.ge [sflag:s24], $0x1000  }
0x1de: {  	[sflag:s24] =	ssyncset.done $0x0  }
0x1df: {  	s30 =	rddreg [dreg:$0xd];
	[sflag:s24] =	ssyncadd.s32 $0xFFFFF000  }
0x1e0: {  	[hbm4b:s30+s2] =	stream.linear.scatter [tilespmem:s12], [sflag:$0xB], $0x1000, $0x38;
	[tilespmem:$0x9000] =	vst v63  }
0x1e1: {  	_ =	swait.ge [sflag:s11], $0x1000  }
0x1e2: {  	s30 =	sld [smem:$0x7F0]  }
0x1e3: {  	[sflag:s11] =	ssyncset.done $0x0  }
0x1e4: {  	[sflag:s11] =	ssyncadd.s32 $0xFFFFF000  }
0x1e5: {  	[tilespmem:s12], [sflag:$0x3] =	stream.indirect.gather [hbm4b:s3+s16], $0x20, s30, s16, $0xb8;
	[tilespmem:$0x9000] =	vst v63  }
0x1e6: {  	_ =	swait.ge [sflag:s25], $0x1000  }
0x1e7: {  	[sflag:s25] =	ssyncset.done $0x0  }
0x1e8: {  	s30 =	rddreg [dreg:$0xe];
	[sflag:s25] =	ssyncadd.s32 $0xFFFFF000  }
0x1e9: {  	[hbm4b:s30+s2] =	stream.linear.scatter [tilespmem:s10], [sflag:$0xC], $0x1000, $0x38;
	[tilespmem:$0x9000] =	vst v63  }
0x1ea: {  	_ =	swait.ge [sflag:s14], $0x1000  }
0x1eb: {  	s30 =	sld [smem:$0x7F1]  }
0x1ec: {  	[sflag:s14] =	ssyncset.done $0x0  }
0x1ed: {  	[sflag:s14] =	ssyncadd.s32 $0xFFFFF000  }
0x1ee: {  	[tilespmem:s10], [sflag:$0x4] =	stream.indirect.gather [hbm4b:s3+s16], $0x20, s30, s16, $0xb8;
	[tilespmem:$0x9000] =	vst v63  }
0x1ef: {  	_ =	swait.ge [sflag:s26], $0x1000  }
0x1f0: {  	[sflag:s26] =	ssyncset.done $0x0  }
0x1f1: {  	s30 =	rddreg [dreg:$0xf];
	[sflag:s26] =	ssyncadd.s32 $0xFFFFF000  }
0x1f2: {  	[hbm4b:s30+s2] =	stream.linear.scatter [tilespmem:s8], [sflag:$0xD], $0x1000, $0x38;
	[tilespmem:$0x9000] =	vst v63  }
0x1f3: {  	_ =	swait.ge [sflag:s17], $0x1000  }
0x1f4: {  	s30 =	sld [smem:$0x7F2]  }
0x1f5: {  	[sflag:s17] =	ssyncset.done $0x0  }
0x1f6: {  	[sflag:s17] =	ssyncadd.s32 $0xFFFFF000  }
0x1f7: {  	[tilespmem:s8], [sflag:$0x5] =	stream.indirect.gather [hbm4b:s3+s16], $0x20, s30, s16, $0xb8;
	[tilespmem:$0x9000] =	vst v63  }
0x1f8: {  	_ =	swait.ge [sflag:s29], $0x1000  }
0x1f9: {  	[sflag:s29] =	ssyncset.done $0x0  }
0x1fa: {  	s30 =	rddreg [dreg:$0x10];
	[sflag:s29] =	ssyncadd.s32 $0xFFFFF000  }
0x1fb: {  	[hbm4b:s30+s2] =	stream.linear.scatter [tilespmem:s7], [sflag:$0xE], $0x1000, $0x38;
	[tilespmem:$0x9000] =	vst v63  }
0x1fc: {  	_ =	swait.ge [sflag:s20], $0x1000  }
0x1fd: {  	s30 =	sld [smem:$0x7F3]  }
0x1fe: {  	[sflag:s20] =	ssyncset.done $0x0  }
0x1ff: {  	[sflag:s20] =	ssyncadd.s32 $0xFFFFF000  }
0x200: {  	[tilespmem:s7], [sflag:$0x6] =	stream.indirect.gather [hbm4b:s3+s16], $0x20, s30, s16, $0xb8;
	[tilespmem:$0x9000] =	vst v63  }
0x201: {  	_ =	swait.ge [sflag:s28], $0x1000  }
0x202: {  	[sflag:s28] =	ssyncset.done $0x0  }
0x203: {  	s30 =	rddreg [dreg:$0x11];
	[sflag:s28] =	ssyncadd.s32 $0xFFFFF000  }
0x204: {  	[hbm4b:s30+s2] =	stream.linear.scatter [tilespmem:s5], [sflag:$0xF], $0x1000, $0x38;
	[tilespmem:$0x9000] =	vst v63  }
0x205: {  	_ =	swait.ge [sflag:s19], $0x1000  }
0x206: {  	s30 =	sld [smem:$0x7F4]  }
0x207: {  	[sflag:s19] =	ssyncset.done $0x0  }
0x208: {  	[sflag:s19] =	ssyncadd.s32 $0xFFFFF000  }
0x209: {  	[tilespmem:s5], [sflag:$0x7] =	stream.indirect.gather [hbm4b:s3+s16], $0x20, s30, s16, $0xb8;
	[tilespmem:$0x9000] =	vst v63  }
0x20a: {  	_ =	swait.ge [sflag:s23], $0x1000  }
0x20b: {  	[sflag:s23] =	ssyncset.done $0x0  }
0x20c: {  	s30 =	rddreg [dreg:$0x12];
	[sflag:s23] =	ssyncadd.s32 $0xFFFFF000  }
0x20d: {  	[hbm4b:s30+s2] =	stream.linear.scatter [tilespmem:s4], [sflag:$0x10], $0x1000, $0x38;
	[tilespmem:$0x9000] =	vst v63  }
0x20e: {  	_ =	swait.ge [sflag:s18], $0x1000  }
0x20f: {  	s30 =	sld [smem:$0x7F5]  }
0x210: {  	[sflag:s18] =	ssyncset.done $0x0  }
0x211: {  	[sflag:s18] =	ssyncadd.s32 $0xFFFFF000  }
0x212: {  	[tilespmem:s4], [sflag:$0x8] =	stream.indirect.gather [hbm4b:s3+s16], $0x20, s30, s16, $0xb8;
	[tilespmem:$0x9000] =	vst v63  }
0x213: {  	_ =	swait.ge [sflag:s21], $0x1000  }
0x214: {  	[sflag:s21] =	ssyncset.done $0x0  }
0x215: {  	s30 =	rddreg [dreg:$0x13];
	[sflag:s21] =	ssyncadd.s32 $0xFFFFF000  }
0x216: {  	[hbm4b:s30+s2] =	stream.linear.scatter [tilespmem:s15], [sflag:$0x9], $0x1000, $0x38;
	[tilespmem:$0x9000] =	vst v63  }
0x217: {  	_ =	swait.ge [sflag:s6], $0x1000  }
0x218: {  	s30 =	sld [smem:$0x7F6]  }
0x219: {  	[sflag:s6] =	ssyncset.done $0x0  }
0x21a: {  	[sflag:s6] =	ssyncadd.s32 $0xFFFFF000  }
0x21b: {  	[tilespmem:s15], [sflag:$0x1] =	stream.indirect.gather [hbm4b:s3+s16], $0x20, s30, s16, $0xb8;
	[tilespmem:$0x9000] =	vst v63  }
0x21c: {  	_ =	swait.ge [sflag:s22], $0x1000  }
0x21d: {  	[sflag:s22] =	ssyncset.done $0x0  }
0x21e: {  	s30 =	rddreg [dreg:$0x14];
	[sflag:s22] =	ssyncadd.s32 $0xFFFFF000  }
0x21f: {  	[hbm4b:s30+s2] =	stream.linear.scatter [tilespmem:s13], [sflag:$0xA], $0x1000, $0x38;
	[tilespmem:$0x9000] =	vst v63  }
0x220: {  	_ =	swait.ge [sflag:s9], $0x1000  }
0x221: {  	s30 =	sld [smem:$0x7F7]  }
0x222: {  	[sflag:s9] =	ssyncset.done $0x0  }
0x223: {  	[sflag:s9] =	ssyncadd.s32 $0xFFFFF000  }
0x224: {  	[tilespmem:s13], [sflag:$0x2] =	stream.indirect.gather [hbm4b:s3+s16], $0x20, s30, s16, $0xb8;
	[tilespmem:$0x9000] =	vst v63  }
0x225: {  	_ =	swait.ge [sflag:s24], $0x1000  }
0x226: {  	[sflag:s24] =	ssyncset.done $0x0  }
0x227: {  	s30 =	rddreg [dreg:$0x15];
	[sflag:s24] =	ssyncadd.s32 $0xFFFFF000  }
0x228: {  	[hbm4b:s30+s2] =	stream.linear.scatter [tilespmem:s12], [sflag:$0xB], $0x1000, $0x38;
	[tilespmem:$0x9000] =	vst v63  }
0x229: {  	_ =	swait.ge [sflag:s11], $0x1000  }
0x22a: {  	s30 =	sld [smem:$0x7F8]  }
0x22b: {  	[sflag:s11] =	ssyncset.done $0x0  }
0x22c: {  	[sflag:s11] =	ssyncadd.s32 $0xFFFFF000  }
0x22d: {  	[tilespmem:s12], [sflag:$0x3] =	stream.indirect.gather [hbm4b:s3+s16], $0x20, s30, s16, $0xb8;
	[tilespmem:$0x9000] =	vst v63  }
0x22e: {  	_ =	swait.ge [sflag:s25], $0x1000  }
0x22f: {  	[sflag:s25] =	ssyncset.done $0x0  }
0x230: {  	s30 =	rddreg [dreg:$0x16];
	[sflag:s25] =	ssyncadd.s32 $0xFFFFF000  }
0x231: {  	[hbm4b:s30+s2] =	stream.linear.scatter [tilespmem:s10], [sflag:$0xC], $0x1000, $0x38;
	[tilespmem:$0x9000] =	vst v63  }
0x232: {  	_ =	swait.ge [sflag:s14], $0x1000  }
0x233: {  	s30 =	sld [smem:$0x7F9]  }
0x234: {  	[sflag:s14] =	ssyncset.done $0x0  }
0x235: {  	[sflag:s14] =	ssyncadd.s32 $0xFFFFF000  }
0x236: {  	[tilespmem:s10], [sflag:$0x4] =	stream.indirect.gather [hbm4b:s3+s16], $0x20, s30, s16, $0xb8;
	[tilespmem:$0x9000] =	vst v63  }
0x237: {  	_ =	swait.ge [sflag:s26], $0x1000  }
0x238: {  	[sflag:s26] =	ssyncset.done $0x0  }
0x239: {  	s30 =	rddreg [dreg:$0x17];
	[sflag:s26] =	ssyncadd.s32 $0xFFFFF000  }
0x23a: {  	[hbm4b:s30+s2] =	stream.linear.scatter [tilespmem:s8], [sflag:$0xD], $0x1000, $0x38;
	[tilespmem:$0x9000] =	vst v63  }
0x23b: {  	_ =	swait.ge [sflag:s17], $0x1000  }
0x23c: {  	s30 =	sld [smem:$0x7FA]  }
0x23d: {  	[sflag:s17] =	ssyncset.done $0x0  }
0x23e: {  	[sflag:s17] =	ssyncadd.s32 $0xFFFFF000  }
0x23f: {  	[tilespmem:s8], [sflag:$0x5] =	stream.indirect.gather [hbm4b:s3+s16], $0x20, s30, s16, $0xb8;
	[tilespmem:$0x9000] =	vst v63  }
0x240: {  	_ =	swait.ge [sflag:s29], $0x1000  }
0x241: {  	[sflag:s29] =	ssyncset.done $0x0  }
0x242: {  	s30 =	rddreg [dreg:$0x18];
	[sflag:s29] =	ssyncadd.s32 $0xFFFFF000  }
0x243: {  	[hbm4b:s30+s2] =	stream.linear.scatter [tilespmem:s7], [sflag:$0xE], $0x1000, $0x38;
	[tilespmem:$0x9000] =	vst v63  }
0x244: {  	_ =	swait.ge [sflag:s20], $0x1000  }
0x245: {  	s30 =	sld [smem:$0x7FB]  }
0x246: {  	[sflag:s20] =	ssyncset.done $0x0  }
0x247: {  	[sflag:s20] =	ssyncadd.s32 $0xFFFFF000  }
0x248: {  	[tilespmem:s7], [sflag:$0x6] =	stream.indirect.gather [hbm4b:s3+s16], $0x20, s30, s16, $0xb8;
	[tilespmem:$0x9000] =	vst v63  }
0x249: {  	_ =	swait.ge [sflag:s28], $0x1000  }
0x24a: {  	[sflag:s28] =	ssyncset.done $0x0  }
0x24b: {  	s30 =	rddreg [dreg:$0x19];
	[sflag:s28] =	ssyncadd.s32 $0xFFFFF000  }
0x24c: {  	[hbm4b:s30+s2] =	stream.linear.scatter [tilespmem:s5], [sflag:$0xF], $0x1000, $0x38;
	[tilespmem:$0x9000] =	vst v63  }
0x24d: {  	_ =	swait.ge [sflag:s19], $0x1000  }
0x24e: {  	s30 =	sld [smem:$0x7FC]  }
0x24f: {  	[sflag:s19] =	ssyncset.done $0x0  }
0x250: {  	[sflag:s19] =	ssyncadd.s32 $0xFFFFF000  }
0x251: {  	[tilespmem:s5], [sflag:$0x7] =	stream.indirect.gather [hbm4b:s3+s16], $0x20, s30, s16, $0xb8;
	[tilespmem:$0x9000] =	vst v63  }
0x252: {  	_ =	swait.ge [sflag:s23], $0x1000  }
0x253: {  	[sflag:s23] =	ssyncset.done $0x0  }
0x254: {  	s30 =	rddreg [dreg:$0x1a];
	[sflag:s23] =	ssyncadd.s32 $0xFFFFF000  }
0x255: {  	[hbm4b:s30+s2] =	stream.linear.scatter [tilespmem:s4], [sflag:$0x10], $0x1000, $0x38;
	[tilespmem:$0x9000] =	vst v63  }
0x256: {  	_ =	swait.ge [sflag:s18], $0x1000  }
0x257: {  	s30 =	sld [smem:$0x7FD]  }
0x258: {  	[sflag:s18] =	ssyncset.done $0x0  }
0x259: {  	[sflag:s18] =	ssyncadd.s32 $0xFFFFF000  }
0x25a: {  	[tilespmem:s4], [sflag:$0x8] =	stream.indirect.gather [hbm4b:s3+s16], $0x20, s30, s16, $0xb8;
	[tilespmem:$0x9000] =	vst v63  }
0x25b: {  	_ =	swait.ge [sflag:s21], $0x1000  }
0x25c: {  	[sflag:s21] =	ssyncset.done $0x0  }
0x25d: {  	s30 =	rddreg [dreg:$0x1b];
	[sflag:s21] =	ssyncadd.s32 $0xFFFFF000  }
0x25e: {  	[hbm4b:s30+s2] =	stream.linear.scatter [tilespmem:s15], [sflag:$0x9], $0x1000, $0x38;
	[tilespmem:$0x9000] =	vst v63  }
0x25f: {  	_ =	swait.ge [sflag:s22], $0x1000  }
0x260: {  	[sflag:s22] =	ssyncset.done $0x0  }
0x261: {  	s30 =	rddreg [dreg:$0x1c];
	[sflag:s22] =	ssyncadd.s32 $0xFFFFF000  }
0x262: {  	[hbm4b:s30+s2] =	stream.linear.scatter [tilespmem:s13], [sflag:$0xA], $0x1000, $0x38;
	[tilespmem:$0x9000] =	vst v63  }
0x263: {  	_ =	swait.ge [sflag:s24], $0x1000  }
0x264: {  	[sflag:s24] =	ssyncset.done $0x0  }
0x265: {  	s30 =	rddreg [dreg:$0x1d];
	[sflag:s24] =	ssyncadd.s32 $0xFFFFF000  }
0x266: {  	[hbm4b:s30+s2] =	stream.linear.scatter [tilespmem:s12], [sflag:$0xB], $0x1000, $0x38;
	[tilespmem:$0x9000] =	vst v63  }
0x267: {  	_ =	swait.ge [sflag:s25], $0x1000  }
0x268: {  	[sflag:s25] =	ssyncset.done $0x0  }
0x269: {  	s30 =	rddreg [dreg:$0x1e];
	[sflag:s25] =	ssyncadd.s32 $0xFFFFF000  }
0x26a: {  	[hbm4b:s30+s2] =	stream.linear.scatter [tilespmem:s10], [sflag:$0xC], $0x1000, $0x38;
	[tilespmem:$0x9000] =	vst v63  }
0x26b: {  	_ =	swait.ge [sflag:s26], $0x1000  }
0x26c: {  	[sflag:s26] =	ssyncset.done $0x0  }
0x26d: {  	s30 =	rddreg [dreg:$0x1f];
	[sflag:s26] =	ssyncadd.s32 $0xFFFFF000  }
0x26e: {  	[hbm4b:s30+s2] =	stream.linear.scatter [tilespmem:s8], [sflag:$0xD], $0x1000, $0x38;
	[tilespmem:$0x9000] =	vst v63  }
0x26f: {  	_ =	swait.ge [sflag:s29], $0x1000  }
0x270: {  	s30 =	sld [smem:$0x7DC]  }
0x271: {  	[sflag:s29] =	ssyncset.done $0x0  }
0x272: {  	[sflag:s29] =	ssyncadd.s32 $0xFFFFF000  }
0x273: {  	[hbm4b:s30+s2] =	stream.linear.scatter [tilespmem:s7], [sflag:$0xE], $0x1000, $0x38;
	[tilespmem:$0x9000] =	vst v63  }
0x274: {  	_ =	swait.ge [sflag:s28], $0x1000  }
0x275: {  	s30 =	sld [smem:$0x7DD]  }
0x276: {  	[sflag:s28] =	ssyncset.done $0x0  }
0x277: {  	[sflag:s28] =	ssyncadd.s32 $0xFFFFF000  }
0x278: {  	[hbm4b:s30+s2] =	stream.linear.scatter [tilespmem:s5], [sflag:$0xF], $0x1000, $0x38;
	[tilespmem:$0x9000] =	vst v63  }
0x279: {  	_ =	swait.ge [sflag:s23], $0x1000  }
0x27a: {  	s30 =	sld [smem:$0x7DF]  }
0x27b: {  	[sflag:s23] =	ssyncset.done $0x0  }
0x27c: {  	[sflag:s23] =	ssyncadd.s32 $0xFFFFF000  }
0x27d: {  	[hbm4b:s30+s2] =	stream.linear.scatter [tilespmem:s4], [sflag:$0x10], $0x1000, $0x38;
	[tilespmem:$0x9000] =	vst v63  }
0x27e: {  	_ =	swait.ge [sflag:s6], $0x1000  }
0x27f: {  	[sflag:s6] =	ssyncset.done $0x0  }
0x280: {  	[sflag:s6] =	ssyncadd.s32 $0xFFFFF000  }
0x281: {  	_ =	swait.ge [sflag:s9], $0x1000  }
0x282: {  	[sflag:s9] =	ssyncset.done $0x0  }
0x283: {  	[sflag:s9] =	ssyncadd.s32 $0xFFFFF000  }
0x284: {  	_ =	swait.ge [sflag:s11], $0x1000  }
0x285: {  	[sflag:s11] =	ssyncset.done $0x0  }
0x286: {  	[sflag:s11] =	ssyncadd.s32 $0xFFFFF000  }
0x287: {  	_ =	swait.ge [sflag:s14], $0x1000  }
0x288: {  	[sflag:s14] =	ssyncset.done $0x0  }
0x289: {  	[sflag:s14] =	ssyncadd.s32 $0xFFFFF000  }
0x28a: {  	_ =	swait.ge [sflag:s17], $0x1000  }
0x28b: {  	[sflag:s17] =	ssyncset.done $0x0  }
0x28c: {  	[sflag:s17] =	ssyncadd.s32 $0xFFFFF000  }
0x28d: {  	_ =	swait.ge [sflag:s20], $0x1000  }
0x28e: {  	[sflag:s20] =	ssyncset.done $0x0  }
0x28f: {  	p1 =	sne.s32 s1, $0x1;
	[sflag:s20] =	ssyncadd.s32 $0xFFFFF000  }
.Ltmp2:
0x290: {  	_ =	swait.ge [sflag:s19], $0x1000;
	(pc) =	sbr.rel @p1 .LBB2_4-.Ltmp2, $4  }
0x291: {  	[sflag:s19] =	ssyncset.done $0x0  }
0x292: {  	[sflag:s19] =	ssyncadd.s32 $0xFFFFF000  }
0x293: {  	_ =	swait.ge [sflag:s18], $0x1000  }
0x294: {  	s1 =	sadd.s32 $0xFFFFFFFF, s1;
	s0 =	rddreg [dreg:$0x3];
	[sflag:s18] =	ssyncset.done $0x0  }
0x295: {  	s30 =	sld [smem:$0x7DE]  }
.LBB2_6:
0x296: {  	[sflag:s18] =	ssyncadd.s32 @p0 $0xFFFFF000  }
0x297: {  	[tilespmem:s2], [sflag:$0x11] =	stream.linear.gather [hbm4b:s0+s2], $0x1000, $0x38;
	[tilespmem:$0x9000] =	vst v63  }
0x298: {  	_ =	swait.ge [sflag:s31], $0x1000  }
0x299: {  	[sflag:s31] =	ssyncset.done $0x0  }
0x29a: {  	[sflag:s31] =	ssyncadd.s32 $0xFFFFF000  }
0x29b: {  	[tilespmem:s15], [sflag:$0x1] =	stream.indirect.gather [hbm4b:s3+s16], $0x20, s2, s16, $0xb8;
	[tilespmem:$0x9000] =	vst v63  }
0x29c: {  	s31 =	sld [smem:$0x7E0]  }
0x29d: {  	[tilespmem:s13], [sflag:$0x2] =	stream.indirect.gather [hbm4b:s3+s16], $0x20, s16, s16, $0xb8;
	[tilespmem:$0x9000] =	vst v63  }
0x29e: {  	s1 =	sld [smem:$0x7E1]  }
0x29f: {  	[tilespmem:s12], [sflag:$0x3] =	stream.indirect.gather [hbm4b:s3+s16], $0x20, s31, s16, $0xb8;
	[tilespmem:$0x9000] =	vst v63  }
0x2a0: {  	s0 =	sld [smem:$0x7E2]  }
0x2a1: {  	[tilespmem:s10], [sflag:$0x4] =	stream.indirect.gather [hbm4b:s3+s16], $0x20, s1, s16, $0xb8;
	[tilespmem:$0x9000] =	vst v63  }
0x2a2: {  	s31 =	sld [smem:$0x7E3]  }
0x2a3: {  	[tilespmem:s8], [sflag:$0x5] =	stream.indirect.gather [hbm4b:s3+s16], $0x20, s0, s16, $0xb8;
	[tilespmem:$0x9000] =	vst v63  }
0x2a4: {  	s0 =	sld [smem:$0x7E4]  }
0x2a5: {  	[tilespmem:s7], [sflag:$0x6] =	stream.indirect.gather [hbm4b:s3+s16], $0x20, s31, s16, $0xb8;
	[tilespmem:$0x9000] =	vst v63  }
0x2a6: {  	s31 =	sld [smem:$0x7E5]  }
0x2a7: {  	[tilespmem:s5], [sflag:$0x7] =	stream.indirect.gather [hbm4b:s3+s16], $0x20, s0, s16, $0xb8;
	[tilespmem:$0x9000] =	vst v63  }
0x2a8: {  	_ = 	snop  }
0x2a9: {  	[tilespmem:s4], [sflag:$0x8] =	stream.indirect.gather [hbm4b:s3+s16], $0x20, s31, s16, $0xb8;
	[tilespmem:$0x9000] =	vst v63  }
0x2aa: {  	_ =	swait.ge [sflag:s21], $0x1000  }
0x2ab: {  	[sflag:s21] =	ssyncset.done $0x0  }
0x2ac: {  	[sflag:s21] =	ssyncadd.s32 $0xFFFFF000  }
0x2ad: {  	[hbm4b:s30+s2] =	stream.linear.scatter [tilespmem:s15], [sflag:$0x9], $0x1000, $0x38;
	[tilespmem:$0x9000] =	vst v63  }
0x2ae: {  	_ =	swait.ge [sflag:s6], $0x1000  }
0x2af: {  	s31 =	sld [smem:$0x7E6]  }
0x2b0: {  	[sflag:s6] =	ssyncset.done $0x0  }
0x2b1: {  	[sflag:s6] =	ssyncadd.s32 $0xFFFFF000  }
0x2b2: {  	[tilespmem:s15], [sflag:$0x1] =	stream.indirect.gather [hbm4b:s3+s16], $0x20, s31, s16, $0xb8;
	[tilespmem:$0x9000] =	vst v63  }
0x2b3: {  	_ =	swait.ge [sflag:s22], $0x1000  }
0x2b4: {  	[sflag:s22] =	ssyncset.done $0x0  }
0x2b5: {  	s1 =	rddreg [dreg:$0x4];
	[sflag:s22] =	ssyncadd.s32 $0xFFFFF000  }
0x2b6: {  	[hbm4b:s1+s2] =	stream.linear.scatter [tilespmem:s13], [sflag:$0xA], $0x1000, $0x38;
	[tilespmem:$0x9000] =	vst v63  }
0x2b7: {  	_ =	swait.ge [sflag:s9], $0x1000  }
0x2b8: {  	s30 =	sld [smem:$0x7E7]  }
0x2b9: {  	[sflag:s9] =	ssyncset.done $0x0  }
0x2ba: {  	[sflag:s9] =	ssyncadd.s32 $0xFFFFF000  }
0x2bb: {  	[tilespmem:s13], [sflag:$0x2] =	stream.indirect.gather [hbm4b:s3+s16], $0x20, s30, s16, $0xb8;
	[tilespmem:$0x9000] =	vst v63  }
0x2bc: {  	_ =	swait.ge [sflag:s24], $0x1000  }
0x2bd: {  	[sflag:s24] =	ssyncset.done $0x0  }
0x2be: {  	s31 =	rddreg [dreg:$0x5];
	[sflag:s24] =	ssyncadd.s32 $0xFFFFF000  }
0x2bf: {  	[hbm4b:s31+s2] =	stream.linear.scatter [tilespmem:s12], [sflag:$0xB], $0x1000, $0x38;
	[tilespmem:$0x9000] =	vst v63  }
0x2c0: {  	_ =	swait.ge [sflag:s11], $0x1000  }
0x2c1: {  	s1 =	sld [smem:$0x7E8]  }
0x2c2: {  	[sflag:s11] =	ssyncset.done $0x0  }
0x2c3: {  	[sflag:s11] =	ssyncadd.s32 $0xFFFFF000  }
0x2c4: {  	[tilespmem:s12], [sflag:$0x3] =	stream.indirect.gather [hbm4b:s3+s16], $0x20, s1, s16, $0xb8;
	[tilespmem:$0x9000] =	vst v63  }
0x2c5: {  	_ =	swait.ge [sflag:s25], $0x1000  }
0x2c6: {  	[sflag:s25] =	ssyncset.done $0x0  }
0x2c7: {  	s30 =	rddreg [dreg:$0x6];
	[sflag:s25] =	ssyncadd.s32 $0xFFFFF000  }
0x2c8: {  	[hbm4b:s30+s2] =	stream.linear.scatter [tilespmem:s10], [sflag:$0xC], $0x1000, $0x38;
	[tilespmem:$0x9000] =	vst v63  }
0x2c9: {  	_ =	swait.ge [sflag:s14], $0x1000  }
0x2ca: {  	s31 =	sld [smem:$0x7E9]  }
0x2cb: {  	[sflag:s14] =	ssyncset.done $0x0  }
0x2cc: {  	[sflag:s14] =	ssyncadd.s32 $0xFFFFF000  }
0x2cd: {  	[tilespmem:s10], [sflag:$0x4] =	stream.indirect.gather [hbm4b:s3+s16], $0x20, s31, s16, $0xb8;
	[tilespmem:$0x9000] =	vst v63  }
0x2ce: {  	_ =	swait.ge [sflag:s26], $0x1000  }
0x2cf: {  	[sflag:s26] =	ssyncset.done $0x0  }
0x2d0: {  	s1 =	rddreg [dreg:$0x7];
	[sflag:s26] =	ssyncadd.s32 $0xFFFFF000  }
0x2d1: {  	[hbm4b:s1+s2] =	stream.linear.scatter [tilespmem:s8], [sflag:$0xD], $0x1000, $0x38;
	[tilespmem:$0x9000] =	vst v63  }
0x2d2: {  	_ =	swait.ge [sflag:s17], $0x1000  }
0x2d3: {  	s30 =	sld [smem:$0x7EA]  }
0x2d4: {  	[sflag:s17] =	ssyncset.done $0x0  }
0x2d5: {  	[sflag:s17] =	ssyncadd.s32 $0xFFFFF000  }
0x2d6: {  	[tilespmem:s8], [sflag:$0x5] =	stream.indirect.gather [hbm4b:s3+s16], $0x20, s30, s16, $0xb8;
	[tilespmem:$0x9000] =	vst v63  }
0x2d7: {  	_ =	swait.ge [sflag:s29], $0x1000  }
0x2d8: {  	[sflag:s29] =	ssyncset.done $0x0  }
0x2d9: {  	s31 =	rddreg [dreg:$0x8];
	[sflag:s29] =	ssyncadd.s32 $0xFFFFF000  }
0x2da: {  	[hbm4b:s31+s2] =	stream.linear.scatter [tilespmem:s7], [sflag:$0xE], $0x1000, $0x38;
	[tilespmem:$0x9000] =	vst v63  }
0x2db: {  	_ =	swait.ge [sflag:s20], $0x1000  }
0x2dc: {  	s1 =	sld [smem:$0x7EB]  }
0x2dd: {  	[sflag:s20] =	ssyncset.done $0x0  }
0x2de: {  	[sflag:s20] =	ssyncadd.s32 $0xFFFFF000  }
0x2df: {  	[tilespmem:s7], [sflag:$0x6] =	stream.indirect.gather [hbm4b:s3+s16], $0x20, s1, s16, $0xb8;
	[tilespmem:$0x9000] =	vst v63  }
0x2e0: {  	_ =	swait.ge [sflag:s28], $0x1000  }
0x2e1: {  	[sflag:s28] =	ssyncset.done $0x0  }
0x2e2: {  	s30 =	rddreg [dreg:$0x9];
	[sflag:s28] =	ssyncadd.s32 $0xFFFFF000  }
0x2e3: {  	[hbm4b:s30+s2] =	stream.linear.scatter [tilespmem:s5], [sflag:$0xF], $0x1000, $0x38;
	[tilespmem:$0x9000] =	vst v63  }
0x2e4: {  	_ =	swait.ge [sflag:s19], $0x1000  }
0x2e5: {  	s31 =	sld [smem:$0x7EC]  }
0x2e6: {  	[sflag:s19] =	ssyncset.done $0x0  }
0x2e7: {  	[sflag:s19] =	ssyncadd.s32 $0xFFFFF000  }
0x2e8: {  	[tilespmem:s5], [sflag:$0x7] =	stream.indirect.gather [hbm4b:s3+s16], $0x20, s31, s16, $0xb8;
	[tilespmem:$0x9000] =	vst v63  }
0x2e9: {  	_ =	swait.ge [sflag:s23], $0x1000  }
0x2ea: {  	[sflag:s23] =	ssyncset.done $0x0  }
0x2eb: {  	s1 =	rddreg [dreg:$0xa];
	[sflag:s23] =	ssyncadd.s32 $0xFFFFF000  }
0x2ec: {  	[hbm4b:s1+s2] =	stream.linear.scatter [tilespmem:s4], [sflag:$0x10], $0x1000, $0x38;
	[tilespmem:$0x9000] =	vst v63  }
0x2ed: {  	_ =	swait.ge [sflag:s18], $0x1000  }
0x2ee: {  	s30 =	sld [smem:$0x7ED]  }
0x2ef: {  	[sflag:s18] =	ssyncset.done $0x0  }
0x2f0: {  	[sflag:s18] =	ssyncadd.s32 $0xFFFFF000  }
0x2f1: {  	[tilespmem:s4], [sflag:$0x8] =	stream.indirect.gather [hbm4b:s3+s16], $0x20, s30, s16, $0xb8;
	[tilespmem:$0x9000] =	vst v63  }
0x2f2: {  	_ =	swait.ge [sflag:s21], $0x1000  }
0x2f3: {  	[sflag:s21] =	ssyncset.done $0x0  }
0x2f4: {  	s31 =	rddreg [dreg:$0xb];
	[sflag:s21] =	ssyncadd.s32 $0xFFFFF000  }
0x2f5: {  	[hbm4b:s31+s2] =	stream.linear.scatter [tilespmem:s15], [sflag:$0x9], $0x1000, $0x38;
	[tilespmem:$0x9000] =	vst v63  }
0x2f6: {  	_ =	swait.ge [sflag:s6], $0x1000  }
0x2f7: {  	s1 =	sld [smem:$0x7EE]  }
0x2f8: {  	[sflag:s6] =	ssyncset.done $0x0  }
0x2f9: {  	[sflag:s6] =	ssyncadd.s32 $0xFFFFF000  }
0x2fa: {  	[tilespmem:s15], [sflag:$0x1] =	stream.indirect.gather [hbm4b:s3+s16], $0x20, s1, s16, $0xb8;
	[tilespmem:$0x9000] =	vst v63  }
0x2fb: {  	_ =	swait.ge [sflag:s22], $0x1000  }
0x2fc: {  	[sflag:s22] =	ssyncset.done $0x0  }
0x2fd: {  	s30 =	rddreg [dreg:$0xc];
	[sflag:s22] =	ssyncadd.s32 $0xFFFFF000  }
0x2fe: {  	[hbm4b:s30+s2] =	stream.linear.scatter [tilespmem:s13], [sflag:$0xA], $0x1000, $0x38;
	[tilespmem:$0x9000] =	vst v63  }
0x2ff: {  	_ =	swait.ge [sflag:s9], $0x1000  }
0x300: {  	s31 =	sld [smem:$0x7EF]  }
0x301: {  	[sflag:s9] =	ssyncset.done $0x0  }
0x302: {  	[sflag:s9] =	ssyncadd.s32 $0xFFFFF000  }
0x303: {  	[tilespmem:s13], [sflag:$0x2] =	stream.indirect.gather [hbm4b:s3+s16], $0x20, s31, s16, $0xb8;
	[tilespmem:$0x9000] =	vst v63  }
0x304: {  	_ =	swait.ge [sflag:s24], $0x1000  }
0x305: {  	[sflag:s24] =	ssyncset.done $0x0  }
0x306: {  	s1 =	rddreg [dreg:$0xd];
	[sflag:s24] =	ssyncadd.s32 $0xFFFFF000  }
0x307: {  	[hbm4b:s1+s2] =	stream.linear.scatter [tilespmem:s12], [sflag:$0xB], $0x1000, $0x38;
	[tilespmem:$0x9000] =	vst v63  }
0x308: {  	_ =	swait.ge [sflag:s11], $0x1000  }
0x309: {  	s30 =	sld [smem:$0x7F0]  }
0x30a: {  	[sflag:s11] =	ssyncset.done $0x0  }
0x30b: {  	[sflag:s11] =	ssyncadd.s32 $0xFFFFF000  }
0x30c: {  	[tilespmem:s12], [sflag:$0x3] =	stream.indirect.gather [hbm4b:s3+s16], $0x20, s30, s16, $0xb8;
	[tilespmem:$0x9000] =	vst v63  }
0x30d: {  	_ =	swait.ge [sflag:s25], $0x1000  }
0x30e: {  	[sflag:s25] =	ssyncset.done $0x0  }
0x30f: {  	s31 =	rddreg [dreg:$0xe];
	[sflag:s25] =	ssyncadd.s32 $0xFFFFF000  }
0x310: {  	[hbm4b:s31+s2] =	stream.linear.scatter [tilespmem:s10], [sflag:$0xC], $0x1000, $0x38;
	[tilespmem:$0x9000] =	vst v63  }
0x311: {  	_ =	swait.ge [sflag:s14], $0x1000  }
0x312: {  	s1 =	sld [smem:$0x7F1]  }
0x313: {  	[sflag:s14] =	ssyncset.done $0x0  }
0x314: {  	[sflag:s14] =	ssyncadd.s32 $0xFFFFF000  }
0x315: {  	[tilespmem:s10], [sflag:$0x4] =	stream.indirect.gather [hbm4b:s3+s16], $0x20, s1, s16, $0xb8;
	[tilespmem:$0x9000] =	vst v63  }
0x316: {  	_ =	swait.ge [sflag:s26], $0x1000  }
0x317: {  	[sflag:s26] =	ssyncset.done $0x0  }
0x318: {  	s30 =	rddreg [dreg:$0xf];
	[sflag:s26] =	ssyncadd.s32 $0xFFFFF000  }
0x319: {  	[hbm4b:s30+s2] =	stream.linear.scatter [tilespmem:s8], [sflag:$0xD], $0x1000, $0x38;
	[tilespmem:$0x9000] =	vst v63  }
0x31a: {  	_ =	swait.ge [sflag:s17], $0x1000  }
0x31b: {  	s31 =	sld [smem:$0x7F2]  }
0x31c: {  	[sflag:s17] =	ssyncset.done $0x0  }
0x31d: {  	[sflag:s17] =	ssyncadd.s32 $0xFFFFF000  }
0x31e: {  	[tilespmem:s8], [sflag:$0x5] =	stream.indirect.gather [hbm4b:s3+s16], $0x20, s31, s16, $0xb8;
	[tilespmem:$0x9000] =	vst v63  }
0x31f: {  	_ =	swait.ge [sflag:s29], $0x1000  }
0x320: {  	[sflag:s29] =	ssyncset.done $0x0  }
0x321: {  	s1 =	rddreg [dreg:$0x10];
	[sflag:s29] =	ssyncadd.s32 $0xFFFFF000  }
0x322: {  	[hbm4b:s1+s2] =	stream.linear.scatter [tilespmem:s7], [sflag:$0xE], $0x1000, $0x38;
	[tilespmem:$0x9000] =	vst v63  }
0x323: {  	_ =	swait.ge [sflag:s20], $0x1000  }
0x324: {  	s30 =	sld [smem:$0x7F3]  }
0x325: {  	[sflag:s20] =	ssyncset.done $0x0  }
0x326: {  	[sflag:s20] =	ssyncadd.s32 $0xFFFFF000  }
0x327: {  	[tilespmem:s7], [sflag:$0x6] =	stream.indirect.gather [hbm4b:s3+s16], $0x20, s30, s16, $0xb8;
	[tilespmem:$0x9000] =	vst v63  }
0x328: {  	_ =	swait.ge [sflag:s28], $0x1000  }
0x329: {  	[sflag:s28] =	ssyncset.done $0x0  }
0x32a: {  	s31 =	rddreg [dreg:$0x11];
	[sflag:s28] =	ssyncadd.s32 $0xFFFFF000  }
0x32b: {  	[hbm4b:s31+s2] =	stream.linear.scatter [tilespmem:s5], [sflag:$0xF], $0x1000, $0x38;
	[tilespmem:$0x9000] =	vst v63  }
0x32c: {  	_ =	swait.ge [sflag:s19], $0x1000  }
0x32d: {  	s1 =	sld [smem:$0x7F4]  }
0x32e: {  	[sflag:s19] =	ssyncset.done $0x0  }
0x32f: {  	[sflag:s19] =	ssyncadd.s32 $0xFFFFF000  }
0x330: {  	[tilespmem:s5], [sflag:$0x7] =	stream.indirect.gather [hbm4b:s3+s16], $0x20, s1, s16, $0xb8;
	[tilespmem:$0x9000] =	vst v63  }
0x331: {  	_ =	swait.ge [sflag:s23], $0x1000  }
0x332: {  	[sflag:s23] =	ssyncset.done $0x0  }
0x333: {  	s30 =	rddreg [dreg:$0x12];
	[sflag:s23] =	ssyncadd.s32 $0xFFFFF000  }
0x334: {  	[hbm4b:s30+s2] =	stream.linear.scatter [tilespmem:s4], [sflag:$0x10], $0x1000, $0x38;
	[tilespmem:$0x9000] =	vst v63  }
0x335: {  	_ =	swait.ge [sflag:s18], $0x1000  }
0x336: {  	s31 =	sld [smem:$0x7F5]  }
0x337: {  	[sflag:s18] =	ssyncset.done $0x0  }
0x338: {  	[sflag:s18] =	ssyncadd.s32 $0xFFFFF000  }
0x339: {  	[tilespmem:s4], [sflag:$0x8] =	stream.indirect.gather [hbm4b:s3+s16], $0x20, s31, s16, $0xb8;
	[tilespmem:$0x9000] =	vst v63  }
0x33a: {  	_ =	swait.ge [sflag:s21], $0x1000  }
0x33b: {  	[sflag:s21] =	ssyncset.done $0x0  }
0x33c: {  	s1 =	rddreg [dreg:$0x13];
	[sflag:s21] =	ssyncadd.s32 $0xFFFFF000  }
0x33d: {  	[hbm4b:s1+s2] =	stream.linear.scatter [tilespmem:s15], [sflag:$0x9], $0x1000, $0x38;
	[tilespmem:$0x9000] =	vst v63  }
0x33e: {  	_ =	swait.ge [sflag:s6], $0x1000  }
0x33f: {  	s30 =	sld [smem:$0x7F6]  }
0x340: {  	[sflag:s6] =	ssyncset.done $0x0  }
0x341: {  	[sflag:s6] =	ssyncadd.s32 $0xFFFFF000  }
0x342: {  	[tilespmem:s15], [sflag:$0x1] =	stream.indirect.gather [hbm4b:s3+s16], $0x20, s30, s16, $0xb8;
	[tilespmem:$0x9000] =	vst v63  }
0x343: {  	_ =	swait.ge [sflag:s22], $0x1000  }
0x344: {  	[sflag:s22] =	ssyncset.done $0x0  }
0x345: {  	s31 =	rddreg [dreg:$0x14];
	[sflag:s22] =	ssyncadd.s32 $0xFFFFF000  }
0x346: {  	[hbm4b:s31+s2] =	stream.linear.scatter [tilespmem:s13], [sflag:$0xA], $0x1000, $0x38;
	[tilespmem:$0x9000] =	vst v63  }
0x347: {  	_ =	swait.ge [sflag:s9], $0x1000  }
0x348: {  	s1 =	sld [smem:$0x7F7]  }
0x349: {  	[sflag:s9] =	ssyncset.done $0x0  }
0x34a: {  	[sflag:s9] =	ssyncadd.s32 $0xFFFFF000  }
0x34b: {  	[tilespmem:s13], [sflag:$0x2] =	stream.indirect.gather [hbm4b:s3+s16], $0x20, s1, s16, $0xb8;
	[tilespmem:$0x9000] =	vst v63  }
0x34c: {  	_ =	swait.ge [sflag:s24], $0x1000  }
0x34d: {  	[sflag:s24] =	ssyncset.done $0x0  }
0x34e: {  	s30 =	rddreg [dreg:$0x15];
	[sflag:s24] =	ssyncadd.s32 $0xFFFFF000  }
0x34f: {  	[hbm4b:s30+s2] =	stream.linear.scatter [tilespmem:s12], [sflag:$0xB], $0x1000, $0x38;
	[tilespmem:$0x9000] =	vst v63  }
0x350: {  	_ =	swait.ge [sflag:s11], $0x1000  }
0x351: {  	s31 =	sld [smem:$0x7F8]  }
0x352: {  	[sflag:s11] =	ssyncset.done $0x0  }
0x353: {  	[sflag:s11] =	ssyncadd.s32 $0xFFFFF000  }
0x354: {  	[tilespmem:s12], [sflag:$0x3] =	stream.indirect.gather [hbm4b:s3+s16], $0x20, s31, s16, $0xb8;
	[tilespmem:$0x9000] =	vst v63  }
0x355: {  	_ =	swait.ge [sflag:s25], $0x1000  }
0x356: {  	[sflag:s25] =	ssyncset.done $0x0  }
0x357: {  	s1 =	rddreg [dreg:$0x16];
	[sflag:s25] =	ssyncadd.s32 $0xFFFFF000  }
0x358: {  	[hbm4b:s1+s2] =	stream.linear.scatter [tilespmem:s10], [sflag:$0xC], $0x1000, $0x38;
	[tilespmem:$0x9000] =	vst v63  }
0x359: {  	_ =	swait.ge [sflag:s14], $0x1000  }
0x35a: {  	s30 =	sld [smem:$0x7F9]  }
0x35b: {  	[sflag:s14] =	ssyncset.done $0x0  }
0x35c: {  	[sflag:s14] =	ssyncadd.s32 $0xFFFFF000  }
0x35d: {  	[tilespmem:s10], [sflag:$0x4] =	stream.indirect.gather [hbm4b:s3+s16], $0x20, s30, s16, $0xb8;
	[tilespmem:$0x9000] =	vst v63  }
0x35e: {  	_ =	swait.ge [sflag:s26], $0x1000  }
0x35f: {  	[sflag:s26] =	ssyncset.done $0x0  }
0x360: {  	s31 =	rddreg [dreg:$0x17];
	[sflag:s26] =	ssyncadd.s32 $0xFFFFF000  }
0x361: {  	[hbm4b:s31+s2] =	stream.linear.scatter [tilespmem:s8], [sflag:$0xD], $0x1000, $0x38;
	[tilespmem:$0x9000] =	vst v63  }
0x362: {  	_ =	swait.ge [sflag:s17], $0x1000  }
0x363: {  	s1 =	sld [smem:$0x7FA]  }
0x364: {  	[sflag:s17] =	ssyncset.done $0x0  }
0x365: {  	[sflag:s17] =	ssyncadd.s32 $0xFFFFF000  }
0x366: {  	[tilespmem:s8], [sflag:$0x5] =	stream.indirect.gather [hbm4b:s3+s16], $0x20, s1, s16, $0xb8;
	[tilespmem:$0x9000] =	vst v63  }
0x367: {  	_ =	swait.ge [sflag:s29], $0x1000  }
0x368: {  	[sflag:s29] =	ssyncset.done $0x0  }
0x369: {  	s30 =	rddreg [dreg:$0x18];
	[sflag:s29] =	ssyncadd.s32 $0xFFFFF000  }
0x36a: {  	[hbm4b:s30+s2] =	stream.linear.scatter [tilespmem:s7], [sflag:$0xE], $0x1000, $0x38;
	[tilespmem:$0x9000] =	vst v63  }
0x36b: {  	_ =	swait.ge [sflag:s20], $0x1000  }
0x36c: {  	s31 =	sld [smem:$0x7FB]  }
0x36d: {  	[sflag:s20] =	ssyncset.done $0x0  }
0x36e: {  	[sflag:s20] =	ssyncadd.s32 $0xFFFFF000  }
0x36f: {  	[tilespmem:s7], [sflag:$0x6] =	stream.indirect.gather [hbm4b:s3+s16], $0x20, s31, s16, $0xb8;
	[tilespmem:$0x9000] =	vst v63  }
0x370: {  	_ =	swait.ge [sflag:s28], $0x1000  }
0x371: {  	[sflag:s28] =	ssyncset.done $0x0  }
0x372: {  	s1 =	rddreg [dreg:$0x19];
	[sflag:s28] =	ssyncadd.s32 $0xFFFFF000  }
0x373: {  	[hbm4b:s1+s2] =	stream.linear.scatter [tilespmem:s5], [sflag:$0xF], $0x1000, $0x38;
	[tilespmem:$0x9000] =	vst v63  }
0x374: {  	_ =	swait.ge [sflag:s19], $0x1000  }
0x375: {  	s30 =	sld [smem:$0x7FC]  }
0x376: {  	[sflag:s19] =	ssyncset.done $0x0  }
0x377: {  	[sflag:s19] =	ssyncadd.s32 $0xFFFFF000  }
0x378: {  	[tilespmem:s5], [sflag:$0x7] =	stream.indirect.gather [hbm4b:s3+s16], $0x20, s30, s16, $0xb8;
	[tilespmem:$0x9000] =	vst v63  }
0x379: {  	_ =	swait.ge [sflag:s23], $0x1000  }
0x37a: {  	[sflag:s23] =	ssyncset.done $0x0  }
0x37b: {  	s31 =	rddreg [dreg:$0x1a];
	[sflag:s23] =	ssyncadd.s32 $0xFFFFF000  }
0x37c: {  	[hbm4b:s31+s2] =	stream.linear.scatter [tilespmem:s4], [sflag:$0x10], $0x1000, $0x38;
	[tilespmem:$0x9000] =	vst v63  }
0x37d: {  	_ =	swait.ge [sflag:s18], $0x1000  }
0x37e: {  	s1 =	sld [smem:$0x7FD]  }
0x37f: {  	[sflag:s18] =	ssyncset.done $0x0  }
0x380: {  	[sflag:s18] =	ssyncadd.s32 $0xFFFFF000  }
0x381: {  	[tilespmem:s4], [sflag:$0x8] =	stream.indirect.gather [hbm4b:s3+s16], $0x20, s1, s16, $0xb8;
	[tilespmem:$0x9000] =	vst v63  }
0x382: {  	_ =	swait.ge [sflag:s21], $0x1000  }
0x383: {  	[sflag:s21] =	ssyncset.done $0x0  }
0x384: {  	s16 =	rddreg [dreg:$0x1b];
	[sflag:s21] =	ssyncadd.s32 $0xFFFFF000  }
0x385: {  	[hbm4b:s16+s2] =	stream.linear.scatter [tilespmem:s15], [sflag:$0x9], $0x1000, $0x38;
	[tilespmem:$0x9000] =	vst v63  }
0x386: {  	_ =	swait.ge [sflag:s22], $0x1000  }
0x387: {  	[sflag:s22] =	ssyncset.done $0x0  }
0x388: {  	s21 =	rddreg [dreg:$0x1c];
	[sflag:s22] =	ssyncadd.s32 $0xFFFFF000  }
0x389: {  	[hbm4b:s21+s2] =	stream.linear.scatter [tilespmem:s13], [sflag:$0xA], $0x1000, $0x38;
	[tilespmem:$0x9000] =	vst v63  }
0x38a: {  	_ =	swait.ge [sflag:s24], $0x1000  }
0x38b: {  	[sflag:s24] =	ssyncset.done $0x0  }
0x38c: {  	s22 =	rddreg [dreg:$0x1d];
	[sflag:s24] =	ssyncadd.s32 $0xFFFFF000  }
0x38d: {  	[hbm4b:s22+s2] =	stream.linear.scatter [tilespmem:s12], [sflag:$0xB], $0x1000, $0x38;
	[tilespmem:$0x9000] =	vst v63  }
0x38e: {  	_ =	swait.ge [sflag:s25], $0x1000  }
0x38f: {  	[sflag:s25] =	ssyncset.done $0x0  }
0x390: {  	s24 =	rddreg [dreg:$0x1e];
	[sflag:s25] =	ssyncadd.s32 $0xFFFFF000  }
0x391: {  	[hbm4b:s24+s2] =	stream.linear.scatter [tilespmem:s10], [sflag:$0xC], $0x1000, $0x38;
	[tilespmem:$0x9000] =	vst v63  }
0x392: {  	_ =	swait.ge [sflag:s26], $0x1000  }
0x393: {  	[sflag:s26] =	ssyncset.done $0x0  }
0x394: {  	s25 =	rddreg [dreg:$0x1f];
	[sflag:s26] =	ssyncadd.s32 $0xFFFFF000  }
0x395: {  	[hbm4b:s25+s2] =	stream.linear.scatter [tilespmem:s8], [sflag:$0xD], $0x1000, $0x38;
	[tilespmem:$0x9000] =	vst v63  }
0x396: {  	_ =	swait.ge [sflag:s29], $0x1000  }
0x397: {  	s26 =	sld [smem:$0x7DC]  }
0x398: {  	[sflag:s29] =	ssyncset.done $0x0  }
0x399: {  	[sflag:s29] =	ssyncadd.s32 $0xFFFFF000  }
0x39a: {  	[hbm4b:s26+s2] =	stream.linear.scatter [tilespmem:s7], [sflag:$0xE], $0x1000, $0x38;
	[tilespmem:$0x9000] =	vst v63  }
0x39b: {  	_ =	swait.ge [sflag:s28], $0x1000  }
0x39c: {  	s29 =	sld [smem:$0x7DD]  }
0x39d: {  	[sflag:s28] =	ssyncset.done $0x0  }
0x39e: {  	[sflag:s28] =	ssyncadd.s32 $0xFFFFF000  }
0x39f: {  	[hbm4b:s29+s2] =	stream.linear.scatter [tilespmem:s5], [sflag:$0xF], $0x1000, $0x38;
	[tilespmem:$0x9000] =	vst v63  }
0x3a0: {  	_ =	swait.ge [sflag:s23], $0x1000  }
0x3a1: {  	s30 =	sld [smem:$0x7DF]  }
0x3a2: {  	[sflag:s23] =	ssyncset.done $0x0  }
0x3a3: {  	[sflag:s23] =	ssyncadd.s32 $0xFFFFF000  }
0x3a4: {  	[hbm4b:s30+s2] =	stream.linear.scatter [tilespmem:s4], [sflag:$0x10], $0x1000, $0x38;
	[tilespmem:$0x9000] =	vst v63  }
0x3a5: {  	_ =	swait.ge [sflag:s6], $0x1000  }
0x3a6: {  	[sflag:s6] =	ssyncset.done $0x0  }
0x3a7: {  	[sflag:s6] =	ssyncadd.s32 $0xFFFFF000  }
0x3a8: {  	_ =	swait.ge [sflag:s9], $0x1000  }
0x3a9: {  	[sflag:s9] =	ssyncset.done $0x0  }
0x3aa: {  	[sflag:s9] =	ssyncadd.s32 $0xFFFFF000  }
0x3ab: {  	_ =	swait.ge [sflag:s11], $0x1000  }
0x3ac: {  	[sflag:s11] =	ssyncset.done $0x0  }
0x3ad: {  	[sflag:s11] =	ssyncadd.s32 $0xFFFFF000  }
0x3ae: {  	_ =	swait.ge [sflag:s14], $0x1000  }
0x3af: {  	[sflag:s14] =	ssyncset.done $0x0  }
0x3b0: {  	[sflag:s14] =	ssyncadd.s32 $0xFFFFF000  }
0x3b1: {  	_ =	swait.ge [sflag:s17], $0x1000  }
0x3b2: {  	[sflag:s17] =	ssyncset.done $0x0  }
0x3b3: {  	[sflag:s17] =	ssyncadd.s32 $0xFFFFF000  }
0x3b4: {  	_ =	swait.ge [sflag:s20], $0x1000  }
0x3b5: {  	[sflag:s20] =	ssyncset.done $0x0  }
0x3b6: {  	[sflag:s20] =	ssyncadd.s32 $0xFFFFF000  }
0x3b7: {  	_ =	swait.ge [sflag:s19], $0x1000  }
0x3b8: {  	[sflag:s19] =	ssyncset.done $0x0  }
0x3b9: {  	[sflag:s19] =	ssyncadd.s32 $0xFFFFF000  }
0x3ba: {  	_ =	swait.ge [sflag:s18], $0x1000  }
0x3bb: {  	[sflag:s18] =	ssyncset.done $0x0  }
0x3bc: {  	[sflag:s18] =	ssyncadd.s32 $0xFFFFF000  }
0x3bd: {  	_ =	sfence.sel $0x180000  }
0x3be: {  	[bflag:$0x0] =	sbarrier.arrive $0xFFFF  }
0x3bf: {  	_ =	strace $0x9000004A  }
0x3c0: {  	s31 =	stileid.u32;
	[bflag:$0x2] =	sbarrier.arrive $0xFFFF  }
0x3c1: {  	p0 =	sne.s32 s31, $0x0;
	s0 =	rddreg [dreg:$0x2]  }
0x3c2: {  	s0 =	sadd.s32 @!p0 $0x100000, s0  }
0x3c3: {  	[sflag:s0] =	ssyncadd.tile.s32 @!p0 $0x1;
	_ =	shalt  }
.LBB2_1:
.Ltmp3:
0x3c4: {  	(pc) =	sbr.rel .LBB2_6-.Ltmp3, $2  }
0x3c5: {  	_ =	sdelay $0x2  }
0x3c6: {  	s30 =	sld [smem:$0x7DE]  }
.LBB2_3:
.Ltmp4:
0x3c7: {  	(pc) =	sbr.rel .LBB2_6-.Ltmp4, $2  }
0x3c8: {  	_ =	sdelay $0x2  }
0x3c9: {  	s30 =	sld [smem:$0x7DE]  }
.Lfunc_end2:
_tile_overlayer_lowered:
.L_overlay_start_2:
0x3ca: {  	(tag) =	ssettag $0x2  }
0x3cb: {  	s0 =	rddreg [dreg:$0x0];
	s2 =	stileid.u32  }
0x3cc: {  	s1 =	rddreg [dreg:$0x1];
	p0 =	sne.s32 s2, $0x0  }
0x3cd: {  	s3 =	rddreg [dreg:$0x2];
	[bflag:$0x3] =	sbarrier.arrive $0xFFFF;
	s2 =	simm.s32 @!p0 $0x1C11  }
0x3ce: {  	[timem:s3], [sflag:s2] =	dma.local @!p0 [hbm:s0], s1  }
0x3cf: {  	s0 =	simm.s32 @!p0 $0x11  }
0x3d0: {  	_ =	swait.ge @!p0 [sflag:s0], s1  }
0x3d1: {  	s1 =	ssub.s32 @!p0 $0x0, s1;
	[sflag:s0] =	ssyncset.done @!p0 $0x0  }
0x3d2: {  	[sflag:s0] =	ssyncadd.s32 @!p0 s1  }
0x3d3: {  	[bflag:$0x3] =	sbarrier.arrive $0xFFFF  }
0x3d4: {  	_ =	shalt  }

// kernel: sparse-core-data-format-call.cloned.1.call-start
scs
called_computation_lowered:
.L_overlay_start_0:
0x0: {  	s2 =	sld [smem:$0x3FD9]  }
0x1: {  	s3 =	sld [smem:$0x3FFE];
	_ =	sdelay $0x1  }
0x2: {  	s1 =	srdreg.scid  }
0x3: {  	s0 =	sand.u32 $0x1, s1  }
0x4: {  	s18 =	sshll.u32 s0, $0xA;
	s2 =	sadd.s32 s3, s2  }
0x5: {  	s2 =	sadd.s32 s2, s18  }
0x6: {  	[smem:$0x3FC6] =	sst s2  }
0x7: {  	_ = 	snop  }
0x8: {  	s2 =	sld [smem:$0x3FC8];
	(tm) =	ssettm $0x1  }
0x9: {  	s19 =	sld [smem:$0x3FFB];
	_ =	sdelay $0x3  }
0xa: {  	_ =	strace s19  }
0xb: {  	s3 =	sld [smem:$0x3FFC];
	_ =	sdelay $0x3  }
0xc: {  	_ =	strace s3  }
0xd: {  	s3 =	sld [smem:$0x3FFD];
	_ =	sdelay $0x3  }
0xe: {  	_ =	strace s3  }
0xf: {  	_ =	strace $0x8FFFFFFF  }
0x10: {  	s20 =	sld [smem:$0x3FDB];
	_ =	sdelay $0x1  }
0x11: {  	s4 =	simm.s32 $_scs_section_size  }
0x12: {  	s5 =	simm.s32 $_size__tile_overlayer_lowered;
	s6 =	simm.s32 $_tile_overlayer_lowered  }
0x13: {  	s23 =	simm.s32 $0x1BFF;
	s22 =	sshll.u32 s6, $0x1;
	s3 =	sadd.s32 s4, s20  }
0x14: {  	s7 =	simm.s32 $0x0;
	s21 =	sshll.u32 s5, $0x1;
	s5 =	sadd.s32 s22, s3  }
0x15: {  	[timem:s7], [sflag:s23] =	dma.local [hbm:s5], s21  }
0x16: {  	_ =	swait.ge [sflag:s23], s21  }
0x17: {  	s4 =	ssub.s32 $0x0, s21;
	[sflag:s23] =	ssyncset.done $0x0  }
0x18: {  	[sflag:s23] =	ssyncadd.s32 s4;
	_ =	sdelay $0x1  }
0x19: {  	s24 =	simm.s32 $0x1B8B  }
0x1a: {  	_ =	swait.ge [sflag:s24], $0x1  }
0x1b: {  	[sflag:s24] =	ssyncset.done $0x0  }
0x1c: {  	s26 =	simm.s32 $0x1B8E;
	s25 =	sld [smem:$0x3FFE];
	[sflag:s24] =	ssyncadd.s32 $0xFFFFFFFF  }
0x1d: {  	s27 =	simm.s32 $execute0_lowered;
	[smem:$0x3FD2] =	sst s26  }
0x1e: {  	s5 =	sshll.u32 s27, $0x1;
	_ =	strace $0x80000046;
	[dreg:$0x1] =	wrdreg $0xFFFFFFFF  }
0x1f: {  	s28 =	simm.s32 $_size_execute0_lowered;
	s3 =	sadd.s32 s3, s5;
	[dreg:$0x0] =	wrdreg $0x0  }
0x20: {  	s5 =	sshll.u32 s28, $0x1;
	[dreg:$0x2] =	wrdreg s3  }
0x21: {  	[dreg:$0x3] =	wrdreg s5  }
0x22: {  	[dreg:$0x4] =	wrdreg $0xC0  }
0x23: {  	_ =	task [dreg:s7], $0x5FFFF  }
0x24: {  	[dreg:$0x1] =	wrdreg $0xFFFFFFFF  }
0x25: {  	[dreg:$0x0] =	wrdreg $0x60  }
0x26: {  	[dreg:$0x2] =	wrdreg s2  }
0x27: {  	[dreg:$0x3] =	wrdreg s25  }
0x28: {  	[dreg:$0x4] =	wrdreg $0x9  }
0x29: {  	_ =	task.clear_ibuf [dreg:s7], $0x5FFFF;
	_ =	strace $0x90000046  }
0x2a: {  	s29 =	simm.s32 $0x9;
	_ =	strace $0x80000048  }
0x2b: {  	_ =	swait.ge [sflag:s29], $0x1  }
0x2c: {  	[sflag:s29] =	ssyncadd.s32 $0xFFFFFFFF  }
0x2d: {  	_ =	strace $0x90000048  }
0x2e: {  	_ =	sfence  }
0x2f: {  	s30 =	sld [smem:$0x0];
	_ =	sdelay $0x2  }
0x30: {  	s31 =	sshll.u32 s1, $0xD;
	s1 =	sshrl.u32 s1, $0x2  }
0x31: {  	s3 =	sand.u32 $0x4000, s31;
	s1 =	sadd.s32 s1, s30  }
0x32: {  	s0 =	sor.u32 s3, s0;
	s1 =	sshll.u32 s1, $0x11  }
0x33: {  	s0 =	sor.u32 s1, s0  }
0x34: {  	s0 =	sadd.s32 $0x8F2B, s0  }
0x35: {  	[sflag:s0] =	ssyncadd.remote.s32 $0x1  }
0x36: {  	_ =	sfence.sel $0xFFFF  }
0x37: {  	[dreg:$0x0] =	wrdreg $0xFFFFFFFF;
	(pc) =	sbr.abs _section_cstart, $3  }
0x38: {  	[dreg:$0x1] =	wrdreg $0xFFFFFFFF  }
0x39: {  	_ =	task.clear_ibuf [dreg:s7], $0x2FFFF;
	_ =	strace $0x9FFFFFFF  }
0x3a: {  	(tm) =	ssettm $0x7FFFFFFF  }
0x3b: {  	_ =	shalt  }
tec
execute0_lowered:
.L_overlay_start_1:
0x0: {  	(tag) =	ssettag $0x1  }
0x1: {  	s0 =	srdreg.scid;
	s2 =	rddreg [dreg:$0x0]  }
0x2: {  	s5 =	rddreg [dreg:$0x1];
	s1 =	stileid.u32  }
0x3: {  	s4 =	simm.s32 $0x1;
	s6 =	simm.s32 $0x2;
	s15 =	simm.s32 $0x0  }
0x4: {  	p0 =	por $0x0, $0x0;
	s8 =	simm.s32 $0x80;
	s0 =	sshll.u32 s0, $0x4  }
0x5: {  	s14 =	simm.s32 $0x0;
	s9 =	simm.s32 $0x0;
	s3 =	sand.u32 $0x10, s0  }
.Ltmp0:
0x6: {  	s10 =	simm.s32 $0x0;
	s3 =	sor.u32 s1, s3;
	(pc) =	sbr.rel .LBB1_1-.Ltmp0, $4  }
0x7: {  	s0 =	rddreg [dreg:$0x2];
	_ =	strace $0x80000047;
	s3 =	sshll.u32 s3, $0x7  }
0x8: {  	s12 =	simm.s32 $0x0;
	[sflag:s4] =	ssyncpa.u1 $0x0;
	s7 =	ssub.s32 $0xF4200, s3  }
0x9: {  	s13 =	simm.s32 $0x0;
	[sflag:s6] =	ssyncpa.u1 $0x0;
	s6 =	sshrl.u32 s7, $0xC  }
0xa: {  	s5 =	sadd.s32 $0xA00, s5;
	s11 =	smov.u32 s3;
	s7 =	sadd.s32 $0x2, s6  }
.LBB1_5:
0xb: {  	p1 =	slt.u32 s13, $0x2  }
0xc: {  	s17 =	smov.u32 s15;
	p2 =	sgt.s32 @!p1 s15, $0xF41C0;
	s16 =	sshra.s32 @!p1 s15, $0x1F  }
0xd: {  	p3 =	sgt.s32 @!p1 s14, $0x60;
	s18 =	sshra.s32 @!p1 s14, $0x1F;
	p2 =	por !p2, p1  }
0xe: {  	s15 =	sand.u32 @!p1 s16, s15;
	p3 =	por !p3, p1;
	s16 =	smov.u32 s14  }
0xf: {  	s14 =	sand.u32 @!p1 s18, s14;
	s17 =	simm.s32 @p2 $0xF41C0;
	s16 =	simm.s32 @p3 $0x60  }
0x10: {  	s15 =	ssub.s32 @!p1 s17, s15;
	s14 =	ssub.s32 @!p1 s16, s14  }
0x11: {  	s18 =	smov.u32 s12;
	s16 =	sadd.s32 @!p1 $0xFFF0BE40, s15;
	s17 =	sadd.s32 @!p1 $0xFFFFFFA0, s14  }
0x12: {  	s15 =	ssub.s32 @!p1 $0xF4240, s15;
	p2 =	sgt.s32 @!p1 s16, $0x7F;
	p3 =	sgt.s32 @!p1 s17, $0x1F  }
0x13: {  	s14 =	ssub.s32 @!p1 $0x80, s14;
	p2 =	por !p2, p1;
	p3 =	por !p3, p1  }
0x14: {  	s16 =	sadd.s32 $0x1000, s11;
	s15 =	simm.s32 @!p2 $0x0;
	s14 =	simm.s32 @!p3 $0x0  }
0x15: {  	p2 =	sgt.s32 s16, $0xF423F;
	s14 =	smul.u32 @!p1 s14, s15;
	s15 =	sadd.s32 $0x20, s12  }
0x16: {  	s18 =	smov.u32 @p2 s15  }
0x17: {  	s16 =	smov.u32 @p2 s3;
	p2 =	sgt.s32 s18, $0x1F  }
0x18: {  	s18 =	simm.s32 @p2 $0x0;
	p2 =	sne.s32 s13, s7  }
.Ltmp1:
0x19: {  	p0 =	por !p0, !p0;
	s17 =	simm.s32 @!p1 $0x2;
	(pc) =	sbr.rel @!p2 .LBB1_6-.Ltmp1, $4  }
0x1a: {  	s15 =	smov.u32 s9;
	s9 =	smov.u32 s11;
	s14 =	sand.u32 @!p1 $0x3FFFFFFF, s14  }
0x1b: {  	s11 =	smov.u32 s16;
	_ =	swait.ge @!p1 [sflag:s17], s14;
	s19 =	ssub.s32 @!p1 $0x0, s14  }
0x1c: {  	s14 =	smov.u32 s10;
	s13 =	sadd.s32 $0x1, s13;
	[sflag:s17] =	ssyncset.done @!p1 $0x0  }
0x1d: {  	s10 =	smov.u32 s12;
	s12 =	smov.u32 s18;
	[sflag:s17] =	ssyncadd.s32 @!p1 s19  }
.LBB1_1:
0x1e: {  	p1 =	sgt.u32 s13, s6  }
0x1f: {  	s16 =	sshrl.u32 @!p1 s12, $0x3  }
0x20: {  	s17 =	sshll.u32 @!p1 s11, $0x3;
	s16 =	smul.u32 @!p1 $0x7A1400, s16  }
0x21: {  	s18 =	sshll.u32 @!p1 s12, $0x7;
	s17 =	sand.u32 @!p1 $0xFFFFFC00, s17  }
0x22: {  	s16 =	sadd.s32 @!p1 s16, s17;
	s17 =	sand.u32 @!p1 $0x380, s18  }
0x23: {  	s18 =	sand.u32 @!p1 $0x7F, s11;
	s16 =	sor.u32 @!p1 s17, s16  }
0x24: {  	s17 =	sor.u32 @!p1 s18, s16  }
0x25: {  	s18 =	smulhi.u32 @!p1 $0x218D6287, s17;
	_ =	sdelay $0x1  }
0x26: {  	s16 =	smulhi.u32 @!p1 $0x218D6287, s16;
	s18 =	sshrl.u32 @!p1 s18, $0x11  }
0x27: {  	s18 =	smul.u32 @!p1 $0xF4280, s18  }
0x28: {  	s19 =	sxor.u32 @!p1 $0xFFFFFFFF, s13;
	s16 =	sshrl.u32 @!p1 s16, $0x11  }
0x29: {  	s19 =	sshll.u32 @!p1 s19, $0xC;
	s16 =	sand.u32 @!p1 $0x1F, s16;
	s17 =	ssub.s32 @!p1 s17, s18  }
0x2a: {  	s16 =	smul.u32 @!p1 $0x1E850, s16;
	s18 =	sshrl.u32 @!p1 s17, $0x3;
	s17 =	sand.u32 @!p1 $0x7, s17  }
0x2b: {  	s19 =	sand.u32 @!p1 $0x1000, s19;
	s18 =	sadd.s32 @!p1 s2, s18;
	s17 =	sshll.u32 @!p1 s17, $0x12  }
0x2c: {  	s16 =	sadd.s32 @!p1 s16, s18;
	s17 =	sor.u32 @!p1 $0x400, s17;
	s18 =	simm.s32 @!p1 $0x7A1400  }
0x2d: {  	[tilespmem:s19], [sflag:$0x1] =	stream.strided.gather @!p1 [hbm4b:s16+s17], $0x1000, s18, s17, $0x38;
	[tilespmem:$0x4100] =	vst v63  }
0x2e: {  	p1 =	seq.s32 s13, $0x0  }
0x2f: {  	p2 =	sge.u32 @!p1 s13, s7  }
0x30: {  	p1 =	por p1, p2  }
.Ltmp2:
0x31: {  	_ = 	snop;
	(pc) =	sbr.rel @p1 .LBB1_5-.Ltmp2, $1  }
0x32: {  	_ =	sdelay $0x3  }
0x33: {  	s16 =	simm.s32 $0x1  }
0x34: {  	_ =	swait.ge [sflag:s4], $0x1000;
	s16 =	simm.s32 @!p0 $0x0  }
0x35: {  	[sflag:s4] =	ssyncset.done $0x0;
	s17 =	sshll.u32 s16, $0xC  }
0x36: {  	[sflag:s4] =	ssyncadd.s32 $0xFFFFF000;
	s17 =	sor.u32 $0x40, s17  }
0x37: {  	s16 =	smul.u32 $0x4200, s16;
	v0 =	vld [tilespmem:s17+$0x30]  }
0x38: {  	v1 =	vld [tilespmem:s17+$0xFFFFFFD0]  }
0x39: {  	s16 =	sshrl.u32 s16, $0x2;
	v5 =	vld [tilespmem:s17+$0xFFFFFFE0]  }
0x3a: {  	v6 =	vld [tilespmem:s17+$0xFFFFFFF0];
	s19 =	sor.u32 $0x2000, s16  }
0x3b: {  	s31 =	sand.u32 $0x1, s13;
	v4 =	vld [tilespmem:s17+$0x0];
	s18 =	sadd.s32 $0x0, s19  }
0x3c: {  	v3 =	vld [tilespmem:s17+$0x10];
	s16 =	smul.u32 $0x4200, s31;
	[tilespmem:s18+$0xE70 ss:$0x21] =	vst.msk $0xffff, v0  }
0x3d: {  	v2 =	vld [tilespmem:s17+$0x20];
	[tilespmem:s18+$0x210 ss:$0x21] =	vst.msk $0xffff, v1  }
0x3e: {  	s16 =	sshrl.u32 s16, $0x2;
	v1 =	vld [tilespmem:s17+$0xFFFFFFC0];
	[tilespmem:s18+$0x420 ss:$0x21] =	vst.msk $0xffff, v5;
	s17 =	sadd.s32 $0x80, s17  }
0x3f: {  	s20 =	simm.s32 $0x4;
	s21 =	simm.s32 $0x8;
	s16 =	sor.u32 $0x2000, s16;
	[tilespmem:s18+$0x630 ss:$0x21] =	vst.msk $0xffff, v6;
	v0 =	vld [tilespmem:s17+$0x30]  }
.LBB1_3:
0x40: {  	p1 =	sne.s32 s21, $0x7C;
	v5 =	vld [tilespmem:s17+$0xFFFFFFD0];
	[tilespmem:s18+$0x840 ss:$0x21] =	vst.msk $0xffff, v4  }
0x41: {  	v6 =	vld [tilespmem:s17+$0xFFFFFFE0];
	[tilespmem:s18+$0xA50 ss:$0x21] =	vst.msk $0xffff, v3  }
0x42: {  	s22 =	sshra.s32 s20, $0x2;
	s20 =	smov.u32 s21;
	v7 =	vld [tilespmem:s17+$0xFFFFFFF0];
	[tilespmem:s18+$0xC60 ss:$0x21] =	vst.msk $0xffff, v2  }
.Ltmp3:
0x43: {  	v4 =	vld [tilespmem:s17+$0x0];
	[tilespmem:s18+$0x0 ss:$0x21] =	vst.msk $0xffff, v1;
	s18 =	sadd.s32 s22, s19;
	(pc) =	sbr.rel @p1 .LBB1_3-.Ltmp3, $4  }
0x44: {  	v3 =	vld [tilespmem:s17+$0x10];
	[tilespmem:s18+$0xE70 ss:$0x21] =	vst.msk $0xffff, v0  }
0x45: {  	[tilespmem:s18+$0x210 ss:$0x21] =	vst.msk $0xffff, v5;
	v2 =	vld [tilespmem:s17+$0x20]  }
0x46: {  	v1 =	vld [tilespmem:s17+$0xFFFFFFC0];
	[tilespmem:s18+$0x420 ss:$0x21] =	vst.msk $0xffff, v6;
	s17 =	sadd.s32 $0x80, s17  }
0x47: {  	s21 =	sadd.s32 $0x4, s21;
	v0 =	vld [tilespmem:s17+$0x30];
	[tilespmem:s18+$0x630 ss:$0x21] =	vst.msk $0xffff, v7  }
0x48: {  	s21 =	sshll.u32 s9, $0x7;
	s22 =	sshll.u32 s10, $0x3;
	s20 =	sshra.s32 s20, $0x2  }
0x49: {  	p1 =	sgt.s32 s9, $0xF41C0;
	s30 =	sshra.s32 s9, $0x1F;
	s25 =	sshra.s32 s10, $0x1F  }
0x4a: {  	v5 =	vld [tilespmem:s17+$0xFFFFFFD0];
	s28 =	sshrl.u32 s10, $0x3;
	s23 =	sand.u32 $0xFFFFFC00, s21;
	s22 =	sand.u32 $0xFFFFFC00, s22  }
0x4b: {  	[tilespmem:s18+$0x840 ss:$0x21] =	vst.msk $0xffff, v4;
	v58 =	vld [tilespmem:s17+$0xFFFFFFE0];
	s21 =	sand.u32 $0x380, s21;
	s19 =	sadd.s32 s20, s19;
	s22 =	sadd.s32 s22, s23  }
0x4c: {  	v59 =	vld [tilespmem:s17+$0xFFFFFFF0];
	[tilespmem:s18+$0xA50 ss:$0x21] =	vst.msk $0xffff, v3;
	s29 =	sor.u32 s21, s22;
	s21 =	smov.u32 s9;
	s22 =	sand.u32 s30, s9  }
0x4d: {  	v60 =	vld [tilespmem:s17+$0x0];
	[tilespmem:s18+$0xC60 ss:$0x21] =	vst.msk $0xffff, v2;
	s30 =	sand.u32 $0x7, s10;
	s20 =	sshrl.u32 s29, $0x7;
	s21 =	simm.s32 @!p1 $0xF41C0  }
0x4e: {  	v61 =	vld [tilespmem:s17+$0x10];
	[tilespmem:s18+$0x0 ss:$0x21] =	vst.msk $0xffff, v1;
	p1 =	sgt.s32 s10, $0x60;
	s24 =	ssub.s32 s21, s22;
	s21 =	smov.u32 s10  }
0x4f: {  	v62 =	vld [tilespmem:s17+$0x20];
	[tilespmem:s19+$0xE70 ss:$0x21] =	vst.msk $0xffff, v0;
	s31 =	smulhi.u32 $0x218DEF5, s20;
	s22 =	sand.u32 s25, s10;
	s21 =	simm.s32 @!p1 $0x60  }
0x50: {  	v63 =	vld [tilespmem:s17+$0xFFFFFFC0];
	[tilespmem:s19+$0x210 ss:$0x21] =	vst.msk $0xffff, v5;
	s26 =	sadd.s32 $0xFFF0BE40, s24;
	s17 =	ssub.s32 $0xF4240, s24;
	s21 =	ssub.s32 s21, s22  }
0x51: {  	[tilespmem:s19+$0x420 ss:$0x21] =	vst.msk $0xffff, v58;
	s23 =	sshrl.u32 s31, $0xD;
	p1 =	sgt.s32 s26, $0x7F;
	s27 =	sadd.s32 $0xFFFFFFA0, s21  }
0x52: {  	[tilespmem:s19+$0x630 ss:$0x21] =	vst.msk $0xffff, v59;
	s23 =	smul.u32 $0xF4240, s23;
	s18 =	ssub.s32 $0x80, s21;
	p2 =	sgt.s32 s27, $0x1F  }
.Ltmp4:
0x53: {  	[tilespmem:s19+$0x840 ss:$0x21] =	vst.msk $0xffff, v60;
	s17 =	simm.s32 @p1 $0x0;
	s18 =	simm.s32 @p2 $0x0;
	(pc) =	sbr.rel .LBB1_5-.Ltmp4, $4  }
0x54: {  	s29 =	sand.u32 $0xF, s28;
	[tilespmem:s19+$0xA50 ss:$0x21] =	vst.msk $0xffff, v61;
	s20 =	ssub.s32 s20, s23;
	s17 =	smul.u32 s18, s17  }
0x55: {  	[tilespmem:s19+$0xC60 ss:$0x21] =	vst.msk $0xffff, v62;
	s21 =	sshll.u32 s30, $0x12;
	s20 =	sshll.u32 s20, $0x4;
	s18 =	sadd.s32 s5, s29  }
0x56: {  	[tilespmem:s19+$0x0 ss:$0x21] =	vst.msk $0xffff, v63;
	s31 =	sor.u32 $0x20, s21;
	s18 =	sadd.s32 s20, s18;
	s17 =	sand.u32 $0x3FFFFFFF, s17  }
0x57: {  	[hbm4b:s18+s31] =	stream.strided.scatter [tilespmem:s16], [sflag:$0x2], s17, s8, s31, $0x10;
	[tilespmem:$0x4100] =	vst v63  }
.LBB1_6:
0x58: {  	_ =	sfence.sel $0x180000  }
0x59: {  	s2 =	simm.s32 $0x1;
	[bflag:$0x0] =	sbarrier.arrive $0xFFFF  }
0x5a: {  	s31 =	simm.s32 $0x2;
	[sflag:s2] =	ssyncpa.u1 $0x1  }
0x5b: {  	[sflag:s31] =	ssyncpa.u1 $0x1  }
0x5c: {  	p0 =	sne.s32 s1, $0x0;
	_ =	strace $0x90000047  }
0x5d: {  	s0 =	sadd.s32 @!p0 $0x100000, s0;
	[bflag:$0x2] =	sbarrier.arrive $0xFFFF  }
0x5e: {  	[sflag:s0] =	ssyncadd.tile.s32 @!p0 $0x1;
	_ =	shalt  }
.Lfunc_end1:
_tile_overlayer_lowered:
.L_overlay_start_2:
0x5f: {  	(tag) =	ssettag $0x2  }
0x60: {  	s0 =	rddreg [dreg:$0x0];
	s2 =	stileid.u32  }
0x61: {  	s1 =	rddreg [dreg:$0x1];
	p0 =	sne.s32 s2, $0x0  }
0x62: {  	s3 =	rddreg [dreg:$0x2];
	[bflag:$0x3] =	sbarrier.arrive $0xFFFF;
	s2 =	simm.s32 @!p0 $0x1C01  }
0x63: {  	[timem:s3], [sflag:s2] =	dma.local @!p0 [hbm:s0], s1  }
0x64: {  	s0 =	simm.s32 @!p0 $0x1  }
0x65: {  	_ =	swait.ge @!p0 [sflag:s0], s1  }
0x66: {  	s1 =	ssub.s32 @!p0 $0x0, s1;
	[sflag:s0] =	ssyncset.done @!p0 $0x0  }
0x67: {  	[sflag:s0] =	ssyncadd.s32 @!p0 s1  }
0x68: {  	[bflag:$0x3] =	sbarrier.arrive $0xFFFF  }
0x69: {  	_ =	shalt  }

</sc_bundles>
